<compile_context>
chip_gen: v7x
topology: tpu7x:2x2x1
jax: 0.10.2.dev20260603
libtpu: 0.0.44.dev20260713+nightly
codegen_flags: <defaults>
</compile_context>

<pallas_src>
import jax
import jax.numpy as jnp
from jax import lax
from jax.experimental import pallas as pl
from jax.experimental.pallas import tpu as pltpu
from jax.experimental.pallas import tpu_sc as plsc

VOCAB = 100000
HID = 1024
PAD = 1
EPS = 1e-12
B, S = 4, 2048
NC, NS, L = 2, 16, 16
NW = NC * NS
TPW = (B * S) // NW
CPR = S // TPW
CHUNK = 16
NCHUNK = TPW // CHUNK
NGRP = HID // L


def _rsqrt(a):
    i = lax.bitcast_convert_type(a, jnp.int32)
    y = lax.bitcast_convert_type(jnp.int32(0x5F3759DF) - (i >> 1), jnp.float32)
    for _ in range(3):
        y = y * (1.5 - 0.5 * a * y * y)
    return y


def _body(ids_hbm, word_hbm, pos_hbm, type_hbm, gamma_hbm, beta_hbm, out_hbm,
          row_ids, row_pos, tvec, gvec, bvec,
          wbuf0, wbuf1, pbuf0, pbuf1, obuf0, obuf1,
          gsem0, gsem1, osem0, osem1):
    wid = lax.axis_index("s") * NC + lax.axis_index("c")
    b = wid // CPR
    s0 = (wid % CPR) * TPW

    WB = (wbuf0, wbuf1)
    PB = (pbuf0, pbuf1)
    OB = (obuf0, obuf1)
    GS = (gsem0, gsem1)
    OS = (osem0, osem1)

    pltpu.sync_copy(ids_hbm.at[b], row_ids)

    def gather_descs(e, s):
        off = s0 + e * CHUNK
        cw = pltpu.make_async_copy(
            word_hbm.at[row_ids.at[pl.ds(off, CHUNK)]], WB[s], GS[s])
        cp = pltpu.make_async_copy(
            pos_hbm.at[row_pos.at[pl.ds(off, CHUNK)]], PB[s], GS[s])
        return cw, cp

    def out_desc(e, s):
        off = s0 + e * CHUNK
        return pltpu.make_async_copy(
            OB[s], out_hbm.at[b, pl.ds(off, CHUNK)], OS[s])

    def pass_a(wb, pb, ob):
        def grpA(j, acc):
            sl = pl.ds(j * L, L)
            tv = tvec[sl]
            acc = list(acc)
            for t in range(CHUNK):
                x = wb[t, sl] + pb[t, sl] + tv
                ob[t, sl] = x
                acc[2 * t] = acc[2 * t] + x
                acc[2 * t + 1] = acc[2 * t + 1] + x * x
            return tuple(acc)
        zero = jnp.zeros((L,), jnp.float32)
        return plsc.parallel_loop(0, NGRP, carry=(zero,) * (2 * CHUNK))(grpA)

    def pass_b(ob, acc):
        rv = []
        mrv = []
        for t in range(CHUNK):
            mu = jnp.sum(acc[2 * t]) * (1.0 / HID)
            var = jnp.sum(acc[2 * t + 1]) * (1.0 / HID) - mu * mu
            r = _rsqrt(jnp.full((L,), var + EPS, jnp.float32))
            rv.append(r)
            mrv.append(jnp.full((L,), mu, jnp.float32) * r)

        def grpB(j):
            sl = pl.ds(j * L, L)
            gj = gvec[sl]
            bj = bvec[sl]
            for t in range(CHUNK):
                ob[t, sl] = (ob[t, sl] * rv[t] - mrv[t]) * gj + bj
        plsc.parallel_loop(0, NGRP)(grpB)

    for e in (0, 1):
        pltpu.make_async_copy(
            word_hbm.at[row_ids.at[pl.ds(s0 + e * CHUNK, CHUNK)]],
            WB[e], GS[e]).start()

    def pos_body(i, run):
        v = row_ids[pl.ds(i * L, L)]
        m = v != PAD
        mf = jnp.where(m, jnp.float32(1), jnp.float32(0))
        cs = jnp.cumsum(mf)
        pos = jnp.where(m, (cs + run).astype(jnp.int32) + PAD, jnp.int32(PAD))
        row_pos[pl.ds(i * L, L)] = pos
        return run + jnp.sum(mf)
    plsc.parallel_loop(0, S // L, carry=jnp.float32(0))(pos_body)

    for e in (0, 1):
        pltpu.make_async_copy(
            pos_hbm.at[row_pos.at[pl.ds(s0 + e * CHUNK, CHUNK)]],
            PB[e], GS[e]).start()
    pltpu.sync_copy(type_hbm.at[0], tvec)
    pltpu.sync_copy(gamma_hbm, gvec)
    pltpu.sync_copy(beta_hbm, bvec)

    def pair(g2, _):
        for s in (0, 1):
            e = 2 * g2 + s
            cw, cp = gather_descs(e, s)
            cw.wait()
            cp.wait()
            @pl.when(g2 >= 1)
            def _():
                out_desc(e - 2, s).wait()
            acc = pass_a(WB[s], PB[s], OB[s])
            @pl.when(g2 < NCHUNK // 2 - 1)
            def _():
                cw2, cp2 = gather_descs(e + 2, s)
                cw2.start()
                cp2.start()
            pass_b(OB[s], acc)
            out_desc(e, s).start()
        return 0
    lax.fori_loop(0, NCHUNK // 2, pair, 0)

    for s in (0, 1):
        out_desc(NCHUNK - 2 + s, s).wait()


@jax.jit
def kernel(input_ids, word_table, pos_table, type_table, gamma, beta):
    mesh = plsc.VectorSubcoreMesh(core_axis_name="c", subcore_axis_name="s")
    run = pl.kernel(
        _body,
        out_type=jax.ShapeDtypeStruct((B, S, HID), jnp.float32),
        mesh=mesh,
        compiler_params=pltpu.CompilerParams(
            needs_layout_passes=False,
            skip_device_barrier=True,
            disable_bounds_checks=True,
        ),
        scratch_types=[
            pltpu.VMEM((S,), jnp.int32),
            pltpu.VMEM((S,), jnp.int32),
            pltpu.VMEM((HID,), jnp.float32),
            pltpu.VMEM((HID,), jnp.float32),
            pltpu.VMEM((HID,), jnp.float32),
            pltpu.VMEM((CHUNK, HID), jnp.float32),
            pltpu.VMEM((CHUNK, HID), jnp.float32),
            pltpu.VMEM((CHUNK, HID), jnp.float32),
            pltpu.VMEM((CHUNK, HID), jnp.float32),
            pltpu.VMEM((CHUNK, HID), jnp.float32),
            pltpu.VMEM((CHUNK, HID), jnp.float32),
            pltpu.SemaphoreType.DMA,
            pltpu.SemaphoreType.DMA,
            pltpu.SemaphoreType.DMA,
            pltpu.SemaphoreType.DMA,
        ],
    )
    return run(input_ids, word_table, pos_table, type_table, gamma, beta)

# --- scband reference (transcript-rebuilt; emitter-appended) ---
"""Pipeline reference for scband-embedding-21741124452470 (READ-ONLY COPY).

The authoritative reference and input builder live on the scoring server;
editing this copy changes nothing except your own understanding.
"""

import jax, jax.numpy as jnp
import numpy as np

VOCAB = 100000
HID = 1024
MAXPOS = 8192
TYPES = 2
PAD = 1
EPS = 1e-12
B, S = 4, 2048


def setup_inputs(seed: int = 0) -> dict:
    key = jax.random.key(seed)
    k1, k2, k3, k4 = jax.random.split(key, 4)
    input_ids = jax.random.randint(k1, (B, S), 0, VOCAB, dtype=jnp.int32)
    word_table = jax.random.normal(k2, (VOCAB, HID), dtype=jnp.float32) * 0.02
    word_table = word_table.at[PAD].set(0.0)  # padding_idx row zeroed like nn.Embedding
    pos_table = jax.random.normal(k3, (MAXPOS, HID), dtype=jnp.float32) * 0.02
    pos_table = pos_table.at[PAD].set(0.0)  # absolute position embedding uses padding_idx too
    type_table = jax.random.normal(k4, (TYPES, HID), dtype=jnp.float32) * 0.02
    gamma = jnp.ones((HID,), dtype=jnp.float32)
    beta = jnp.zeros((HID,), dtype=jnp.float32)
    return {"input_ids": input_ids, "word_table": word_table, "pos_table": pos_table,
            "type_table": type_table, "gamma": gamma, "beta": beta}


def _position_ids_from_input_ids(input_ids):
    # fairseq-style make_positions: positions start at padding_idx+1, pads get padding_idx
    mask = (input_ids != PAD).astype(jnp.int32)
    incremental = jnp.cumsum(mask, axis=1) * mask
    return incremental + PAD


def reference(input_ids, word_table, pos_table, type_table, gamma, beta):
    position_ids = _position_ids_from_input_ids(input_ids)
    token_type_ids = jnp.zeros_like(input_ids)
    inputs_embeds = jnp.take(word_table, input_ids, axis=0)
    token_type_embeddings = jnp.take(type_table, token_type_ids, axis=0)
    position_embeddings = jnp.take(pos_table, position_ids, axis=0)
    embeddings = inputs_embeds + token_type_embeddings + position_embeddings
    # LayerNorm (biased variance, matching torch.nn.LayerNorm)
    mu = jnp.mean(embeddings, axis=-1, keepdims=True)
    var = jnp.mean((embeddings - mu) ** 2, axis=-1, keepdims=True)
    out = (embeddings - mu) / jnp.sqrt(var + EPS) * gamma + beta
    # dropout is identity in eval mode
    return out

if __name__ == "__main__":
    import jax
    _d = setup_inputs()
    print(jax.jit(kernel)(*tuple(_d.values())))

</pallas_src>

<mosaic_0001>
#map = affine_map<(d0, d1) -> (0, 0)>
#map1 = affine_map<(d0, d1) -> (0)>
#map2 = affine_map<(d0, d1) -> (0, 0, 0)>
module attributes {stable_mosaic.version = 14 : i64} {
  func.func @_body(%arg0: i32, %arg1: i32, %arg2: memref<4x2048xi32, #tpu.memory_space<hbm>>, %arg3: memref<100000x1024xf32, #tpu.memory_space<hbm>>, %arg4: memref<8192x1024xf32, #tpu.memory_space<hbm>>, %arg5: memref<2x1024xf32, #tpu.memory_space<hbm>>, %arg6: memref<1024xf32, #tpu.memory_space<hbm>>, %arg7: memref<1024xf32, #tpu.memory_space<hbm>>, %arg8: memref<4x2048x1024xf32, #tpu.memory_space<hbm>>, %arg9: memref<2048xi32, #tpu.memory_space<vmem>>, %arg10: memref<2048xi32, #tpu.memory_space<vmem>>, %arg11: memref<1024xf32, #tpu.memory_space<vmem>>, %arg12: memref<1024xf32, #tpu.memory_space<vmem>>, %arg13: memref<1024xf32, #tpu.memory_space<vmem>>, %arg14: memref<16x1024xf32, #tpu.memory_space<vmem>>, %arg15: memref<16x1024xf32, #tpu.memory_space<vmem>>, %arg16: memref<16x1024xf32, #tpu.memory_space<vmem>>, %arg17: memref<16x1024xf32, #tpu.memory_space<vmem>>, %arg18: memref<16x1024xf32, #tpu.memory_space<vmem>>, %arg19: memref<16x1024xf32, #tpu.memory_space<vmem>>, %arg20: memref<!tpu.dma_semaphore, #tpu.memory_space<semaphore_mem>>, %arg21: memref<!tpu.dma_semaphore, #tpu.memory_space<semaphore_mem>>, %arg22: memref<!tpu.dma_semaphore, #tpu.memory_space<semaphore_mem>>, %arg23: memref<!tpu.dma_semaphore, #tpu.memory_space<semaphore_mem>>) attributes {dimension_semantics = [#tpu.dimension_semantics<core_parallel>, #tpu.dimension_semantics<subcore_parallel>], iteration_bounds = array<i64: 2, 16>, scalar_prefetch = 0 : i64, scratch_operands = 15 : i64, tpu.core_type = #tpu.core_type<sc_vector_subcore>, window_params = [{transform_indices = #map}, {transform_indices = #map}, {transform_indices = #map}, {transform_indices = #map}, {transform_indices = #map1}, {transform_indices = #map1}, {transform_indices = #map2}]} {
    %mul3A = arith.constant 2 : i32
    %mul3A_0 = arith.muli %arg1, %mul3A : i32
    %add3A = arith.addi %mul3A_0, %arg0 : i32
    %jit3A = arith.constant 8 : i32
    %div3A = arith.divsi %add3A, %jit3A : i32
    %sign3A = arith.constant 0 : i32
    %sign3A_1 = arith.cmpi sgt, %add3A, %sign3A : i32
    %sign3A_2 = arith.extui %sign3A_1 : i1 to i32
    %sign3A_3 = arith.constant 0 : i32
    %sign3A_4 = arith.cmpi slt, %add3A, %sign3A_3 : i32
    %sign3A_5 = arith.extui %sign3A_4 : i1 to i32
    %sign3A_6 = arith.subi %sign3A_2, %sign3A_5 : i32
    %sign3A_7 = arith.constant 0 : i32
    %sign3A_8 = arith.cmpi sgt, %jit3A, %sign3A_7 : i32
    %sign3A_9 = arith.extui %sign3A_8 : i1 to i32
    %sign3A_10 = arith.constant 0 : i32
    %sign3A_11 = arith.cmpi slt, %jit3A, %sign3A_10 : i32
    %sign3A_12 = arith.extui %sign3A_11 : i1 to i32
    %sign3A_13 = arith.subi %sign3A_9, %sign3A_12 : i32
    %ne3A = arith.cmpi ne, %sign3A_6, %sign3A_13 : i32
    %rem3A = arith.remsi %add3A, %jit3A : i32
    %ne3A_14 = arith.constant 0 : i32
    %ne3A_15 = arith.cmpi ne, %rem3A, %ne3A_14 : i32
    %and3A = arith.andi %ne3A, %ne3A_15 : i1
    %sub3A = arith.constant 1 : i32
    %sub3A_16 = arith.subi %div3A, %sub3A : i32
    %select_n3A = arith.select %and3A, %sub3A_16, %div3A : i32
    %jit3A_17 = arith.constant 8 : i32
    %eq3A = arith.constant 0 : i32
    %eq3A_18 = arith.cmpi eq, %jit3A_17, %eq3A : i32
    %jit3A_19 = arith.constant 1 : i32
    %select_n3A_20 = arith.select %eq3A_18, %jit3A_19, %jit3A_17 : i32
    %rem3A_21 = arith.remsi %add3A, %select_n3A_20 : i32
    %ne3A_22 = arith.constant 0 : i32
    %ne3A_23 = arith.cmpi ne, %rem3A_21, %ne3A_22 : i32
    %lt3A = arith.constant 0 : i32
    %lt3A_24 = arith.cmpi slt, %rem3A_21, %lt3A : i32
    %lt3A_25 = arith.constant 0 : i32
    %lt3A_26 = arith.cmpi slt, %select_n3A_20, %lt3A_25 : i32
    %ne3A_27 = arith.xori %lt3A_24, %lt3A_26 : i1
    %and3A_28 = arith.andi %ne3A_27, %ne3A_23 : i1
    %add3A_29 = arith.addi %rem3A_21, %select_n3A_20 : i32
    %select_n3A_30 = arith.select %and3A_28, %add3A_29, %rem3A_21 : i32
    %mul3A_31 = arith.constant 256 : i32
    %mul3A_32 = arith.muli %select_n3A_30, %mul3A_31 : i32
    "tpu.region"() ({
      %run_scoped3A_81 = tpu.sem_alloc : memref<!tpu.dma_semaphore, #tpu.memory_space<semaphore_mem>>
      %dma_start3A_82 = arith.constant 0 : i32
      %dma_start3A_83 = tpu.memref_slice %arg2[%select_n3A, %dma_start3A_82] : memref<4x2048xi32, #tpu.memory_space<hbm>> -> memref<1x2048xi32, #tpu.memory_space<hbm>>
      %dma_start3A_84 = tpu.memref_squeeze %dma_start3A_83 : memref<1x2048xi32, #tpu.memory_space<hbm>> -> memref<2048xi32, #tpu.memory_space<hbm>>
      %dma_start3A_85 = arith.constant 0 : i32
      %dma_start3A_86 = tpu.memref_slice %arg2[%select_n3A, %dma_start3A_85] : memref<4x2048xi32, #tpu.memory_space<hbm>> -> memref<1x2048xi32, #tpu.memory_space<hbm>>
      %dma_start3A_87 = tpu.memref_squeeze %dma_start3A_86 : memref<1x2048xi32, #tpu.memory_space<hbm>> -> memref<2048xi32, #tpu.memory_space<hbm>>
      tpu.enqueue_dma source(%dma_start3A_87 : memref<2048xi32, #tpu.memory_space<hbm>>) target(%arg9 : memref<2048xi32, #tpu.memory_space<vmem>>) target_semaphore(%run_scoped3A_81 : memref<!tpu.dma_semaphore, #tpu.memory_space<semaphore_mem>>)
      %dma_wait3A_88 = arith.constant 0 : i32
      %dma_wait3A_89 = tpu.memref_slice %arg2[%select_n3A, %dma_wait3A_88] : memref<4x2048xi32, #tpu.memory_space<hbm>> -> memref<1x2048xi32, #tpu.memory_space<hbm>>
      %dma_wait3A_90 = tpu.memref_squeeze %dma_wait3A_89 : memref<1x2048xi32, #tpu.memory_space<hbm>> -> memref<2048xi32, #tpu.memory_space<hbm>>
      %dma_wait3A_91 = arith.constant 0 : i32
      %dma_wait3A_92 = tpu.memref_slice %arg2[%select_n3A, %dma_wait3A_91] : memref<4x2048xi32, #tpu.memory_space<hbm>> -> memref<1x2048xi32, #tpu.memory_space<hbm>>
      %dma_wait3A_93 = tpu.memref_squeeze %dma_wait3A_92 : memref<1x2048xi32, #tpu.memory_space<hbm>> -> memref<2048xi32, #tpu.memory_space<hbm>>
      tpu.wait_dma2 semaphore(%run_scoped3A_81 : memref<!tpu.dma_semaphore, #tpu.memory_space<semaphore_mem>>) src(%dma_wait3A_93 : memref<2048xi32, #tpu.memory_space<hbm>>) dst(%arg9 : memref<2048xi32, #tpu.memory_space<vmem>>)
      tpu.yield
    }) : () -> ()
    %add3A_33 = arith.constant 0 : i32
    %add3A_34 = arith.addi %mul3A_32, %add3A_33 : i32
    %dma_start3A = tpu.memref_slice %arg9[%add3A_34] : memref<2048xi32, #tpu.memory_space<vmem>> -> memref<16xi32, #tpu.memory_space<vmem>>
    %dma_start3A_35 = arith.constant 0 : i32
    %dma_start3A_36 = arith.constant 0 : i32
    %dma_start3A_37 = tpu.memref_slice %arg3[%dma_start3A_35, %dma_start3A_36] : memref<100000x1024xf32, #tpu.memory_space<hbm>> -> memref<100000x1024xf32, #tpu.memory_space<hbm>>
    tpu.enqueue_indirect_dma source(%dma_start3A_37 : memref<100000x1024xf32, #tpu.memory_space<hbm>>) target(%arg14 : memref<16x1024xf32, #tpu.memory_space<vmem>>) offsets(%dma_start3A : memref<16xi32, #tpu.memory_space<vmem>>) semaphore(%arg20 : memref<!tpu.dma_semaphore, #tpu.memory_space<semaphore_mem>>)
    %add3A_38 = arith.constant 16 : i32
    %add3A_39 = arith.addi %mul3A_32, %add3A_38 : i32
    %dma_start3A_40 = tpu.memref_slice %arg9[%add3A_39] : memref<2048xi32, #tpu.memory_space<vmem>> -> memref<16xi32, #tpu.memory_space<vmem>>
    %dma_start3A_41 = arith.constant 0 : i32
    %dma_start3A_42 = arith.constant 0 : i32
    %dma_start3A_43 = tpu.memref_slice %arg3[%dma_start3A_41, %dma_start3A_42] : memref<100000x1024xf32, #tpu.memory_space<hbm>> -> memref<100000x1024xf32, #tpu.memory_space<hbm>>
    tpu.enqueue_indirect_dma source(%dma_start3A_43 : memref<100000x1024xf32, #tpu.memory_space<hbm>>) target(%arg15 : memref<16x1024xf32, #tpu.memory_space<vmem>>) offsets(%dma_start3A_40 : memref<16xi32, #tpu.memory_space<vmem>>) semaphore(%arg21 : memref<!tpu.dma_semaphore, #tpu.memory_space<semaphore_mem>>)
    %parallel_loop3A = arith.constant 0 : i32
    %parallel_loop3A_44 = arith.constant 128 : i32
    %parallel_loop3A_45 = arith.constant 1 : i32
    %parallel_loop3A_46 = arith.constant 0.000000e+00 : f32
    %parallel_loop3A_47 = scf.for %parallel_loop3A_81 = %parallel_loop3A to %parallel_loop3A_44 step %parallel_loop3A_45 iter_args(%parallel_loop3A_82 = %parallel_loop3A_46) -> (f32)  : i32 {
      %parallel_loop3A_83 = arith.constant 16 : i32
      %parallel_loop3A_84 = arith.muli %parallel_loop3A_81, %parallel_loop3A_83 : i32
      %parallel_loop3A_85 = arith.index_cast %parallel_loop3A_84 : i32 to index
      %parallel_loop3A_86 = tpu.vector_load %arg9[%parallel_loop3A_85] {strides = array<i32>} : memref<2048xi32, #tpu.memory_space<vmem>>, vector<16xi32>,
      %parallel_loop3A_87 = arith.constant 1 : i32
      %parallel_loop3A_88 = vector.broadcast %parallel_loop3A_87 : i32 to vector<16xi32>
      %parallel_loop3A_89 = arith.cmpi ne, %parallel_loop3A_86, %parallel_loop3A_88 : vector<16xi32>
      %parallel_loop3A_90 = arith.constant 1.000000e+00 : f32
      %parallel_loop3A_91 = arith.constant 0.000000e+00 : f32
      %parallel_loop3A_92 = vector.broadcast %parallel_loop3A_90 : f32 to vector<16xf32>
      %parallel_loop3A_93 = vector.broadcast %parallel_loop3A_91 : f32 to vector<16xf32>
      %parallel_loop3A_94 = arith.select %parallel_loop3A_89, %parallel_loop3A_92, %parallel_loop3A_93 : vector<16xi1>, vector<16xf32>
      %parallel_loop3A_95 = arith.constant true
      %parallel_loop3A_96 = vector.broadcast %parallel_loop3A_95 : i1 to vector<16xi1>
      %parallel_loop3A_97 = tpu.scan <sum>, %parallel_loop3A_94 masked %parallel_loop3A_96 : vector<16xf32>, vector<16xi1> -> vector<16xf32>
      %parallel_loop3A_98 = vector.broadcast %parallel_loop3A_82 : f32 to vector<16xf32>
      %parallel_loop3A_99 = arith.addf %parallel_loop3A_97, %parallel_loop3A_98 : vector<16xf32>
      %parallel_loop3A_100 = arith.fptosi %parallel_loop3A_99 : vector<16xf32> to vector<16xi32>
      %parallel_loop3A_101 = arith.constant 1 : i32
      %parallel_loop3A_102 = vector.broadcast %parallel_loop3A_101 : i32 to vector<16xi32>
      %parallel_loop3A_103 = arith.addi %parallel_loop3A_100, %parallel_loop3A_102 : vector<16xi32>
      %parallel_loop3A_104 = arith.constant 1 : i32
      %parallel_loop3A_105 = vector.broadcast %parallel_loop3A_104 : i32 to vector<16xi32>
      %parallel_loop3A_106 = arith.select %parallel_loop3A_89, %parallel_loop3A_103, %parallel_loop3A_105 : vector<16xi1>, vector<16xi32>
      %parallel_loop3A_107 = arith.constant 16 : i32
      %parallel_loop3A_108 = arith.muli %parallel_loop3A_81, %parallel_loop3A_107 : i32
      %parallel_loop3A_109 = arith.index_cast %parallel_loop3A_108 : i32 to index
      %parallel_loop3A_110 = tpu.vector_load %arg10[%parallel_loop3A_109] {strides = array<i32>} : memref<2048xi32, #tpu.memory_space<vmem>>, vector<16xi32>,
      tpu.vector_store %arg10[%parallel_loop3A_109], %parallel_loop3A_106 {strides = array<i32>} : memref<2048xi32, #tpu.memory_space<vmem>>, vector<16xi32>,
      %parallel_loop3A_111 = arith.constant true
      %parallel_loop3A_112 = vector.broadcast %parallel_loop3A_111 : i1 to vector<16xi1>
      %parallel_loop3A_113 = tpu.scan <sum>, %parallel_loop3A_94 masked %parallel_loop3A_112 : vector<16xf32>, vector<16xi1> -> vector<16xf32>
      %parallel_loop3A_114 = vector.extract %parallel_loop3A_113[15] : f32 from vector<16xf32>
      %parallel_loop3A_115 = arith.addf %parallel_loop3A_82, %parallel_loop3A_114 : f32
      scf.yield %parallel_loop3A_115 : f32
    } {sc.loop_unroll_factor = 1 : i64, sc.parallel_access}
    %add3A_48 = arith.constant 0 : i32
    %add3A_49 = arith.addi %mul3A_32, %add3A_48 : i32
    %dma_start3A_50 = tpu.memref_slice %arg10[%add3A_49] : memref<2048xi32, #tpu.memory_space<vmem>> -> memref<16xi32, #tpu.memory_space<vmem>>
    %dma_start3A_51 = arith.constant 0 : i32
    %dma_start3A_52 = arith.constant 0 : i32
    %dma_start3A_53 = tpu.memref_slice %arg4[%dma_start3A_51, %dma_start3A_52] : memref<8192x1024xf32, #tpu.memory_space<hbm>> -> memref<8192x1024xf32, #tpu.memory_space<hbm>>
    tpu.enqueue_indirect_dma source(%dma_start3A_53 : memref<8192x1024xf32, #tpu.memory_space<hbm>>) target(%arg16 : memref<16x1024xf32, #tpu.memory_space<vmem>>) offsets(%dma_start3A_50 : memref<16xi32, #tpu.memory_space<vmem>>) semaphore(%arg20 : memref<!tpu.dma_semaphore, #tpu.memory_space<semaphore_mem>>)
    %add3A_54 = arith.constant 16 : i32
    %add3A_55 = arith.addi %mul3A_32, %add3A_54 : i32
    %dma_start3A_56 = tpu.memref_slice %arg10[%add3A_55] : memref<2048xi32, #tpu.memory_space<vmem>> -> memref<16xi32, #tpu.memory_space<vmem>>
    %dma_start3A_57 = arith.constant 0 : i32
    %dma_start3A_58 = arith.constant 0 : i32
    %dma_start3A_59 = tpu.memref_slice %arg4[%dma_start3A_57, %dma_start3A_58] : memref<8192x1024xf32, #tpu.memory_space<hbm>> -> memref<8192x1024xf32, #tpu.memory_space<hbm>>
    tpu.enqueue_indirect_dma source(%dma_start3A_59 : memref<8192x1024xf32, #tpu.memory_space<hbm>>) target(%arg17 : memref<16x1024xf32, #tpu.memory_space<vmem>>) offsets(%dma_start3A_56 : memref<16xi32, #tpu.memory_space<vmem>>) semaphore(%arg21 : memref<!tpu.dma_semaphore, #tpu.memory_space<semaphore_mem>>)
    %run_scoped3A = arith.constant 0 : i32
    "tpu.region"() ({
      %run_scoped3A_81 = tpu.sem_alloc : memref<!tpu.dma_semaphore, #tpu.memory_space<semaphore_mem>>
      %dma_start3A_82 = arith.constant 0 : i32
      %dma_start3A_83 = tpu.memref_slice %arg5[%run_scoped3A, %dma_start3A_82] : memref<2x1024xf32, #tpu.memory_space<hbm>> -> memref<1x1024xf32, #tpu.memory_space<hbm>>
      %dma_start3A_84 = tpu.memref_squeeze %dma_start3A_83 : memref<1x1024xf32, #tpu.memory_space<hbm>> -> memref<1024xf32, #tpu.memory_space<hbm>>
      %dma_start3A_85 = arith.constant 0 : i32
      %dma_start3A_86 = tpu.memref_slice %arg5[%run_scoped3A, %dma_start3A_85] : memref<2x1024xf32, #tpu.memory_space<hbm>> -> memref<1x1024xf32, #tpu.memory_space<hbm>>
      %dma_start3A_87 = tpu.memref_squeeze %dma_start3A_86 : memref<1x1024xf32, #tpu.memory_space<hbm>> -> memref<1024xf32, #tpu.memory_space<hbm>>
      tpu.enqueue_dma source(%dma_start3A_87 : memref<1024xf32, #tpu.memory_space<hbm>>) target(%arg11 : memref<1024xf32, #tpu.memory_space<vmem>>) target_semaphore(%run_scoped3A_81 : memref<!tpu.dma_semaphore, #tpu.memory_space<semaphore_mem>>)
      %dma_wait3A_88 = arith.constant 0 : i32
      %dma_wait3A_89 = tpu.memref_slice %arg5[%run_scoped3A, %dma_wait3A_88] : memref<2x1024xf32, #tpu.memory_space<hbm>> -> memref<1x1024xf32, #tpu.memory_space<hbm>>
      %dma_wait3A_90 = tpu.memref_squeeze %dma_wait3A_89 : memref<1x1024xf32, #tpu.memory_space<hbm>> -> memref<1024xf32, #tpu.memory_space<hbm>>
      %dma_wait3A_91 = arith.constant 0 : i32
      %dma_wait3A_92 = tpu.memref_slice %arg5[%run_scoped3A, %dma_wait3A_91] : memref<2x1024xf32, #tpu.memory_space<hbm>> -> memref<1x1024xf32, #tpu.memory_space<hbm>>
      %dma_wait3A_93 = tpu.memref_squeeze %dma_wait3A_92 : memref<1x1024xf32, #tpu.memory_space<hbm>> -> memref<1024xf32, #tpu.memory_space<hbm>>
      tpu.wait_dma2 semaphore(%run_scoped3A_81 : memref<!tpu.dma_semaphore, #tpu.memory_space<semaphore_mem>>) src(%dma_wait3A_93 : memref<1024xf32, #tpu.memory_space<hbm>>) dst(%arg11 : memref<1024xf32, #tpu.memory_space<vmem>>)
      tpu.yield
    }) : () -> ()
    "tpu.region"() ({
      %run_scoped3A_81 = tpu.sem_alloc : memref<!tpu.dma_semaphore, #tpu.memory_space<semaphore_mem>>
      tpu.enqueue_dma source(%arg6 : memref<1024xf32, #tpu.memory_space<hbm>>) target(%arg12 : memref<1024xf32, #tpu.memory_space<vmem>>) target_semaphore(%run_scoped3A_81 : memref<!tpu.dma_semaphore, #tpu.memory_space<semaphore_mem>>)
      tpu.wait_dma2 semaphore(%run_scoped3A_81 : memref<!tpu.dma_semaphore, #tpu.memory_space<semaphore_mem>>) src(%arg6 : memref<1024xf32, #tpu.memory_space<hbm>>) dst(%arg12 : memref<1024xf32, #tpu.memory_space<vmem>>)
      tpu.yield
    }) : () -> ()
    "tpu.region"() ({
      %run_scoped3A_81 = tpu.sem_alloc : memref<!tpu.dma_semaphore, #tpu.memory_space<semaphore_mem>>
      tpu.enqueue_dma source(%arg7 : memref<1024xf32, #tpu.memory_space<hbm>>) target(%arg13 : memref<1024xf32, #tpu.memory_space<vmem>>) target_semaphore(%run_scoped3A_81 : memref<!tpu.dma_semaphore, #tpu.memory_space<semaphore_mem>>)
      tpu.wait_dma2 semaphore(%run_scoped3A_81 : memref<!tpu.dma_semaphore, #tpu.memory_space<semaphore_mem>>) src(%arg7 : memref<1024xf32, #tpu.memory_space<hbm>>) dst(%arg13 : memref<1024xf32, #tpu.memory_space<vmem>>)
      tpu.yield
    }) : () -> ()
    %scan3A = arith.constant 0 : i32
    %scan3A_60 = arith.constant 0 : i32
    %scan3A_61 = arith.constant 8 : i32
    %scan3A_62 = arith.addi %scan3A_60, %scan3A_61 : i32
    %scan3A_63 = arith.constant 1 : i32
    %scan3A_64 = scf.for %scan3A_81 = %scan3A_60 to %scan3A_62 step %scan3A_63 iter_args(%scan3A_82 = %scan3A) -> (i32)  : i32 {
      %mul3A_83 = arith.constant 2 : i32
      %mul3A_84 = arith.muli %mul3A_83, %scan3A_81 : i32
      %add3A_85 = arith.constant 0 : i32
      %add3A_86 = arith.addi %mul3A_84, %add3A_85 : i32
      %mul3A_87 = arith.constant 16 : i32
      %mul3A_88 = arith.muli %add3A_86, %mul3A_87 : i32
      %add3A_89 = arith.addi %mul3A_32, %mul3A_88 : i32
      %dma_wait3A_90 = tpu.memref_slice %arg9[%add3A_89] : memref<2048xi32, #tpu.memory_space<vmem>> -> memref<16xi32, #tpu.memory_space<vmem>>
      %dma_wait3A_91 = arith.constant 0 : i32
      %dma_wait3A_92 = arith.constant 0 : i32
      %dma_wait3A_93 = tpu.memref_slice %arg3[%dma_wait3A_91, %dma_wait3A_92] : memref<100000x1024xf32, #tpu.memory_space<hbm>> -> memref<100000x1024xf32, #tpu.memory_space<hbm>>
      tpu.wait_indirect_dma semaphore(%arg20 : memref<!tpu.dma_semaphore, #tpu.memory_space<semaphore_mem>>) src(%dma_wait3A_93 : memref<100000x1024xf32, #tpu.memory_space<hbm>>) dst(%arg14 : memref<16x1024xf32, #tpu.memory_space<vmem>>)
      %dma_wait3A_94 = tpu.memref_slice %arg10[%add3A_89] : memref<2048xi32, #tpu.memory_space<vmem>> -> memref<16xi32, #tpu.memory_space<vmem>>
      %dma_wait3A_95 = arith.constant 0 : i32
      %dma_wait3A_96 = arith.constant 0 : i32
      %dma_wait3A_97 = tpu.memref_slice %arg4[%dma_wait3A_95, %dma_wait3A_96] : memref<8192x1024xf32, #tpu.memory_space<hbm>> -> memref<8192x1024xf32, #tpu.memory_space<hbm>>
      tpu.wait_indirect_dma semaphore(%arg20 : memref<!tpu.dma_semaphore, #tpu.memory_space<semaphore_mem>>) src(%dma_wait3A_97 : memref<8192x1024xf32, #tpu.memory_space<hbm>>) dst(%arg16 : memref<16x1024xf32, #tpu.memory_space<vmem>>)
      %ge3A = arith.constant 1 : i32
      %ge3A_98 = arith.cmpi sge, %scan3A_81, %ge3A : i32
      %convert_element_type3A = arith.extui %ge3A_98 : i1 to i32
      %cond3A = arith.constant 0 : i32
      %cond3A_99 = arith.cmpi ne, %convert_element_type3A, %cond3A : i32
      scf.if %cond3A_99 {
        %sub3A_1891 = arith.constant 2 : i32
        %sub3A_1892 = arith.subi %add3A_86, %sub3A_1891 : i32
        %mul3A_1893 = arith.constant 16 : i32
        %mul3A_1894 = arith.muli %sub3A_1892, %mul3A_1893 : i32
        %add3A_1895 = arith.addi %mul3A_32, %mul3A_1894 : i32
        %dma_wait3A_1896 = arith.constant 0 : i32
        %dma_wait3A_1897 = tpu.memref_slice %arg8[%select_n3A, %add3A_1895, %dma_wait3A_1896] : memref<4x2048x1024xf32, #tpu.memory_space<hbm>> -> memref<1x16x1024xf32, #tpu.memory_space<hbm>>
        %dma_wait3A_1898 = tpu.memref_squeeze %dma_wait3A_1897 : memref<1x16x1024xf32, #tpu.memory_space<hbm>> -> memref<16x1024xf32, #tpu.memory_space<hbm>>
        %dma_wait3A_1899 = arith.constant 0 : i32
        %dma_wait3A_1900 = tpu.memref_slice %arg8[%select_n3A, %add3A_1895, %dma_wait3A_1899] : memref<4x2048x1024xf32, #tpu.memory_space<hbm>> -> memref<1x16x1024xf32, #tpu.memory_space<hbm>>
        %dma_wait3A_1901 = tpu.memref_squeeze %dma_wait3A_1900 : memref<1x16x1024xf32, #tpu.memory_space<hbm>> -> memref<16x1024xf32, #tpu.memory_space<hbm>>
        tpu.wait_dma2 semaphore(%arg22 : memref<!tpu.dma_semaphore, #tpu.memory_space<semaphore_mem>>) src(%arg18 : memref<16x1024xf32, #tpu.memory_space<vmem>>) dst(%dma_wait3A_1901 : memref<16x1024xf32, #tpu.memory_space<hbm>>)
      } else {
      }
      %broadcast_in_dim3A = arith.constant 0.000000e+00 : f32
      %broadcast_in_dim3A_100 = vector.broadcast %broadcast_in_dim3A : f32 to vector<16xf32>
      %parallel_loop3A_101 = arith.constant 0 : i32
      %parallel_loop3A_102 = arith.constant 64 : i32
      %parallel_loop3A_103 = arith.constant 1 : i32
      %parallel_loop3A_104:32 = scf.for %parallel_loop3A_1891 = %parallel_loop3A_101 to %parallel_loop3A_102 step %parallel_loop3A_103 iter_args(%parallel_loop3A_1892 = %broadcast_in_dim3A_100, %parallel_loop3A_1893 = %broadcast_in_dim3A_100, %parallel_loop3A_1894 = %broadcast_in_dim3A_100, %parallel_loop3A_1895 = %broadcast_in_dim3A_100, %parallel_loop3A_1896 = %broadcast_in_dim3A_100, %parallel_loop3A_1897 = %broadcast_in_dim3A_100, %parallel_loop3A_1898 = %broadcast_in_dim3A_100, %parallel_loop3A_1899 = %broadcast_in_dim3A_100, %parallel_loop3A_1900 = %broadcast_in_dim3A_100, %parallel_loop3A_1901 = %broadcast_in_dim3A_100, %parallel_loop3A_1902 = %broadcast_in_dim3A_100, %parallel_loop3A_1903 = %broadcast_in_dim3A_100, %parallel_loop3A_1904 = %broadcast_in_dim3A_100, %parallel_loop3A_1905 = %broadcast_in_dim3A_100, %parallel_loop3A_1906 = %broadcast_in_dim3A_100, %parallel_loop3A_1907 = %broadcast_in_dim3A_100, %parallel_loop3A_1908 = %broadcast_in_dim3A_100, %parallel_loop3A_1909 = %broadcast_in_dim3A_100, %parallel_loop3A_1910 = %broadcast_in_dim3A_100, %parallel_loop3A_1911 = %broadcast_in_dim3A_100, %parallel_loop3A_1912 = %broadcast_in_dim3A_100, %parallel_loop3A_1913 = %broadcast_in_dim3A_100, %parallel_loop3A_1914 = %broadcast_in_dim3A_100, %parallel_loop3A_1915 = %broadcast_in_dim3A_100, %parallel_loop3A_1916 = %broadcast_in_dim3A_100, %parallel_loop3A_1917 = %broadcast_in_dim3A_100, %parallel_loop3A_1918 = %broadcast_in_dim3A_100, %parallel_loop3A_1919 = %broadcast_in_dim3A_100, %parallel_loop3A_1920 = %broadcast_in_dim3A_100, %parallel_loop3A_1921 = %broadcast_in_dim3A_100, %parallel_loop3A_1922 = %broadcast_in_dim3A_100, %parallel_loop3A_1923 = %broadcast_in_dim3A_100) -> (vector<16xf32>, vector<16xf32>, vector<16xf32>, vector<16xf32>, vector<16xf32>, vector<16xf32>, vector<16xf32>, vector<16xf32>, vector<16xf32>, vector<16xf32>, vector<16xf32>, vector<16xf32>, vector<16xf32>, vector<16xf32>, vector<16xf32>, vector<16xf32>, vector<16xf32>, vector<16xf32>, vector<16xf32>, vector<16xf32>, vector<16xf32>, vector<16xf32>, vector<16xf32>, vector<16xf32>, vector<16xf32>, vector<16xf32>, vector<16xf32>, vector<16xf32>, vector<16xf32>, vector<16xf32>, vector<16xf32>, vector<16xf32>)  : i32 {
        %parallel_loop3A_1924 = arith.constant 16 : i32
        %parallel_loop3A_1925 = arith.muli %parallel_loop3A_1891, %parallel_loop3A_1924 : i32
        %parallel_loop3A_1926 = arith.index_cast %parallel_loop3A_1925 : i32 to index
        %parallel_loop3A_1927 = tpu.vector_load %arg11[%parallel_loop3A_1926] {strides = array<i32>} : memref<1024xf32, #tpu.memory_space<vmem>>, vector<16xf32>,
        %parallel_loop3A_1928 = arith.constant 0 : i32
        %parallel_loop3A_1929 = arith.index_cast %parallel_loop3A_1928 : i32 to index
        %parallel_loop3A_1930 = arith.index_cast %parallel_loop3A_1925 : i32 to index
        %parallel_loop3A_1931 = tpu.vector_load %arg14[%parallel_loop3A_1929, %parallel_loop3A_1930] {strides = array<i32>} : memref<16x1024xf32, #tpu.memory_space<vmem>>, vector<16xf32>,
        %parallel_loop3A_1932 = arith.constant 0 : i32
        %parallel_loop3A_1933 = arith.index_cast %parallel_loop3A_1932 : i32 to index
        %parallel_loop3A_1934 = arith.index_cast %parallel_loop3A_1925 : i32 to index
        %parallel_loop3A_1935 = tpu.vector_load %arg16[%parallel_loop3A_1933, %parallel_loop3A_1934] {strides = array<i32>} : memref<16x1024xf32, #tpu.memory_space<vmem>>, vector<16xf32>,
        %parallel_loop3A_1936 = arith.addf %parallel_loop3A_1931, %parallel_loop3A_1935 : vector<16xf32>
        %parallel_loop3A_1937 = arith.addf %parallel_loop3A_1936, %parallel_loop3A_1927 : vector<16xf32>
        %parallel_loop3A_1938 = arith.constant 0 : i32
        %parallel_loop3A_1939 = arith.index_cast %parallel_loop3A_1938 : i32 to index
        %parallel_loop3A_1940 = arith.index_cast %parallel_loop3A_1925 : i32 to index
        %parallel_loop3A_1941 = tpu.vector_load %arg18[%parallel_loop3A_1939, %parallel_loop3A_1940] {strides = array<i32>} : memref<16x1024xf32, #tpu.memory_space<vmem>>, vector<16xf32>,
        tpu.vector_store %arg18[%parallel_loop3A_1939, %parallel_loop3A_1940], %parallel_loop3A_1937 {strides = array<i32>} : memref<16x1024xf32, #tpu.memory_space<vmem>>, vector<16xf32>,
        %parallel_loop3A_1942 = arith.addf %parallel_loop3A_1892, %parallel_loop3A_1937 : vector<16xf32>
        %parallel_loop3A_1943 = arith.mulf %parallel_loop3A_1937, %parallel_loop3A_1937 : vector<16xf32>
        %parallel_loop3A_1944 = arith.addf %parallel_loop3A_1893, %parallel_loop3A_1943 : vector<16xf32>
        %parallel_loop3A_1945 = arith.constant 1 : i32
        %parallel_loop3A_1946 = arith.index_cast %parallel_loop3A_1945 : i32 to index
        %parallel_loop3A_1947 = arith.index_cast %parallel_loop3A_1925 : i32 to index
        %parallel_loop3A_1948 = tpu.vector_load %arg14[%parallel_loop3A_1946, %parallel_loop3A_1947] {strides = array<i32>} : memref<16x1024xf32, #tpu.memory_space<vmem>>, vector<16xf32>,
        %parallel_loop3A_1949 = arith.constant 1 : i32
        %parallel_loop3A_1950 = arith.index_cast %parallel_loop3A_1949 : i32 to index
        %parallel_loop3A_1951 = arith.index_cast %parallel_loop3A_1925 : i32 to index
        %parallel_loop3A_1952 = tpu.vector_load %arg16[%parallel_loop3A_1950, %parallel_loop3A_1951] {strides = array<i32>} : memref<16x1024xf32, #tpu.memory_space<vmem>>, vector<16xf32>,
        %parallel_loop3A_1953 = arith.addf %parallel_loop3A_1948, %parallel_loop3A_1952 : vector<16xf32>
        %parallel_loop3A_1954 = arith.addf %parallel_loop3A_1953, %parallel_loop3A_1927 : vector<16xf32>
        %parallel_loop3A_1955 = arith.constant 1 : i32
        %parallel_loop3A_1956 = arith.index_cast %parallel_loop3A_1955 : i32 to index
        %parallel_loop3A_1957 = arith.index_cast %parallel_loop3A_1925 : i32 to index
        %parallel_loop3A_1958 = tpu.vector_load %arg18[%parallel_loop3A_1956, %parallel_loop3A_1957] {strides = array<i32>} : memref<16x1024xf32, #tpu.memory_space<vmem>>, vector<16xf32>,
        tpu.vector_store %arg18[%parallel_loop3A_1956, %parallel_loop3A_1957], %parallel_loop3A_1954 {strides = array<i32>} : memref<16x1024xf32, #tpu.memory_space<vmem>>, vector<16xf32>,
        %parallel_loop3A_1959 = arith.addf %parallel_loop3A_1894, %parallel_loop3A_1954 : vector<16xf32>
        %parallel_loop3A_1960 = arith.mulf %parallel_loop3A_1954, %parallel_loop3A_1954 : vector<16xf32>
        %parallel_loop3A_1961 = arith.addf %parallel_loop3A_1895, %parallel_loop3A_1960 : vector<16xf32>
        %parallel_loop3A_1962 = arith.constant 2 : i32
        %parallel_loop3A_1963 = arith.index_cast %parallel_loop3A_1962 : i32 to index
        %parallel_loop3A_1964 = arith.index_cast %parallel_loop3A_1925 : i32 to index
        %parallel_loop3A_1965 = tpu.vector_load %arg14[%parallel_loop3A_1963, %parallel_loop3A_1964] {strides = array<i32>} : memref<16x1024xf32, #tpu.memory_space<vmem>>, vector<16xf32>,
        %parallel_loop3A_1966 = arith.constant 2 : i32
        %parallel_loop3A_1967 = arith.index_cast %parallel_loop3A_1966 : i32 to index
        %parallel_loop3A_1968 = arith.index_cast %parallel_loop3A_1925 : i32 to index
        %parallel_loop3A_1969 = tpu.vector_load %arg16[%parallel_loop3A_1967, %parallel_loop3A_1968] {strides = array<i32>} : memref<16x1024xf32, #tpu.memory_space<vmem>>, vector<16xf32>,
        %parallel_loop3A_1970 = arith.addf %parallel_loop3A_1965, %parallel_loop3A_1969 : vector<16xf32>
        %parallel_loop3A_1971 = arith.addf %parallel_loop3A_1970, %parallel_loop3A_1927 : vector<16xf32>
        %parallel_loop3A_1972 = arith.constant 2 : i32
        %parallel_loop3A_1973 = arith.index_cast %parallel_loop3A_1972 : i32 to index
        %parallel_loop3A_1974 = arith.index_cast %parallel_loop3A_1925 : i32 to index
        %parallel_loop3A_1975 = tpu.vector_load %arg18[%parallel_loop3A_1973, %parallel_loop3A_1974] {strides = array<i32>} : memref<16x1024xf32, #tpu.memory_space<vmem>>, vector<16xf32>,
        tpu.vector_store %arg18[%parallel_loop3A_1973, %parallel_loop3A_1974], %parallel_loop3A_1971 {strides = array<i32>} : memref<16x1024xf32, #tpu.memory_space<vmem>>, vector<16xf32>,
        %parallel_loop3A_1976 = arith.addf %parallel_loop3A_1896, %parallel_loop3A_1971 : vector<16xf32>
        %parallel_loop3A_1977 = arith.mulf %parallel_loop3A_1971, %parallel_loop3A_1971 : vector<16xf32>
        %parallel_loop3A_1978 = arith.addf %parallel_loop3A_1897, %parallel_loop3A_1977 : vector<16xf32>
        %parallel_loop3A_1979 = arith.constant 3 : i32
        %parallel_loop3A_1980 = arith.index_cast %parallel_loop3A_1979 : i32 to index
        %parallel_loop3A_1981 = arith.index_cast %parallel_loop3A_1925 : i32 to index
        %parallel_loop3A_1982 = tpu.vector_load %arg14[%parallel_loop3A_1980, %parallel_loop3A_1981] {strides = array<i32>} : memref<16x1024xf32, #tpu.memory_space<vmem>>, vector<16xf32>,
        %parallel_loop3A_1983 = arith.constant 3 : i32
        %parallel_loop3A_1984 = arith.index_cast %parallel_loop3A_1983 : i32 to index
        %parallel_loop3A_1985 = arith.index_cast %parallel_loop3A_1925 : i32 to index
        %parallel_loop3A_1986 = tpu.vector_load %arg16[%parallel_loop3A_1984, %parallel_loop3A_1985] {strides = array<i32>} : memref<16x1024xf32, #tpu.memory_space<vmem>>, vector<16xf32>,
        %parallel_loop3A_1987 = arith.addf %parallel_loop3A_1982, %parallel_loop3A_1986 : vector<16xf32>
        %parallel_loop3A_1988 = arith.addf %parallel_loop3A_1987, %parallel_loop3A_1927 : vector<16xf32>
        %parallel_loop3A_1989 = arith.constant 3 : i32
        %parallel_loop3A_1990 = arith.index_cast %parallel_loop3A_1989 : i32 to index
        %parallel_loop3A_1991 = arith.index_cast %parallel_loop3A_1925 : i32 to index
        %parallel_loop3A_1992 = tpu.vector_load %arg18[%parallel_loop3A_1990, %parallel_loop3A_1991] {strides = array<i32>} : memref<16x1024xf32, #tpu.memory_space<vmem>>, vector<16xf32>,
        tpu.vector_store %arg18[%parallel_loop3A_1990, %parallel_loop3A_1991], %parallel_loop3A_1988 {strides = array<i32>} : memref<16x1024xf32, #tpu.memory_space<vmem>>, vector<16xf32>,
        %parallel_loop3A_1993 = arith.addf %parallel_loop3A_1898, %parallel_loop3A_1988 : vector<16xf32>
        %parallel_loop3A_1994 = arith.mulf %parallel_loop3A_1988, %parallel_loop3A_1988 : vector<16xf32>
        %parallel_loop3A_1995 = arith.addf %parallel_loop3A_1899, %parallel_loop3A_1994 : vector<16xf32>
        %parallel_loop3A_1996 = arith.constant 4 : i32
        %parallel_loop3A_1997 = arith.index_cast %parallel_loop3A_1996 : i32 to index
        %parallel_loop3A_1998 = arith.index_cast %parallel_loop3A_1925 : i32 to index
        %parallel_loop3A_1999 = tpu.vector_load %arg14[%parallel_loop3A_1997, %parallel_loop3A_1998] {strides = array<i32>} : memref<16x1024xf32, #tpu.memory_space<vmem>>, vector<16xf32>,
        %parallel_loop3A_2000 = arith.constant 4 : i32
        %parallel_loop3A_2001 = arith.index_cast %parallel_loop3A_2000 : i32 to index
        %parallel_loop3A_2002 = arith.index_cast %parallel_loop3A_1925 : i32 to index
        %parallel_loop3A_2003 = tpu.vector_load %arg16[%parallel_loop3A_2001, %parallel_loop3A_2002] {strides = array<i32>} : memref<16x1024xf32, #tpu.memory_space<vmem>>, vector<16xf32>,
        %parallel_loop3A_2004 = arith.addf %parallel_loop3A_1999, %parallel_loop3A_2003 : vector<16xf32>
        %parallel_loop3A_2005 = arith.addf %parallel_loop3A_2004, %parallel_loop3A_1927 : vector<16xf32>
        %parallel_loop3A_2006 = arith.constant 4 : i32
        %parallel_loop3A_2007 = arith.index_cast %parallel_loop3A_2006 : i32 to index
        %parallel_loop3A_2008 = arith.index_cast %parallel_loop3A_1925 : i32 to index
        %parallel_loop3A_2009 = tpu.vector_load %arg18[%parallel_loop3A_2007, %parallel_loop3A_2008] {strides = array<i32>} : memref<16x1024xf32, #tpu.memory_space<vmem>>, vector<16xf32>,
        tpu.vector_store %arg18[%parallel_loop3A_2007, %parallel_loop3A_2008], %parallel_loop3A_2005 {strides = array<i32>} : memref<16x1024xf32, #tpu.memory_space<vmem>>, vector<16xf32>,
        %parallel_loop3A_2010 = arith.addf %parallel_loop3A_1900, %parallel_loop3A_2005 : vector<16xf32>
        %parallel_loop3A_2011 = arith.mulf %parallel_loop3A_2005, %parallel_loop3A_2005 : vector<16xf32>
        %parallel_loop3A_2012 = arith.addf %parallel_loop3A_1901, %parallel_loop3A_2011 : vector<16xf32>
        %parallel_loop3A_2013 = arith.constant 5 : i32
        %parallel_loop3A_2014 = arith.index_cast %parallel_loop3A_2013 : i32 to index
        %parallel_loop3A_2015 = arith.index_cast %parallel_loop3A_1925 : i32 to index
        %parallel_loop3A_2016 = tpu.vector_load %arg14[%parallel_loop3A_2014, %parallel_loop3A_2015] {strides = array<i32>} : memref<16x1024xf32, #tpu.memory_space<vmem>>, vector<16xf32>,
        %parallel_loop3A_2017 = arith.constant 5 : i32
        %parallel_loop3A_2018 = arith.index_cast %parallel_loop3A_2017 : i32 to index
        %parallel_loop3A_2019 = arith.index_cast %parallel_loop3A_1925 : i32 to index
        %parallel_loop3A_2020 = tpu.vector_load %arg16[%parallel_loop3A_2018, %parallel_loop3A_2019] {strides = array<i32>} : memref<16x1024xf32, #tpu.memory_space<vmem>>, vector<16xf32>,
        %parallel_loop3A_2021 = arith.addf %parallel_loop3A_2016, %parallel_loop3A_2020 : vector<16xf32>
        %parallel_loop3A_2022 = arith.addf %parallel_loop3A_2021, %parallel_loop3A_1927 : vector<16xf32>
        %parallel_loop3A_2023 = arith.constant 5 : i32
        %parallel_loop3A_2024 = arith.index_cast %parallel_loop3A_2023 : i32 to index
        %parallel_loop3A_2025 = arith.index_cast %parallel_loop3A_1925 : i32 to index
        %parallel_loop3A_2026 = tpu.vector_load %arg18[%parallel_loop3A_2024, %parallel_loop3A_2025] {strides = array<i32>} : memref<16x1024xf32, #tpu.memory_space<vmem>>, vector<16xf32>,
        tpu.vector_store %arg18[%parallel_loop3A_2024, %parallel_loop3A_2025], %parallel_loop3A_2022 {strides = array<i32>} : memref<16x1024xf32, #tpu.memory_space<vmem>>, vector<16xf32>,
        %parallel_loop3A_2027 = arith.addf %parallel_loop3A_1902, %parallel_loop3A_2022 : vector<16xf32>
        %parallel_loop3A_2028 = arith.mulf %parallel_loop3A_2022, %parallel_loop3A_2022 : vector<16xf32>
        %parallel_loop3A_2029 = arith.addf %parallel_loop3A_1903, %parallel_loop3A_2028 : vector<16xf32>
        %parallel_loop3A_2030 = arith.constant 6 : i32
        %parallel_loop3A_2031 = arith.index_cast %parallel_loop3A_2030 : i32 to index
        %parallel_loop3A_2032 = arith.index_cast %parallel_loop3A_1925 : i32 to index
        %parallel_loop3A_2033 = tpu.vector_load %arg14[%parallel_loop3A_2031, %parallel_loop3A_2032] {strides = array<i32>} : memref<16x1024xf32, #tpu.memory_space<vmem>>, vector<16xf32>,
        %parallel_loop3A_2034 = arith.constant 6 : i32
        %parallel_loop3A_2035 = arith.index_cast %parallel_loop3A_2034 : i32 to index
        %parallel_loop3A_2036 = arith.index_cast %parallel_loop3A_1925 : i32 to index
        %parallel_loop3A_2037 = tpu.vector_load %arg16[%parallel_loop3A_2035, %parallel_loop3A_2036] {strides = array<i32>} : memref<16x1024xf32, #tpu.memory_space<vmem>>, vector<16xf32>,
        %parallel_loop3A_2038 = arith.addf %parallel_loop3A_2033, %parallel_loop3A_2037 : vector<16xf32>
        %parallel_loop3A_2039 = arith.addf %parallel_loop3A_2038, %parallel_loop3A_1927 : vector<16xf32>
        %parallel_loop3A_2040 = arith.constant 6 : i32
        %parallel_loop3A_2041 = arith.index_cast %parallel_loop3A_2040 : i32 to index
        %parallel_loop3A_2042 = arith.index_cast %parallel_loop3A_1925 : i32 to index
        %parallel_loop3A_2043 = tpu.vector_load %arg18[%parallel_loop3A_2041, %parallel_loop3A_2042] {strides = array<i32>} : memref<16x1024xf32, #tpu.memory_space<vmem>>, vector<16xf32>,
        tpu.vector_store %arg18[%parallel_loop3A_2041, %parallel_loop3A_2042], %parallel_loop3A_2039 {strides = array<i32>} : memref<16x1024xf32, #tpu.memory_space<vmem>>, vector<16xf32>,
        %parallel_loop3A_2044 = arith.addf %parallel_loop3A_1904, %parallel_loop3A_2039 : vector<16xf32>
        %parallel_loop3A_2045 = arith.mulf %parallel_loop3A_2039, %parallel_loop3A_2039 : vector<16xf32>
        %parallel_loop3A_2046 = arith.addf %parallel_loop3A_1905, %parallel_loop3A_2045 : vector<16xf32>
        %parallel_loop3A_2047 = arith.constant 7 : i32
        %parallel_loop3A_2048 = arith.index_cast %parallel_loop3A_2047 : i32 to index
        %parallel_loop3A_2049 = arith.index_cast %parallel_loop3A_1925 : i32 to index
        %parallel_loop3A_2050 = tpu.vector_load %arg14[%parallel_loop3A_2048, %parallel_loop3A_2049] {strides = array<i32>} : memref<16x1024xf32, #tpu.memory_space<vmem>>, vector<16xf32>,
        %parallel_loop3A_2051 = arith.constant 7 : i32
        %parallel_loop3A_2052 = arith.index_cast %parallel_loop3A_2051 : i32 to index
        %parallel_loop3A_2053 = arith.index_cast %parallel_loop3A_1925 : i32 to index
        %parallel_loop3A_2054 = tpu.vector_load %arg16[%parallel_loop3A_2052, %parallel_loop3A_2053] {strides = array<i32>} : memref<16x1024xf32, #tpu.memory_space<vmem>>, vector<16xf32>,
        %parallel_loop3A_2055 = arith.addf %parallel_loop3A_2050, %parallel_loop3A_2054 : vector<16xf32>
        %parallel_loop3A_2056 = arith.addf %parallel_loop3A_2055, %parallel_loop3A_1927 : vector<16xf32>
        %parallel_loop3A_2057 = arith.constant 7 : i32
        %parallel_loop3A_2058 = arith.index_cast %parallel_loop3A_2057 : i32 to index
        %parallel_loop3A_2059 = arith.index_cast %parallel_loop3A_1925 : i32 to index
        %parallel_loop3A_2060 = tpu.vector_load %arg18[%parallel_loop3A_2058, %parallel_loop3A_2059] {strides = array<i32>} : memref<16x1024xf32, #tpu.memory_space<vmem>>, vector<16xf32>,
        tpu.vector_store %arg18[%parallel_loop3A_2058, %parallel_loop3A_2059], %parallel_loop3A_2056 {strides = array<i32>} : memref<16x1024xf32, #tpu.memory_space<vmem>>, vector<16xf32>,
        %parallel_loop3A_2061 = arith.addf %parallel_loop3A_1906, %parallel_loop3A_2056 : vector<16xf32>
        %parallel_loop3A_2062 = arith.mulf %parallel_loop3A_2056, %parallel_loop3A_2056 : vector<16xf32>
        %parallel_loop3A_2063 = arith.addf %parallel_loop3A_1907, %parallel_loop3A_2062 : vector<16xf32>
        %parallel_loop3A_2064 = arith.constant 8 : i32
        %parallel_loop3A_2065 = arith.index_cast %parallel_loop3A_2064 : i32 to index
        %parallel_loop3A_2066 = arith.index_cast %parallel_loop3A_1925 : i32 to index
        %parallel_loop3A_2067 = tpu.vector_load %arg14[%parallel_loop3A_2065, %parallel_loop3A_2066] {strides = array<i32>} : memref<16x1024xf32, #tpu.memory_space<vmem>>, vector<16xf32>,
        %parallel_loop3A_2068 = arith.constant 8 : i32
        %parallel_loop3A_2069 = arith.index_cast %parallel_loop3A_2068 : i32 to index
        %parallel_loop3A_2070 = arith.index_cast %parallel_loop3A_1925 : i32 to index
        %parallel_loop3A_2071 = tpu.vector_load %arg16[%parallel_loop3A_2069, %parallel_loop3A_2070] {strides = array<i32>} : memref<16x1024xf32, #tpu.memory_space<vmem>>, vector<16xf32>,
        %parallel_loop3A_2072 = arith.addf %parallel_loop3A_2067, %parallel_loop3A_2071 : vector<16xf32>
        %parallel_loop3A_2073 = arith.addf %parallel_loop3A_2072, %parallel_loop3A_1927 : vector<16xf32>
        %parallel_loop3A_2074 = arith.constant 8 : i32
        %parallel_loop3A_2075 = arith.index_cast %parallel_loop3A_2074 : i32 to index
        %parallel_loop3A_2076 = arith.index_cast %parallel_loop3A_1925 : i32 to index
        %parallel_loop3A_2077 = tpu.vector_load %arg18[%parallel_loop3A_2075, %parallel_loop3A_2076] {strides = array<i32>} : memref<16x1024xf32, #tpu.memory_space<vmem>>, vector<16xf32>,
        tpu.vector_store %arg18[%parallel_loop3A_2075, %parallel_loop3A_2076], %parallel_loop3A_2073 {strides = array<i32>} : memref<16x1024xf32, #tpu.memory_space<vmem>>, vector<16xf32>,
        %parallel_loop3A_2078 = arith.addf %parallel_loop3A_1908, %parallel_loop3A_2073 : vector<16xf32>
        %parallel_loop3A_2079 = arith.mulf %parallel_loop3A_2073, %parallel_loop3A_2073 : vector<16xf32>
        %parallel_loop3A_2080 = arith.addf %parallel_loop3A_1909, %parallel_loop3A_2079 : vector<16xf32>
        %parallel_loop3A_2081 = arith.constant 9 : i32
        %parallel_loop3A_2082 = arith.index_cast %parallel_loop3A_2081 : i32 to index
        %parallel_loop3A_2083 = arith.index_cast %parallel_loop3A_1925 : i32 to index
        %parallel_loop3A_2084 = tpu.vector_load %arg14[%parallel_loop3A_2082, %parallel_loop3A_2083] {strides = array<i32>} : memref<16x1024xf32, #tpu.memory_space<vmem>>, vector<16xf32>,
        %parallel_loop3A_2085 = arith.constant 9 : i32
        %parallel_loop3A_2086 = arith.index_cast %parallel_loop3A_2085 : i32 to index
        %parallel_loop3A_2087 = arith.index_cast %parallel_loop3A_1925 : i32 to index
        %parallel_loop3A_2088 = tpu.vector_load %arg16[%parallel_loop3A_2086, %parallel_loop3A_2087] {strides = array<i32>} : memref<16x1024xf32, #tpu.memory_space<vmem>>, vector<16xf32>,
        %parallel_loop3A_2089 = arith.addf %parallel_loop3A_2084, %parallel_loop3A_2088 : vector<16xf32>
        %parallel_loop3A_2090 = arith.addf %parallel_loop3A_2089, %parallel_loop3A_1927 : vector<16xf32>
        %parallel_loop3A_2091 = arith.constant 9 : i32
        %parallel_loop3A_2092 = arith.index_cast %parallel_loop3A_2091 : i32 to index
        %parallel_loop3A_2093 = arith.index_cast %parallel_loop3A_1925 : i32 to index
        %parallel_loop3A_2094 = tpu.vector_load %arg18[%parallel_loop3A_2092, %parallel_loop3A_2093] {strides = array<i32>} : memref<16x1024xf32, #tpu.memory_space<vmem>>, vector<16xf32>,
        tpu.vector_store %arg18[%parallel_loop3A_2092, %parallel_loop3A_2093], %parallel_loop3A_2090 {strides = array<i32>} : memref<16x1024xf32, #tpu.memory_space<vmem>>, vector<16xf32>,
        %parallel_loop3A_2095 = arith.addf %parallel_loop3A_1910, %parallel_loop3A_2090 : vector<16xf32>
        %parallel_loop3A_2096 = arith.mulf %parallel_loop3A_2090, %parallel_loop3A_2090 : vector<16xf32>
        %parallel_loop3A_2097 = arith.addf %parallel_loop3A_1911, %parallel_loop3A_2096 : vector<16xf32>
        %parallel_loop3A_2098 = arith.constant 10 : i32
        %parallel_loop3A_2099 = arith.index_cast %parallel_loop3A_2098 : i32 to index
        %parallel_loop3A_2100 = arith.index_cast %parallel_loop3A_1925 : i32 to index
        %parallel_loop3A_2101 = tpu.vector_load %arg14[%parallel_loop3A_2099, %parallel_loop3A_2100] {strides = array<i32>} : memref<16x1024xf32, #tpu.memory_space<vmem>>, vector<16xf32>,
        %parallel_loop3A_2102 = arith.constant 10 : i32
        %parallel_loop3A_2103 = arith.index_cast %parallel_loop3A_2102 : i32 to index
        %parallel_loop3A_2104 = arith.index_cast %parallel_loop3A_1925 : i32 to index
        %parallel_loop3A_2105 = tpu.vector_load %arg16[%parallel_loop3A_2103, %parallel_loop3A_2104] {strides = array<i32>} : memref<16x1024xf32, #tpu.memory_space<vmem>>, vector<16xf32>,
        %parallel_loop3A_2106 = arith.addf %parallel_loop3A_2101, %parallel_loop3A_2105 : vector<16xf32>
        %parallel_loop3A_2107 = arith.addf %parallel_loop3A_2106, %parallel_loop3A_1927 : vector<16xf32>
        %parallel_loop3A_2108 = arith.constant 10 : i32
        %parallel_loop3A_2109 = arith.index_cast %parallel_loop3A_2108 : i32 to index
        %parallel_loop3A_2110 = arith.index_cast %parallel_loop3A_1925 : i32 to index
        %parallel_loop3A_2111 = tpu.vector_load %arg18[%parallel_loop3A_2109, %parallel_loop3A_2110] {strides = array<i32>} : memref<16x1024xf32, #tpu.memory_space<vmem>>, vector<16xf32>,
        tpu.vector_store %arg18[%parallel_loop3A_2109, %parallel_loop3A_2110], %parallel_loop3A_2107 {strides = array<i32>} : memref<16x1024xf32, #tpu.memory_space<vmem>>, vector<16xf32>,
        %parallel_loop3A_2112 = arith.addf %parallel_loop3A_1912, %parallel_loop3A_2107 : vector<16xf32>
        %parallel_loop3A_2113 = arith.mulf %parallel_loop3A_2107, %parallel_loop3A_2107 : vector<16xf32>
        %parallel_loop3A_2114 = arith.addf %parallel_loop3A_1913, %parallel_loop3A_2113 : vector<16xf32>
        %parallel_loop3A_2115 = arith.constant 11 : i32
        %parallel_loop3A_2116 = arith.index_cast %parallel_loop3A_2115 : i32 to index
        %parallel_loop3A_2117 = arith.index_cast %parallel_loop3A_1925 : i32 to index
        %parallel_loop3A_2118 = tpu.vector_load %arg14[%parallel_loop3A_2116, %parallel_loop3A_2117] {strides = array<i32>} : memref<16x1024xf32, #tpu.memory_space<vmem>>, vector<16xf32>,
        %parallel_loop3A_2119 = arith.constant 11 : i32
        %parallel_loop3A_2120 = arith.index_cast %parallel_loop3A_2119 : i32 to index
        %parallel_loop3A_2121 = arith.index_cast %parallel_loop3A_1925 : i32 to index
        %parallel_loop3A_2122 = tpu.vector_load %arg16[%parallel_loop3A_2120, %parallel_loop3A_2121] {strides = array<i32>} : memref<16x1024xf32, #tpu.memory_space<vmem>>, vector<16xf32>,
        %parallel_loop3A_2123 = arith.addf %parallel_loop3A_2118, %parallel_loop3A_2122 : vector<16xf32>
        %parallel_loop3A_2124 = arith.addf %parallel_loop3A_2123, %parallel_loop3A_1927 : vector<16xf32>
        %parallel_loop3A_2125 = arith.constant 11 : i32
        %parallel_loop3A_2126 = arith.index_cast %parallel_loop3A_2125 : i32 to index
        %parallel_loop3A_2127 = arith.index_cast %parallel_loop3A_1925 : i32 to index
        %parallel_loop3A_2128 = tpu.vector_load %arg18[%parallel_loop3A_2126, %parallel_loop3A_2127] {strides = array<i32>} : memref<16x1024xf32, #tpu.memory_space<vmem>>, vector<16xf32>,
        tpu.vector_store %arg18[%parallel_loop3A_2126, %parallel_loop3A_2127], %parallel_loop3A_2124 {strides = array<i32>} : memref<16x1024xf32, #tpu.memory_space<vmem>>, vector<16xf32>,
        %parallel_loop3A_2129 = arith.addf %parallel_loop3A_1914, %parallel_loop3A_2124 : vector<16xf32>
        %parallel_loop3A_2130 = arith.mulf %parallel_loop3A_2124, %parallel_loop3A_2124 : vector<16xf32>
        %parallel_loop3A_2131 = arith.addf %parallel_loop3A_1915, %parallel_loop3A_2130 : vector<16xf32>
        %parallel_loop3A_2132 = arith.constant 12 : i32
        %parallel_loop3A_2133 = arith.index_cast %parallel_loop3A_2132 : i32 to index
        %parallel_loop3A_2134 = arith.index_cast %parallel_loop3A_1925 : i32 to index
        %parallel_loop3A_2135 = tpu.vector_load %arg14[%parallel_loop3A_2133, %parallel_loop3A_2134] {strides = array<i32>} : memref<16x1024xf32, #tpu.memory_space<vmem>>, vector<16xf32>,
        %parallel_loop3A_2136 = arith.constant 12 : i32
        %parallel_loop3A_2137 = arith.index_cast %parallel_loop3A_2136 : i32 to index
        %parallel_loop3A_2138 = arith.index_cast %parallel_loop3A_1925 : i32 to index
        %parallel_loop3A_2139 = tpu.vector_load %arg16[%parallel_loop3A_2137, %parallel_loop3A_2138] {strides = array<i32>} : memref<16x1024xf32, #tpu.memory_space<vmem>>, vector<16xf32>,
        %parallel_loop3A_2140 = arith.addf %parallel_loop3A_2135, %parallel_loop3A_2139 : vector<16xf32>
        %parallel_loop3A_2141 = arith.addf %parallel_loop3A_2140, %parallel_loop3A_1927 : vector<16xf32>
        %parallel_loop3A_2142 = arith.constant 12 : i32
        %parallel_loop3A_2143 = arith.index_cast %parallel_loop3A_2142 : i32 to index
        %parallel_loop3A_2144 = arith.index_cast %parallel_loop3A_1925 : i32 to index
        %parallel_loop3A_2145 = tpu.vector_load %arg18[%parallel_loop3A_2143, %parallel_loop3A_2144] {strides = array<i32>} : memref<16x1024xf32, #tpu.memory_space<vmem>>, vector<16xf32>,
        tpu.vector_store %arg18[%parallel_loop3A_2143, %parallel_loop3A_2144], %parallel_loop3A_2141 {strides = array<i32>} : memref<16x1024xf32, #tpu.memory_space<vmem>>, vector<16xf32>,
        %parallel_loop3A_2146 = arith.addf %parallel_loop3A_1916, %parallel_loop3A_2141 : vector<16xf32>
        %parallel_loop3A_2147 = arith.mulf %parallel_loop3A_2141, %parallel_loop3A_2141 : vector<16xf32>
        %parallel_loop3A_2148 = arith.addf %parallel_loop3A_1917, %parallel_loop3A_2147 : vector<16xf32>
        %parallel_loop3A_2149 = arith.constant 13 : i32
        %parallel_loop3A_2150 = arith.index_cast %parallel_loop3A_2149 : i32 to index
        %parallel_loop3A_2151 = arith.index_cast %parallel_loop3A_1925 : i32 to index
        %parallel_loop3A_2152 = tpu.vector_load %arg14[%parallel_loop3A_2150, %parallel_loop3A_2151] {strides = array<i32>} : memref<16x1024xf32, #tpu.memory_space<vmem>>, vector<16xf32>,
        %parallel_loop3A_2153 = arith.constant 13 : i32
        %parallel_loop3A_2154 = arith.index_cast %parallel_loop3A_2153 : i32 to index
        %parallel_loop3A_2155 = arith.index_cast %parallel_loop3A_1925 : i32 to index
        %parallel_loop3A_2156 = tpu.vector_load %arg16[%parallel_loop3A_2154, %parallel_loop3A_2155] {strides = array<i32>} : memref<16x1024xf32, #tpu.memory_space<vmem>>, vector<16xf32>,
        %parallel_loop3A_2157 = arith.addf %parallel_loop3A_2152, %parallel_loop3A_2156 : vector<16xf32>
        %parallel_loop3A_2158 = arith.addf %parallel_loop3A_2157, %parallel_loop3A_1927 : vector<16xf32>
        %parallel_loop3A_2159 = arith.constant 13 : i32
        %parallel_loop3A_2160 = arith.index_cast %parallel_loop3A_2159 : i32 to index
        %parallel_loop3A_2161 = arith.index_cast %parallel_loop3A_1925 : i32 to index
        %parallel_loop3A_2162 = tpu.vector_load %arg18[%parallel_loop3A_2160, %parallel_loop3A_2161] {strides = array<i32>} : memref<16x1024xf32, #tpu.memory_space<vmem>>, vector<16xf32>,
        tpu.vector_store %arg18[%parallel_loop3A_2160, %parallel_loop3A_2161], %parallel_loop3A_2158 {strides = array<i32>} : memref<16x1024xf32, #tpu.memory_space<vmem>>, vector<16xf32>,
        %parallel_loop3A_2163 = arith.addf %parallel_loop3A_1918, %parallel_loop3A_2158 : vector<16xf32>
        %parallel_loop3A_2164 = arith.mulf %parallel_loop3A_2158, %parallel_loop3A_2158 : vector<16xf32>
        %parallel_loop3A_2165 = arith.addf %parallel_loop3A_1919, %parallel_loop3A_2164 : vector<16xf32>
        %parallel_loop3A_2166 = arith.constant 14 : i32
        %parallel_loop3A_2167 = arith.index_cast %parallel_loop3A_2166 : i32 to index
        %parallel_loop3A_2168 = arith.index_cast %parallel_loop3A_1925 : i32 to index
        %parallel_loop3A_2169 = tpu.vector_load %arg14[%parallel_loop3A_2167, %parallel_loop3A_2168] {strides = array<i32>} : memref<16x1024xf32, #tpu.memory_space<vmem>>, vector<16xf32>,
        %parallel_loop3A_2170 = arith.constant 14 : i32
        %parallel_loop3A_2171 = arith.index_cast %parallel_loop3A_2170 : i32 to index
        %parallel_loop3A_2172 = arith.index_cast %parallel_loop3A_1925 : i32 to index
        %parallel_loop3A_2173 = tpu.vector_load %arg16[%parallel_loop3A_2171, %parallel_loop3A_2172] {strides = array<i32>} : memref<16x1024xf32, #tpu.memory_space<vmem>>, vector<16xf32>,
        %parallel_loop3A_2174 = arith.addf %parallel_loop3A_2169, %parallel_loop3A_2173 : vector<16xf32>
        %parallel_loop3A_2175 = arith.addf %parallel_loop3A_2174, %parallel_loop3A_1927 : vector<16xf32>
        %parallel_loop3A_2176 = arith.constant 14 : i32
        %parallel_loop3A_2177 = arith.index_cast %parallel_loop3A_2176 : i32 to index
        %parallel_loop3A_2178 = arith.index_cast %parallel_loop3A_1925 : i32 to index
        %parallel_loop3A_2179 = tpu.vector_load %arg18[%parallel_loop3A_2177, %parallel_loop3A_2178] {strides = array<i32>} : memref<16x1024xf32, #tpu.memory_space<vmem>>, vector<16xf32>,
        tpu.vector_store %arg18[%parallel_loop3A_2177, %parallel_loop3A_2178], %parallel_loop3A_2175 {strides = array<i32>} : memref<16x1024xf32, #tpu.memory_space<vmem>>, vector<16xf32>,
        %parallel_loop3A_2180 = arith.addf %parallel_loop3A_1920, %parallel_loop3A_2175 : vector<16xf32>
        %parallel_loop3A_2181 = arith.mulf %parallel_loop3A_2175, %parallel_loop3A_2175 : vector<16xf32>
        %parallel_loop3A_2182 = arith.addf %parallel_loop3A_1921, %parallel_loop3A_2181 : vector<16xf32>
        %parallel_loop3A_2183 = arith.constant 15 : i32
        %parallel_loop3A_2184 = arith.index_cast %parallel_loop3A_2183 : i32 to index
        %parallel_loop3A_2185 = arith.index_cast %parallel_loop3A_1925 : i32 to index
        %parallel_loop3A_2186 = tpu.vector_load %arg14[%parallel_loop3A_2184, %parallel_loop3A_2185] {strides = array<i32>} : memref<16x1024xf32, #tpu.memory_space<vmem>>, vector<16xf32>,
        %parallel_loop3A_2187 = arith.constant 15 : i32
        %parallel_loop3A_2188 = arith.index_cast %parallel_loop3A_2187 : i32 to index
        %parallel_loop3A_2189 = arith.index_cast %parallel_loop3A_1925 : i32 to index
        %parallel_loop3A_2190 = tpu.vector_load %arg16[%parallel_loop3A_2188, %parallel_loop3A_2189] {strides = array<i32>} : memref<16x1024xf32, #tpu.memory_space<vmem>>, vector<16xf32>,
        %parallel_loop3A_2191 = arith.addf %parallel_loop3A_2186, %parallel_loop3A_2190 : vector<16xf32>
        %parallel_loop3A_2192 = arith.addf %parallel_loop3A_2191, %parallel_loop3A_1927 : vector<16xf32>
        %parallel_loop3A_2193 = arith.constant 15 : i32
        %parallel_loop3A_2194 = arith.index_cast %parallel_loop3A_2193 : i32 to index
        %parallel_loop3A_2195 = arith.index_cast %parallel_loop3A_1925 : i32 to index
        %parallel_loop3A_2196 = tpu.vector_load %arg18[%parallel_loop3A_2194, %parallel_loop3A_2195] {strides = array<i32>} : memref<16x1024xf32, #tpu.memory_space<vmem>>, vector<16xf32>,
        tpu.vector_store %arg18[%parallel_loop3A_2194, %parallel_loop3A_2195], %parallel_loop3A_2192 {strides = array<i32>} : memref<16x1024xf32, #tpu.memory_space<vmem>>, vector<16xf32>,
        %parallel_loop3A_2197 = arith.addf %parallel_loop3A_1922, %parallel_loop3A_2192 : vector<16xf32>
        %parallel_loop3A_2198 = arith.mulf %parallel_loop3A_2192, %parallel_loop3A_2192 : vector<16xf32>
        %parallel_loop3A_2199 = arith.addf %parallel_loop3A_1923, %parallel_loop3A_2198 : vector<16xf32>
        scf.yield %parallel_loop3A_1942, %parallel_loop3A_1944, %parallel_loop3A_1959, %parallel_loop3A_1961, %parallel_loop3A_1976, %parallel_loop3A_1978, %parallel_loop3A_1993, %parallel_loop3A_1995, %parallel_loop3A_2010, %parallel_loop3A_2012, %parallel_loop3A_2027, %parallel_loop3A_2029, %parallel_loop3A_2044, %parallel_loop3A_2046, %parallel_loop3A_2061, %parallel_loop3A_2063, %parallel_loop3A_2078, %parallel_loop3A_2080, %parallel_loop3A_2095, %parallel_loop3A_2097, %parallel_loop3A_2112, %parallel_loop3A_2114, %parallel_loop3A_2129, %parallel_loop3A_2131, %parallel_loop3A_2146, %parallel_loop3A_2148, %parallel_loop3A_2163, %parallel_loop3A_2165, %parallel_loop3A_2180, %parallel_loop3A_2182, %parallel_loop3A_2197, %parallel_loop3A_2199 : vector<16xf32>, vector<16xf32>, vector<16xf32>, vector<16xf32>, vector<16xf32>, vector<16xf32>, vector<16xf32>, vector<16xf32>, vector<16xf32>, vector<16xf32>, vector<16xf32>, vector<16xf32>, vector<16xf32>, vector<16xf32>, vector<16xf32>, vector<16xf32>, vector<16xf32>, vector<16xf32>, vector<16xf32>, vector<16xf32>, vector<16xf32>, vector<16xf32>, vector<16xf32>, vector<16xf32>, vector<16xf32>, vector<16xf32>, vector<16xf32>, vector<16xf32>, vector<16xf32>, vector<16xf32>, vector<16xf32>, vector<16xf32>
      } {sc.loop_unroll_factor = 1 : i64, sc.parallel_access}
      %lt3A_105 = arith.constant 7 : i32
      %lt3A_106 = arith.cmpi slt, %scan3A_81, %lt3A_105 : i32
      %convert_element_type3A_107 = arith.extui %lt3A_106 : i1 to i32
      %cond3A_108 = arith.constant 0 : i32
      %cond3A_109 = arith.cmpi ne, %convert_element_type3A_107, %cond3A_108 : i32
      scf.if %cond3A_109 {
        %add3A_1891 = arith.constant 2 : i32
        %add3A_1892 = arith.addi %add3A_86, %add3A_1891 : i32
        %mul3A_1893 = arith.constant 16 : i32
        %mul3A_1894 = arith.muli %add3A_1892, %mul3A_1893 : i32
        %add3A_1895 = arith.addi %mul3A_32, %mul3A_1894 : i32
        %dma_start3A_1896 = tpu.memref_slice %arg9[%add3A_1895] : memref<2048xi32, #tpu.memory_space<vmem>> -> memref<16xi32, #tpu.memory_space<vmem>>
        %dma_start3A_1897 = arith.constant 0 : i32
        %dma_start3A_1898 = arith.constant 0 : i32
        %dma_start3A_1899 = tpu.memref_slice %arg3[%dma_start3A_1897, %dma_start3A_1898] : memref<100000x1024xf32, #tpu.memory_space<hbm>> -> memref<100000x1024xf32, #tpu.memory_space<hbm>>
        tpu.enqueue_indirect_dma source(%dma_start3A_1899 : memref<100000x1024xf32, #tpu.memory_space<hbm>>) target(%arg14 : memref<16x1024xf32, #tpu.memory_space<vmem>>) offsets(%dma_start3A_1896 : memref<16xi32, #tpu.memory_space<vmem>>) semaphore(%arg20 : memref<!tpu.dma_semaphore, #tpu.memory_space<semaphore_mem>>)
        %dma_start3A_1900 = tpu.memref_slice %arg10[%add3A_1895] : memref<2048xi32, #tpu.memory_space<vmem>> -> memref<16xi32, #tpu.memory_space<vmem>>
        %dma_start3A_1901 = arith.constant 0 : i32
        %dma_start3A_1902 = arith.constant 0 : i32
        %dma_start3A_1903 = tpu.memref_slice %arg4[%dma_start3A_1901, %dma_start3A_1902] : memref<8192x1024xf32, #tpu.memory_space<hbm>> -> memref<8192x1024xf32, #tpu.memory_space<hbm>>
        tpu.enqueue_indirect_dma source(%dma_start3A_1903 : memref<8192x1024xf32, #tpu.memory_space<hbm>>) target(%arg16 : memref<16x1024xf32, #tpu.memory_space<vmem>>) offsets(%dma_start3A_1900 : memref<16xi32, #tpu.memory_space<vmem>>) semaphore(%arg20 : memref<!tpu.dma_semaphore, #tpu.memory_space<semaphore_mem>>)
      } else {
      }
      %reduce_sum3A = arith.constant true
      %reduce_sum3A_110 = vector.broadcast %reduce_sum3A : i1 to vector<16xi1>
      %reduce_sum3A_111 = tpu.scan <sum>, %parallel_loop3A_104#0 masked %reduce_sum3A_110 : vector<16xf32>, vector<16xi1> -> vector<16xf32>
      %reduce_sum3A_112 = vector.extract %reduce_sum3A_111[15] : f32 from vector<16xf32>
      %mul3A_113 = arith.constant 9.765625E-4 : f32
      %mul3A_114 = arith.mulf %reduce_sum3A_112, %mul3A_113 : f32
      %reduce_sum3A_115 = arith.constant true
      %reduce_sum3A_116 = vector.broadcast %reduce_sum3A_115 : i1 to vector<16xi1>
      %reduce_sum3A_117 = tpu.scan <sum>, %parallel_loop3A_104#1 masked %reduce_sum3A_116 : vector<16xf32>, vector<16xi1> -> vector<16xf32>
      %reduce_sum3A_118 = vector.extract %reduce_sum3A_117[15] : f32 from vector<16xf32>
      %mul3A_119 = arith.constant 9.765625E-4 : f32
      %mul3A_120 = arith.mulf %reduce_sum3A_118, %mul3A_119 : f32
      %mul3A_121 = arith.mulf %mul3A_114, %mul3A_114 : f32
      %sub3A_122 = arith.subf %mul3A_120, %mul3A_121 : f32
      %add3A_123 = arith.constant 9.99999996E-13 : f32
      %add3A_124 = arith.addf %sub3A_122, %add3A_123 : f32
      %broadcast_in_dim3A_125 = vector.broadcast %add3A_124 : f32 to vector<16xf32>
      %bitcast_convert_type3A = tpu.bitcast %broadcast_in_dim3A_125 : vector<16xf32> -> vector<16xi32>
      %shift_right_arithmetic3A = arith.constant 1 : i32
      %shift_right_arithmetic3A_126 = vector.broadcast %shift_right_arithmetic3A : i32 to vector<16xi32>
      %shift_right_arithmetic3A_127 = arith.shrsi %bitcast_convert_type3A, %shift_right_arithmetic3A_126 : vector<16xi32>
      %sub3A_128 = arith.constant 1597463007 : i32
      %sub3A_129 = vector.broadcast %sub3A_128 : i32 to vector<16xi32>
      %sub3A_130 = arith.subi %sub3A_129, %shift_right_arithmetic3A_127 : vector<16xi32>
      %bitcast_convert_type3A_131 = tpu.bitcast %sub3A_130 : vector<16xi32> -> vector<16xf32>
      %mul3A_132 = arith.constant 5.000000e-01 : f32
      %mul3A_133 = vector.broadcast %mul3A_132 : f32 to vector<16xf32>
      %mul3A_134 = arith.mulf %mul3A_133, %broadcast_in_dim3A_125 : vector<16xf32>
      %mul3A_135 = arith.mulf %mul3A_134, %bitcast_convert_type3A_131 : vector<16xf32>
      %mul3A_136 = arith.mulf %mul3A_135, %bitcast_convert_type3A_131 : vector<16xf32>
      %sub3A_137 = arith.constant 1.500000e+00 : f32
      %sub3A_138 = vector.broadcast %sub3A_137 : f32 to vector<16xf32>
      %sub3A_139 = arith.subf %sub3A_138, %mul3A_136 : vector<16xf32>
      %mul3A_140 = arith.mulf %bitcast_convert_type3A_131, %sub3A_139 : vector<16xf32>
      %mul3A_141 = arith.constant 5.000000e-01 : f32
      %mul3A_142 = vector.broadcast %mul3A_141 : f32 to vector<16xf32>
      %mul3A_143 = arith.mulf %mul3A_142, %broadcast_in_dim3A_125 : vector<16xf32>
      %mul3A_144 = arith.mulf %mul3A_143, %mul3A_140 : vector<16xf32>
      %mul3A_145 = arith.mulf %mul3A_144, %mul3A_140 : vector<16xf32>
      %sub3A_146 = arith.constant 1.500000e+00 : f32
      %sub3A_147 = vector.broadcast %sub3A_146 : f32 to vector<16xf32>
      %sub3A_148 = arith.subf %sub3A_147, %mul3A_145 : vector<16xf32>
      %mul3A_149 = arith.mulf %mul3A_140, %sub3A_148 : vector<16xf32>
      %mul3A_150 = arith.constant 5.000000e-01 : f32
      %mul3A_151 = vector.broadcast %mul3A_150 : f32 to vector<16xf32>
      %mul3A_152 = arith.mulf %mul3A_151, %broadcast_in_dim3A_125 : vector<16xf32>
      %mul3A_153 = arith.mulf %mul3A_152, %mul3A_149 : vector<16xf32>
      %mul3A_154 = arith.mulf %mul3A_153, %mul3A_149 : vector<16xf32>
      %sub3A_155 = arith.constant 1.500000e+00 : f32
      %sub3A_156 = vector.broadcast %sub3A_155 : f32 to vector<16xf32>
      %sub3A_157 = arith.subf %sub3A_156, %mul3A_154 : vector<16xf32>
      %mul3A_158 = arith.mulf %mul3A_149, %sub3A_157 : vector<16xf32>
      %broadcast_in_dim3A_159 = vector.broadcast %mul3A_114 : f32 to vector<16xf32>
      %mul3A_160 = arith.mulf %broadcast_in_dim3A_159, %mul3A_158 : vector<16xf32>
      %reduce_sum3A_161 = arith.constant true
      %reduce_sum3A_162 = vector.broadcast %reduce_sum3A_161 : i1 to vector<16xi1>
      %reduce_sum3A_163 = tpu.scan <sum>, %parallel_loop3A_104#2 masked %reduce_sum3A_162 : vector<16xf32>, vector<16xi1> -> vector<16xf32>
      %reduce_sum3A_164 = vector.extract %reduce_sum3A_163[15] : f32 from vector<16xf32>
      %mul3A_165 = arith.constant 9.765625E-4 : f32
      %mul3A_166 = arith.mulf %reduce_sum3A_164, %mul3A_165 : f32
      %reduce_sum3A_167 = arith.constant true
      %reduce_sum3A_168 = vector.broadcast %reduce_sum3A_167 : i1 to vector<16xi1>
      %reduce_sum3A_169 = tpu.scan <sum>, %parallel_loop3A_104#3 masked %reduce_sum3A_168 : vector<16xf32>, vector<16xi1> -> vector<16xf32>
      %reduce_sum3A_170 = vector.extract %reduce_sum3A_169[15] : f32 from vector<16xf32>
      %mul3A_171 = arith.constant 9.765625E-4 : f32
      %mul3A_172 = arith.mulf %reduce_sum3A_170, %mul3A_171 : f32
      %mul3A_173 = arith.mulf %mul3A_166, %mul3A_166 : f32
      %sub3A_174 = arith.subf %mul3A_172, %mul3A_173 : f32
      %add3A_175 = arith.constant 9.99999996E-13 : f32
      %add3A_176 = arith.addf %sub3A_174, %add3A_175 : f32
      %broadcast_in_dim3A_177 = vector.broadcast %add3A_176 : f32 to vector<16xf32>
      %bitcast_convert_type3A_178 = tpu.bitcast %broadcast_in_dim3A_177 : vector<16xf32> -> vector<16xi32>
      %shift_right_arithmetic3A_179 = arith.constant 1 : i32
      %shift_right_arithmetic3A_180 = vector.broadcast %shift_right_arithmetic3A_179 : i32 to vector<16xi32>
      %shift_right_arithmetic3A_181 = arith.shrsi %bitcast_convert_type3A_178, %shift_right_arithmetic3A_180 : vector<16xi32>
      %sub3A_182 = arith.constant 1597463007 : i32
      %sub3A_183 = vector.broadcast %sub3A_182 : i32 to vector<16xi32>
      %sub3A_184 = arith.subi %sub3A_183, %shift_right_arithmetic3A_181 : vector<16xi32>
      %bitcast_convert_type3A_185 = tpu.bitcast %sub3A_184 : vector<16xi32> -> vector<16xf32>
      %mul3A_186 = arith.constant 5.000000e-01 : f32
      %mul3A_187 = vector.broadcast %mul3A_186 : f32 to vector<16xf32>
      %mul3A_188 = arith.mulf %mul3A_187, %broadcast_in_dim3A_177 : vector<16xf32>
      %mul3A_189 = arith.mulf %mul3A_188, %bitcast_convert_type3A_185 : vector<16xf32>
      %mul3A_190 = arith.mulf %mul3A_189, %bitcast_convert_type3A_185 : vector<16xf32>
      %sub3A_191 = arith.constant 1.500000e+00 : f32
      %sub3A_192 = vector.broadcast %sub3A_191 : f32 to vector<16xf32>
      %sub3A_193 = arith.subf %sub3A_192, %mul3A_190 : vector<16xf32>
      %mul3A_194 = arith.mulf %bitcast_convert_type3A_185, %sub3A_193 : vector<16xf32>
      %mul3A_195 = arith.constant 5.000000e-01 : f32
      %mul3A_196 = vector.broadcast %mul3A_195 : f32 to vector<16xf32>
      %mul3A_197 = arith.mulf %mul3A_196, %broadcast_in_dim3A_177 : vector<16xf32>
      %mul3A_198 = arith.mulf %mul3A_197, %mul3A_194 : vector<16xf32>
      %mul3A_199 = arith.mulf %mul3A_198, %mul3A_194 : vector<16xf32>
      %sub3A_200 = arith.constant 1.500000e+00 : f32
      %sub3A_201 = vector.broadcast %sub3A_200 : f32 to vector<16xf32>
      %sub3A_202 = arith.subf %sub3A_201, %mul3A_199 : vector<16xf32>
      %mul3A_203 = arith.mulf %mul3A_194, %sub3A_202 : vector<16xf32>
      %mul3A_204 = arith.constant 5.000000e-01 : f32
      %mul3A_205 = vector.broadcast %mul3A_204 : f32 to vector<16xf32>
      %mul3A_206 = arith.mulf %mul3A_205, %broadcast_in_dim3A_177 : vector<16xf32>
      %mul3A_207 = arith.mulf %mul3A_206, %mul3A_203 : vector<16xf32>
      %mul3A_208 = arith.mulf %mul3A_207, %mul3A_203 : vector<16xf32>
      %sub3A_209 = arith.constant 1.500000e+00 : f32
      %sub3A_210 = vector.broadcast %sub3A_209 : f32 to vector<16xf32>
      %sub3A_211 = arith.subf %sub3A_210, %mul3A_208 : vector<16xf32>
      %mul3A_212 = arith.mulf %mul3A_203, %sub3A_211 : vector<16xf32>
      %broadcast_in_dim3A_213 = vector.broadcast %mul3A_166 : f32 to vector<16xf32>
      %mul3A_214 = arith.mulf %broadcast_in_dim3A_213, %mul3A_212 : vector<16xf32>
      %reduce_sum3A_215 = arith.constant true
      %reduce_sum3A_216 = vector.broadcast %reduce_sum3A_215 : i1 to vector<16xi1>
      %reduce_sum3A_217 = tpu.scan <sum>, %parallel_loop3A_104#4 masked %reduce_sum3A_216 : vector<16xf32>, vector<16xi1> -> vector<16xf32>
      %reduce_sum3A_218 = vector.extract %reduce_sum3A_217[15] : f32 from vector<16xf32>
      %mul3A_219 = arith.constant 9.765625E-4 : f32
      %mul3A_220 = arith.mulf %reduce_sum3A_218, %mul3A_219 : f32
      %reduce_sum3A_221 = arith.constant true
      %reduce_sum3A_222 = vector.broadcast %reduce_sum3A_221 : i1 to vector<16xi1>
      %reduce_sum3A_223 = tpu.scan <sum>, %parallel_loop3A_104#5 masked %reduce_sum3A_222 : vector<16xf32>, vector<16xi1> -> vector<16xf32>
      %reduce_sum3A_224 = vector.extract %reduce_sum3A_223[15] : f32 from vector<16xf32>
      %mul3A_225 = arith.constant 9.765625E-4 : f32
      %mul3A_226 = arith.mulf %reduce_sum3A_224, %mul3A_225 : f32
      %mul3A_227 = arith.mulf %mul3A_220, %mul3A_220 : f32
      %sub3A_228 = arith.subf %mul3A_226, %mul3A_227 : f32
      %add3A_229 = arith.constant 9.99999996E-13 : f32
      %add3A_230 = arith.addf %sub3A_228, %add3A_229 : f32
      %broadcast_in_dim3A_231 = vector.broadcast %add3A_230 : f32 to vector<16xf32>
      %bitcast_convert_type3A_232 = tpu.bitcast %broadcast_in_dim3A_231 : vector<16xf32> -> vector<16xi32>
      %shift_right_arithmetic3A_233 = arith.constant 1 : i32
      %shift_right_arithmetic3A_234 = vector.broadcast %shift_right_arithmetic3A_233 : i32 to vector<16xi32>
      %shift_right_arithmetic3A_235 = arith.shrsi %bitcast_convert_type3A_232, %shift_right_arithmetic3A_234 : vector<16xi32>
      %sub3A_236 = arith.constant 1597463007 : i32
      %sub3A_237 = vector.broadcast %sub3A_236 : i32 to vector<16xi32>
      %sub3A_238 = arith.subi %sub3A_237, %shift_right_arithmetic3A_235 : vector<16xi32>
      %bitcast_convert_type3A_239 = tpu.bitcast %sub3A_238 : vector<16xi32> -> vector<16xf32>
      %mul3A_240 = arith.constant 5.000000e-01 : f32
      %mul3A_241 = vector.broadcast %mul3A_240 : f32 to vector<16xf32>
      %mul3A_242 = arith.mulf %mul3A_241, %broadcast_in_dim3A_231 : vector<16xf32>
      %mul3A_243 = arith.mulf %mul3A_242, %bitcast_convert_type3A_239 : vector<16xf32>
      %mul3A_244 = arith.mulf %mul3A_243, %bitcast_convert_type3A_239 : vector<16xf32>
      %sub3A_245 = arith.constant 1.500000e+00 : f32
      %sub3A_246 = vector.broadcast %sub3A_245 : f32 to vector<16xf32>
      %sub3A_247 = arith.subf %sub3A_246, %mul3A_244 : vector<16xf32>
      %mul3A_248 = arith.mulf %bitcast_convert_type3A_239, %sub3A_247 : vector<16xf32>
      %mul3A_249 = arith.constant 5.000000e-01 : f32
      %mul3A_250 = vector.broadcast %mul3A_249 : f32 to vector<16xf32>
      %mul3A_251 = arith.mulf %mul3A_250, %broadcast_in_dim3A_231 : vector<16xf32>
      %mul3A_252 = arith.mulf %mul3A_251, %mul3A_248 : vector<16xf32>
      %mul3A_253 = arith.mulf %mul3A_252, %mul3A_248 : vector<16xf32>
      %sub3A_254 = arith.constant 1.500000e+00 : f32
      %sub3A_255 = vector.broadcast %sub3A_254 : f32 to vector<16xf32>
      %sub3A_256 = arith.subf %sub3A_255, %mul3A_253 : vector<16xf32>
      %mul3A_257 = arith.mulf %mul3A_248, %sub3A_256 : vector<16xf32>
      %mul3A_258 = arith.constant 5.000000e-01 : f32
      %mul3A_259 = vector.broadcast %mul3A_258 : f32 to vector<16xf32>
      %mul3A_260 = arith.mulf %mul3A_259, %broadcast_in_dim3A_231 : vector<16xf32>
      %mul3A_261 = arith.mulf %mul3A_260, %mul3A_257 : vector<16xf32>
      %mul3A_262 = arith.mulf %mul3A_261, %mul3A_257 : vector<16xf32>
      %sub3A_263 = arith.constant 1.500000e+00 : f32
      %sub3A_264 = vector.broadcast %sub3A_263 : f32 to vector<16xf32>
      %sub3A_265 = arith.subf %sub3A_264, %mul3A_262 : vector<16xf32>
      %mul3A_266 = arith.mulf %mul3A_257, %sub3A_265 : vector<16xf32>
      %broadcast_in_dim3A_267 = vector.broadcast %mul3A_220 : f32 to vector<16xf32>
      %mul3A_268 = arith.mulf %broadcast_in_dim3A_267, %mul3A_266 : vector<16xf32>
      %reduce_sum3A_269 = arith.constant true
      %reduce_sum3A_270 = vector.broadcast %reduce_sum3A_269 : i1 to vector<16xi1>
      %reduce_sum3A_271 = tpu.scan <sum>, %parallel_loop3A_104#6 masked %reduce_sum3A_270 : vector<16xf32>, vector<16xi1> -> vector<16xf32>
      %reduce_sum3A_272 = vector.extract %reduce_sum3A_271[15] : f32 from vector<16xf32>
      %mul3A_273 = arith.constant 9.765625E-4 : f32
      %mul3A_274 = arith.mulf %reduce_sum3A_272, %mul3A_273 : f32
      %reduce_sum3A_275 = arith.constant true
      %reduce_sum3A_276 = vector.broadcast %reduce_sum3A_275 : i1 to vector<16xi1>
      %reduce_sum3A_277 = tpu.scan <sum>, %parallel_loop3A_104#7 masked %reduce_sum3A_276 : vector<16xf32>, vector<16xi1> -> vector<16xf32>
      %reduce_sum3A_278 = vector.extract %reduce_sum3A_277[15] : f32 from vector<16xf32>
      %mul3A_279 = arith.constant 9.765625E-4 : f32
      %mul3A_280 = arith.mulf %reduce_sum3A_278, %mul3A_279 : f32
      %mul3A_281 = arith.mulf %mul3A_274, %mul3A_274 : f32
      %sub3A_282 = arith.subf %mul3A_280, %mul3A_281 : f32
      %add3A_283 = arith.constant 9.99999996E-13 : f32
      %add3A_284 = arith.addf %sub3A_282, %add3A_283 : f32
      %broadcast_in_dim3A_285 = vector.broadcast %add3A_284 : f32 to vector<16xf32>
      %bitcast_convert_type3A_286 = tpu.bitcast %broadcast_in_dim3A_285 : vector<16xf32> -> vector<16xi32>
      %shift_right_arithmetic3A_287 = arith.constant 1 : i32
      %shift_right_arithmetic3A_288 = vector.broadcast %shift_right_arithmetic3A_287 : i32 to vector<16xi32>
      %shift_right_arithmetic3A_289 = arith.shrsi %bitcast_convert_type3A_286, %shift_right_arithmetic3A_288 : vector<16xi32>
      %sub3A_290 = arith.constant 1597463007 : i32
      %sub3A_291 = vector.broadcast %sub3A_290 : i32 to vector<16xi32>
      %sub3A_292 = arith.subi %sub3A_291, %shift_right_arithmetic3A_289 : vector<16xi32>
      %bitcast_convert_type3A_293 = tpu.bitcast %sub3A_292 : vector<16xi32> -> vector<16xf32>
      %mul3A_294 = arith.constant 5.000000e-01 : f32
      %mul3A_295 = vector.broadcast %mul3A_294 : f32 to vector<16xf32>
      %mul3A_296 = arith.mulf %mul3A_295, %broadcast_in_dim3A_285 : vector<16xf32>
      %mul3A_297 = arith.mulf %mul3A_296, %bitcast_convert_type3A_293 : vector<16xf32>
      %mul3A_298 = arith.mulf %mul3A_297, %bitcast_convert_type3A_293 : vector<16xf32>
      %sub3A_299 = arith.constant 1.500000e+00 : f32
      %sub3A_300 = vector.broadcast %sub3A_299 : f32 to vector<16xf32>
      %sub3A_301 = arith.subf %sub3A_300, %mul3A_298 : vector<16xf32>
      %mul3A_302 = arith.mulf %bitcast_convert_type3A_293, %sub3A_301 : vector<16xf32>
      %mul3A_303 = arith.constant 5.000000e-01 : f32
      %mul3A_304 = vector.broadcast %mul3A_303 : f32 to vector<16xf32>
      %mul3A_305 = arith.mulf %mul3A_304, %broadcast_in_dim3A_285 : vector<16xf32>
      %mul3A_306 = arith.mulf %mul3A_305, %mul3A_302 : vector<16xf32>
      %mul3A_307 = arith.mulf %mul3A_306, %mul3A_302 : vector<16xf32>
      %sub3A_308 = arith.constant 1.500000e+00 : f32
      %sub3A_309 = vector.broadcast %sub3A_308 : f32 to vector<16xf32>
      %sub3A_310 = arith.subf %sub3A_309, %mul3A_307 : vector<16xf32>
      %mul3A_311 = arith.mulf %mul3A_302, %sub3A_310 : vector<16xf32>
      %mul3A_312 = arith.constant 5.000000e-01 : f32
      %mul3A_313 = vector.broadcast %mul3A_312 : f32 to vector<16xf32>
      %mul3A_314 = arith.mulf %mul3A_313, %broadcast_in_dim3A_285 : vector<16xf32>
      %mul3A_315 = arith.mulf %mul3A_314, %mul3A_311 : vector<16xf32>
      %mul3A_316 = arith.mulf %mul3A_315, %mul3A_311 : vector<16xf32>
      %sub3A_317 = arith.constant 1.500000e+00 : f32
      %sub3A_318 = vector.broadcast %sub3A_317 : f32 to vector<16xf32>
      %sub3A_319 = arith.subf %sub3A_318, %mul3A_316 : vector<16xf32>
      %mul3A_320 = arith.mulf %mul3A_311, %sub3A_319 : vector<16xf32>
      %broadcast_in_dim3A_321 = vector.broadcast %mul3A_274 : f32 to vector<16xf32>
      %mul3A_322 = arith.mulf %broadcast_in_dim3A_321, %mul3A_320 : vector<16xf32>
      %reduce_sum3A_323 = arith.constant true
      %reduce_sum3A_324 = vector.broadcast %reduce_sum3A_323 : i1 to vector<16xi1>
      %reduce_sum3A_325 = tpu.scan <sum>, %parallel_loop3A_104#8 masked %reduce_sum3A_324 : vector<16xf32>, vector<16xi1> -> vector<16xf32>
      %reduce_sum3A_326 = vector.extract %reduce_sum3A_325[15] : f32 from vector<16xf32>
      %mul3A_327 = arith.constant 9.765625E-4 : f32
      %mul3A_328 = arith.mulf %reduce_sum3A_326, %mul3A_327 : f32
      %reduce_sum3A_329 = arith.constant true
      %reduce_sum3A_330 = vector.broadcast %reduce_sum3A_329 : i1 to vector<16xi1>
      %reduce_sum3A_331 = tpu.scan <sum>, %parallel_loop3A_104#9 masked %reduce_sum3A_330 : vector<16xf32>, vector<16xi1> -> vector<16xf32>
      %reduce_sum3A_332 = vector.extract %reduce_sum3A_331[15] : f32 from vector<16xf32>
      %mul3A_333 = arith.constant 9.765625E-4 : f32
      %mul3A_334 = arith.mulf %reduce_sum3A_332, %mul3A_333 : f32
      %mul3A_335 = arith.mulf %mul3A_328, %mul3A_328 : f32
      %sub3A_336 = arith.subf %mul3A_334, %mul3A_335 : f32
      %add3A_337 = arith.constant 9.99999996E-13 : f32
      %add3A_338 = arith.addf %sub3A_336, %add3A_337 : f32
      %broadcast_in_dim3A_339 = vector.broadcast %add3A_338 : f32 to vector<16xf32>
      %bitcast_convert_type3A_340 = tpu.bitcast %broadcast_in_dim3A_339 : vector<16xf32> -> vector<16xi32>
      %shift_right_arithmetic3A_341 = arith.constant 1 : i32
      %shift_right_arithmetic3A_342 = vector.broadcast %shift_right_arithmetic3A_341 : i32 to vector<16xi32>
      %shift_right_arithmetic3A_343 = arith.shrsi %bitcast_convert_type3A_340, %shift_right_arithmetic3A_342 : vector<16xi32>
      %sub3A_344 = arith.constant 1597463007 : i32
      %sub3A_345 = vector.broadcast %sub3A_344 : i32 to vector<16xi32>
      %sub3A_346 = arith.subi %sub3A_345, %shift_right_arithmetic3A_343 : vector<16xi32>
      %bitcast_convert_type3A_347 = tpu.bitcast %sub3A_346 : vector<16xi32> -> vector<16xf32>
      %mul3A_348 = arith.constant 5.000000e-01 : f32
      %mul3A_349 = vector.broadcast %mul3A_348 : f32 to vector<16xf32>
      %mul3A_350 = arith.mulf %mul3A_349, %broadcast_in_dim3A_339 : vector<16xf32>
      %mul3A_351 = arith.mulf %mul3A_350, %bitcast_convert_type3A_347 : vector<16xf32>
      %mul3A_352 = arith.mulf %mul3A_351, %bitcast_convert_type3A_347 : vector<16xf32>
      %sub3A_353 = arith.constant 1.500000e+00 : f32
      %sub3A_354 = vector.broadcast %sub3A_353 : f32 to vector<16xf32>
      %sub3A_355 = arith.subf %sub3A_354, %mul3A_352 : vector<16xf32>
      %mul3A_356 = arith.mulf %bitcast_convert_type3A_347, %sub3A_355 : vector<16xf32>
      %mul3A_357 = arith.constant 5.000000e-01 : f32
      %mul3A_358 = vector.broadcast %mul3A_357 : f32 to vector<16xf32>
      %mul3A_359 = arith.mulf %mul3A_358, %broadcast_in_dim3A_339 : vector<16xf32>
      %mul3A_360 = arith.mulf %mul3A_359, %mul3A_356 : vector<16xf32>
      %mul3A_361 = arith.mulf %mul3A_360, %mul3A_356 : vector<16xf32>
      %sub3A_362 = arith.constant 1.500000e+00 : f32
      %sub3A_363 = vector.broadcast %sub3A_362 : f32 to vector<16xf32>
      %sub3A_364 = arith.subf %sub3A_363, %mul3A_361 : vector<16xf32>
      %mul3A_365 = arith.mulf %mul3A_356, %sub3A_364 : vector<16xf32>
      %mul3A_366 = arith.constant 5.000000e-01 : f32
      %mul3A_367 = vector.broadcast %mul3A_366 : f32 to vector<16xf32>
      %mul3A_368 = arith.mulf %mul3A_367, %broadcast_in_dim3A_339 : vector<16xf32>
      %mul3A_369 = arith.mulf %mul3A_368, %mul3A_365 : vector<16xf32>
      %mul3A_370 = arith.mulf %mul3A_369, %mul3A_365 : vector<16xf32>
      %sub3A_371 = arith.constant 1.500000e+00 : f32
      %sub3A_372 = vector.broadcast %sub3A_371 : f32 to vector<16xf32>
      %sub3A_373 = arith.subf %sub3A_372, %mul3A_370 : vector<16xf32>
      %mul3A_374 = arith.mulf %mul3A_365, %sub3A_373 : vector<16xf32>
      %broadcast_in_dim3A_375 = vector.broadcast %mul3A_328 : f32 to vector<16xf32>
      %mul3A_376 = arith.mulf %broadcast_in_dim3A_375, %mul3A_374 : vector<16xf32>
      %reduce_sum3A_377 = arith.constant true
      %reduce_sum3A_378 = vector.broadcast %reduce_sum3A_377 : i1 to vector<16xi1>
      %reduce_sum3A_379 = tpu.scan <sum>, %parallel_loop3A_104#10 masked %reduce_sum3A_378 : vector<16xf32>, vector<16xi1> -> vector<16xf32>
      %reduce_sum3A_380 = vector.extract %reduce_sum3A_379[15] : f32 from vector<16xf32>
      %mul3A_381 = arith.constant 9.765625E-4 : f32
      %mul3A_382 = arith.mulf %reduce_sum3A_380, %mul3A_381 : f32
      %reduce_sum3A_383 = arith.constant true
      %reduce_sum3A_384 = vector.broadcast %reduce_sum3A_383 : i1 to vector<16xi1>
      %reduce_sum3A_385 = tpu.scan <sum>, %parallel_loop3A_104#11 masked %reduce_sum3A_384 : vector<16xf32>, vector<16xi1> -> vector<16xf32>
      %reduce_sum3A_386 = vector.extract %reduce_sum3A_385[15] : f32 from vector<16xf32>
      %mul3A_387 = arith.constant 9.765625E-4 : f32
      %mul3A_388 = arith.mulf %reduce_sum3A_386, %mul3A_387 : f32
      %mul3A_389 = arith.mulf %mul3A_382, %mul3A_382 : f32
      %sub3A_390 = arith.subf %mul3A_388, %mul3A_389 : f32
      %add3A_391 = arith.constant 9.99999996E-13 : f32
      %add3A_392 = arith.addf %sub3A_390, %add3A_391 : f32
      %broadcast_in_dim3A_393 = vector.broadcast %add3A_392 : f32 to vector<16xf32>
      %bitcast_convert_type3A_394 = tpu.bitcast %broadcast_in_dim3A_393 : vector<16xf32> -> vector<16xi32>
      %shift_right_arithmetic3A_395 = arith.constant 1 : i32
      %shift_right_arithmetic3A_396 = vector.broadcast %shift_right_arithmetic3A_395 : i32 to vector<16xi32>
      %shift_right_arithmetic3A_397 = arith.shrsi %bitcast_convert_type3A_394, %shift_right_arithmetic3A_396 : vector<16xi32>
      %sub3A_398 = arith.constant 1597463007 : i32
      %sub3A_399 = vector.broadcast %sub3A_398 : i32 to vector<16xi32>
      %sub3A_400 = arith.subi %sub3A_399, %shift_right_arithmetic3A_397 : vector<16xi32>
      %bitcast_convert_type3A_401 = tpu.bitcast %sub3A_400 : vector<16xi32> -> vector<16xf32>
      %mul3A_402 = arith.constant 5.000000e-01 : f32
      %mul3A_403 = vector.broadcast %mul3A_402 : f32 to vector<16xf32>
      %mul3A_404 = arith.mulf %mul3A_403, %broadcast_in_dim3A_393 : vector<16xf32>
      %mul3A_405 = arith.mulf %mul3A_404, %bitcast_convert_type3A_401 : vector<16xf32>
      %mul3A_406 = arith.mulf %mul3A_405, %bitcast_convert_type3A_401 : vector<16xf32>
      %sub3A_407 = arith.constant 1.500000e+00 : f32
      %sub3A_408 = vector.broadcast %sub3A_407 : f32 to vector<16xf32>
      %sub3A_409 = arith.subf %sub3A_408, %mul3A_406 : vector<16xf32>
      %mul3A_410 = arith.mulf %bitcast_convert_type3A_401, %sub3A_409 : vector<16xf32>
      %mul3A_411 = arith.constant 5.000000e-01 : f32
      %mul3A_412 = vector.broadcast %mul3A_411 : f32 to vector<16xf32>
      %mul3A_413 = arith.mulf %mul3A_412, %broadcast_in_dim3A_393 : vector<16xf32>
      %mul3A_414 = arith.mulf %mul3A_413, %mul3A_410 : vector<16xf32>
      %mul3A_415 = arith.mulf %mul3A_414, %mul3A_410 : vector<16xf32>
      %sub3A_416 = arith.constant 1.500000e+00 : f32
      %sub3A_417 = vector.broadcast %sub3A_416 : f32 to vector<16xf32>
      %sub3A_418 = arith.subf %sub3A_417, %mul3A_415 : vector<16xf32>
      %mul3A_419 = arith.mulf %mul3A_410, %sub3A_418 : vector<16xf32>
      %mul3A_420 = arith.constant 5.000000e-01 : f32
      %mul3A_421 = vector.broadcast %mul3A_420 : f32 to vector<16xf32>
      %mul3A_422 = arith.mulf %mul3A_421, %broadcast_in_dim3A_393 : vector<16xf32>
      %mul3A_423 = arith.mulf %mul3A_422, %mul3A_419 : vector<16xf32>
      %mul3A_424 = arith.mulf %mul3A_423, %mul3A_419 : vector<16xf32>
      %sub3A_425 = arith.constant 1.500000e+00 : f32
      %sub3A_426 = vector.broadcast %sub3A_425 : f32 to vector<16xf32>
      %sub3A_427 = arith.subf %sub3A_426, %mul3A_424 : vector<16xf32>
      %mul3A_428 = arith.mulf %mul3A_419, %sub3A_427 : vector<16xf32>
      %broadcast_in_dim3A_429 = vector.broadcast %mul3A_382 : f32 to vector<16xf32>
      %mul3A_430 = arith.mulf %broadcast_in_dim3A_429, %mul3A_428 : vector<16xf32>
      %reduce_sum3A_431 = arith.constant true
      %reduce_sum3A_432 = vector.broadcast %reduce_sum3A_431 : i1 to vector<16xi1>
      %reduce_sum3A_433 = tpu.scan <sum>, %parallel_loop3A_104#12 masked %reduce_sum3A_432 : vector<16xf32>, vector<16xi1> -> vector<16xf32>
      %reduce_sum3A_434 = vector.extract %reduce_sum3A_433[15] : f32 from vector<16xf32>
      %mul3A_435 = arith.constant 9.765625E-4 : f32
      %mul3A_436 = arith.mulf %reduce_sum3A_434, %mul3A_435 : f32
      %reduce_sum3A_437 = arith.constant true
      %reduce_sum3A_438 = vector.broadcast %reduce_sum3A_437 : i1 to vector<16xi1>
      %reduce_sum3A_439 = tpu.scan <sum>, %parallel_loop3A_104#13 masked %reduce_sum3A_438 : vector<16xf32>, vector<16xi1> -> vector<16xf32>
      %reduce_sum3A_440 = vector.extract %reduce_sum3A_439[15] : f32 from vector<16xf32>
      %mul3A_441 = arith.constant 9.765625E-4 : f32
      %mul3A_442 = arith.mulf %reduce_sum3A_440, %mul3A_441 : f32
      %mul3A_443 = arith.mulf %mul3A_436, %mul3A_436 : f32
      %sub3A_444 = arith.subf %mul3A_442, %mul3A_443 : f32
      %add3A_445 = arith.constant 9.99999996E-13 : f32
      %add3A_446 = arith.addf %sub3A_444, %add3A_445 : f32
      %broadcast_in_dim3A_447 = vector.broadcast %add3A_446 : f32 to vector<16xf32>
      %bitcast_convert_type3A_448 = tpu.bitcast %broadcast_in_dim3A_447 : vector<16xf32> -> vector<16xi32>
      %shift_right_arithmetic3A_449 = arith.constant 1 : i32
      %shift_right_arithmetic3A_450 = vector.broadcast %shift_right_arithmetic3A_449 : i32 to vector<16xi32>
      %shift_right_arithmetic3A_451 = arith.shrsi %bitcast_convert_type3A_448, %shift_right_arithmetic3A_450 : vector<16xi32>
      %sub3A_452 = arith.constant 1597463007 : i32
      %sub3A_453 = vector.broadcast %sub3A_452 : i32 to vector<16xi32>
      %sub3A_454 = arith.subi %sub3A_453, %shift_right_arithmetic3A_451 : vector<16xi32>
      %bitcast_convert_type3A_455 = tpu.bitcast %sub3A_454 : vector<16xi32> -> vector<16xf32>
      %mul3A_456 = arith.constant 5.000000e-01 : f32
      %mul3A_457 = vector.broadcast %mul3A_456 : f32 to vector<16xf32>
      %mul3A_458 = arith.mulf %mul3A_457, %broadcast_in_dim3A_447 : vector<16xf32>
      %mul3A_459 = arith.mulf %mul3A_458, %bitcast_convert_type3A_455 : vector<16xf32>
      %mul3A_460 = arith.mulf %mul3A_459, %bitcast_convert_type3A_455 : vector<16xf32>
      %sub3A_461 = arith.constant 1.500000e+00 : f32
      %sub3A_462 = vector.broadcast %sub3A_461 : f32 to vector<16xf32>
      %sub3A_463 = arith.subf %sub3A_462, %mul3A_460 : vector<16xf32>
      %mul3A_464 = arith.mulf %bitcast_convert_type3A_455, %sub3A_463 : vector<16xf32>
      %mul3A_465 = arith.constant 5.000000e-01 : f32
      %mul3A_466 = vector.broadcast %mul3A_465 : f32 to vector<16xf32>
      %mul3A_467 = arith.mulf %mul3A_466, %broadcast_in_dim3A_447 : vector<16xf32>
      %mul3A_468 = arith.mulf %mul3A_467, %mul3A_464 : vector<16xf32>
      %mul3A_469 = arith.mulf %mul3A_468, %mul3A_464 : vector<16xf32>
      %sub3A_470 = arith.constant 1.500000e+00 : f32
      %sub3A_471 = vector.broadcast %sub3A_470 : f32 to vector<16xf32>
      %sub3A_472 = arith.subf %sub3A_471, %mul3A_469 : vector<16xf32>
      %mul3A_473 = arith.mulf %mul3A_464, %sub3A_472 : vector<16xf32>
      %mul3A_474 = arith.constant 5.000000e-01 : f32
      %mul3A_475 = vector.broadcast %mul3A_474 : f32 to vector<16xf32>
      %mul3A_476 = arith.mulf %mul3A_475, %broadcast_in_dim3A_447 : vector<16xf32>
      %mul3A_477 = arith.mulf %mul3A_476, %mul3A_473 : vector<16xf32>
      %mul3A_478 = arith.mulf %mul3A_477, %mul3A_473 : vector<16xf32>
      %sub3A_479 = arith.constant 1.500000e+00 : f32
      %sub3A_480 = vector.broadcast %sub3A_479 : f32 to vector<16xf32>
      %sub3A_481 = arith.subf %sub3A_480, %mul3A_478 : vector<16xf32>
      %mul3A_482 = arith.mulf %mul3A_473, %sub3A_481 : vector<16xf32>
      %broadcast_in_dim3A_483 = vector.broadcast %mul3A_436 : f32 to vector<16xf32>
      %mul3A_484 = arith.mulf %broadcast_in_dim3A_483, %mul3A_482 : vector<16xf32>
      %reduce_sum3A_485 = arith.constant true
      %reduce_sum3A_486 = vector.broadcast %reduce_sum3A_485 : i1 to vector<16xi1>
      %reduce_sum3A_487 = tpu.scan <sum>, %parallel_loop3A_104#14 masked %reduce_sum3A_486 : vector<16xf32>, vector<16xi1> -> vector<16xf32>
      %reduce_sum3A_488 = vector.extract %reduce_sum3A_487[15] : f32 from vector<16xf32>
      %mul3A_489 = arith.constant 9.765625E-4 : f32
      %mul3A_490 = arith.mulf %reduce_sum3A_488, %mul3A_489 : f32
      %reduce_sum3A_491 = arith.constant true
      %reduce_sum3A_492 = vector.broadcast %reduce_sum3A_491 : i1 to vector<16xi1>
      %reduce_sum3A_493 = tpu.scan <sum>, %parallel_loop3A_104#15 masked %reduce_sum3A_492 : vector<16xf32>, vector<16xi1> -> vector<16xf32>
      %reduce_sum3A_494 = vector.extract %reduce_sum3A_493[15] : f32 from vector<16xf32>
      %mul3A_495 = arith.constant 9.765625E-4 : f32
      %mul3A_496 = arith.mulf %reduce_sum3A_494, %mul3A_495 : f32
      %mul3A_497 = arith.mulf %mul3A_490, %mul3A_490 : f32
      %sub3A_498 = arith.subf %mul3A_496, %mul3A_497 : f32
      %add3A_499 = arith.constant 9.99999996E-13 : f32
      %add3A_500 = arith.addf %sub3A_498, %add3A_499 : f32
      %broadcast_in_dim3A_501 = vector.broadcast %add3A_500 : f32 to vector<16xf32>
      %bitcast_convert_type3A_502 = tpu.bitcast %broadcast_in_dim3A_501 : vector<16xf32> -> vector<16xi32>
      %shift_right_arithmetic3A_503 = arith.constant 1 : i32
      %shift_right_arithmetic3A_504 = vector.broadcast %shift_right_arithmetic3A_503 : i32 to vector<16xi32>
      %shift_right_arithmetic3A_505 = arith.shrsi %bitcast_convert_type3A_502, %shift_right_arithmetic3A_504 : vector<16xi32>
      %sub3A_506 = arith.constant 1597463007 : i32
      %sub3A_507 = vector.broadcast %sub3A_506 : i32 to vector<16xi32>
      %sub3A_508 = arith.subi %sub3A_507, %shift_right_arithmetic3A_505 : vector<16xi32>
      %bitcast_convert_type3A_509 = tpu.bitcast %sub3A_508 : vector<16xi32> -> vector<16xf32>
      %mul3A_510 = arith.constant 5.000000e-01 : f32
      %mul3A_511 = vector.broadcast %mul3A_510 : f32 to vector<16xf32>
      %mul3A_512 = arith.mulf %mul3A_511, %broadcast_in_dim3A_501 : vector<16xf32>
      %mul3A_513 = arith.mulf %mul3A_512, %bitcast_convert_type3A_509 : vector<16xf32>
      %mul3A_514 = arith.mulf %mul3A_513, %bitcast_convert_type3A_509 : vector<16xf32>
      %sub3A_515 = arith.constant 1.500000e+00 : f32
      %sub3A_516 = vector.broadcast %sub3A_515 : f32 to vector<16xf32>
      %sub3A_517 = arith.subf %sub3A_516, %mul3A_514 : vector<16xf32>
      %mul3A_518 = arith.mulf %bitcast_convert_type3A_509, %sub3A_517 : vector<16xf32>
      %mul3A_519 = arith.constant 5.000000e-01 : f32
      %mul3A_520 = vector.broadcast %mul3A_519 : f32 to vector<16xf32>
      %mul3A_521 = arith.mulf %mul3A_520, %broadcast_in_dim3A_501 : vector<16xf32>
      %mul3A_522 = arith.mulf %mul3A_521, %mul3A_518 : vector<16xf32>
      %mul3A_523 = arith.mulf %mul3A_522, %mul3A_518 : vector<16xf32>
      %sub3A_524 = arith.constant 1.500000e+00 : f32
      %sub3A_525 = vector.broadcast %sub3A_524 : f32 to vector<16xf32>
      %sub3A_526 = arith.subf %sub3A_525, %mul3A_523 : vector<16xf32>
      %mul3A_527 = arith.mulf %mul3A_518, %sub3A_526 : vector<16xf32>
      %mul3A_528 = arith.constant 5.000000e-01 : f32
      %mul3A_529 = vector.broadcast %mul3A_528 : f32 to vector<16xf32>
      %mul3A_530 = arith.mulf %mul3A_529, %broadcast_in_dim3A_501 : vector<16xf32>
      %mul3A_531 = arith.mulf %mul3A_530, %mul3A_527 : vector<16xf32>
      %mul3A_532 = arith.mulf %mul3A_531, %mul3A_527 : vector<16xf32>
      %sub3A_533 = arith.constant 1.500000e+00 : f32
      %sub3A_534 = vector.broadcast %sub3A_533 : f32 to vector<16xf32>
      %sub3A_535 = arith.subf %sub3A_534, %mul3A_532 : vector<16xf32>
      %mul3A_536 = arith.mulf %mul3A_527, %sub3A_535 : vector<16xf32>
      %broadcast_in_dim3A_537 = vector.broadcast %mul3A_490 : f32 to vector<16xf32>
      %mul3A_538 = arith.mulf %broadcast_in_dim3A_537, %mul3A_536 : vector<16xf32>
      %reduce_sum3A_539 = arith.constant true
      %reduce_sum3A_540 = vector.broadcast %reduce_sum3A_539 : i1 to vector<16xi1>
      %reduce_sum3A_541 = tpu.scan <sum>, %parallel_loop3A_104#16 masked %reduce_sum3A_540 : vector<16xf32>, vector<16xi1> -> vector<16xf32>
      %reduce_sum3A_542 = vector.extract %reduce_sum3A_541[15] : f32 from vector<16xf32>
      %mul3A_543 = arith.constant 9.765625E-4 : f32
      %mul3A_544 = arith.mulf %reduce_sum3A_542, %mul3A_543 : f32
      %reduce_sum3A_545 = arith.constant true
      %reduce_sum3A_546 = vector.broadcast %reduce_sum3A_545 : i1 to vector<16xi1>
      %reduce_sum3A_547 = tpu.scan <sum>, %parallel_loop3A_104#17 masked %reduce_sum3A_546 : vector<16xf32>, vector<16xi1> -> vector<16xf32>
      %reduce_sum3A_548 = vector.extract %reduce_sum3A_547[15] : f32 from vector<16xf32>
      %mul3A_549 = arith.constant 9.765625E-4 : f32
      %mul3A_550 = arith.mulf %reduce_sum3A_548, %mul3A_549 : f32
      %mul3A_551 = arith.mulf %mul3A_544, %mul3A_544 : f32
      %sub3A_552 = arith.subf %mul3A_550, %mul3A_551 : f32
      %add3A_553 = arith.constant 9.99999996E-13 : f32
      %add3A_554 = arith.addf %sub3A_552, %add3A_553 : f32
      %broadcast_in_dim3A_555 = vector.broadcast %add3A_554 : f32 to vector<16xf32>
      %bitcast_convert_type3A_556 = tpu.bitcast %broadcast_in_dim3A_555 : vector<16xf32> -> vector<16xi32>
      %shift_right_arithmetic3A_557 = arith.constant 1 : i32
      %shift_right_arithmetic3A_558 = vector.broadcast %shift_right_arithmetic3A_557 : i32 to vector<16xi32>
      %shift_right_arithmetic3A_559 = arith.shrsi %bitcast_convert_type3A_556, %shift_right_arithmetic3A_558 : vector<16xi32>
      %sub3A_560 = arith.constant 1597463007 : i32
      %sub3A_561 = vector.broadcast %sub3A_560 : i32 to vector<16xi32>
      %sub3A_562 = arith.subi %sub3A_561, %shift_right_arithmetic3A_559 : vector<16xi32>
      %bitcast_convert_type3A_563 = tpu.bitcast %sub3A_562 : vector<16xi32> -> vector<16xf32>
      %mul3A_564 = arith.constant 5.000000e-01 : f32
      %mul3A_565 = vector.broadcast %mul3A_564 : f32 to vector<16xf32>
      %mul3A_566 = arith.mulf %mul3A_565, %broadcast_in_dim3A_555 : vector<16xf32>
      %mul3A_567 = arith.mulf %mul3A_566, %bitcast_convert_type3A_563 : vector<16xf32>
      %mul3A_568 = arith.mulf %mul3A_567, %bitcast_convert_type3A_563 : vector<16xf32>
      %sub3A_569 = arith.constant 1.500000e+00 : f32
      %sub3A_570 = vector.broadcast %sub3A_569 : f32 to vector<16xf32>
      %sub3A_571 = arith.subf %sub3A_570, %mul3A_568 : vector<16xf32>
      %mul3A_572 = arith.mulf %bitcast_convert_type3A_563, %sub3A_571 : vector<16xf32>
      %mul3A_573 = arith.constant 5.000000e-01 : f32
      %mul3A_574 = vector.broadcast %mul3A_573 : f32 to vector<16xf32>
      %mul3A_575 = arith.mulf %mul3A_574, %broadcast_in_dim3A_555 : vector<16xf32>
      %mul3A_576 = arith.mulf %mul3A_575, %mul3A_572 : vector<16xf32>
      %mul3A_577 = arith.mulf %mul3A_576, %mul3A_572 : vector<16xf32>
      %sub3A_578 = arith.constant 1.500000e+00 : f32
      %sub3A_579 = vector.broadcast %sub3A_578 : f32 to vector<16xf32>
      %sub3A_580 = arith.subf %sub3A_579, %mul3A_577 : vector<16xf32>
      %mul3A_581 = arith.mulf %mul3A_572, %sub3A_580 : vector<16xf32>
      %mul3A_582 = arith.constant 5.000000e-01 : f32
      %mul3A_583 = vector.broadcast %mul3A_582 : f32 to vector<16xf32>
      %mul3A_584 = arith.mulf %mul3A_583, %broadcast_in_dim3A_555 : vector<16xf32>
      %mul3A_585 = arith.mulf %mul3A_584, %mul3A_581 : vector<16xf32>
      %mul3A_586 = arith.mulf %mul3A_585, %mul3A_581 : vector<16xf32>
      %sub3A_587 = arith.constant 1.500000e+00 : f32
      %sub3A_588 = vector.broadcast %sub3A_587 : f32 to vector<16xf32>
      %sub3A_589 = arith.subf %sub3A_588, %mul3A_586 : vector<16xf32>
      %mul3A_590 = arith.mulf %mul3A_581, %sub3A_589 : vector<16xf32>
      %broadcast_in_dim3A_591 = vector.broadcast %mul3A_544 : f32 to vector<16xf32>
      %mul3A_592 = arith.mulf %broadcast_in_dim3A_591, %mul3A_590 : vector<16xf32>
      %reduce_sum3A_593 = arith.constant true
      %reduce_sum3A_594 = vector.broadcast %reduce_sum3A_593 : i1 to vector<16xi1>
      %reduce_sum3A_595 = tpu.scan <sum>, %parallel_loop3A_104#18 masked %reduce_sum3A_594 : vector<16xf32>, vector<16xi1> -> vector<16xf32>
      %reduce_sum3A_596 = vector.extract %reduce_sum3A_595[15] : f32 from vector<16xf32>
      %mul3A_597 = arith.constant 9.765625E-4 : f32
      %mul3A_598 = arith.mulf %reduce_sum3A_596, %mul3A_597 : f32
      %reduce_sum3A_599 = arith.constant true
      %reduce_sum3A_600 = vector.broadcast %reduce_sum3A_599 : i1 to vector<16xi1>
      %reduce_sum3A_601 = tpu.scan <sum>, %parallel_loop3A_104#19 masked %reduce_sum3A_600 : vector<16xf32>, vector<16xi1> -> vector<16xf32>
      %reduce_sum3A_602 = vector.extract %reduce_sum3A_601[15] : f32 from vector<16xf32>
      %mul3A_603 = arith.constant 9.765625E-4 : f32
      %mul3A_604 = arith.mulf %reduce_sum3A_602, %mul3A_603 : f32
      %mul3A_605 = arith.mulf %mul3A_598, %mul3A_598 : f32
      %sub3A_606 = arith.subf %mul3A_604, %mul3A_605 : f32
      %add3A_607 = arith.constant 9.99999996E-13 : f32
      %add3A_608 = arith.addf %sub3A_606, %add3A_607 : f32
      %broadcast_in_dim3A_609 = vector.broadcast %add3A_608 : f32 to vector<16xf32>
      %bitcast_convert_type3A_610 = tpu.bitcast %broadcast_in_dim3A_609 : vector<16xf32> -> vector<16xi32>
      %shift_right_arithmetic3A_611 = arith.constant 1 : i32
      %shift_right_arithmetic3A_612 = vector.broadcast %shift_right_arithmetic3A_611 : i32 to vector<16xi32>
      %shift_right_arithmetic3A_613 = arith.shrsi %bitcast_convert_type3A_610, %shift_right_arithmetic3A_612 : vector<16xi32>
      %sub3A_614 = arith.constant 1597463007 : i32
      %sub3A_615 = vector.broadcast %sub3A_614 : i32 to vector<16xi32>
      %sub3A_616 = arith.subi %sub3A_615, %shift_right_arithmetic3A_613 : vector<16xi32>
      %bitcast_convert_type3A_617 = tpu.bitcast %sub3A_616 : vector<16xi32> -> vector<16xf32>
      %mul3A_618 = arith.constant 5.000000e-01 : f32
      %mul3A_619 = vector.broadcast %mul3A_618 : f32 to vector<16xf32>
      %mul3A_620 = arith.mulf %mul3A_619, %broadcast_in_dim3A_609 : vector<16xf32>
      %mul3A_621 = arith.mulf %mul3A_620, %bitcast_convert_type3A_617 : vector<16xf32>
      %mul3A_622 = arith.mulf %mul3A_621, %bitcast_convert_type3A_617 : vector<16xf32>
      %sub3A_623 = arith.constant 1.500000e+00 : f32
      %sub3A_624 = vector.broadcast %sub3A_623 : f32 to vector<16xf32>
      %sub3A_625 = arith.subf %sub3A_624, %mul3A_622 : vector<16xf32>
      %mul3A_626 = arith.mulf %bitcast_convert_type3A_617, %sub3A_625 : vector<16xf32>
      %mul3A_627 = arith.constant 5.000000e-01 : f32
      %mul3A_628 = vector.broadcast %mul3A_627 : f32 to vector<16xf32>
      %mul3A_629 = arith.mulf %mul3A_628, %broadcast_in_dim3A_609 : vector<16xf32>
      %mul3A_630 = arith.mulf %mul3A_629, %mul3A_626 : vector<16xf32>
      %mul3A_631 = arith.mulf %mul3A_630, %mul3A_626 : vector<16xf32>
      %sub3A_632 = arith.constant 1.500000e+00 : f32
      %sub3A_633 = vector.broadcast %sub3A_632 : f32 to vector<16xf32>
      %sub3A_634 = arith.subf %sub3A_633, %mul3A_631 : vector<16xf32>
      %mul3A_635 = arith.mulf %mul3A_626, %sub3A_634 : vector<16xf32>
      %mul3A_636 = arith.constant 5.000000e-01 : f32
      %mul3A_637 = vector.broadcast %mul3A_636 : f32 to vector<16xf32>
      %mul3A_638 = arith.mulf %mul3A_637, %broadcast_in_dim3A_609 : vector<16xf32>
      %mul3A_639 = arith.mulf %mul3A_638, %mul3A_635 : vector<16xf32>
      %mul3A_640 = arith.mulf %mul3A_639, %mul3A_635 : vector<16xf32>
      %sub3A_641 = arith.constant 1.500000e+00 : f32
      %sub3A_642 = vector.broadcast %sub3A_641 : f32 to vector<16xf32>
      %sub3A_643 = arith.subf %sub3A_642, %mul3A_640 : vector<16xf32>
      %mul3A_644 = arith.mulf %mul3A_635, %sub3A_643 : vector<16xf32>
      %broadcast_in_dim3A_645 = vector.broadcast %mul3A_598 : f32 to vector<16xf32>
      %mul3A_646 = arith.mulf %broadcast_in_dim3A_645, %mul3A_644 : vector<16xf32>
      %reduce_sum3A_647 = arith.constant true
      %reduce_sum3A_648 = vector.broadcast %reduce_sum3A_647 : i1 to vector<16xi1>
      %reduce_sum3A_649 = tpu.scan <sum>, %parallel_loop3A_104#20 masked %reduce_sum3A_648 : vector<16xf32>, vector<16xi1> -> vector<16xf32>
      %reduce_sum3A_650 = vector.extract %reduce_sum3A_649[15] : f32 from vector<16xf32>
      %mul3A_651 = arith.constant 9.765625E-4 : f32
      %mul3A_652 = arith.mulf %reduce_sum3A_650, %mul3A_651 : f32
      %reduce_sum3A_653 = arith.constant true
      %reduce_sum3A_654 = vector.broadcast %reduce_sum3A_653 : i1 to vector<16xi1>
      %reduce_sum3A_655 = tpu.scan <sum>, %parallel_loop3A_104#21 masked %reduce_sum3A_654 : vector<16xf32>, vector<16xi1> -> vector<16xf32>
      %reduce_sum3A_656 = vector.extract %reduce_sum3A_655[15] : f32 from vector<16xf32>
      %mul3A_657 = arith.constant 9.765625E-4 : f32
      %mul3A_658 = arith.mulf %reduce_sum3A_656, %mul3A_657 : f32
      %mul3A_659 = arith.mulf %mul3A_652, %mul3A_652 : f32
      %sub3A_660 = arith.subf %mul3A_658, %mul3A_659 : f32
      %add3A_661 = arith.constant 9.99999996E-13 : f32
      %add3A_662 = arith.addf %sub3A_660, %add3A_661 : f32
      %broadcast_in_dim3A_663 = vector.broadcast %add3A_662 : f32 to vector<16xf32>
      %bitcast_convert_type3A_664 = tpu.bitcast %broadcast_in_dim3A_663 : vector<16xf32> -> vector<16xi32>
      %shift_right_arithmetic3A_665 = arith.constant 1 : i32
      %shift_right_arithmetic3A_666 = vector.broadcast %shift_right_arithmetic3A_665 : i32 to vector<16xi32>
      %shift_right_arithmetic3A_667 = arith.shrsi %bitcast_convert_type3A_664, %shift_right_arithmetic3A_666 : vector<16xi32>
      %sub3A_668 = arith.constant 1597463007 : i32
      %sub3A_669 = vector.broadcast %sub3A_668 : i32 to vector<16xi32>
      %sub3A_670 = arith.subi %sub3A_669, %shift_right_arithmetic3A_667 : vector<16xi32>
      %bitcast_convert_type3A_671 = tpu.bitcast %sub3A_670 : vector<16xi32> -> vector<16xf32>
      %mul3A_672 = arith.constant 5.000000e-01 : f32
      %mul3A_673 = vector.broadcast %mul3A_672 : f32 to vector<16xf32>
      %mul3A_674 = arith.mulf %mul3A_673, %broadcast_in_dim3A_663 : vector<16xf32>
      %mul3A_675 = arith.mulf %mul3A_674, %bitcast_convert_type3A_671 : vector<16xf32>
      %mul3A_676 = arith.mulf %mul3A_675, %bitcast_convert_type3A_671 : vector<16xf32>
      %sub3A_677 = arith.constant 1.500000e+00 : f32
      %sub3A_678 = vector.broadcast %sub3A_677 : f32 to vector<16xf32>
      %sub3A_679 = arith.subf %sub3A_678, %mul3A_676 : vector<16xf32>
      %mul3A_680 = arith.mulf %bitcast_convert_type3A_671, %sub3A_679 : vector<16xf32>
      %mul3A_681 = arith.constant 5.000000e-01 : f32
      %mul3A_682 = vector.broadcast %mul3A_681 : f32 to vector<16xf32>
      %mul3A_683 = arith.mulf %mul3A_682, %broadcast_in_dim3A_663 : vector<16xf32>
      %mul3A_684 = arith.mulf %mul3A_683, %mul3A_680 : vector<16xf32>
      %mul3A_685 = arith.mulf %mul3A_684, %mul3A_680 : vector<16xf32>
      %sub3A_686 = arith.constant 1.500000e+00 : f32
      %sub3A_687 = vector.broadcast %sub3A_686 : f32 to vector<16xf32>
      %sub3A_688 = arith.subf %sub3A_687, %mul3A_685 : vector<16xf32>
      %mul3A_689 = arith.mulf %mul3A_680, %sub3A_688 : vector<16xf32>
      %mul3A_690 = arith.constant 5.000000e-01 : f32
      %mul3A_691 = vector.broadcast %mul3A_690 : f32 to vector<16xf32>
      %mul3A_692 = arith.mulf %mul3A_691, %broadcast_in_dim3A_663 : vector<16xf32>
      %mul3A_693 = arith.mulf %mul3A_692, %mul3A_689 : vector<16xf32>
      %mul3A_694 = arith.mulf %mul3A_693, %mul3A_689 : vector<16xf32>
      %sub3A_695 = arith.constant 1.500000e+00 : f32
      %sub3A_696 = vector.broadcast %sub3A_695 : f32 to vector<16xf32>
      %sub3A_697 = arith.subf %sub3A_696, %mul3A_694 : vector<16xf32>
      %mul3A_698 = arith.mulf %mul3A_689, %sub3A_697 : vector<16xf32>
      %broadcast_in_dim3A_699 = vector.broadcast %mul3A_652 : f32 to vector<16xf32>
      %mul3A_700 = arith.mulf %broadcast_in_dim3A_699, %mul3A_698 : vector<16xf32>
      %reduce_sum3A_701 = arith.constant true
      %reduce_sum3A_702 = vector.broadcast %reduce_sum3A_701 : i1 to vector<16xi1>
      %reduce_sum3A_703 = tpu.scan <sum>, %parallel_loop3A_104#22 masked %reduce_sum3A_702 : vector<16xf32>, vector<16xi1> -> vector<16xf32>
      %reduce_sum3A_704 = vector.extract %reduce_sum3A_703[15] : f32 from vector<16xf32>
      %mul3A_705 = arith.constant 9.765625E-4 : f32
      %mul3A_706 = arith.mulf %reduce_sum3A_704, %mul3A_705 : f32
      %reduce_sum3A_707 = arith.constant true
      %reduce_sum3A_708 = vector.broadcast %reduce_sum3A_707 : i1 to vector<16xi1>
      %reduce_sum3A_709 = tpu.scan <sum>, %parallel_loop3A_104#23 masked %reduce_sum3A_708 : vector<16xf32>, vector<16xi1> -> vector<16xf32>
      %reduce_sum3A_710 = vector.extract %reduce_sum3A_709[15] : f32 from vector<16xf32>
      %mul3A_711 = arith.constant 9.765625E-4 : f32
      %mul3A_712 = arith.mulf %reduce_sum3A_710, %mul3A_711 : f32
      %mul3A_713 = arith.mulf %mul3A_706, %mul3A_706 : f32
      %sub3A_714 = arith.subf %mul3A_712, %mul3A_713 : f32
      %add3A_715 = arith.constant 9.99999996E-13 : f32
      %add3A_716 = arith.addf %sub3A_714, %add3A_715 : f32
      %broadcast_in_dim3A_717 = vector.broadcast %add3A_716 : f32 to vector<16xf32>
      %bitcast_convert_type3A_718 = tpu.bitcast %broadcast_in_dim3A_717 : vector<16xf32> -> vector<16xi32>
      %shift_right_arithmetic3A_719 = arith.constant 1 : i32
      %shift_right_arithmetic3A_720 = vector.broadcast %shift_right_arithmetic3A_719 : i32 to vector<16xi32>
      %shift_right_arithmetic3A_721 = arith.shrsi %bitcast_convert_type3A_718, %shift_right_arithmetic3A_720 : vector<16xi32>
      %sub3A_722 = arith.constant 1597463007 : i32
      %sub3A_723 = vector.broadcast %sub3A_722 : i32 to vector<16xi32>
      %sub3A_724 = arith.subi %sub3A_723, %shift_right_arithmetic3A_721 : vector<16xi32>
      %bitcast_convert_type3A_725 = tpu.bitcast %sub3A_724 : vector<16xi32> -> vector<16xf32>
      %mul3A_726 = arith.constant 5.000000e-01 : f32
      %mul3A_727 = vector.broadcast %mul3A_726 : f32 to vector<16xf32>
      %mul3A_728 = arith.mulf %mul3A_727, %broadcast_in_dim3A_717 : vector<16xf32>
      %mul3A_729 = arith.mulf %mul3A_728, %bitcast_convert_type3A_725 : vector<16xf32>
      %mul3A_730 = arith.mulf %mul3A_729, %bitcast_convert_type3A_725 : vector<16xf32>
      %sub3A_731 = arith.constant 1.500000e+00 : f32
      %sub3A_732 = vector.broadcast %sub3A_731 : f32 to vector<16xf32>
      %sub3A_733 = arith.subf %sub3A_732, %mul3A_730 : vector<16xf32>
      %mul3A_734 = arith.mulf %bitcast_convert_type3A_725, %sub3A_733 : vector<16xf32>
      %mul3A_735 = arith.constant 5.000000e-01 : f32
      %mul3A_736 = vector.broadcast %mul3A_735 : f32 to vector<16xf32>
      %mul3A_737 = arith.mulf %mul3A_736, %broadcast_in_dim3A_717 : vector<16xf32>
      %mul3A_738 = arith.mulf %mul3A_737, %mul3A_734 : vector<16xf32>
      %mul3A_739 = arith.mulf %mul3A_738, %mul3A_734 : vector<16xf32>
      %sub3A_740 = arith.constant 1.500000e+00 : f32
      %sub3A_741 = vector.broadcast %sub3A_740 : f32 to vector<16xf32>
      %sub3A_742 = arith.subf %sub3A_741, %mul3A_739 : vector<16xf32>
      %mul3A_743 = arith.mulf %mul3A_734, %sub3A_742 : vector<16xf32>
      %mul3A_744 = arith.constant 5.000000e-01 : f32
      %mul3A_745 = vector.broadcast %mul3A_744 : f32 to vector<16xf32>
      %mul3A_746 = arith.mulf %mul3A_745, %broadcast_in_dim3A_717 : vector<16xf32>
      %mul3A_747 = arith.mulf %mul3A_746, %mul3A_743 : vector<16xf32>
      %mul3A_748 = arith.mulf %mul3A_747, %mul3A_743 : vector<16xf32>
      %sub3A_749 = arith.constant 1.500000e+00 : f32
      %sub3A_750 = vector.broadcast %sub3A_749 : f32 to vector<16xf32>
      %sub3A_751 = arith.subf %sub3A_750, %mul3A_748 : vector<16xf32>
      %mul3A_752 = arith.mulf %mul3A_743, %sub3A_751 : vector<16xf32>
      %broadcast_in_dim3A_753 = vector.broadcast %mul3A_706 : f32 to vector<16xf32>
      %mul3A_754 = arith.mulf %broadcast_in_dim3A_753, %mul3A_752 : vector<16xf32>
      %reduce_sum3A_755 = arith.constant true
      %reduce_sum3A_756 = vector.broadcast %reduce_sum3A_755 : i1 to vector<16xi1>
      %reduce_sum3A_757 = tpu.scan <sum>, %parallel_loop3A_104#24 masked %reduce_sum3A_756 : vector<16xf32>, vector<16xi1> -> vector<16xf32>
      %reduce_sum3A_758 = vector.extract %reduce_sum3A_757[15] : f32 from vector<16xf32>
      %mul3A_759 = arith.constant 9.765625E-4 : f32
      %mul3A_760 = arith.mulf %reduce_sum3A_758, %mul3A_759 : f32
      %reduce_sum3A_761 = arith.constant true
      %reduce_sum3A_762 = vector.broadcast %reduce_sum3A_761 : i1 to vector<16xi1>
      %reduce_sum3A_763 = tpu.scan <sum>, %parallel_loop3A_104#25 masked %reduce_sum3A_762 : vector<16xf32>, vector<16xi1> -> vector<16xf32>
      %reduce_sum3A_764 = vector.extract %reduce_sum3A_763[15] : f32 from vector<16xf32>
      %mul3A_765 = arith.constant 9.765625E-4 : f32
      %mul3A_766 = arith.mulf %reduce_sum3A_764, %mul3A_765 : f32
      %mul3A_767 = arith.mulf %mul3A_760, %mul3A_760 : f32
      %sub3A_768 = arith.subf %mul3A_766, %mul3A_767 : f32
      %add3A_769 = arith.constant 9.99999996E-13 : f32
      %add3A_770 = arith.addf %sub3A_768, %add3A_769 : f32
      %broadcast_in_dim3A_771 = vector.broadcast %add3A_770 : f32 to vector<16xf32>
      %bitcast_convert_type3A_772 = tpu.bitcast %broadcast_in_dim3A_771 : vector<16xf32> -> vector<16xi32>
      %shift_right_arithmetic3A_773 = arith.constant 1 : i32
      %shift_right_arithmetic3A_774 = vector.broadcast %shift_right_arithmetic3A_773 : i32 to vector<16xi32>
      %shift_right_arithmetic3A_775 = arith.shrsi %bitcast_convert_type3A_772, %shift_right_arithmetic3A_774 : vector<16xi32>
      %sub3A_776 = arith.constant 1597463007 : i32
      %sub3A_777 = vector.broadcast %sub3A_776 : i32 to vector<16xi32>
      %sub3A_778 = arith.subi %sub3A_777, %shift_right_arithmetic3A_775 : vector<16xi32>
      %bitcast_convert_type3A_779 = tpu.bitcast %sub3A_778 : vector<16xi32> -> vector<16xf32>
      %mul3A_780 = arith.constant 5.000000e-01 : f32
      %mul3A_781 = vector.broadcast %mul3A_780 : f32 to vector<16xf32>
      %mul3A_782 = arith.mulf %mul3A_781, %broadcast_in_dim3A_771 : vector<16xf32>
      %mul3A_783 = arith.mulf %mul3A_782, %bitcast_convert_type3A_779 : vector<16xf32>
      %mul3A_784 = arith.mulf %mul3A_783, %bitcast_convert_type3A_779 : vector<16xf32>
      %sub3A_785 = arith.constant 1.500000e+00 : f32
      %sub3A_786 = vector.broadcast %sub3A_785 : f32 to vector<16xf32>
      %sub3A_787 = arith.subf %sub3A_786, %mul3A_784 : vector<16xf32>
      %mul3A_788 = arith.mulf %bitcast_convert_type3A_779, %sub3A_787 : vector<16xf32>
      %mul3A_789 = arith.constant 5.000000e-01 : f32
      %mul3A_790 = vector.broadcast %mul3A_789 : f32 to vector<16xf32>
      %mul3A_791 = arith.mulf %mul3A_790, %broadcast_in_dim3A_771 : vector<16xf32>
      %mul3A_792 = arith.mulf %mul3A_791, %mul3A_788 : vector<16xf32>
      %mul3A_793 = arith.mulf %mul3A_792, %mul3A_788 : vector<16xf32>
      %sub3A_794 = arith.constant 1.500000e+00 : f32
      %sub3A_795 = vector.broadcast %sub3A_794 : f32 to vector<16xf32>
      %sub3A_796 = arith.subf %sub3A_795, %mul3A_793 : vector<16xf32>
      %mul3A_797 = arith.mulf %mul3A_788, %sub3A_796 : vector<16xf32>
      %mul3A_798 = arith.constant 5.000000e-01 : f32
      %mul3A_799 = vector.broadcast %mul3A_798 : f32 to vector<16xf32>
      %mul3A_800 = arith.mulf %mul3A_799, %broadcast_in_dim3A_771 : vector<16xf32>
      %mul3A_801 = arith.mulf %mul3A_800, %mul3A_797 : vector<16xf32>
      %mul3A_802 = arith.mulf %mul3A_801, %mul3A_797 : vector<16xf32>
      %sub3A_803 = arith.constant 1.500000e+00 : f32
      %sub3A_804 = vector.broadcast %sub3A_803 : f32 to vector<16xf32>
      %sub3A_805 = arith.subf %sub3A_804, %mul3A_802 : vector<16xf32>
      %mul3A_806 = arith.mulf %mul3A_797, %sub3A_805 : vector<16xf32>
      %broadcast_in_dim3A_807 = vector.broadcast %mul3A_760 : f32 to vector<16xf32>
      %mul3A_808 = arith.mulf %broadcast_in_dim3A_807, %mul3A_806 : vector<16xf32>
      %reduce_sum3A_809 = arith.constant true
      %reduce_sum3A_810 = vector.broadcast %reduce_sum3A_809 : i1 to vector<16xi1>
      %reduce_sum3A_811 = tpu.scan <sum>, %parallel_loop3A_104#26 masked %reduce_sum3A_810 : vector<16xf32>, vector<16xi1> -> vector<16xf32>
      %reduce_sum3A_812 = vector.extract %reduce_sum3A_811[15] : f32 from vector<16xf32>
      %mul3A_813 = arith.constant 9.765625E-4 : f32
      %mul3A_814 = arith.mulf %reduce_sum3A_812, %mul3A_813 : f32
      %reduce_sum3A_815 = arith.constant true
      %reduce_sum3A_816 = vector.broadcast %reduce_sum3A_815 : i1 to vector<16xi1>
      %reduce_sum3A_817 = tpu.scan <sum>, %parallel_loop3A_104#27 masked %reduce_sum3A_816 : vector<16xf32>, vector<16xi1> -> vector<16xf32>
      %reduce_sum3A_818 = vector.extract %reduce_sum3A_817[15] : f32 from vector<16xf32>
      %mul3A_819 = arith.constant 9.765625E-4 : f32
      %mul3A_820 = arith.mulf %reduce_sum3A_818, %mul3A_819 : f32
      %mul3A_821 = arith.mulf %mul3A_814, %mul3A_814 : f32
      %sub3A_822 = arith.subf %mul3A_820, %mul3A_821 : f32
      %add3A_823 = arith.constant 9.99999996E-13 : f32
      %add3A_824 = arith.addf %sub3A_822, %add3A_823 : f32
      %broadcast_in_dim3A_825 = vector.broadcast %add3A_824 : f32 to vector<16xf32>
      %bitcast_convert_type3A_826 = tpu.bitcast %broadcast_in_dim3A_825 : vector<16xf32> -> vector<16xi32>
      %shift_right_arithmetic3A_827 = arith.constant 1 : i32
      %shift_right_arithmetic3A_828 = vector.broadcast %shift_right_arithmetic3A_827 : i32 to vector<16xi32>
      %shift_right_arithmetic3A_829 = arith.shrsi %bitcast_convert_type3A_826, %shift_right_arithmetic3A_828 : vector<16xi32>
      %sub3A_830 = arith.constant 1597463007 : i32
      %sub3A_831 = vector.broadcast %sub3A_830 : i32 to vector<16xi32>
      %sub3A_832 = arith.subi %sub3A_831, %shift_right_arithmetic3A_829 : vector<16xi32>
      %bitcast_convert_type3A_833 = tpu.bitcast %sub3A_832 : vector<16xi32> -> vector<16xf32>
      %mul3A_834 = arith.constant 5.000000e-01 : f32
      %mul3A_835 = vector.broadcast %mul3A_834 : f32 to vector<16xf32>
      %mul3A_836 = arith.mulf %mul3A_835, %broadcast_in_dim3A_825 : vector<16xf32>
      %mul3A_837 = arith.mulf %mul3A_836, %bitcast_convert_type3A_833 : vector<16xf32>
      %mul3A_838 = arith.mulf %mul3A_837, %bitcast_convert_type3A_833 : vector<16xf32>
      %sub3A_839 = arith.constant 1.500000e+00 : f32
      %sub3A_840 = vector.broadcast %sub3A_839 : f32 to vector<16xf32>
      %sub3A_841 = arith.subf %sub3A_840, %mul3A_838 : vector<16xf32>
      %mul3A_842 = arith.mulf %bitcast_convert_type3A_833, %sub3A_841 : vector<16xf32>
      %mul3A_843 = arith.constant 5.000000e-01 : f32
      %mul3A_844 = vector.broadcast %mul3A_843 : f32 to vector<16xf32>
      %mul3A_845 = arith.mulf %mul3A_844, %broadcast_in_dim3A_825 : vector<16xf32>
      %mul3A_846 = arith.mulf %mul3A_845, %mul3A_842 : vector<16xf32>
      %mul3A_847 = arith.mulf %mul3A_846, %mul3A_842 : vector<16xf32>
      %sub3A_848 = arith.constant 1.500000e+00 : f32
      %sub3A_849 = vector.broadcast %sub3A_848 : f32 to vector<16xf32>
      %sub3A_850 = arith.subf %sub3A_849, %mul3A_847 : vector<16xf32>
      %mul3A_851 = arith.mulf %mul3A_842, %sub3A_850 : vector<16xf32>
      %mul3A_852 = arith.constant 5.000000e-01 : f32
      %mul3A_853 = vector.broadcast %mul3A_852 : f32 to vector<16xf32>
      %mul3A_854 = arith.mulf %mul3A_853, %broadcast_in_dim3A_825 : vector<16xf32>
      %mul3A_855 = arith.mulf %mul3A_854, %mul3A_851 : vector<16xf32>
      %mul3A_856 = arith.mulf %mul3A_855, %mul3A_851 : vector<16xf32>
      %sub3A_857 = arith.constant 1.500000e+00 : f32
      %sub3A_858 = vector.broadcast %sub3A_857 : f32 to vector<16xf32>
      %sub3A_859 = arith.subf %sub3A_858, %mul3A_856 : vector<16xf32>
      %mul3A_860 = arith.mulf %mul3A_851, %sub3A_859 : vector<16xf32>
      %broadcast_in_dim3A_861 = vector.broadcast %mul3A_814 : f32 to vector<16xf32>
      %mul3A_862 = arith.mulf %broadcast_in_dim3A_861, %mul3A_860 : vector<16xf32>
      %reduce_sum3A_863 = arith.constant true
      %reduce_sum3A_864 = vector.broadcast %reduce_sum3A_863 : i1 to vector<16xi1>
      %reduce_sum3A_865 = tpu.scan <sum>, %parallel_loop3A_104#28 masked %reduce_sum3A_864 : vector<16xf32>, vector<16xi1> -> vector<16xf32>
      %reduce_sum3A_866 = vector.extract %reduce_sum3A_865[15] : f32 from vector<16xf32>
      %mul3A_867 = arith.constant 9.765625E-4 : f32
      %mul3A_868 = arith.mulf %reduce_sum3A_866, %mul3A_867 : f32
      %reduce_sum3A_869 = arith.constant true
      %reduce_sum3A_870 = vector.broadcast %reduce_sum3A_869 : i1 to vector<16xi1>
      %reduce_sum3A_871 = tpu.scan <sum>, %parallel_loop3A_104#29 masked %reduce_sum3A_870 : vector<16xf32>, vector<16xi1> -> vector<16xf32>
      %reduce_sum3A_872 = vector.extract %reduce_sum3A_871[15] : f32 from vector<16xf32>
      %mul3A_873 = arith.constant 9.765625E-4 : f32
      %mul3A_874 = arith.mulf %reduce_sum3A_872, %mul3A_873 : f32
      %mul3A_875 = arith.mulf %mul3A_868, %mul3A_868 : f32
      %sub3A_876 = arith.subf %mul3A_874, %mul3A_875 : f32
      %add3A_877 = arith.constant 9.99999996E-13 : f32
      %add3A_878 = arith.addf %sub3A_876, %add3A_877 : f32
      %broadcast_in_dim3A_879 = vector.broadcast %add3A_878 : f32 to vector<16xf32>
      %bitcast_convert_type3A_880 = tpu.bitcast %broadcast_in_dim3A_879 : vector<16xf32> -> vector<16xi32>
      %shift_right_arithmetic3A_881 = arith.constant 1 : i32
      %shift_right_arithmetic3A_882 = vector.broadcast %shift_right_arithmetic3A_881 : i32 to vector<16xi32>
      %shift_right_arithmetic3A_883 = arith.shrsi %bitcast_convert_type3A_880, %shift_right_arithmetic3A_882 : vector<16xi32>
      %sub3A_884 = arith.constant 1597463007 : i32
      %sub3A_885 = vector.broadcast %sub3A_884 : i32 to vector<16xi32>
      %sub3A_886 = arith.subi %sub3A_885, %shift_right_arithmetic3A_883 : vector<16xi32>
      %bitcast_convert_type3A_887 = tpu.bitcast %sub3A_886 : vector<16xi32> -> vector<16xf32>
      %mul3A_888 = arith.constant 5.000000e-01 : f32
      %mul3A_889 = vector.broadcast %mul3A_888 : f32 to vector<16xf32>
      %mul3A_890 = arith.mulf %mul3A_889, %broadcast_in_dim3A_879 : vector<16xf32>
      %mul3A_891 = arith.mulf %mul3A_890, %bitcast_convert_type3A_887 : vector<16xf32>
      %mul3A_892 = arith.mulf %mul3A_891, %bitcast_convert_type3A_887 : vector<16xf32>
      %sub3A_893 = arith.constant 1.500000e+00 : f32
      %sub3A_894 = vector.broadcast %sub3A_893 : f32 to vector<16xf32>
      %sub3A_895 = arith.subf %sub3A_894, %mul3A_892 : vector<16xf32>
      %mul3A_896 = arith.mulf %bitcast_convert_type3A_887, %sub3A_895 : vector<16xf32>
      %mul3A_897 = arith.constant 5.000000e-01 : f32
      %mul3A_898 = vector.broadcast %mul3A_897 : f32 to vector<16xf32>
      %mul3A_899 = arith.mulf %mul3A_898, %broadcast_in_dim3A_879 : vector<16xf32>
      %mul3A_900 = arith.mulf %mul3A_899, %mul3A_896 : vector<16xf32>
      %mul3A_901 = arith.mulf %mul3A_900, %mul3A_896 : vector<16xf32>
      %sub3A_902 = arith.constant 1.500000e+00 : f32
      %sub3A_903 = vector.broadcast %sub3A_902 : f32 to vector<16xf32>
      %sub3A_904 = arith.subf %sub3A_903, %mul3A_901 : vector<16xf32>
      %mul3A_905 = arith.mulf %mul3A_896, %sub3A_904 : vector<16xf32>
      %mul3A_906 = arith.constant 5.000000e-01 : f32
      %mul3A_907 = vector.broadcast %mul3A_906 : f32 to vector<16xf32>
      %mul3A_908 = arith.mulf %mul3A_907, %broadcast_in_dim3A_879 : vector<16xf32>
      %mul3A_909 = arith.mulf %mul3A_908, %mul3A_905 : vector<16xf32>
      %mul3A_910 = arith.mulf %mul3A_909, %mul3A_905 : vector<16xf32>
      %sub3A_911 = arith.constant 1.500000e+00 : f32
      %sub3A_912 = vector.broadcast %sub3A_911 : f32 to vector<16xf32>
      %sub3A_913 = arith.subf %sub3A_912, %mul3A_910 : vector<16xf32>
      %mul3A_914 = arith.mulf %mul3A_905, %sub3A_913 : vector<16xf32>
      %broadcast_in_dim3A_915 = vector.broadcast %mul3A_868 : f32 to vector<16xf32>
      %mul3A_916 = arith.mulf %broadcast_in_dim3A_915, %mul3A_914 : vector<16xf32>
      %reduce_sum3A_917 = arith.constant true
      %reduce_sum3A_918 = vector.broadcast %reduce_sum3A_917 : i1 to vector<16xi1>
      %reduce_sum3A_919 = tpu.scan <sum>, %parallel_loop3A_104#30 masked %reduce_sum3A_918 : vector<16xf32>, vector<16xi1> -> vector<16xf32>
      %reduce_sum3A_920 = vector.extract %reduce_sum3A_919[15] : f32 from vector<16xf32>
      %mul3A_921 = arith.constant 9.765625E-4 : f32
      %mul3A_922 = arith.mulf %reduce_sum3A_920, %mul3A_921 : f32
      %reduce_sum3A_923 = arith.constant true
      %reduce_sum3A_924 = vector.broadcast %reduce_sum3A_923 : i1 to vector<16xi1>
      %reduce_sum3A_925 = tpu.scan <sum>, %parallel_loop3A_104#31 masked %reduce_sum3A_924 : vector<16xf32>, vector<16xi1> -> vector<16xf32>
      %reduce_sum3A_926 = vector.extract %reduce_sum3A_925[15] : f32 from vector<16xf32>
      %mul3A_927 = arith.constant 9.765625E-4 : f32
      %mul3A_928 = arith.mulf %reduce_sum3A_926, %mul3A_927 : f32
      %mul3A_929 = arith.mulf %mul3A_922, %mul3A_922 : f32
      %sub3A_930 = arith.subf %mul3A_928, %mul3A_929 : f32
      %add3A_931 = arith.constant 9.99999996E-13 : f32
      %add3A_932 = arith.addf %sub3A_930, %add3A_931 : f32
      %broadcast_in_dim3A_933 = vector.broadcast %add3A_932 : f32 to vector<16xf32>
      %bitcast_convert_type3A_934 = tpu.bitcast %broadcast_in_dim3A_933 : vector<16xf32> -> vector<16xi32>
      %shift_right_arithmetic3A_935 = arith.constant 1 : i32
      %shift_right_arithmetic3A_936 = vector.broadcast %shift_right_arithmetic3A_935 : i32 to vector<16xi32>
      %shift_right_arithmetic3A_937 = arith.shrsi %bitcast_convert_type3A_934, %shift_right_arithmetic3A_936 : vector<16xi32>
      %sub3A_938 = arith.constant 1597463007 : i32
      %sub3A_939 = vector.broadcast %sub3A_938 : i32 to vector<16xi32>
      %sub3A_940 = arith.subi %sub3A_939, %shift_right_arithmetic3A_937 : vector<16xi32>
      %bitcast_convert_type3A_941 = tpu.bitcast %sub3A_940 : vector<16xi32> -> vector<16xf32>
      %mul3A_942 = arith.constant 5.000000e-01 : f32
      %mul3A_943 = vector.broadcast %mul3A_942 : f32 to vector<16xf32>
      %mul3A_944 = arith.mulf %mul3A_943, %broadcast_in_dim3A_933 : vector<16xf32>
      %mul3A_945 = arith.mulf %mul3A_944, %bitcast_convert_type3A_941 : vector<16xf32>
      %mul3A_946 = arith.mulf %mul3A_945, %bitcast_convert_type3A_941 : vector<16xf32>
      %sub3A_947 = arith.constant 1.500000e+00 : f32
      %sub3A_948 = vector.broadcast %sub3A_947 : f32 to vector<16xf32>
      %sub3A_949 = arith.subf %sub3A_948, %mul3A_946 : vector<16xf32>
      %mul3A_950 = arith.mulf %bitcast_convert_type3A_941, %sub3A_949 : vector<16xf32>
      %mul3A_951 = arith.constant 5.000000e-01 : f32
      %mul3A_952 = vector.broadcast %mul3A_951 : f32 to vector<16xf32>
      %mul3A_953 = arith.mulf %mul3A_952, %broadcast_in_dim3A_933 : vector<16xf32>
      %mul3A_954 = arith.mulf %mul3A_953, %mul3A_950 : vector<16xf32>
      %mul3A_955 = arith.mulf %mul3A_954, %mul3A_950 : vector<16xf32>
      %sub3A_956 = arith.constant 1.500000e+00 : f32
      %sub3A_957 = vector.broadcast %sub3A_956 : f32 to vector<16xf32>
      %sub3A_958 = arith.subf %sub3A_957, %mul3A_955 : vector<16xf32>
      %mul3A_959 = arith.mulf %mul3A_950, %sub3A_958 : vector<16xf32>
      %mul3A_960 = arith.constant 5.000000e-01 : f32
      %mul3A_961 = vector.broadcast %mul3A_960 : f32 to vector<16xf32>
      %mul3A_962 = arith.mulf %mul3A_961, %broadcast_in_dim3A_933 : vector<16xf32>
      %mul3A_963 = arith.mulf %mul3A_962, %mul3A_959 : vector<16xf32>
      %mul3A_964 = arith.mulf %mul3A_963, %mul3A_959 : vector<16xf32>
      %sub3A_965 = arith.constant 1.500000e+00 : f32
      %sub3A_966 = vector.broadcast %sub3A_965 : f32 to vector<16xf32>
      %sub3A_967 = arith.subf %sub3A_966, %mul3A_964 : vector<16xf32>
      %mul3A_968 = arith.mulf %mul3A_959, %sub3A_967 : vector<16xf32>
      %broadcast_in_dim3A_969 = vector.broadcast %mul3A_922 : f32 to vector<16xf32>
      %mul3A_970 = arith.mulf %broadcast_in_dim3A_969, %mul3A_968 : vector<16xf32>
      %parallel_loop3A_971 = arith.constant 0 : i32
      %parallel_loop3A_972 = arith.constant 64 : i32
      %parallel_loop3A_973 = arith.constant 1 : i32
      scf.for %parallel_loop3A_1891 = %parallel_loop3A_971 to %parallel_loop3A_972 step %parallel_loop3A_973  : i32 {
        %parallel_loop3A_1892 = arith.constant 16 : i32
        %parallel_loop3A_1893 = arith.muli %parallel_loop3A_1891, %parallel_loop3A_1892 : i32
        %parallel_loop3A_1894 = arith.index_cast %parallel_loop3A_1893 : i32 to index
        %parallel_loop3A_1895 = tpu.vector_load %arg12[%parallel_loop3A_1894] {strides = array<i32>} : memref<1024xf32, #tpu.memory_space<vmem>>, vector<16xf32>,
        %parallel_loop3A_1896 = arith.index_cast %parallel_loop3A_1893 : i32 to index
        %parallel_loop3A_1897 = tpu.vector_load %arg13[%parallel_loop3A_1896] {strides = array<i32>} : memref<1024xf32, #tpu.memory_space<vmem>>, vector<16xf32>,
        %parallel_loop3A_1898 = arith.constant 0 : i32
        %parallel_loop3A_1899 = arith.index_cast %parallel_loop3A_1898 : i32 to index
        %parallel_loop3A_1900 = arith.index_cast %parallel_loop3A_1893 : i32 to index
        %parallel_loop3A_1901 = tpu.vector_load %arg18[%parallel_loop3A_1899, %parallel_loop3A_1900] {strides = array<i32>} : memref<16x1024xf32, #tpu.memory_space<vmem>>, vector<16xf32>,
        %parallel_loop3A_1902 = arith.mulf %parallel_loop3A_1901, %mul3A_158 : vector<16xf32>
        %parallel_loop3A_1903 = arith.subf %parallel_loop3A_1902, %mul3A_160 : vector<16xf32>
        %parallel_loop3A_1904 = arith.mulf %parallel_loop3A_1903, %parallel_loop3A_1895 : vector<16xf32>
        %parallel_loop3A_1905 = arith.addf %parallel_loop3A_1904, %parallel_loop3A_1897 : vector<16xf32>
        %parallel_loop3A_1906 = arith.constant 0 : i32
        %parallel_loop3A_1907 = arith.index_cast %parallel_loop3A_1906 : i32 to index
        %parallel_loop3A_1908 = arith.index_cast %parallel_loop3A_1893 : i32 to index
        %parallel_loop3A_1909 = tpu.vector_load %arg18[%parallel_loop3A_1907, %parallel_loop3A_1908] {strides = array<i32>} : memref<16x1024xf32, #tpu.memory_space<vmem>>, vector<16xf32>,
        tpu.vector_store %arg18[%parallel_loop3A_1907, %parallel_loop3A_1908], %parallel_loop3A_1905 {strides = array<i32>} : memref<16x1024xf32, #tpu.memory_space<vmem>>, vector<16xf32>,
        %parallel_loop3A_1910 = arith.constant 1 : i32
        %parallel_loop3A_1911 = arith.index_cast %parallel_loop3A_1910 : i32 to index
        %parallel_loop3A_1912 = arith.index_cast %parallel_loop3A_1893 : i32 to index
        %parallel_loop3A_1913 = tpu.vector_load %arg18[%parallel_loop3A_1911, %parallel_loop3A_1912] {strides = array<i32>} : memref<16x1024xf32, #tpu.memory_space<vmem>>, vector<16xf32>,
        %parallel_loop3A_1914 = arith.mulf %parallel_loop3A_1913, %mul3A_212 : vector<16xf32>
        %parallel_loop3A_1915 = arith.subf %parallel_loop3A_1914, %mul3A_214 : vector<16xf32>
        %parallel_loop3A_1916 = arith.mulf %parallel_loop3A_1915, %parallel_loop3A_1895 : vector<16xf32>
        %parallel_loop3A_1917 = arith.addf %parallel_loop3A_1916, %parallel_loop3A_1897 : vector<16xf32>
        %parallel_loop3A_1918 = arith.constant 1 : i32
        %parallel_loop3A_1919 = arith.index_cast %parallel_loop3A_1918 : i32 to index
        %parallel_loop3A_1920 = arith.index_cast %parallel_loop3A_1893 : i32 to index
        %parallel_loop3A_1921 = tpu.vector_load %arg18[%parallel_loop3A_1919, %parallel_loop3A_1920] {strides = array<i32>} : memref<16x1024xf32, #tpu.memory_space<vmem>>, vector<16xf32>,
        tpu.vector_store %arg18[%parallel_loop3A_1919, %parallel_loop3A_1920], %parallel_loop3A_1917 {strides = array<i32>} : memref<16x1024xf32, #tpu.memory_space<vmem>>, vector<16xf32>,
        %parallel_loop3A_1922 = arith.constant 2 : i32
        %parallel_loop3A_1923 = arith.index_cast %parallel_loop3A_1922 : i32 to index
        %parallel_loop3A_1924 = arith.index_cast %parallel_loop3A_1893 : i32 to index
        %parallel_loop3A_1925 = tpu.vector_load %arg18[%parallel_loop3A_1923, %parallel_loop3A_1924] {strides = array<i32>} : memref<16x1024xf32, #tpu.memory_space<vmem>>, vector<16xf32>,
        %parallel_loop3A_1926 = arith.mulf %parallel_loop3A_1925, %mul3A_266 : vector<16xf32>
        %parallel_loop3A_1927 = arith.subf %parallel_loop3A_1926, %mul3A_268 : vector<16xf32>
        %parallel_loop3A_1928 = arith.mulf %parallel_loop3A_1927, %parallel_loop3A_1895 : vector<16xf32>
        %parallel_loop3A_1929 = arith.addf %parallel_loop3A_1928, %parallel_loop3A_1897 : vector<16xf32>
        %parallel_loop3A_1930 = arith.constant 2 : i32
        %parallel_loop3A_1931 = arith.index_cast %parallel_loop3A_1930 : i32 to index
        %parallel_loop3A_1932 = arith.index_cast %parallel_loop3A_1893 : i32 to index
        %parallel_loop3A_1933 = tpu.vector_load %arg18[%parallel_loop3A_1931, %parallel_loop3A_1932] {strides = array<i32>} : memref<16x1024xf32, #tpu.memory_space<vmem>>, vector<16xf32>,
        tpu.vector_store %arg18[%parallel_loop3A_1931, %parallel_loop3A_1932], %parallel_loop3A_1929 {strides = array<i32>} : memref<16x1024xf32, #tpu.memory_space<vmem>>, vector<16xf32>,
        %parallel_loop3A_1934 = arith.constant 3 : i32
        %parallel_loop3A_1935 = arith.index_cast %parallel_loop3A_1934 : i32 to index
        %parallel_loop3A_1936 = arith.index_cast %parallel_loop3A_1893 : i32 to index
        %parallel_loop3A_1937 = tpu.vector_load %arg18[%parallel_loop3A_1935, %parallel_loop3A_1936] {strides = array<i32>} : memref<16x1024xf32, #tpu.memory_space<vmem>>, vector<16xf32>,
        %parallel_loop3A_1938 = arith.mulf %parallel_loop3A_1937, %mul3A_320 : vector<16xf32>
        %parallel_loop3A_1939 = arith.subf %parallel_loop3A_1938, %mul3A_322 : vector<16xf32>
        %parallel_loop3A_1940 = arith.mulf %parallel_loop3A_1939, %parallel_loop3A_1895 : vector<16xf32>
        %parallel_loop3A_1941 = arith.addf %parallel_loop3A_1940, %parallel_loop3A_1897 : vector<16xf32>
        %parallel_loop3A_1942 = arith.constant 3 : i32
        %parallel_loop3A_1943 = arith.index_cast %parallel_loop3A_1942 : i32 to index
        %parallel_loop3A_1944 = arith.index_cast %parallel_loop3A_1893 : i32 to index
        %parallel_loop3A_1945 = tpu.vector_load %arg18[%parallel_loop3A_1943, %parallel_loop3A_1944] {strides = array<i32>} : memref<16x1024xf32, #tpu.memory_space<vmem>>, vector<16xf32>,
        tpu.vector_store %arg18[%parallel_loop3A_1943, %parallel_loop3A_1944], %parallel_loop3A_1941 {strides = array<i32>} : memref<16x1024xf32, #tpu.memory_space<vmem>>, vector<16xf32>,
        %parallel_loop3A_1946 = arith.constant 4 : i32
        %parallel_loop3A_1947 = arith.index_cast %parallel_loop3A_1946 : i32 to index
        %parallel_loop3A_1948 = arith.index_cast %parallel_loop3A_1893 : i32 to index
        %parallel_loop3A_1949 = tpu.vector_load %arg18[%parallel_loop3A_1947, %parallel_loop3A_1948] {strides = array<i32>} : memref<16x1024xf32, #tpu.memory_space<vmem>>, vector<16xf32>,
        %parallel_loop3A_1950 = arith.mulf %parallel_loop3A_1949, %mul3A_374 : vector<16xf32>
        %parallel_loop3A_1951 = arith.subf %parallel_loop3A_1950, %mul3A_376 : vector<16xf32>
        %parallel_loop3A_1952 = arith.mulf %parallel_loop3A_1951, %parallel_loop3A_1895 : vector<16xf32>
        %parallel_loop3A_1953 = arith.addf %parallel_loop3A_1952, %parallel_loop3A_1897 : vector<16xf32>
        %parallel_loop3A_1954 = arith.constant 4 : i32
        %parallel_loop3A_1955 = arith.index_cast %parallel_loop3A_1954 : i32 to index
        %parallel_loop3A_1956 = arith.index_cast %parallel_loop3A_1893 : i32 to index
        %parallel_loop3A_1957 = tpu.vector_load %arg18[%parallel_loop3A_1955, %parallel_loop3A_1956] {strides = array<i32>} : memref<16x1024xf32, #tpu.memory_space<vmem>>, vector<16xf32>,
        tpu.vector_store %arg18[%parallel_loop3A_1955, %parallel_loop3A_1956], %parallel_loop3A_1953 {strides = array<i32>} : memref<16x1024xf32, #tpu.memory_space<vmem>>, vector<16xf32>,
        %parallel_loop3A_1958 = arith.constant 5 : i32
        %parallel_loop3A_1959 = arith.index_cast %parallel_loop3A_1958 : i32 to index
        %parallel_loop3A_1960 = arith.index_cast %parallel_loop3A_1893 : i32 to index
        %parallel_loop3A_1961 = tpu.vector_load %arg18[%parallel_loop3A_1959, %parallel_loop3A_1960] {strides = array<i32>} : memref<16x1024xf32, #tpu.memory_space<vmem>>, vector<16xf32>,
        %parallel_loop3A_1962 = arith.mulf %parallel_loop3A_1961, %mul3A_428 : vector<16xf32>
        %parallel_loop3A_1963 = arith.subf %parallel_loop3A_1962, %mul3A_430 : vector<16xf32>
        %parallel_loop3A_1964 = arith.mulf %parallel_loop3A_1963, %parallel_loop3A_1895 : vector<16xf32>
        %parallel_loop3A_1965 = arith.addf %parallel_loop3A_1964, %parallel_loop3A_1897 : vector<16xf32>
        %parallel_loop3A_1966 = arith.constant 5 : i32
        %parallel_loop3A_1967 = arith.index_cast %parallel_loop3A_1966 : i32 to index
        %parallel_loop3A_1968 = arith.index_cast %parallel_loop3A_1893 : i32 to index
        %parallel_loop3A_1969 = tpu.vector_load %arg18[%parallel_loop3A_1967, %parallel_loop3A_1968] {strides = array<i32>} : memref<16x1024xf32, #tpu.memory_space<vmem>>, vector<16xf32>,
        tpu.vector_store %arg18[%parallel_loop3A_1967, %parallel_loop3A_1968], %parallel_loop3A_1965 {strides = array<i32>} : memref<16x1024xf32, #tpu.memory_space<vmem>>, vector<16xf32>,
        %parallel_loop3A_1970 = arith.constant 6 : i32
        %parallel_loop3A_1971 = arith.index_cast %parallel_loop3A_1970 : i32 to index
        %parallel_loop3A_1972 = arith.index_cast %parallel_loop3A_1893 : i32 to index
        %parallel_loop3A_1973 = tpu.vector_load %arg18[%parallel_loop3A_1971, %parallel_loop3A_1972] {strides = array<i32>} : memref<16x1024xf32, #tpu.memory_space<vmem>>, vector<16xf32>,
        %parallel_loop3A_1974 = arith.mulf %parallel_loop3A_1973, %mul3A_482 : vector<16xf32>
        %parallel_loop3A_1975 = arith.subf %parallel_loop3A_1974, %mul3A_484 : vector<16xf32>
        %parallel_loop3A_1976 = arith.mulf %parallel_loop3A_1975, %parallel_loop3A_1895 : vector<16xf32>
        %parallel_loop3A_1977 = arith.addf %parallel_loop3A_1976, %parallel_loop3A_1897 : vector<16xf32>
        %parallel_loop3A_1978 = arith.constant 6 : i32
        %parallel_loop3A_1979 = arith.index_cast %parallel_loop3A_1978 : i32 to index
        %parallel_loop3A_1980 = arith.index_cast %parallel_loop3A_1893 : i32 to index
        %parallel_loop3A_1981 = tpu.vector_load %arg18[%parallel_loop3A_1979, %parallel_loop3A_1980] {strides = array<i32>} : memref<16x1024xf32, #tpu.memory_space<vmem>>, vector<16xf32>,
        tpu.vector_store %arg18[%parallel_loop3A_1979, %parallel_loop3A_1980], %parallel_loop3A_1977 {strides = array<i32>} : memref<16x1024xf32, #tpu.memory_space<vmem>>, vector<16xf32>,
        %parallel_loop3A_1982 = arith.constant 7 : i32
        %parallel_loop3A_1983 = arith.index_cast %parallel_loop3A_1982 : i32 to index
        %parallel_loop3A_1984 = arith.index_cast %parallel_loop3A_1893 : i32 to index
        %parallel_loop3A_1985 = tpu.vector_load %arg18[%parallel_loop3A_1983, %parallel_loop3A_1984] {strides = array<i32>} : memref<16x1024xf32, #tpu.memory_space<vmem>>, vector<16xf32>,
        %parallel_loop3A_1986 = arith.mulf %parallel_loop3A_1985, %mul3A_536 : vector<16xf32>
        %parallel_loop3A_1987 = arith.subf %parallel_loop3A_1986, %mul3A_538 : vector<16xf32>
        %parallel_loop3A_1988 = arith.mulf %parallel_loop3A_1987, %parallel_loop3A_1895 : vector<16xf32>
        %parallel_loop3A_1989 = arith.addf %parallel_loop3A_1988, %parallel_loop3A_1897 : vector<16xf32>
        %parallel_loop3A_1990 = arith.constant 7 : i32
        %parallel_loop3A_1991 = arith.index_cast %parallel_loop3A_1990 : i32 to index
        %parallel_loop3A_1992 = arith.index_cast %parallel_loop3A_1893 : i32 to index
        %parallel_loop3A_1993 = tpu.vector_load %arg18[%parallel_loop3A_1991, %parallel_loop3A_1992] {strides = array<i32>} : memref<16x1024xf32, #tpu.memory_space<vmem>>, vector<16xf32>,
        tpu.vector_store %arg18[%parallel_loop3A_1991, %parallel_loop3A_1992], %parallel_loop3A_1989 {strides = array<i32>} : memref<16x1024xf32, #tpu.memory_space<vmem>>, vector<16xf32>,
        %parallel_loop3A_1994 = arith.constant 8 : i32
        %parallel_loop3A_1995 = arith.index_cast %parallel_loop3A_1994 : i32 to index
        %parallel_loop3A_1996 = arith.index_cast %parallel_loop3A_1893 : i32 to index
        %parallel_loop3A_1997 = tpu.vector_load %arg18[%parallel_loop3A_1995, %parallel_loop3A_1996] {strides = array<i32>} : memref<16x1024xf32, #tpu.memory_space<vmem>>, vector<16xf32>,
        %parallel_loop3A_1998 = arith.mulf %parallel_loop3A_1997, %mul3A_590 : vector<16xf32>
        %parallel_loop3A_1999 = arith.subf %parallel_loop3A_1998, %mul3A_592 : vector<16xf32>
        %parallel_loop3A_2000 = arith.mulf %parallel_loop3A_1999, %parallel_loop3A_1895 : vector<16xf32>
        %parallel_loop3A_2001 = arith.addf %parallel_loop3A_2000, %parallel_loop3A_1897 : vector<16xf32>
        %parallel_loop3A_2002 = arith.constant 8 : i32
        %parallel_loop3A_2003 = arith.index_cast %parallel_loop3A_2002 : i32 to index
        %parallel_loop3A_2004 = arith.index_cast %parallel_loop3A_1893 : i32 to index
        %parallel_loop3A_2005 = tpu.vector_load %arg18[%parallel_loop3A_2003, %parallel_loop3A_2004] {strides = array<i32>} : memref<16x1024xf32, #tpu.memory_space<vmem>>, vector<16xf32>,
        tpu.vector_store %arg18[%parallel_loop3A_2003, %parallel_loop3A_2004], %parallel_loop3A_2001 {strides = array<i32>} : memref<16x1024xf32, #tpu.memory_space<vmem>>, vector<16xf32>,
        %parallel_loop3A_2006 = arith.constant 9 : i32
        %parallel_loop3A_2007 = arith.index_cast %parallel_loop3A_2006 : i32 to index
        %parallel_loop3A_2008 = arith.index_cast %parallel_loop3A_1893 : i32 to index
        %parallel_loop3A_2009 = tpu.vector_load %arg18[%parallel_loop3A_2007, %parallel_loop3A_2008] {strides = array<i32>} : memref<16x1024xf32, #tpu.memory_space<vmem>>, vector<16xf32>,
        %parallel_loop3A_2010 = arith.mulf %parallel_loop3A_2009, %mul3A_644 : vector<16xf32>
        %parallel_loop3A_2011 = arith.subf %parallel_loop3A_2010, %mul3A_646 : vector<16xf32>
        %parallel_loop3A_2012 = arith.mulf %parallel_loop3A_2011, %parallel_loop3A_1895 : vector<16xf32>
        %parallel_loop3A_2013 = arith.addf %parallel_loop3A_2012, %parallel_loop3A_1897 : vector<16xf32>
        %parallel_loop3A_2014 = arith.constant 9 : i32
        %parallel_loop3A_2015 = arith.index_cast %parallel_loop3A_2014 : i32 to index
        %parallel_loop3A_2016 = arith.index_cast %parallel_loop3A_1893 : i32 to index
        %parallel_loop3A_2017 = tpu.vector_load %arg18[%parallel_loop3A_2015, %parallel_loop3A_2016] {strides = array<i32>} : memref<16x1024xf32, #tpu.memory_space<vmem>>, vector<16xf32>,
        tpu.vector_store %arg18[%parallel_loop3A_2015, %parallel_loop3A_2016], %parallel_loop3A_2013 {strides = array<i32>} : memref<16x1024xf32, #tpu.memory_space<vmem>>, vector<16xf32>,
        %parallel_loop3A_2018 = arith.constant 10 : i32
        %parallel_loop3A_2019 = arith.index_cast %parallel_loop3A_2018 : i32 to index
        %parallel_loop3A_2020 = arith.index_cast %parallel_loop3A_1893 : i32 to index
        %parallel_loop3A_2021 = tpu.vector_load %arg18[%parallel_loop3A_2019, %parallel_loop3A_2020] {strides = array<i32>} : memref<16x1024xf32, #tpu.memory_space<vmem>>, vector<16xf32>,
        %parallel_loop3A_2022 = arith.mulf %parallel_loop3A_2021, %mul3A_698 : vector<16xf32>
        %parallel_loop3A_2023 = arith.subf %parallel_loop3A_2022, %mul3A_700 : vector<16xf32>
        %parallel_loop3A_2024 = arith.mulf %parallel_loop3A_2023, %parallel_loop3A_1895 : vector<16xf32>
        %parallel_loop3A_2025 = arith.addf %parallel_loop3A_2024, %parallel_loop3A_1897 : vector<16xf32>
        %parallel_loop3A_2026 = arith.constant 10 : i32
        %parallel_loop3A_2027 = arith.index_cast %parallel_loop3A_2026 : i32 to index
        %parallel_loop3A_2028 = arith.index_cast %parallel_loop3A_1893 : i32 to index
        %parallel_loop3A_2029 = tpu.vector_load %arg18[%parallel_loop3A_2027, %parallel_loop3A_2028] {strides = array<i32>} : memref<16x1024xf32, #tpu.memory_space<vmem>>, vector<16xf32>,
        tpu.vector_store %arg18[%parallel_loop3A_2027, %parallel_loop3A_2028], %parallel_loop3A_2025 {strides = array<i32>} : memref<16x1024xf32, #tpu.memory_space<vmem>>, vector<16xf32>,
        %parallel_loop3A_2030 = arith.constant 11 : i32
        %parallel_loop3A_2031 = arith.index_cast %parallel_loop3A_2030 : i32 to index
        %parallel_loop3A_2032 = arith.index_cast %parallel_loop3A_1893 : i32 to index
        %parallel_loop3A_2033 = tpu.vector_load %arg18[%parallel_loop3A_2031, %parallel_loop3A_2032] {strides = array<i32>} : memref<16x1024xf32, #tpu.memory_space<vmem>>, vector<16xf32>,
        %parallel_loop3A_2034 = arith.mulf %parallel_loop3A_2033, %mul3A_752 : vector<16xf32>
        %parallel_loop3A_2035 = arith.subf %parallel_loop3A_2034, %mul3A_754 : vector<16xf32>
        %parallel_loop3A_2036 = arith.mulf %parallel_loop3A_2035, %parallel_loop3A_1895 : vector<16xf32>
        %parallel_loop3A_2037 = arith.addf %parallel_loop3A_2036, %parallel_loop3A_1897 : vector<16xf32>
        %parallel_loop3A_2038 = arith.constant 11 : i32
        %parallel_loop3A_2039 = arith.index_cast %parallel_loop3A_2038 : i32 to index
        %parallel_loop3A_2040 = arith.index_cast %parallel_loop3A_1893 : i32 to index
        %parallel_loop3A_2041 = tpu.vector_load %arg18[%parallel_loop3A_2039, %parallel_loop3A_2040] {strides = array<i32>} : memref<16x1024xf32, #tpu.memory_space<vmem>>, vector<16xf32>,
        tpu.vector_store %arg18[%parallel_loop3A_2039, %parallel_loop3A_2040], %parallel_loop3A_2037 {strides = array<i32>} : memref<16x1024xf32, #tpu.memory_space<vmem>>, vector<16xf32>,
        %parallel_loop3A_2042 = arith.constant 12 : i32
        %parallel_loop3A_2043 = arith.index_cast %parallel_loop3A_2042 : i32 to index
        %parallel_loop3A_2044 = arith.index_cast %parallel_loop3A_1893 : i32 to index
        %parallel_loop3A_2045 = tpu.vector_load %arg18[%parallel_loop3A_2043, %parallel_loop3A_2044] {strides = array<i32>} : memref<16x1024xf32, #tpu.memory_space<vmem>>, vector<16xf32>,
        %parallel_loop3A_2046 = arith.mulf %parallel_loop3A_2045, %mul3A_806 : vector<16xf32>
        %parallel_loop3A_2047 = arith.subf %parallel_loop3A_2046, %mul3A_808 : vector<16xf32>
        %parallel_loop3A_2048 = arith.mulf %parallel_loop3A_2047, %parallel_loop3A_1895 : vector<16xf32>
        %parallel_loop3A_2049 = arith.addf %parallel_loop3A_2048, %parallel_loop3A_1897 : vector<16xf32>
        %parallel_loop3A_2050 = arith.constant 12 : i32
        %parallel_loop3A_2051 = arith.index_cast %parallel_loop3A_2050 : i32 to index
        %parallel_loop3A_2052 = arith.index_cast %parallel_loop3A_1893 : i32 to index
        %parallel_loop3A_2053 = tpu.vector_load %arg18[%parallel_loop3A_2051, %parallel_loop3A_2052] {strides = array<i32>} : memref<16x1024xf32, #tpu.memory_space<vmem>>, vector<16xf32>,
        tpu.vector_store %arg18[%parallel_loop3A_2051, %parallel_loop3A_2052], %parallel_loop3A_2049 {strides = array<i32>} : memref<16x1024xf32, #tpu.memory_space<vmem>>, vector<16xf32>,
        %parallel_loop3A_2054 = arith.constant 13 : i32
        %parallel_loop3A_2055 = arith.index_cast %parallel_loop3A_2054 : i32 to index
        %parallel_loop3A_2056 = arith.index_cast %parallel_loop3A_1893 : i32 to index
        %parallel_loop3A_2057 = tpu.vector_load %arg18[%parallel_loop3A_2055, %parallel_loop3A_2056] {strides = array<i32>} : memref<16x1024xf32, #tpu.memory_space<vmem>>, vector<16xf32>,
        %parallel_loop3A_2058 = arith.mulf %parallel_loop3A_2057, %mul3A_860 : vector<16xf32>
        %parallel_loop3A_2059 = arith.subf %parallel_loop3A_2058, %mul3A_862 : vector<16xf32>
        %parallel_loop3A_2060 = arith.mulf %parallel_loop3A_2059, %parallel_loop3A_1895 : vector<16xf32>
        %parallel_loop3A_2061 = arith.addf %parallel_loop3A_2060, %parallel_loop3A_1897 : vector<16xf32>
        %parallel_loop3A_2062 = arith.constant 13 : i32
        %parallel_loop3A_2063 = arith.index_cast %parallel_loop3A_2062 : i32 to index
        %parallel_loop3A_2064 = arith.index_cast %parallel_loop3A_1893 : i32 to index
        %parallel_loop3A_2065 = tpu.vector_load %arg18[%parallel_loop3A_2063, %parallel_loop3A_2064] {strides = array<i32>} : memref<16x1024xf32, #tpu.memory_space<vmem>>, vector<16xf32>,
        tpu.vector_store %arg18[%parallel_loop3A_2063, %parallel_loop3A_2064], %parallel_loop3A_2061 {strides = array<i32>} : memref<16x1024xf32, #tpu.memory_space<vmem>>, vector<16xf32>,
        %parallel_loop3A_2066 = arith.constant 14 : i32
        %parallel_loop3A_2067 = arith.index_cast %parallel_loop3A_2066 : i32 to index
        %parallel_loop3A_2068 = arith.index_cast %parallel_loop3A_1893 : i32 to index
        %parallel_loop3A_2069 = tpu.vector_load %arg18[%parallel_loop3A_2067, %parallel_loop3A_2068] {strides = array<i32>} : memref<16x1024xf32, #tpu.memory_space<vmem>>, vector<16xf32>,
        %parallel_loop3A_2070 = arith.mulf %parallel_loop3A_2069, %mul3A_914 : vector<16xf32>
        %parallel_loop3A_2071 = arith.subf %parallel_loop3A_2070, %mul3A_916 : vector<16xf32>
        %parallel_loop3A_2072 = arith.mulf %parallel_loop3A_2071, %parallel_loop3A_1895 : vector<16xf32>
        %parallel_loop3A_2073 = arith.addf %parallel_loop3A_2072, %parallel_loop3A_1897 : vector<16xf32>
        %parallel_loop3A_2074 = arith.constant 14 : i32
        %parallel_loop3A_2075 = arith.index_cast %parallel_loop3A_2074 : i32 to index
        %parallel_loop3A_2076 = arith.index_cast %parallel_loop3A_1893 : i32 to index
        %parallel_loop3A_2077 = tpu.vector_load %arg18[%parallel_loop3A_2075, %parallel_loop3A_2076] {strides = array<i32>} : memref<16x1024xf32, #tpu.memory_space<vmem>>, vector<16xf32>,
        tpu.vector_store %arg18[%parallel_loop3A_2075, %parallel_loop3A_2076], %parallel_loop3A_2073 {strides = array<i32>} : memref<16x1024xf32, #tpu.memory_space<vmem>>, vector<16xf32>,
        %parallel_loop3A_2078 = arith.constant 15 : i32
        %parallel_loop3A_2079 = arith.index_cast %parallel_loop3A_2078 : i32 to index
        %parallel_loop3A_2080 = arith.index_cast %parallel_loop3A_1893 : i32 to index
        %parallel_loop3A_2081 = tpu.vector_load %arg18[%parallel_loop3A_2079, %parallel_loop3A_2080] {strides = array<i32>} : memref<16x1024xf32, #tpu.memory_space<vmem>>, vector<16xf32>,
        %parallel_loop3A_2082 = arith.mulf %parallel_loop3A_2081, %mul3A_968 : vector<16xf32>
        %parallel_loop3A_2083 = arith.subf %parallel_loop3A_2082, %mul3A_970 : vector<16xf32>
        %parallel_loop3A_2084 = arith.mulf %parallel_loop3A_2083, %parallel_loop3A_1895 : vector<16xf32>
        %parallel_loop3A_2085 = arith.addf %parallel_loop3A_2084, %parallel_loop3A_1897 : vector<16xf32>
        %parallel_loop3A_2086 = arith.constant 15 : i32
        %parallel_loop3A_2087 = arith.index_cast %parallel_loop3A_2086 : i32 to index
        %parallel_loop3A_2088 = arith.index_cast %parallel_loop3A_1893 : i32 to index
        %parallel_loop3A_2089 = tpu.vector_load %arg18[%parallel_loop3A_2087, %parallel_loop3A_2088] {strides = array<i32>} : memref<16x1024xf32, #tpu.memory_space<vmem>>, vector<16xf32>,
        tpu.vector_store %arg18[%parallel_loop3A_2087, %parallel_loop3A_2088], %parallel_loop3A_2085 {strides = array<i32>} : memref<16x1024xf32, #tpu.memory_space<vmem>>, vector<16xf32>,
      } {sc.loop_unroll_factor = 1 : i64, sc.parallel_access}
      %mul3A_974 = arith.constant 16 : i32
      %mul3A_975 = arith.muli %add3A_86, %mul3A_974 : i32
      %add3A_976 = arith.addi %mul3A_32, %mul3A_975 : i32
      %dma_start3A_977 = arith.constant 0 : i32
      %dma_start3A_978 = tpu.memref_slice %arg8[%select_n3A, %add3A_976, %dma_start3A_977] : memref<4x2048x1024xf32, #tpu.memory_space<hbm>> -> memref<1x16x1024xf32, #tpu.memory_space<hbm>>
      %dma_start3A_979 = tpu.memref_squeeze %dma_start3A_978 : memref<1x16x1024xf32, #tpu.memory_space<hbm>> -> memref<16x1024xf32, #tpu.memory_space<hbm>>
      %dma_start3A_980 = arith.constant 0 : i32
      %dma_start3A_981 = tpu.memref_slice %arg8[%select_n3A, %add3A_976, %dma_start3A_980] : memref<4x2048x1024xf32, #tpu.memory_space<hbm>> -> memref<1x16x1024xf32, #tpu.memory_space<hbm>>
      %dma_start3A_982 = tpu.memref_squeeze %dma_start3A_981 : memref<1x16x1024xf32, #tpu.memory_space<hbm>> -> memref<16x1024xf32, #tpu.memory_space<hbm>>
      tpu.enqueue_dma source(%arg18 : memref<16x1024xf32, #tpu.memory_space<vmem>>) target(%dma_start3A_982 : memref<16x1024xf32, #tpu.memory_space<hbm>>) target_semaphore(%arg22 : memref<!tpu.dma_semaphore, #tpu.memory_space<semaphore_mem>>)
      %mul3A_983 = arith.constant 2 : i32
      %mul3A_984 = arith.muli %mul3A_983, %scan3A_81 : i32
      %add3A_985 = arith.constant 1 : i32
      %add3A_986 = arith.addi %mul3A_984, %add3A_985 : i32
      %mul3A_987 = arith.constant 16 : i32
      %mul3A_988 = arith.muli %add3A_986, %mul3A_987 : i32
      %add3A_989 = arith.addi %mul3A_32, %mul3A_988 : i32
      %dma_wait3A_990 = tpu.memref_slice %arg9[%add3A_989] : memref<2048xi32, #tpu.memory_space<vmem>> -> memref<16xi32, #tpu.memory_space<vmem>>
      %dma_wait3A_991 = arith.constant 0 : i32
      %dma_wait3A_992 = arith.constant 0 : i32
      %dma_wait3A_993 = tpu.memref_slice %arg3[%dma_wait3A_991, %dma_wait3A_992] : memref<100000x1024xf32, #tpu.memory_space<hbm>> -> memref<100000x1024xf32, #tpu.memory_space<hbm>>
      tpu.wait_indirect_dma semaphore(%arg21 : memref<!tpu.dma_semaphore, #tpu.memory_space<semaphore_mem>>) src(%dma_wait3A_993 : memref<100000x1024xf32, #tpu.memory_space<hbm>>) dst(%arg15 : memref<16x1024xf32, #tpu.memory_space<vmem>>)
      %dma_wait3A_994 = tpu.memref_slice %arg10[%add3A_989] : memref<2048xi32, #tpu.memory_space<vmem>> -> memref<16xi32, #tpu.memory_space<vmem>>
      %dma_wait3A_995 = arith.constant 0 : i32
      %dma_wait3A_996 = arith.constant 0 : i32
      %dma_wait3A_997 = tpu.memref_slice %arg4[%dma_wait3A_995, %dma_wait3A_996] : memref<8192x1024xf32, #tpu.memory_space<hbm>> -> memref<8192x1024xf32, #tpu.memory_space<hbm>>
      tpu.wait_indirect_dma semaphore(%arg21 : memref<!tpu.dma_semaphore, #tpu.memory_space<semaphore_mem>>) src(%dma_wait3A_997 : memref<8192x1024xf32, #tpu.memory_space<hbm>>) dst(%arg17 : memref<16x1024xf32, #tpu.memory_space<vmem>>)
      %ge3A_998 = arith.constant 1 : i32
      %ge3A_999 = arith.cmpi sge, %scan3A_81, %ge3A_998 : i32
      %convert_element_type3A_1000 = arith.extui %ge3A_999 : i1 to i32
      %cond3A_1001 = arith.constant 0 : i32
      %cond3A_1002 = arith.cmpi ne, %convert_element_type3A_1000, %cond3A_1001 : i32
      scf.if %cond3A_1002 {
        %sub3A_1891 = arith.constant 2 : i32
        %sub3A_1892 = arith.subi %add3A_986, %sub3A_1891 : i32
        %mul3A_1893 = arith.constant 16 : i32
        %mul3A_1894 = arith.muli %sub3A_1892, %mul3A_1893 : i32
        %add3A_1895 = arith.addi %mul3A_32, %mul3A_1894 : i32
        %dma_wait3A_1896 = arith.constant 0 : i32
        %dma_wait3A_1897 = tpu.memref_slice %arg8[%select_n3A, %add3A_1895, %dma_wait3A_1896] : memref<4x2048x1024xf32, #tpu.memory_space<hbm>> -> memref<1x16x1024xf32, #tpu.memory_space<hbm>>
        %dma_wait3A_1898 = tpu.memref_squeeze %dma_wait3A_1897 : memref<1x16x1024xf32, #tpu.memory_space<hbm>> -> memref<16x1024xf32, #tpu.memory_space<hbm>>
        %dma_wait3A_1899 = arith.constant 0 : i32
        %dma_wait3A_1900 = tpu.memref_slice %arg8[%select_n3A, %add3A_1895, %dma_wait3A_1899] : memref<4x2048x1024xf32, #tpu.memory_space<hbm>> -> memref<1x16x1024xf32, #tpu.memory_space<hbm>>
        %dma_wait3A_1901 = tpu.memref_squeeze %dma_wait3A_1900 : memref<1x16x1024xf32, #tpu.memory_space<hbm>> -> memref<16x1024xf32, #tpu.memory_space<hbm>>
        tpu.wait_dma2 semaphore(%arg23 : memref<!tpu.dma_semaphore, #tpu.memory_space<semaphore_mem>>) src(%arg19 : memref<16x1024xf32, #tpu.memory_space<vmem>>) dst(%dma_wait3A_1901 : memref<16x1024xf32, #tpu.memory_space<hbm>>)
      } else {
      }
      %broadcast_in_dim3A_1003 = arith.constant 0.000000e+00 : f32
      %broadcast_in_dim3A_1004 = vector.broadcast %broadcast_in_dim3A_1003 : f32 to vector<16xf32>
      %parallel_loop3A_1005 = arith.constant 0 : i32
      %parallel_loop3A_1006 = arith.constant 64 : i32
      %parallel_loop3A_1007 = arith.constant 1 : i32
      %parallel_loop3A_1008:32 = scf.for %parallel_loop3A_1891 = %parallel_loop3A_1005 to %parallel_loop3A_1006 step %parallel_loop3A_1007 iter_args(%parallel_loop3A_1892 = %broadcast_in_dim3A_1004, %parallel_loop3A_1893 = %broadcast_in_dim3A_1004, %parallel_loop3A_1894 = %broadcast_in_dim3A_1004, %parallel_loop3A_1895 = %broadcast_in_dim3A_1004, %parallel_loop3A_1896 = %broadcast_in_dim3A_1004, %parallel_loop3A_1897 = %broadcast_in_dim3A_1004, %parallel_loop3A_1898 = %broadcast_in_dim3A_1004, %parallel_loop3A_1899 = %broadcast_in_dim3A_1004, %parallel_loop3A_1900 = %broadcast_in_dim3A_1004, %parallel_loop3A_1901 = %broadcast_in_dim3A_1004, %parallel_loop3A_1902 = %broadcast_in_dim3A_1004, %parallel_loop3A_1903 = %broadcast_in_dim3A_1004, %parallel_loop3A_1904 = %broadcast_in_dim3A_1004, %parallel_loop3A_1905 = %broadcast_in_dim3A_1004, %parallel_loop3A_1906 = %broadcast_in_dim3A_1004, %parallel_loop3A_1907 = %broadcast_in_dim3A_1004, %parallel_loop3A_1908 = %broadcast_in_dim3A_1004, %parallel_loop3A_1909 = %broadcast_in_dim3A_1004, %parallel_loop3A_1910 = %broadcast_in_dim3A_1004, %parallel_loop3A_1911 = %broadcast_in_dim3A_1004, %parallel_loop3A_1912 = %broadcast_in_dim3A_1004, %parallel_loop3A_1913 = %broadcast_in_dim3A_1004, %parallel_loop3A_1914 = %broadcast_in_dim3A_1004, %parallel_loop3A_1915 = %broadcast_in_dim3A_1004, %parallel_loop3A_1916 = %broadcast_in_dim3A_1004, %parallel_loop3A_1917 = %broadcast_in_dim3A_1004, %parallel_loop3A_1918 = %broadcast_in_dim3A_1004, %parallel_loop3A_1919 = %broadcast_in_dim3A_1004, %parallel_loop3A_1920 = %broadcast_in_dim3A_1004, %parallel_loop3A_1921 = %broadcast_in_dim3A_1004, %parallel_loop3A_1922 = %broadcast_in_dim3A_1004, %parallel_loop3A_1923 = %broadcast_in_dim3A_1004) -> (vector<16xf32>, vector<16xf32>, vector<16xf32>, vector<16xf32>, vector<16xf32>, vector<16xf32>, vector<16xf32>, vector<16xf32>, vector<16xf32>, vector<16xf32>, vector<16xf32>, vector<16xf32>, vector<16xf32>, vector<16xf32>, vector<16xf32>, vector<16xf32>, vector<16xf32>, vector<16xf32>, vector<16xf32>, vector<16xf32>, vector<16xf32>, vector<16xf32>, vector<16xf32>, vector<16xf32>, vector<16xf32>, vector<16xf32>, vector<16xf32>, vector<16xf32>, vector<16xf32>, vector<16xf32>, vector<16xf32>, vector<16xf32>)  : i32 {
        %parallel_loop3A_1924 = arith.constant 16 : i32
        %parallel_loop3A_1925 = arith.muli %parallel_loop3A_1891, %parallel_loop3A_1924 : i32
        %parallel_loop3A_1926 = arith.index_cast %parallel_loop3A_1925 : i32 to index
        %parallel_loop3A_1927 = tpu.vector_load %arg11[%parallel_loop3A_1926] {strides = array<i32>} : memref<1024xf32, #tpu.memory_space<vmem>>, vector<16xf32>,
        %parallel_loop3A_1928 = arith.constant 0 : i32
        %parallel_loop3A_1929 = arith.index_cast %parallel_loop3A_1928 : i32 to index
        %parallel_loop3A_1930 = arith.index_cast %parallel_loop3A_1925 : i32 to index
        %parallel_loop3A_1931 = tpu.vector_load %arg15[%parallel_loop3A_1929, %parallel_loop3A_1930] {strides = array<i32>} : memref<16x1024xf32, #tpu.memory_space<vmem>>, vector<16xf32>,
        %parallel_loop3A_1932 = arith.constant 0 : i32
        %parallel_loop3A_1933 = arith.index_cast %parallel_loop3A_1932 : i32 to index
        %parallel_loop3A_1934 = arith.index_cast %parallel_loop3A_1925 : i32 to index
        %parallel_loop3A_1935 = tpu.vector_load %arg17[%parallel_loop3A_1933, %parallel_loop3A_1934] {strides = array<i32>} : memref<16x1024xf32, #tpu.memory_space<vmem>>, vector<16xf32>,
        %parallel_loop3A_1936 = arith.addf %parallel_loop3A_1931, %parallel_loop3A_1935 : vector<16xf32>
        %parallel_loop3A_1937 = arith.addf %parallel_loop3A_1936, %parallel_loop3A_1927 : vector<16xf32>
        %parallel_loop3A_1938 = arith.constant 0 : i32
        %parallel_loop3A_1939 = arith.index_cast %parallel_loop3A_1938 : i32 to index
        %parallel_loop3A_1940 = arith.index_cast %parallel_loop3A_1925 : i32 to index
        %parallel_loop3A_1941 = tpu.vector_load %arg19[%parallel_loop3A_1939, %parallel_loop3A_1940] {strides = array<i32>} : memref<16x1024xf32, #tpu.memory_space<vmem>>, vector<16xf32>,
        tpu.vector_store %arg19[%parallel_loop3A_1939, %parallel_loop3A_1940], %parallel_loop3A_1937 {strides = array<i32>} : memref<16x1024xf32, #tpu.memory_space<vmem>>, vector<16xf32>,
        %parallel_loop3A_1942 = arith.addf %parallel_loop3A_1892, %parallel_loop3A_1937 : vector<16xf32>
        %parallel_loop3A_1943 = arith.mulf %parallel_loop3A_1937, %parallel_loop3A_1937 : vector<16xf32>
        %parallel_loop3A_1944 = arith.addf %parallel_loop3A_1893, %parallel_loop3A_1943 : vector<16xf32>
        %parallel_loop3A_1945 = arith.constant 1 : i32
        %parallel_loop3A_1946 = arith.index_cast %parallel_loop3A_1945 : i32 to index
        %parallel_loop3A_1947 = arith.index_cast %parallel_loop3A_1925 : i32 to index
        %parallel_loop3A_1948 = tpu.vector_load %arg15[%parallel_loop3A_1946, %parallel_loop3A_1947] {strides = array<i32>} : memref<16x1024xf32, #tpu.memory_space<vmem>>, vector<16xf32>,
        %parallel_loop3A_1949 = arith.constant 1 : i32
        %parallel_loop3A_1950 = arith.index_cast %parallel_loop3A_1949 : i32 to index
        %parallel_loop3A_1951 = arith.index_cast %parallel_loop3A_1925 : i32 to index
        %parallel_loop3A_1952 = tpu.vector_load %arg17[%parallel_loop3A_1950, %parallel_loop3A_1951] {strides = array<i32>} : memref<16x1024xf32, #tpu.memory_space<vmem>>, vector<16xf32>,
        %parallel_loop3A_1953 = arith.addf %parallel_loop3A_1948, %parallel_loop3A_1952 : vector<16xf32>
        %parallel_loop3A_1954 = arith.addf %parallel_loop3A_1953, %parallel_loop3A_1927 : vector<16xf32>
        %parallel_loop3A_1955 = arith.constant 1 : i32
        %parallel_loop3A_1956 = arith.index_cast %parallel_loop3A_1955 : i32 to index
        %parallel_loop3A_1957 = arith.index_cast %parallel_loop3A_1925 : i32 to index
        %parallel_loop3A_1958 = tpu.vector_load %arg19[%parallel_loop3A_1956, %parallel_loop3A_1957] {strides = array<i32>} : memref<16x1024xf32, #tpu.memory_space<vmem>>, vector<16xf32>,
        tpu.vector_store %arg19[%parallel_loop3A_1956, %parallel_loop3A_1957], %parallel_loop3A_1954 {strides = array<i32>} : memref<16x1024xf32, #tpu.memory_space<vmem>>, vector<16xf32>,
        %parallel_loop3A_1959 = arith.addf %parallel_loop3A_1894, %parallel_loop3A_1954 : vector<16xf32>
        %parallel_loop3A_1960 = arith.mulf %parallel_loop3A_1954, %parallel_loop3A_1954 : vector<16xf32>
        %parallel_loop3A_1961 = arith.addf %parallel_loop3A_1895, %parallel_loop3A_1960 : vector<16xf32>
        %parallel_loop3A_1962 = arith.constant 2 : i32
        %parallel_loop3A_1963 = arith.index_cast %parallel_loop3A_1962 : i32 to index
        %parallel_loop3A_1964 = arith.index_cast %parallel_loop3A_1925 : i32 to index
        %parallel_loop3A_1965 = tpu.vector_load %arg15[%parallel_loop3A_1963, %parallel_loop3A_1964] {strides = array<i32>} : memref<16x1024xf32, #tpu.memory_space<vmem>>, vector<16xf32>,
        %parallel_loop3A_1966 = arith.constant 2 : i32
        %parallel_loop3A_1967 = arith.index_cast %parallel_loop3A_1966 : i32 to index
        %parallel_loop3A_1968 = arith.index_cast %parallel_loop3A_1925 : i32 to index
        %parallel_loop3A_1969 = tpu.vector_load %arg17[%parallel_loop3A_1967, %parallel_loop3A_1968] {strides = array<i32>} : memref<16x1024xf32, #tpu.memory_space<vmem>>, vector<16xf32>,
        %parallel_loop3A_1970 = arith.addf %parallel_loop3A_1965, %parallel_loop3A_1969 : vector<16xf32>
        %parallel_loop3A_1971 = arith.addf %parallel_loop3A_1970, %parallel_loop3A_1927 : vector<16xf32>
        %parallel_loop3A_1972 = arith.constant 2 : i32
        %parallel_loop3A_1973 = arith.index_cast %parallel_loop3A_1972 : i32 to index
        %parallel_loop3A_1974 = arith.index_cast %parallel_loop3A_1925 : i32 to index
        %parallel_loop3A_1975 = tpu.vector_load %arg19[%parallel_loop3A_1973, %parallel_loop3A_1974] {strides = array<i32>} : memref<16x1024xf32, #tpu.memory_space<vmem>>, vector<16xf32>,
        tpu.vector_store %arg19[%parallel_loop3A_1973, %parallel_loop3A_1974], %parallel_loop3A_1971 {strides = array<i32>} : memref<16x1024xf32, #tpu.memory_space<vmem>>, vector<16xf32>,
        %parallel_loop3A_1976 = arith.addf %parallel_loop3A_1896, %parallel_loop3A_1971 : vector<16xf32>
        %parallel_loop3A_1977 = arith.mulf %parallel_loop3A_1971, %parallel_loop3A_1971 : vector<16xf32>
        %parallel_loop3A_1978 = arith.addf %parallel_loop3A_1897, %parallel_loop3A_1977 : vector<16xf32>
        %parallel_loop3A_1979 = arith.constant 3 : i32
        %parallel_loop3A_1980 = arith.index_cast %parallel_loop3A_1979 : i32 to index
        %parallel_loop3A_1981 = arith.index_cast %parallel_loop3A_1925 : i32 to index
        %parallel_loop3A_1982 = tpu.vector_load %arg15[%parallel_loop3A_1980, %parallel_loop3A_1981] {strides = array<i32>} : memref<16x1024xf32, #tpu.memory_space<vmem>>, vector<16xf32>,
        %parallel_loop3A_1983 = arith.constant 3 : i32
        %parallel_loop3A_1984 = arith.index_cast %parallel_loop3A_1983 : i32 to index
        %parallel_loop3A_1985 = arith.index_cast %parallel_loop3A_1925 : i32 to index
        %parallel_loop3A_1986 = tpu.vector_load %arg17[%parallel_loop3A_1984, %parallel_loop3A_1985] {strides = array<i32>} : memref<16x1024xf32, #tpu.memory_space<vmem>>, vector<16xf32>,
        %parallel_loop3A_1987 = arith.addf %parallel_loop3A_1982, %parallel_loop3A_1986 : vector<16xf32>
        %parallel_loop3A_1988 = arith.addf %parallel_loop3A_1987, %parallel_loop3A_1927 : vector<16xf32>
        %parallel_loop3A_1989 = arith.constant 3 : i32
        %parallel_loop3A_1990 = arith.index_cast %parallel_loop3A_1989 : i32 to index
        %parallel_loop3A_1991 = arith.index_cast %parallel_loop3A_1925 : i32 to index
        %parallel_loop3A_1992 = tpu.vector_load %arg19[%parallel_loop3A_1990, %parallel_loop3A_1991] {strides = array<i32>} : memref<16x1024xf32, #tpu.memory_space<vmem>>, vector<16xf32>,
        tpu.vector_store %arg19[%parallel_loop3A_1990, %parallel_loop3A_1991], %parallel_loop3A_1988 {strides = array<i32>} : memref<16x1024xf32, #tpu.memory_space<vmem>>, vector<16xf32>,
        %parallel_loop3A_1993 = arith.addf %parallel_loop3A_1898, %parallel_loop3A_1988 : vector<16xf32>
        %parallel_loop3A_1994 = arith.mulf %parallel_loop3A_1988, %parallel_loop3A_1988 : vector<16xf32>
        %parallel_loop3A_1995 = arith.addf %parallel_loop3A_1899, %parallel_loop3A_1994 : vector<16xf32>
        %parallel_loop3A_1996 = arith.constant 4 : i32
        %parallel_loop3A_1997 = arith.index_cast %parallel_loop3A_1996 : i32 to index
        %parallel_loop3A_1998 = arith.index_cast %parallel_loop3A_1925 : i32 to index
        %parallel_loop3A_1999 = tpu.vector_load %arg15[%parallel_loop3A_1997, %parallel_loop3A_1998] {strides = array<i32>} : memref<16x1024xf32, #tpu.memory_space<vmem>>, vector<16xf32>,
        %parallel_loop3A_2000 = arith.constant 4 : i32
        %parallel_loop3A_2001 = arith.index_cast %parallel_loop3A_2000 : i32 to index
        %parallel_loop3A_2002 = arith.index_cast %parallel_loop3A_1925 : i32 to index
        %parallel_loop3A_2003 = tpu.vector_load %arg17[%parallel_loop3A_2001, %parallel_loop3A_2002] {strides = array<i32>} : memref<16x1024xf32, #tpu.memory_space<vmem>>, vector<16xf32>,
        %parallel_loop3A_2004 = arith.addf %parallel_loop3A_1999, %parallel_loop3A_2003 : vector<16xf32>
        %parallel_loop3A_2005 = arith.addf %parallel_loop3A_2004, %parallel_loop3A_1927 : vector<16xf32>
        %parallel_loop3A_2006 = arith.constant 4 : i32
        %parallel_loop3A_2007 = arith.index_cast %parallel_loop3A_2006 : i32 to index
        %parallel_loop3A_2008 = arith.index_cast %parallel_loop3A_1925 : i32 to index
        %parallel_loop3A_2009 = tpu.vector_load %arg19[%parallel_loop3A_2007, %parallel_loop3A_2008] {strides = array<i32>} : memref<16x1024xf32, #tpu.memory_space<vmem>>, vector<16xf32>,
        tpu.vector_store %arg19[%parallel_loop3A_2007, %parallel_loop3A_2008], %parallel_loop3A_2005 {strides = array<i32>} : memref<16x1024xf32, #tpu.memory_space<vmem>>, vector<16xf32>,
        %parallel_loop3A_2010 = arith.addf %parallel_loop3A_1900, %parallel_loop3A_2005 : vector<16xf32>
        %parallel_loop3A_2011 = arith.mulf %parallel_loop3A_2005, %parallel_loop3A_2005 : vector<16xf32>
        %parallel_loop3A_2012 = arith.addf %parallel_loop3A_1901, %parallel_loop3A_2011 : vector<16xf32>
        %parallel_loop3A_2013 = arith.constant 5 : i32
        %parallel_loop3A_2014 = arith.index_cast %parallel_loop3A_2013 : i32 to index
        %parallel_loop3A_2015 = arith.index_cast %parallel_loop3A_1925 : i32 to index
        %parallel_loop3A_2016 = tpu.vector_load %arg15[%parallel_loop3A_2014, %parallel_loop3A_2015] {strides = array<i32>} : memref<16x1024xf32, #tpu.memory_space<vmem>>, vector<16xf32>,
        %parallel_loop3A_2017 = arith.constant 5 : i32
        %parallel_loop3A_2018 = arith.index_cast %parallel_loop3A_2017 : i32 to index
        %parallel_loop3A_2019 = arith.index_cast %parallel_loop3A_1925 : i32 to index
        %parallel_loop3A_2020 = tpu.vector_load %arg17[%parallel_loop3A_2018, %parallel_loop3A_2019] {strides = array<i32>} : memref<16x1024xf32, #tpu.memory_space<vmem>>, vector<16xf32>,
        %parallel_loop3A_2021 = arith.addf %parallel_loop3A_2016, %parallel_loop3A_2020 : vector<16xf32>
        %parallel_loop3A_2022 = arith.addf %parallel_loop3A_2021, %parallel_loop3A_1927 : vector<16xf32>
        %parallel_loop3A_2023 = arith.constant 5 : i32
        %parallel_loop3A_2024 = arith.index_cast %parallel_loop3A_2023 : i32 to index
        %parallel_loop3A_2025 = arith.index_cast %parallel_loop3A_1925 : i32 to index
        %parallel_loop3A_2026 = tpu.vector_load %arg19[%parallel_loop3A_2024, %parallel_loop3A_2025] {strides = array<i32>} : memref<16x1024xf32, #tpu.memory_space<vmem>>, vector<16xf32>,
        tpu.vector_store %arg19[%parallel_loop3A_2024, %parallel_loop3A_2025], %parallel_loop3A_2022 {strides = array<i32>} : memref<16x1024xf32, #tpu.memory_space<vmem>>, vector<16xf32>,
        %parallel_loop3A_2027 = arith.addf %parallel_loop3A_1902, %parallel_loop3A_2022 : vector<16xf32>
        %parallel_loop3A_2028 = arith.mulf %parallel_loop3A_2022, %parallel_loop3A_2022 : vector<16xf32>
        %parallel_loop3A_2029 = arith.addf %parallel_loop3A_1903, %parallel_loop3A_2028 : vector<16xf32>
        %parallel_loop3A_2030 = arith.constant 6 : i32
        %parallel_loop3A_2031 = arith.index_cast %parallel_loop3A_2030 : i32 to index
        %parallel_loop3A_2032 = arith.index_cast %parallel_loop3A_1925 : i32 to index
        %parallel_loop3A_2033 = tpu.vector_load %arg15[%parallel_loop3A_2031, %parallel_loop3A_2032] {strides = array<i32>} : memref<16x1024xf32, #tpu.memory_space<vmem>>, vector<16xf32>,
        %parallel_loop3A_2034 = arith.constant 6 : i32
        %parallel_loop3A_2035 = arith.index_cast %parallel_loop3A_2034 : i32 to index
        %parallel_loop3A_2036 = arith.index_cast %parallel_loop3A_1925 : i32 to index
        %parallel_loop3A_2037 = tpu.vector_load %arg17[%parallel_loop3A_2035, %parallel_loop3A_2036] {strides = array<i32>} : memref<16x1024xf32, #tpu.memory_space<vmem>>, vector<16xf32>,
        %parallel_loop3A_2038 = arith.addf %parallel_loop3A_2033, %parallel_loop3A_2037 : vector<16xf32>
        %parallel_loop3A_2039 = arith.addf %parallel_loop3A_2038, %parallel_loop3A_1927 : vector<16xf32>
        %parallel_loop3A_2040 = arith.constant 6 : i32
        %parallel_loop3A_2041 = arith.index_cast %parallel_loop3A_2040 : i32 to index
        %parallel_loop3A_2042 = arith.index_cast %parallel_loop3A_1925 : i32 to index
        %parallel_loop3A_2043 = tpu.vector_load %arg19[%parallel_loop3A_2041, %parallel_loop3A_2042] {strides = array<i32>} : memref<16x1024xf32, #tpu.memory_space<vmem>>, vector<16xf32>,
        tpu.vector_store %arg19[%parallel_loop3A_2041, %parallel_loop3A_2042], %parallel_loop3A_2039 {strides = array<i32>} : memref<16x1024xf32, #tpu.memory_space<vmem>>, vector<16xf32>,
        %parallel_loop3A_2044 = arith.addf %parallel_loop3A_1904, %parallel_loop3A_2039 : vector<16xf32>
        %parallel_loop3A_2045 = arith.mulf %parallel_loop3A_2039, %parallel_loop3A_2039 : vector<16xf32>
        %parallel_loop3A_2046 = arith.addf %parallel_loop3A_1905, %parallel_loop3A_2045 : vector<16xf32>
        %parallel_loop3A_2047 = arith.constant 7 : i32
        %parallel_loop3A_2048 = arith.index_cast %parallel_loop3A_2047 : i32 to index
        %parallel_loop3A_2049 = arith.index_cast %parallel_loop3A_1925 : i32 to index
        %parallel_loop3A_2050 = tpu.vector_load %arg15[%parallel_loop3A_2048, %parallel_loop3A_2049] {strides = array<i32>} : memref<16x1024xf32, #tpu.memory_space<vmem>>, vector<16xf32>,
        %parallel_loop3A_2051 = arith.constant 7 : i32
        %parallel_loop3A_2052 = arith.index_cast %parallel_loop3A_2051 : i32 to index
        %parallel_loop3A_2053 = arith.index_cast %parallel_loop3A_1925 : i32 to index
        %parallel_loop3A_2054 = tpu.vector_load %arg17[%parallel_loop3A_2052, %parallel_loop3A_2053] {strides = array<i32>} : memref<16x1024xf32, #tpu.memory_space<vmem>>, vector<16xf32>,
        %parallel_loop3A_2055 = arith.addf %parallel_loop3A_2050, %parallel_loop3A_2054 : vector<16xf32>
        %parallel_loop3A_2056 = arith.addf %parallel_loop3A_2055, %parallel_loop3A_1927 : vector<16xf32>
        %parallel_loop3A_2057 = arith.constant 7 : i32
        %parallel_loop3A_2058 = arith.index_cast %parallel_loop3A_2057 : i32 to index
        %parallel_loop3A_2059 = arith.index_cast %parallel_loop3A_1925 : i32 to index
        %parallel_loop3A_2060 = tpu.vector_load %arg19[%parallel_loop3A_2058, %parallel_loop3A_2059] {strides = array<i32>} : memref<16x1024xf32, #tpu.memory_space<vmem>>, vector<16xf32>,
        tpu.vector_store %arg19[%parallel_loop3A_2058, %parallel_loop3A_2059], %parallel_loop3A_2056 {strides = array<i32>} : memref<16x1024xf32, #tpu.memory_space<vmem>>, vector<16xf32>,
        %parallel_loop3A_2061 = arith.addf %parallel_loop3A_1906, %parallel_loop3A_2056 : vector<16xf32>
        %parallel_loop3A_2062 = arith.mulf %parallel_loop3A_2056, %parallel_loop3A_2056 : vector<16xf32>
        %parallel_loop3A_2063 = arith.addf %parallel_loop3A_1907, %parallel_loop3A_2062 : vector<16xf32>
        %parallel_loop3A_2064 = arith.constant 8 : i32
        %parallel_loop3A_2065 = arith.index_cast %parallel_loop3A_2064 : i32 to index
        %parallel_loop3A_2066 = arith.index_cast %parallel_loop3A_1925 : i32 to index
        %parallel_loop3A_2067 = tpu.vector_load %arg15[%parallel_loop3A_2065, %parallel_loop3A_2066] {strides = array<i32>} : memref<16x1024xf32, #tpu.memory_space<vmem>>, vector<16xf32>,
        %parallel_loop3A_2068 = arith.constant 8 : i32
        %parallel_loop3A_2069 = arith.index_cast %parallel_loop3A_2068 : i32 to index
        %parallel_loop3A_2070 = arith.index_cast %parallel_loop3A_1925 : i32 to index
        %parallel_loop3A_2071 = tpu.vector_load %arg17[%parallel_loop3A_2069, %parallel_loop3A_2070] {strides = array<i32>} : memref<16x1024xf32, #tpu.memory_space<vmem>>, vector<16xf32>,
        %parallel_loop3A_2072 = arith.addf %parallel_loop3A_2067, %parallel_loop3A_2071 : vector<16xf32>
        %parallel_loop3A_2073 = arith.addf %parallel_loop3A_2072, %parallel_loop3A_1927 : vector<16xf32>
        %parallel_loop3A_2074 = arith.constant 8 : i32
        %parallel_loop3A_2075 = arith.index_cast %parallel_loop3A_2074 : i32 to index
        %parallel_loop3A_2076 = arith.index_cast %parallel_loop3A_1925 : i32 to index
        %parallel_loop3A_2077 = tpu.vector_load %arg19[%parallel_loop3A_2075, %parallel_loop3A_2076] {strides = array<i32>} : memref<16x1024xf32, #tpu.memory_space<vmem>>, vector<16xf32>,
        tpu.vector_store %arg19[%parallel_loop3A_2075, %parallel_loop3A_2076], %parallel_loop3A_2073 {strides = array<i32>} : memref<16x1024xf32, #tpu.memory_space<vmem>>, vector<16xf32>,
        %parallel_loop3A_2078 = arith.addf %parallel_loop3A_1908, %parallel_loop3A_2073 : vector<16xf32>
        %parallel_loop3A_2079 = arith.mulf %parallel_loop3A_2073, %parallel_loop3A_2073 : vector<16xf32>
        %parallel_loop3A_2080 = arith.addf %parallel_loop3A_1909, %parallel_loop3A_2079 : vector<16xf32>
        %parallel_loop3A_2081 = arith.constant 9 : i32
        %parallel_loop3A_2082 = arith.index_cast %parallel_loop3A_2081 : i32 to index
        %parallel_loop3A_2083 = arith.index_cast %parallel_loop3A_1925 : i32 to index
        %parallel_loop3A_2084 = tpu.vector_load %arg15[%parallel_loop3A_2082, %parallel_loop3A_2083] {strides = array<i32>} : memref<16x1024xf32, #tpu.memory_space<vmem>>, vector<16xf32>,
        %parallel_loop3A_2085 = arith.constant 9 : i32
        %parallel_loop3A_2086 = arith.index_cast %parallel_loop3A_2085 : i32 to index
        %parallel_loop3A_2087 = arith.index_cast %parallel_loop3A_1925 : i32 to index
        %parallel_loop3A_2088 = tpu.vector_load %arg17[%parallel_loop3A_2086, %parallel_loop3A_2087] {strides = array<i32>} : memref<16x1024xf32, #tpu.memory_space<vmem>>, vector<16xf32>,
        %parallel_loop3A_2089 = arith.addf %parallel_loop3A_2084, %parallel_loop3A_2088 : vector<16xf32>
        %parallel_loop3A_2090 = arith.addf %parallel_loop3A_2089, %parallel_loop3A_1927 : vector<16xf32>
        %parallel_loop3A_2091 = arith.constant 9 : i32
        %parallel_loop3A_2092 = arith.index_cast %parallel_loop3A_2091 : i32 to index
        %parallel_loop3A_2093 = arith.index_cast %parallel_loop3A_1925 : i32 to index
        %parallel_loop3A_2094 = tpu.vector_load %arg19[%parallel_loop3A_2092, %parallel_loop3A_2093] {strides = array<i32>} : memref<16x1024xf32, #tpu.memory_space<vmem>>, vector<16xf32>,
        tpu.vector_store %arg19[%parallel_loop3A_2092, %parallel_loop3A_2093], %parallel_loop3A_2090 {strides = array<i32>} : memref<16x1024xf32, #tpu.memory_space<vmem>>, vector<16xf32>,
        %parallel_loop3A_2095 = arith.addf %parallel_loop3A_1910, %parallel_loop3A_2090 : vector<16xf32>
        %parallel_loop3A_2096 = arith.mulf %parallel_loop3A_2090, %parallel_loop3A_2090 : vector<16xf32>
        %parallel_loop3A_2097 = arith.addf %parallel_loop3A_1911, %parallel_loop3A_2096 : vector<16xf32>
        %parallel_loop3A_2098 = arith.constant 10 : i32
        %parallel_loop3A_2099 = arith.index_cast %parallel_loop3A_2098 : i32 to index
        %parallel_loop3A_2100 = arith.index_cast %parallel_loop3A_1925 : i32 to index
        %parallel_loop3A_2101 = tpu.vector_load %arg15[%parallel_loop3A_2099, %parallel_loop3A_2100] {strides = array<i32>} : memref<16x1024xf32, #tpu.memory_space<vmem>>, vector<16xf32>,
        %parallel_loop3A_2102 = arith.constant 10 : i32
        %parallel_loop3A_2103 = arith.index_cast %parallel_loop3A_2102 : i32 to index
        %parallel_loop3A_2104 = arith.index_cast %parallel_loop3A_1925 : i32 to index
        %parallel_loop3A_2105 = tpu.vector_load %arg17[%parallel_loop3A_2103, %parallel_loop3A_2104] {strides = array<i32>} : memref<16x1024xf32, #tpu.memory_space<vmem>>, vector<16xf32>,
        %parallel_loop3A_2106 = arith.addf %parallel_loop3A_2101, %parallel_loop3A_2105 : vector<16xf32>
        %parallel_loop3A_2107 = arith.addf %parallel_loop3A_2106, %parallel_loop3A_1927 : vector<16xf32>
        %parallel_loop3A_2108 = arith.constant 10 : i32
        %parallel_loop3A_2109 = arith.index_cast %parallel_loop3A_2108 : i32 to index
        %parallel_loop3A_2110 = arith.index_cast %parallel_loop3A_1925 : i32 to index
        %parallel_loop3A_2111 = tpu.vector_load %arg19[%parallel_loop3A_2109, %parallel_loop3A_2110] {strides = array<i32>} : memref<16x1024xf32, #tpu.memory_space<vmem>>, vector<16xf32>,
        tpu.vector_store %arg19[%parallel_loop3A_2109, %parallel_loop3A_2110], %parallel_loop3A_2107 {strides = array<i32>} : memref<16x1024xf32, #tpu.memory_space<vmem>>, vector<16xf32>,
        %parallel_loop3A_2112 = arith.addf %parallel_loop3A_1912, %parallel_loop3A_2107 : vector<16xf32>
        %parallel_loop3A_2113 = arith.mulf %parallel_loop3A_2107, %parallel_loop3A_2107 : vector<16xf32>
        %parallel_loop3A_2114 = arith.addf %parallel_loop3A_1913, %parallel_loop3A_2113 : vector<16xf32>
        %parallel_loop3A_2115 = arith.constant 11 : i32
        %parallel_loop3A_2116 = arith.index_cast %parallel_loop3A_2115 : i32 to index
        %parallel_loop3A_2117 = arith.index_cast %parallel_loop3A_1925 : i32 to index
        %parallel_loop3A_2118 = tpu.vector_load %arg15[%parallel_loop3A_2116, %parallel_loop3A_2117] {strides = array<i32>} : memref<16x1024xf32, #tpu.memory_space<vmem>>, vector<16xf32>,
        %parallel_loop3A_2119 = arith.constant 11 : i32
        %parallel_loop3A_2120 = arith.index_cast %parallel_loop3A_2119 : i32 to index
        %parallel_loop3A_2121 = arith.index_cast %parallel_loop3A_1925 : i32 to index
        %parallel_loop3A_2122 = tpu.vector_load %arg17[%parallel_loop3A_2120, %parallel_loop3A_2121] {strides = array<i32>} : memref<16x1024xf32, #tpu.memory_space<vmem>>, vector<16xf32>,
        %parallel_loop3A_2123 = arith.addf %parallel_loop3A_2118, %parallel_loop3A_2122 : vector<16xf32>
        %parallel_loop3A_2124 = arith.addf %parallel_loop3A_2123, %parallel_loop3A_1927 : vector<16xf32>
        %parallel_loop3A_2125 = arith.constant 11 : i32
        %parallel_loop3A_2126 = arith.index_cast %parallel_loop3A_2125 : i32 to index
        %parallel_loop3A_2127 = arith.index_cast %parallel_loop3A_1925 : i32 to index
        %parallel_loop3A_2128 = tpu.vector_load %arg19[%parallel_loop3A_2126, %parallel_loop3A_2127] {strides = array<i32>} : memref<16x1024xf32, #tpu.memory_space<vmem>>, vector<16xf32>,
        tpu.vector_store %arg19[%parallel_loop3A_2126, %parallel_loop3A_2127], %parallel_loop3A_2124 {strides = array<i32>} : memref<16x1024xf32, #tpu.memory_space<vmem>>, vector<16xf32>,
        %parallel_loop3A_2129 = arith.addf %parallel_loop3A_1914, %parallel_loop3A_2124 : vector<16xf32>
        %parallel_loop3A_2130 = arith.mulf %parallel_loop3A_2124, %parallel_loop3A_2124 : vector<16xf32>
        %parallel_loop3A_2131 = arith.addf %parallel_loop3A_1915, %parallel_loop3A_2130 : vector<16xf32>
        %parallel_loop3A_2132 = arith.constant 12 : i32
        %parallel_loop3A_2133 = arith.index_cast %parallel_loop3A_2132 : i32 to index
        %parallel_loop3A_2134 = arith.index_cast %parallel_loop3A_1925 : i32 to index
        %parallel_loop3A_2135 = tpu.vector_load %arg15[%parallel_loop3A_2133, %parallel_loop3A_2134] {strides = array<i32>} : memref<16x1024xf32, #tpu.memory_space<vmem>>, vector<16xf32>,
        %parallel_loop3A_2136 = arith.constant 12 : i32
        %parallel_loop3A_2137 = arith.index_cast %parallel_loop3A_2136 : i32 to index
        %parallel_loop3A_2138 = arith.index_cast %parallel_loop3A_1925 : i32 to index
        %parallel_loop3A_2139 = tpu.vector_load %arg17[%parallel_loop3A_2137, %parallel_loop3A_2138] {strides = array<i32>} : memref<16x1024xf32, #tpu.memory_space<vmem>>, vector<16xf32>,
        %parallel_loop3A_2140 = arith.addf %parallel_loop3A_2135, %parallel_loop3A_2139 : vector<16xf32>
        %parallel_loop3A_2141 = arith.addf %parallel_loop3A_2140, %parallel_loop3A_1927 : vector<16xf32>
        %parallel_loop3A_2142 = arith.constant 12 : i32
        %parallel_loop3A_2143 = arith.index_cast %parallel_loop3A_2142 : i32 to index
        %parallel_loop3A_2144 = arith.index_cast %parallel_loop3A_1925 : i32 to index
        %parallel_loop3A_2145 = tpu.vector_load %arg19[%parallel_loop3A_2143, %parallel_loop3A_2144] {strides = array<i32>} : memref<16x1024xf32, #tpu.memory_space<vmem>>, vector<16xf32>,
        tpu.vector_store %arg19[%parallel_loop3A_2143, %parallel_loop3A_2144], %parallel_loop3A_2141 {strides = array<i32>} : memref<16x1024xf32, #tpu.memory_space<vmem>>, vector<16xf32>,
        %parallel_loop3A_2146 = arith.addf %parallel_loop3A_1916, %parallel_loop3A_2141 : vector<16xf32>
        %parallel_loop3A_2147 = arith.mulf %parallel_loop3A_2141, %parallel_loop3A_2141 : vector<16xf32>
        %parallel_loop3A_2148 = arith.addf %parallel_loop3A_1917, %parallel_loop3A_2147 : vector<16xf32>
        %parallel_loop3A_2149 = arith.constant 13 : i32
        %parallel_loop3A_2150 = arith.index_cast %parallel_loop3A_2149 : i32 to index
        %parallel_loop3A_2151 = arith.index_cast %parallel_loop3A_1925 : i32 to index
        %parallel_loop3A_2152 = tpu.vector_load %arg15[%parallel_loop3A_2150, %parallel_loop3A_2151] {strides = array<i32>} : memref<16x1024xf32, #tpu.memory_space<vmem>>, vector<16xf32>,
        %parallel_loop3A_2153 = arith.constant 13 : i32
        %parallel_loop3A_2154 = arith.index_cast %parallel_loop3A_2153 : i32 to index
        %parallel_loop3A_2155 = arith.index_cast %parallel_loop3A_1925 : i32 to index
        %parallel_loop3A_2156 = tpu.vector_load %arg17[%parallel_loop3A_2154, %parallel_loop3A_2155] {strides = array<i32>} : memref<16x1024xf32, #tpu.memory_space<vmem>>, vector<16xf32>,
        %parallel_loop3A_2157 = arith.addf %parallel_loop3A_2152, %parallel_loop3A_2156 : vector<16xf32>
        %parallel_loop3A_2158 = arith.addf %parallel_loop3A_2157, %parallel_loop3A_1927 : vector<16xf32>
        %parallel_loop3A_2159 = arith.constant 13 : i32
        %parallel_loop3A_2160 = arith.index_cast %parallel_loop3A_2159 : i32 to index
        %parallel_loop3A_2161 = arith.index_cast %parallel_loop3A_1925 : i32 to index
        %parallel_loop3A_2162 = tpu.vector_load %arg19[%parallel_loop3A_2160, %parallel_loop3A_2161] {strides = array<i32>} : memref<16x1024xf32, #tpu.memory_space<vmem>>, vector<16xf32>,
        tpu.vector_store %arg19[%parallel_loop3A_2160, %parallel_loop3A_2161], %parallel_loop3A_2158 {strides = array<i32>} : memref<16x1024xf32, #tpu.memory_space<vmem>>, vector<16xf32>,
        %parallel_loop3A_2163 = arith.addf %parallel_loop3A_1918, %parallel_loop3A_2158 : vector<16xf32>
        %parallel_loop3A_2164 = arith.mulf %parallel_loop3A_2158, %parallel_loop3A_2158 : vector<16xf32>
        %parallel_loop3A_2165 = arith.addf %parallel_loop3A_1919, %parallel_loop3A_2164 : vector<16xf32>
        %parallel_loop3A_2166 = arith.constant 14 : i32
        %parallel_loop3A_2167 = arith.index_cast %parallel_loop3A_2166 : i32 to index
        %parallel_loop3A_2168 = arith.index_cast %parallel_loop3A_1925 : i32 to index
        %parallel_loop3A_2169 = tpu.vector_load %arg15[%parallel_loop3A_2167, %parallel_loop3A_2168] {strides = array<i32>} : memref<16x1024xf32, #tpu.memory_space<vmem>>, vector<16xf32>,
        %parallel_loop3A_2170 = arith.constant 14 : i32
        %parallel_loop3A_2171 = arith.index_cast %parallel_loop3A_2170 : i32 to index
        %parallel_loop3A_2172 = arith.index_cast %parallel_loop3A_1925 : i32 to index
        %parallel_loop3A_2173 = tpu.vector_load %arg17[%parallel_loop3A_2171, %parallel_loop3A_2172] {strides = array<i32>} : memref<16x1024xf32, #tpu.memory_space<vmem>>, vector<16xf32>,
        %parallel_loop3A_2174 = arith.addf %parallel_loop3A_2169, %parallel_loop3A_2173 : vector<16xf32>
        %parallel_loop3A_2175 = arith.addf %parallel_loop3A_2174, %parallel_loop3A_1927 : vector<16xf32>
        %parallel_loop3A_2176 = arith.constant 14 : i32
        %parallel_loop3A_2177 = arith.index_cast %parallel_loop3A_2176 : i32 to index
        %parallel_loop3A_2178 = arith.index_cast %parallel_loop3A_1925 : i32 to index
        %parallel_loop3A_2179 = tpu.vector_load %arg19[%parallel_loop3A_2177, %parallel_loop3A_2178] {strides = array<i32>} : memref<16x1024xf32, #tpu.memory_space<vmem>>, vector<16xf32>,
        tpu.vector_store %arg19[%parallel_loop3A_2177, %parallel_loop3A_2178], %parallel_loop3A_2175 {strides = array<i32>} : memref<16x1024xf32, #tpu.memory_space<vmem>>, vector<16xf32>,
        %parallel_loop3A_2180 = arith.addf %parallel_loop3A_1920, %parallel_loop3A_2175 : vector<16xf32>
        %parallel_loop3A_2181 = arith.mulf %parallel_loop3A_2175, %parallel_loop3A_2175 : vector<16xf32>
        %parallel_loop3A_2182 = arith.addf %parallel_loop3A_1921, %parallel_loop3A_2181 : vector<16xf32>
        %parallel_loop3A_2183 = arith.constant 15 : i32
        %parallel_loop3A_2184 = arith.index_cast %parallel_loop3A_2183 : i32 to index
        %parallel_loop3A_2185 = arith.index_cast %parallel_loop3A_1925 : i32 to index
        %parallel_loop3A_2186 = tpu.vector_load %arg15[%parallel_loop3A_2184, %parallel_loop3A_2185] {strides = array<i32>} : memref<16x1024xf32, #tpu.memory_space<vmem>>, vector<16xf32>,
        %parallel_loop3A_2187 = arith.constant 15 : i32
        %parallel_loop3A_2188 = arith.index_cast %parallel_loop3A_2187 : i32 to index
        %parallel_loop3A_2189 = arith.index_cast %parallel_loop3A_1925 : i32 to index
        %parallel_loop3A_2190 = tpu.vector_load %arg17[%parallel_loop3A_2188, %parallel_loop3A_2189] {strides = array<i32>} : memref<16x1024xf32, #tpu.memory_space<vmem>>, vector<16xf32>,
        %parallel_loop3A_2191 = arith.addf %parallel_loop3A_2186, %parallel_loop3A_2190 : vector<16xf32>
        %parallel_loop3A_2192 = arith.addf %parallel_loop3A_2191, %parallel_loop3A_1927 : vector<16xf32>
        %parallel_loop3A_2193 = arith.constant 15 : i32
        %parallel_loop3A_2194 = arith.index_cast %parallel_loop3A_2193 : i32 to index
        %parallel_loop3A_2195 = arith.index_cast %parallel_loop3A_1925 : i32 to index
        %parallel_loop3A_2196 = tpu.vector_load %arg19[%parallel_loop3A_2194, %parallel_loop3A_2195] {strides = array<i32>} : memref<16x1024xf32, #tpu.memory_space<vmem>>, vector<16xf32>,
        tpu.vector_store %arg19[%parallel_loop3A_2194, %parallel_loop3A_2195], %parallel_loop3A_2192 {strides = array<i32>} : memref<16x1024xf32, #tpu.memory_space<vmem>>, vector<16xf32>,
        %parallel_loop3A_2197 = arith.addf %parallel_loop3A_1922, %parallel_loop3A_2192 : vector<16xf32>
        %parallel_loop3A_2198 = arith.mulf %parallel_loop3A_2192, %parallel_loop3A_2192 : vector<16xf32>
        %parallel_loop3A_2199 = arith.addf %parallel_loop3A_1923, %parallel_loop3A_2198 : vector<16xf32>
        scf.yield %parallel_loop3A_1942, %parallel_loop3A_1944, %parallel_loop3A_1959, %parallel_loop3A_1961, %parallel_loop3A_1976, %parallel_loop3A_1978, %parallel_loop3A_1993, %parallel_loop3A_1995, %parallel_loop3A_2010, %parallel_loop3A_2012, %parallel_loop3A_2027, %parallel_loop3A_2029, %parallel_loop3A_2044, %parallel_loop3A_2046, %parallel_loop3A_2061, %parallel_loop3A_2063, %parallel_loop3A_2078, %parallel_loop3A_2080, %parallel_loop3A_2095, %parallel_loop3A_2097, %parallel_loop3A_2112, %parallel_loop3A_2114, %parallel_loop3A_2129, %parallel_loop3A_2131, %parallel_loop3A_2146, %parallel_loop3A_2148, %parallel_loop3A_2163, %parallel_loop3A_2165, %parallel_loop3A_2180, %parallel_loop3A_2182, %parallel_loop3A_2197, %parallel_loop3A_2199 : vector<16xf32>, vector<16xf32>, vector<16xf32>, vector<16xf32>, vector<16xf32>, vector<16xf32>, vector<16xf32>, vector<16xf32>, vector<16xf32>, vector<16xf32>, vector<16xf32>, vector<16xf32>, vector<16xf32>, vector<16xf32>, vector<16xf32>, vector<16xf32>, vector<16xf32>, vector<16xf32>, vector<16xf32>, vector<16xf32>, vector<16xf32>, vector<16xf32>, vector<16xf32>, vector<16xf32>, vector<16xf32>, vector<16xf32>, vector<16xf32>, vector<16xf32>, vector<16xf32>, vector<16xf32>, vector<16xf32>, vector<16xf32>
      } {sc.loop_unroll_factor = 1 : i64, sc.parallel_access}
      %lt3A_1009 = arith.constant 7 : i32
      %lt3A_1010 = arith.cmpi slt, %scan3A_81, %lt3A_1009 : i32
      %convert_element_type3A_1011 = arith.extui %lt3A_1010 : i1 to i32
      %cond3A_1012 = arith.constant 0 : i32
      %cond3A_1013 = arith.cmpi ne, %convert_element_type3A_1011, %cond3A_1012 : i32
      scf.if %cond3A_1013 {
        %add3A_1891 = arith.constant 2 : i32
        %add3A_1892 = arith.addi %add3A_986, %add3A_1891 : i32
        %mul3A_1893 = arith.constant 16 : i32
        %mul3A_1894 = arith.muli %add3A_1892, %mul3A_1893 : i32
        %add3A_1895 = arith.addi %mul3A_32, %mul3A_1894 : i32
        %dma_start3A_1896 = tpu.memref_slice %arg9[%add3A_1895] : memref<2048xi32, #tpu.memory_space<vmem>> -> memref<16xi32, #tpu.memory_space<vmem>>
        %dma_start3A_1897 = arith.constant 0 : i32
        %dma_start3A_1898 = arith.constant 0 : i32
        %dma_start3A_1899 = tpu.memref_slice %arg3[%dma_start3A_1897, %dma_start3A_1898] : memref<100000x1024xf32, #tpu.memory_space<hbm>> -> memref<100000x1024xf32, #tpu.memory_space<hbm>>
        tpu.enqueue_indirect_dma source(%dma_start3A_1899 : memref<100000x1024xf32, #tpu.memory_space<hbm>>) target(%arg15 : memref<16x1024xf32, #tpu.memory_space<vmem>>) offsets(%dma_start3A_1896 : memref<16xi32, #tpu.memory_space<vmem>>) semaphore(%arg21 : memref<!tpu.dma_semaphore, #tpu.memory_space<semaphore_mem>>)
        %dma_start3A_1900 = tpu.memref_slice %arg10[%add3A_1895] : memref<2048xi32, #tpu.memory_space<vmem>> -> memref<16xi32, #tpu.memory_space<vmem>>
        %dma_start3A_1901 = arith.constant 0 : i32
        %dma_start3A_1902 = arith.constant 0 : i32
        %dma_start3A_1903 = tpu.memref_slice %arg4[%dma_start3A_1901, %dma_start3A_1902] : memref<8192x1024xf32, #tpu.memory_space<hbm>> -> memref<8192x1024xf32, #tpu.memory_space<hbm>>
        tpu.enqueue_indirect_dma source(%dma_start3A_1903 : memref<8192x1024xf32, #tpu.memory_space<hbm>>) target(%arg17 : memref<16x1024xf32, #tpu.memory_space<vmem>>) offsets(%dma_start3A_1900 : memref<16xi32, #tpu.memory_space<vmem>>) semaphore(%arg21 : memref<!tpu.dma_semaphore, #tpu.memory_space<semaphore_mem>>)
      } else {
      }
      %reduce_sum3A_1014 = arith.constant true
      %reduce_sum3A_1015 = vector.broadcast %reduce_sum3A_1014 : i1 to vector<16xi1>
      %reduce_sum3A_1016 = tpu.scan <sum>, %parallel_loop3A_1008#0 masked %reduce_sum3A_1015 : vector<16xf32>, vector<16xi1> -> vector<16xf32>
      %reduce_sum3A_1017 = vector.extract %reduce_sum3A_1016[15] : f32 from vector<16xf32>
      %mul3A_1018 = arith.constant 9.765625E-4 : f32
      %mul3A_1019 = arith.mulf %reduce_sum3A_1017, %mul3A_1018 : f32
      %reduce_sum3A_1020 = arith.constant true
      %reduce_sum3A_1021 = vector.broadcast %reduce_sum3A_1020 : i1 to vector<16xi1>
      %reduce_sum3A_1022 = tpu.scan <sum>, %parallel_loop3A_1008#1 masked %reduce_sum3A_1021 : vector<16xf32>, vector<16xi1> -> vector<16xf32>
      %reduce_sum3A_1023 = vector.extract %reduce_sum3A_1022[15] : f32 from vector<16xf32>
      %mul3A_1024 = arith.constant 9.765625E-4 : f32
      %mul3A_1025 = arith.mulf %reduce_sum3A_1023, %mul3A_1024 : f32
      %mul3A_1026 = arith.mulf %mul3A_1019, %mul3A_1019 : f32
      %sub3A_1027 = arith.subf %mul3A_1025, %mul3A_1026 : f32
      %add3A_1028 = arith.constant 9.99999996E-13 : f32
      %add3A_1029 = arith.addf %sub3A_1027, %add3A_1028 : f32
      %broadcast_in_dim3A_1030 = vector.broadcast %add3A_1029 : f32 to vector<16xf32>
      %bitcast_convert_type3A_1031 = tpu.bitcast %broadcast_in_dim3A_1030 : vector<16xf32> -> vector<16xi32>
      %shift_right_arithmetic3A_1032 = arith.constant 1 : i32
      %shift_right_arithmetic3A_1033 = vector.broadcast %shift_right_arithmetic3A_1032 : i32 to vector<16xi32>
      %shift_right_arithmetic3A_1034 = arith.shrsi %bitcast_convert_type3A_1031, %shift_right_arithmetic3A_1033 : vector<16xi32>
      %sub3A_1035 = arith.constant 1597463007 : i32
      %sub3A_1036 = vector.broadcast %sub3A_1035 : i32 to vector<16xi32>
      %sub3A_1037 = arith.subi %sub3A_1036, %shift_right_arithmetic3A_1034 : vector<16xi32>
      %bitcast_convert_type3A_1038 = tpu.bitcast %sub3A_1037 : vector<16xi32> -> vector<16xf32>
      %mul3A_1039 = arith.constant 5.000000e-01 : f32
      %mul3A_1040 = vector.broadcast %mul3A_1039 : f32 to vector<16xf32>
      %mul3A_1041 = arith.mulf %mul3A_1040, %broadcast_in_dim3A_1030 : vector<16xf32>
      %mul3A_1042 = arith.mulf %mul3A_1041, %bitcast_convert_type3A_1038 : vector<16xf32>
      %mul3A_1043 = arith.mulf %mul3A_1042, %bitcast_convert_type3A_1038 : vector<16xf32>
      %sub3A_1044 = arith.constant 1.500000e+00 : f32
      %sub3A_1045 = vector.broadcast %sub3A_1044 : f32 to vector<16xf32>
      %sub3A_1046 = arith.subf %sub3A_1045, %mul3A_1043 : vector<16xf32>
      %mul3A_1047 = arith.mulf %bitcast_convert_type3A_1038, %sub3A_1046 : vector<16xf32>
      %mul3A_1048 = arith.constant 5.000000e-01 : f32
      %mul3A_1049 = vector.broadcast %mul3A_1048 : f32 to vector<16xf32>
      %mul3A_1050 = arith.mulf %mul3A_1049, %broadcast_in_dim3A_1030 : vector<16xf32>
      %mul3A_1051 = arith.mulf %mul3A_1050, %mul3A_1047 : vector<16xf32>
      %mul3A_1052 = arith.mulf %mul3A_1051, %mul3A_1047 : vector<16xf32>
      %sub3A_1053 = arith.constant 1.500000e+00 : f32
      %sub3A_1054 = vector.broadcast %sub3A_1053 : f32 to vector<16xf32>
      %sub3A_1055 = arith.subf %sub3A_1054, %mul3A_1052 : vector<16xf32>
      %mul3A_1056 = arith.mulf %mul3A_1047, %sub3A_1055 : vector<16xf32>
      %mul3A_1057 = arith.constant 5.000000e-01 : f32
      %mul3A_1058 = vector.broadcast %mul3A_1057 : f32 to vector<16xf32>
      %mul3A_1059 = arith.mulf %mul3A_1058, %broadcast_in_dim3A_1030 : vector<16xf32>
      %mul3A_1060 = arith.mulf %mul3A_1059, %mul3A_1056 : vector<16xf32>
      %mul3A_1061 = arith.mulf %mul3A_1060, %mul3A_1056 : vector<16xf32>
      %sub3A_1062 = arith.constant 1.500000e+00 : f32
      %sub3A_1063 = vector.broadcast %sub3A_1062 : f32 to vector<16xf32>
      %sub3A_1064 = arith.subf %sub3A_1063, %mul3A_1061 : vector<16xf32>
      %mul3A_1065 = arith.mulf %mul3A_1056, %sub3A_1064 : vector<16xf32>
      %broadcast_in_dim3A_1066 = vector.broadcast %mul3A_1019 : f32 to vector<16xf32>
      %mul3A_1067 = arith.mulf %broadcast_in_dim3A_1066, %mul3A_1065 : vector<16xf32>
      %reduce_sum3A_1068 = arith.constant true
      %reduce_sum3A_1069 = vector.broadcast %reduce_sum3A_1068 : i1 to vector<16xi1>
      %reduce_sum3A_1070 = tpu.scan <sum>, %parallel_loop3A_1008#2 masked %reduce_sum3A_1069 : vector<16xf32>, vector<16xi1> -> vector<16xf32>
      %reduce_sum3A_1071 = vector.extract %reduce_sum3A_1070[15] : f32 from vector<16xf32>
      %mul3A_1072 = arith.constant 9.765625E-4 : f32
      %mul3A_1073 = arith.mulf %reduce_sum3A_1071, %mul3A_1072 : f32
      %reduce_sum3A_1074 = arith.constant true
      %reduce_sum3A_1075 = vector.broadcast %reduce_sum3A_1074 : i1 to vector<16xi1>
      %reduce_sum3A_1076 = tpu.scan <sum>, %parallel_loop3A_1008#3 masked %reduce_sum3A_1075 : vector<16xf32>, vector<16xi1> -> vector<16xf32>
      %reduce_sum3A_1077 = vector.extract %reduce_sum3A_1076[15] : f32 from vector<16xf32>
      %mul3A_1078 = arith.constant 9.765625E-4 : f32
      %mul3A_1079 = arith.mulf %reduce_sum3A_1077, %mul3A_1078 : f32
      %mul3A_1080 = arith.mulf %mul3A_1073, %mul3A_1073 : f32
      %sub3A_1081 = arith.subf %mul3A_1079, %mul3A_1080 : f32
      %add3A_1082 = arith.constant 9.99999996E-13 : f32
      %add3A_1083 = arith.addf %sub3A_1081, %add3A_1082 : f32
      %broadcast_in_dim3A_1084 = vector.broadcast %add3A_1083 : f32 to vector<16xf32>
      %bitcast_convert_type3A_1085 = tpu.bitcast %broadcast_in_dim3A_1084 : vector<16xf32> -> vector<16xi32>
      %shift_right_arithmetic3A_1086 = arith.constant 1 : i32
      %shift_right_arithmetic3A_1087 = vector.broadcast %shift_right_arithmetic3A_1086 : i32 to vector<16xi32>
      %shift_right_arithmetic3A_1088 = arith.shrsi %bitcast_convert_type3A_1085, %shift_right_arithmetic3A_1087 : vector<16xi32>
      %sub3A_1089 = arith.constant 1597463007 : i32
      %sub3A_1090 = vector.broadcast %sub3A_1089 : i32 to vector<16xi32>
      %sub3A_1091 = arith.subi %sub3A_1090, %shift_right_arithmetic3A_1088 : vector<16xi32>
      %bitcast_convert_type3A_1092 = tpu.bitcast %sub3A_1091 : vector<16xi32> -> vector<16xf32>
      %mul3A_1093 = arith.constant 5.000000e-01 : f32
      %mul3A_1094 = vector.broadcast %mul3A_1093 : f32 to vector<16xf32>
      %mul3A_1095 = arith.mulf %mul3A_1094, %broadcast_in_dim3A_1084 : vector<16xf32>
      %mul3A_1096 = arith.mulf %mul3A_1095, %bitcast_convert_type3A_1092 : vector<16xf32>
      %mul3A_1097 = arith.mulf %mul3A_1096, %bitcast_convert_type3A_1092 : vector<16xf32>
      %sub3A_1098 = arith.constant 1.500000e+00 : f32
      %sub3A_1099 = vector.broadcast %sub3A_1098 : f32 to vector<16xf32>
      %sub3A_1100 = arith.subf %sub3A_1099, %mul3A_1097 : vector<16xf32>
      %mul3A_1101 = arith.mulf %bitcast_convert_type3A_1092, %sub3A_1100 : vector<16xf32>
      %mul3A_1102 = arith.constant 5.000000e-01 : f32
      %mul3A_1103 = vector.broadcast %mul3A_1102 : f32 to vector<16xf32>
      %mul3A_1104 = arith.mulf %mul3A_1103, %broadcast_in_dim3A_1084 : vector<16xf32>
      %mul3A_1105 = arith.mulf %mul3A_1104, %mul3A_1101 : vector<16xf32>
      %mul3A_1106 = arith.mulf %mul3A_1105, %mul3A_1101 : vector<16xf32>
      %sub3A_1107 = arith.constant 1.500000e+00 : f32
      %sub3A_1108 = vector.broadcast %sub3A_1107 : f32 to vector<16xf32>
      %sub3A_1109 = arith.subf %sub3A_1108, %mul3A_1106 : vector<16xf32>
      %mul3A_1110 = arith.mulf %mul3A_1101, %sub3A_1109 : vector<16xf32>
      %mul3A_1111 = arith.constant 5.000000e-01 : f32
      %mul3A_1112 = vector.broadcast %mul3A_1111 : f32 to vector<16xf32>
      %mul3A_1113 = arith.mulf %mul3A_1112, %broadcast_in_dim3A_1084 : vector<16xf32>
      %mul3A_1114 = arith.mulf %mul3A_1113, %mul3A_1110 : vector<16xf32>
      %mul3A_1115 = arith.mulf %mul3A_1114, %mul3A_1110 : vector<16xf32>
      %sub3A_1116 = arith.constant 1.500000e+00 : f32
      %sub3A_1117 = vector.broadcast %sub3A_1116 : f32 to vector<16xf32>
      %sub3A_1118 = arith.subf %sub3A_1117, %mul3A_1115 : vector<16xf32>
      %mul3A_1119 = arith.mulf %mul3A_1110, %sub3A_1118 : vector<16xf32>
      %broadcast_in_dim3A_1120 = vector.broadcast %mul3A_1073 : f32 to vector<16xf32>
      %mul3A_1121 = arith.mulf %broadcast_in_dim3A_1120, %mul3A_1119 : vector<16xf32>
      %reduce_sum3A_1122 = arith.constant true
      %reduce_sum3A_1123 = vector.broadcast %reduce_sum3A_1122 : i1 to vector<16xi1>
      %reduce_sum3A_1124 = tpu.scan <sum>, %parallel_loop3A_1008#4 masked %reduce_sum3A_1123 : vector<16xf32>, vector<16xi1> -> vector<16xf32>
      %reduce_sum3A_1125 = vector.extract %reduce_sum3A_1124[15] : f32 from vector<16xf32>
      %mul3A_1126 = arith.constant 9.765625E-4 : f32
      %mul3A_1127 = arith.mulf %reduce_sum3A_1125, %mul3A_1126 : f32
      %reduce_sum3A_1128 = arith.constant true
      %reduce_sum3A_1129 = vector.broadcast %reduce_sum3A_1128 : i1 to vector<16xi1>
      %reduce_sum3A_1130 = tpu.scan <sum>, %parallel_loop3A_1008#5 masked %reduce_sum3A_1129 : vector<16xf32>, vector<16xi1> -> vector<16xf32>
      %reduce_sum3A_1131 = vector.extract %reduce_sum3A_1130[15] : f32 from vector<16xf32>
      %mul3A_1132 = arith.constant 9.765625E-4 : f32
      %mul3A_1133 = arith.mulf %reduce_sum3A_1131, %mul3A_1132 : f32
      %mul3A_1134 = arith.mulf %mul3A_1127, %mul3A_1127 : f32
      %sub3A_1135 = arith.subf %mul3A_1133, %mul3A_1134 : f32
      %add3A_1136 = arith.constant 9.99999996E-13 : f32
      %add3A_1137 = arith.addf %sub3A_1135, %add3A_1136 : f32
      %broadcast_in_dim3A_1138 = vector.broadcast %add3A_1137 : f32 to vector<16xf32>
      %bitcast_convert_type3A_1139 = tpu.bitcast %broadcast_in_dim3A_1138 : vector<16xf32> -> vector<16xi32>
      %shift_right_arithmetic3A_1140 = arith.constant 1 : i32
      %shift_right_arithmetic3A_1141 = vector.broadcast %shift_right_arithmetic3A_1140 : i32 to vector<16xi32>
      %shift_right_arithmetic3A_1142 = arith.shrsi %bitcast_convert_type3A_1139, %shift_right_arithmetic3A_1141 : vector<16xi32>
      %sub3A_1143 = arith.constant 1597463007 : i32
      %sub3A_1144 = vector.broadcast %sub3A_1143 : i32 to vector<16xi32>
      %sub3A_1145 = arith.subi %sub3A_1144, %shift_right_arithmetic3A_1142 : vector<16xi32>
      %bitcast_convert_type3A_1146 = tpu.bitcast %sub3A_1145 : vector<16xi32> -> vector<16xf32>
      %mul3A_1147 = arith.constant 5.000000e-01 : f32
      %mul3A_1148 = vector.broadcast %mul3A_1147 : f32 to vector<16xf32>
      %mul3A_1149 = arith.mulf %mul3A_1148, %broadcast_in_dim3A_1138 : vector<16xf32>
      %mul3A_1150 = arith.mulf %mul3A_1149, %bitcast_convert_type3A_1146 : vector<16xf32>
      %mul3A_1151 = arith.mulf %mul3A_1150, %bitcast_convert_type3A_1146 : vector<16xf32>
      %sub3A_1152 = arith.constant 1.500000e+00 : f32
      %sub3A_1153 = vector.broadcast %sub3A_1152 : f32 to vector<16xf32>
      %sub3A_1154 = arith.subf %sub3A_1153, %mul3A_1151 : vector<16xf32>
      %mul3A_1155 = arith.mulf %bitcast_convert_type3A_1146, %sub3A_1154 : vector<16xf32>
      %mul3A_1156 = arith.constant 5.000000e-01 : f32
      %mul3A_1157 = vector.broadcast %mul3A_1156 : f32 to vector<16xf32>
      %mul3A_1158 = arith.mulf %mul3A_1157, %broadcast_in_dim3A_1138 : vector<16xf32>
      %mul3A_1159 = arith.mulf %mul3A_1158, %mul3A_1155 : vector<16xf32>
      %mul3A_1160 = arith.mulf %mul3A_1159, %mul3A_1155 : vector<16xf32>
      %sub3A_1161 = arith.constant 1.500000e+00 : f32
      %sub3A_1162 = vector.broadcast %sub3A_1161 : f32 to vector<16xf32>
      %sub3A_1163 = arith.subf %sub3A_1162, %mul3A_1160 : vector<16xf32>
      %mul3A_1164 = arith.mulf %mul3A_1155, %sub3A_1163 : vector<16xf32>
      %mul3A_1165 = arith.constant 5.000000e-01 : f32
      %mul3A_1166 = vector.broadcast %mul3A_1165 : f32 to vector<16xf32>
      %mul3A_1167 = arith.mulf %mul3A_1166, %broadcast_in_dim3A_1138 : vector<16xf32>
      %mul3A_1168 = arith.mulf %mul3A_1167, %mul3A_1164 : vector<16xf32>
      %mul3A_1169 = arith.mulf %mul3A_1168, %mul3A_1164 : vector<16xf32>
      %sub3A_1170 = arith.constant 1.500000e+00 : f32
      %sub3A_1171 = vector.broadcast %sub3A_1170 : f32 to vector<16xf32>
      %sub3A_1172 = arith.subf %sub3A_1171, %mul3A_1169 : vector<16xf32>
      %mul3A_1173 = arith.mulf %mul3A_1164, %sub3A_1172 : vector<16xf32>
      %broadcast_in_dim3A_1174 = vector.broadcast %mul3A_1127 : f32 to vector<16xf32>
      %mul3A_1175 = arith.mulf %broadcast_in_dim3A_1174, %mul3A_1173 : vector<16xf32>
      %reduce_sum3A_1176 = arith.constant true
      %reduce_sum3A_1177 = vector.broadcast %reduce_sum3A_1176 : i1 to vector<16xi1>
      %reduce_sum3A_1178 = tpu.scan <sum>, %parallel_loop3A_1008#6 masked %reduce_sum3A_1177 : vector<16xf32>, vector<16xi1> -> vector<16xf32>
      %reduce_sum3A_1179 = vector.extract %reduce_sum3A_1178[15] : f32 from vector<16xf32>
      %mul3A_1180 = arith.constant 9.765625E-4 : f32
      %mul3A_1181 = arith.mulf %reduce_sum3A_1179, %mul3A_1180 : f32
      %reduce_sum3A_1182 = arith.constant true
      %reduce_sum3A_1183 = vector.broadcast %reduce_sum3A_1182 : i1 to vector<16xi1>
      %reduce_sum3A_1184 = tpu.scan <sum>, %parallel_loop3A_1008#7 masked %reduce_sum3A_1183 : vector<16xf32>, vector<16xi1> -> vector<16xf32>
      %reduce_sum3A_1185 = vector.extract %reduce_sum3A_1184[15] : f32 from vector<16xf32>
      %mul3A_1186 = arith.constant 9.765625E-4 : f32
      %mul3A_1187 = arith.mulf %reduce_sum3A_1185, %mul3A_1186 : f32
      %mul3A_1188 = arith.mulf %mul3A_1181, %mul3A_1181 : f32
      %sub3A_1189 = arith.subf %mul3A_1187, %mul3A_1188 : f32
      %add3A_1190 = arith.constant 9.99999996E-13 : f32
      %add3A_1191 = arith.addf %sub3A_1189, %add3A_1190 : f32
      %broadcast_in_dim3A_1192 = vector.broadcast %add3A_1191 : f32 to vector<16xf32>
      %bitcast_convert_type3A_1193 = tpu.bitcast %broadcast_in_dim3A_1192 : vector<16xf32> -> vector<16xi32>
      %shift_right_arithmetic3A_1194 = arith.constant 1 : i32
      %shift_right_arithmetic3A_1195 = vector.broadcast %shift_right_arithmetic3A_1194 : i32 to vector<16xi32>
      %shift_right_arithmetic3A_1196 = arith.shrsi %bitcast_convert_type3A_1193, %shift_right_arithmetic3A_1195 : vector<16xi32>
      %sub3A_1197 = arith.constant 1597463007 : i32
      %sub3A_1198 = vector.broadcast %sub3A_1197 : i32 to vector<16xi32>
      %sub3A_1199 = arith.subi %sub3A_1198, %shift_right_arithmetic3A_1196 : vector<16xi32>
      %bitcast_convert_type3A_1200 = tpu.bitcast %sub3A_1199 : vector<16xi32> -> vector<16xf32>
      %mul3A_1201 = arith.constant 5.000000e-01 : f32
      %mul3A_1202 = vector.broadcast %mul3A_1201 : f32 to vector<16xf32>
      %mul3A_1203 = arith.mulf %mul3A_1202, %broadcast_in_dim3A_1192 : vector<16xf32>
      %mul3A_1204 = arith.mulf %mul3A_1203, %bitcast_convert_type3A_1200 : vector<16xf32>
      %mul3A_1205 = arith.mulf %mul3A_1204, %bitcast_convert_type3A_1200 : vector<16xf32>
      %sub3A_1206 = arith.constant 1.500000e+00 : f32
      %sub3A_1207 = vector.broadcast %sub3A_1206 : f32 to vector<16xf32>
      %sub3A_1208 = arith.subf %sub3A_1207, %mul3A_1205 : vector<16xf32>
      %mul3A_1209 = arith.mulf %bitcast_convert_type3A_1200, %sub3A_1208 : vector<16xf32>
      %mul3A_1210 = arith.constant 5.000000e-01 : f32
      %mul3A_1211 = vector.broadcast %mul3A_1210 : f32 to vector<16xf32>
      %mul3A_1212 = arith.mulf %mul3A_1211, %broadcast_in_dim3A_1192 : vector<16xf32>
      %mul3A_1213 = arith.mulf %mul3A_1212, %mul3A_1209 : vector<16xf32>
      %mul3A_1214 = arith.mulf %mul3A_1213, %mul3A_1209 : vector<16xf32>
      %sub3A_1215 = arith.constant 1.500000e+00 : f32
      %sub3A_1216 = vector.broadcast %sub3A_1215 : f32 to vector<16xf32>
      %sub3A_1217 = arith.subf %sub3A_1216, %mul3A_1214 : vector<16xf32>
      %mul3A_1218 = arith.mulf %mul3A_1209, %sub3A_1217 : vector<16xf32>
      %mul3A_1219 = arith.constant 5.000000e-01 : f32
      %mul3A_1220 = vector.broadcast %mul3A_1219 : f32 to vector<16xf32>
      %mul3A_1221 = arith.mulf %mul3A_1220, %broadcast_in_dim3A_1192 : vector<16xf32>
      %mul3A_1222 = arith.mulf %mul3A_1221, %mul3A_1218 : vector<16xf32>
      %mul3A_1223 = arith.mulf %mul3A_1222, %mul3A_1218 : vector<16xf32>
      %sub3A_1224 = arith.constant 1.500000e+00 : f32
      %sub3A_1225 = vector.broadcast %sub3A_1224 : f32 to vector<16xf32>
      %sub3A_1226 = arith.subf %sub3A_1225, %mul3A_1223 : vector<16xf32>
      %mul3A_1227 = arith.mulf %mul3A_1218, %sub3A_1226 : vector<16xf32>
      %broadcast_in_dim3A_1228 = vector.broadcast %mul3A_1181 : f32 to vector<16xf32>
      %mul3A_1229 = arith.mulf %broadcast_in_dim3A_1228, %mul3A_1227 : vector<16xf32>
      %reduce_sum3A_1230 = arith.constant true
      %reduce_sum3A_1231 = vector.broadcast %reduce_sum3A_1230 : i1 to vector<16xi1>
      %reduce_sum3A_1232 = tpu.scan <sum>, %parallel_loop3A_1008#8 masked %reduce_sum3A_1231 : vector<16xf32>, vector<16xi1> -> vector<16xf32>
      %reduce_sum3A_1233 = vector.extract %reduce_sum3A_1232[15] : f32 from vector<16xf32>
      %mul3A_1234 = arith.constant 9.765625E-4 : f32
      %mul3A_1235 = arith.mulf %reduce_sum3A_1233, %mul3A_1234 : f32
      %reduce_sum3A_1236 = arith.constant true
      %reduce_sum3A_1237 = vector.broadcast %reduce_sum3A_1236 : i1 to vector<16xi1>
      %reduce_sum3A_1238 = tpu.scan <sum>, %parallel_loop3A_1008#9 masked %reduce_sum3A_1237 : vector<16xf32>, vector<16xi1> -> vector<16xf32>
      %reduce_sum3A_1239 = vector.extract %reduce_sum3A_1238[15] : f32 from vector<16xf32>
      %mul3A_1240 = arith.constant 9.765625E-4 : f32
      %mul3A_1241 = arith.mulf %reduce_sum3A_1239, %mul3A_1240 : f32
      %mul3A_1242 = arith.mulf %mul3A_1235, %mul3A_1235 : f32
      %sub3A_1243 = arith.subf %mul3A_1241, %mul3A_1242 : f32
      %add3A_1244 = arith.constant 9.99999996E-13 : f32
      %add3A_1245 = arith.addf %sub3A_1243, %add3A_1244 : f32
      %broadcast_in_dim3A_1246 = vector.broadcast %add3A_1245 : f32 to vector<16xf32>
      %bitcast_convert_type3A_1247 = tpu.bitcast %broadcast_in_dim3A_1246 : vector<16xf32> -> vector<16xi32>
      %shift_right_arithmetic3A_1248 = arith.constant 1 : i32
      %shift_right_arithmetic3A_1249 = vector.broadcast %shift_right_arithmetic3A_1248 : i32 to vector<16xi32>
      %shift_right_arithmetic3A_1250 = arith.shrsi %bitcast_convert_type3A_1247, %shift_right_arithmetic3A_1249 : vector<16xi32>
      %sub3A_1251 = arith.constant 1597463007 : i32
      %sub3A_1252 = vector.broadcast %sub3A_1251 : i32 to vector<16xi32>
      %sub3A_1253 = arith.subi %sub3A_1252, %shift_right_arithmetic3A_1250 : vector<16xi32>
      %bitcast_convert_type3A_1254 = tpu.bitcast %sub3A_1253 : vector<16xi32> -> vector<16xf32>
      %mul3A_1255 = arith.constant 5.000000e-01 : f32
      %mul3A_1256 = vector.broadcast %mul3A_1255 : f32 to vector<16xf32>
      %mul3A_1257 = arith.mulf %mul3A_1256, %broadcast_in_dim3A_1246 : vector<16xf32>
      %mul3A_1258 = arith.mulf %mul3A_1257, %bitcast_convert_type3A_1254 : vector<16xf32>
      %mul3A_1259 = arith.mulf %mul3A_1258, %bitcast_convert_type3A_1254 : vector<16xf32>
      %sub3A_1260 = arith.constant 1.500000e+00 : f32
      %sub3A_1261 = vector.broadcast %sub3A_1260 : f32 to vector<16xf32>
      %sub3A_1262 = arith.subf %sub3A_1261, %mul3A_1259 : vector<16xf32>
      %mul3A_1263 = arith.mulf %bitcast_convert_type3A_1254, %sub3A_1262 : vector<16xf32>
      %mul3A_1264 = arith.constant 5.000000e-01 : f32
      %mul3A_1265 = vector.broadcast %mul3A_1264 : f32 to vector<16xf32>
      %mul3A_1266 = arith.mulf %mul3A_1265, %broadcast_in_dim3A_1246 : vector<16xf32>
      %mul3A_1267 = arith.mulf %mul3A_1266, %mul3A_1263 : vector<16xf32>
      %mul3A_1268 = arith.mulf %mul3A_1267, %mul3A_1263 : vector<16xf32>
      %sub3A_1269 = arith.constant 1.500000e+00 : f32
      %sub3A_1270 = vector.broadcast %sub3A_1269 : f32 to vector<16xf32>
      %sub3A_1271 = arith.subf %sub3A_1270, %mul3A_1268 : vector<16xf32>
      %mul3A_1272 = arith.mulf %mul3A_1263, %sub3A_1271 : vector<16xf32>
      %mul3A_1273 = arith.constant 5.000000e-01 : f32
      %mul3A_1274 = vector.broadcast %mul3A_1273 : f32 to vector<16xf32>
      %mul3A_1275 = arith.mulf %mul3A_1274, %broadcast_in_dim3A_1246 : vector<16xf32>
      %mul3A_1276 = arith.mulf %mul3A_1275, %mul3A_1272 : vector<16xf32>
      %mul3A_1277 = arith.mulf %mul3A_1276, %mul3A_1272 : vector<16xf32>
      %sub3A_1278 = arith.constant 1.500000e+00 : f32
      %sub3A_1279 = vector.broadcast %sub3A_1278 : f32 to vector<16xf32>
      %sub3A_1280 = arith.subf %sub3A_1279, %mul3A_1277 : vector<16xf32>
      %mul3A_1281 = arith.mulf %mul3A_1272, %sub3A_1280 : vector<16xf32>
      %broadcast_in_dim3A_1282 = vector.broadcast %mul3A_1235 : f32 to vector<16xf32>
      %mul3A_1283 = arith.mulf %broadcast_in_dim3A_1282, %mul3A_1281 : vector<16xf32>
      %reduce_sum3A_1284 = arith.constant true
      %reduce_sum3A_1285 = vector.broadcast %reduce_sum3A_1284 : i1 to vector<16xi1>
      %reduce_sum3A_1286 = tpu.scan <sum>, %parallel_loop3A_1008#10 masked %reduce_sum3A_1285 : vector<16xf32>, vector<16xi1> -> vector<16xf32>
      %reduce_sum3A_1287 = vector.extract %reduce_sum3A_1286[15] : f32 from vector<16xf32>
      %mul3A_1288 = arith.constant 9.765625E-4 : f32
      %mul3A_1289 = arith.mulf %reduce_sum3A_1287, %mul3A_1288 : f32
      %reduce_sum3A_1290 = arith.constant true
      %reduce_sum3A_1291 = vector.broadcast %reduce_sum3A_1290 : i1 to vector<16xi1>
      %reduce_sum3A_1292 = tpu.scan <sum>, %parallel_loop3A_1008#11 masked %reduce_sum3A_1291 : vector<16xf32>, vector<16xi1> -> vector<16xf32>
      %reduce_sum3A_1293 = vector.extract %reduce_sum3A_1292[15] : f32 from vector<16xf32>
      %mul3A_1294 = arith.constant 9.765625E-4 : f32
      %mul3A_1295 = arith.mulf %reduce_sum3A_1293, %mul3A_1294 : f32
      %mul3A_1296 = arith.mulf %mul3A_1289, %mul3A_1289 : f32
      %sub3A_1297 = arith.subf %mul3A_1295, %mul3A_1296 : f32
      %add3A_1298 = arith.constant 9.99999996E-13 : f32
      %add3A_1299 = arith.addf %sub3A_1297, %add3A_1298 : f32
      %broadcast_in_dim3A_1300 = vector.broadcast %add3A_1299 : f32 to vector<16xf32>
      %bitcast_convert_type3A_1301 = tpu.bitcast %broadcast_in_dim3A_1300 : vector<16xf32> -> vector<16xi32>
      %shift_right_arithmetic3A_1302 = arith.constant 1 : i32
      %shift_right_arithmetic3A_1303 = vector.broadcast %shift_right_arithmetic3A_1302 : i32 to vector<16xi32>
      %shift_right_arithmetic3A_1304 = arith.shrsi %bitcast_convert_type3A_1301, %shift_right_arithmetic3A_1303 : vector<16xi32>
      %sub3A_1305 = arith.constant 1597463007 : i32
      %sub3A_1306 = vector.broadcast %sub3A_1305 : i32 to vector<16xi32>
      %sub3A_1307 = arith.subi %sub3A_1306, %shift_right_arithmetic3A_1304 : vector<16xi32>
      %bitcast_convert_type3A_1308 = tpu.bitcast %sub3A_1307 : vector<16xi32> -> vector<16xf32>
      %mul3A_1309 = arith.constant 5.000000e-01 : f32
      %mul3A_1310 = vector.broadcast %mul3A_1309 : f32 to vector<16xf32>
      %mul3A_1311 = arith.mulf %mul3A_1310, %broadcast_in_dim3A_1300 : vector<16xf32>
      %mul3A_1312 = arith.mulf %mul3A_1311, %bitcast_convert_type3A_1308 : vector<16xf32>
      %mul3A_1313 = arith.mulf %mul3A_1312, %bitcast_convert_type3A_1308 : vector<16xf32>
      %sub3A_1314 = arith.constant 1.500000e+00 : f32
      %sub3A_1315 = vector.broadcast %sub3A_1314 : f32 to vector<16xf32>
      %sub3A_1316 = arith.subf %sub3A_1315, %mul3A_1313 : vector<16xf32>
      %mul3A_1317 = arith.mulf %bitcast_convert_type3A_1308, %sub3A_1316 : vector<16xf32>
      %mul3A_1318 = arith.constant 5.000000e-01 : f32
      %mul3A_1319 = vector.broadcast %mul3A_1318 : f32 to vector<16xf32>
      %mul3A_1320 = arith.mulf %mul3A_1319, %broadcast_in_dim3A_1300 : vector<16xf32>
      %mul3A_1321 = arith.mulf %mul3A_1320, %mul3A_1317 : vector<16xf32>
      %mul3A_1322 = arith.mulf %mul3A_1321, %mul3A_1317 : vector<16xf32>
      %sub3A_1323 = arith.constant 1.500000e+00 : f32
      %sub3A_1324 = vector.broadcast %sub3A_1323 : f32 to vector<16xf32>
      %sub3A_1325 = arith.subf %sub3A_1324, %mul3A_1322 : vector<16xf32>
      %mul3A_1326 = arith.mulf %mul3A_1317, %sub3A_1325 : vector<16xf32>
      %mul3A_1327 = arith.constant 5.000000e-01 : f32
      %mul3A_1328 = vector.broadcast %mul3A_1327 : f32 to vector<16xf32>
      %mul3A_1329 = arith.mulf %mul3A_1328, %broadcast_in_dim3A_1300 : vector<16xf32>
      %mul3A_1330 = arith.mulf %mul3A_1329, %mul3A_1326 : vector<16xf32>
      %mul3A_1331 = arith.mulf %mul3A_1330, %mul3A_1326 : vector<16xf32>
      %sub3A_1332 = arith.constant 1.500000e+00 : f32
      %sub3A_1333 = vector.broadcast %sub3A_1332 : f32 to vector<16xf32>
      %sub3A_1334 = arith.subf %sub3A_1333, %mul3A_1331 : vector<16xf32>
      %mul3A_1335 = arith.mulf %mul3A_1326, %sub3A_1334 : vector<16xf32>
      %broadcast_in_dim3A_1336 = vector.broadcast %mul3A_1289 : f32 to vector<16xf32>
      %mul3A_1337 = arith.mulf %broadcast_in_dim3A_1336, %mul3A_1335 : vector<16xf32>
      %reduce_sum3A_1338 = arith.constant true
      %reduce_sum3A_1339 = vector.broadcast %reduce_sum3A_1338 : i1 to vector<16xi1>
      %reduce_sum3A_1340 = tpu.scan <sum>, %parallel_loop3A_1008#12 masked %reduce_sum3A_1339 : vector<16xf32>, vector<16xi1> -> vector<16xf32>
      %reduce_sum3A_1341 = vector.extract %reduce_sum3A_1340[15] : f32 from vector<16xf32>
      %mul3A_1342 = arith.constant 9.765625E-4 : f32
      %mul3A_1343 = arith.mulf %reduce_sum3A_1341, %mul3A_1342 : f32
      %reduce_sum3A_1344 = arith.constant true
      %reduce_sum3A_1345 = vector.broadcast %reduce_sum3A_1344 : i1 to vector<16xi1>
      %reduce_sum3A_1346 = tpu.scan <sum>, %parallel_loop3A_1008#13 masked %reduce_sum3A_1345 : vector<16xf32>, vector<16xi1> -> vector<16xf32>
      %reduce_sum3A_1347 = vector.extract %reduce_sum3A_1346[15] : f32 from vector<16xf32>
      %mul3A_1348 = arith.constant 9.765625E-4 : f32
      %mul3A_1349 = arith.mulf %reduce_sum3A_1347, %mul3A_1348 : f32
      %mul3A_1350 = arith.mulf %mul3A_1343, %mul3A_1343 : f32
      %sub3A_1351 = arith.subf %mul3A_1349, %mul3A_1350 : f32
      %add3A_1352 = arith.constant 9.99999996E-13 : f32
      %add3A_1353 = arith.addf %sub3A_1351, %add3A_1352 : f32
      %broadcast_in_dim3A_1354 = vector.broadcast %add3A_1353 : f32 to vector<16xf32>
      %bitcast_convert_type3A_1355 = tpu.bitcast %broadcast_in_dim3A_1354 : vector<16xf32> -> vector<16xi32>
      %shift_right_arithmetic3A_1356 = arith.constant 1 : i32
      %shift_right_arithmetic3A_1357 = vector.broadcast %shift_right_arithmetic3A_1356 : i32 to vector<16xi32>
      %shift_right_arithmetic3A_1358 = arith.shrsi %bitcast_convert_type3A_1355, %shift_right_arithmetic3A_1357 : vector<16xi32>
      %sub3A_1359 = arith.constant 1597463007 : i32
      %sub3A_1360 = vector.broadcast %sub3A_1359 : i32 to vector<16xi32>
      %sub3A_1361 = arith.subi %sub3A_1360, %shift_right_arithmetic3A_1358 : vector<16xi32>
      %bitcast_convert_type3A_1362 = tpu.bitcast %sub3A_1361 : vector<16xi32> -> vector<16xf32>
      %mul3A_1363 = arith.constant 5.000000e-01 : f32
      %mul3A_1364 = vector.broadcast %mul3A_1363 : f32 to vector<16xf32>
      %mul3A_1365 = arith.mulf %mul3A_1364, %broadcast_in_dim3A_1354 : vector<16xf32>
      %mul3A_1366 = arith.mulf %mul3A_1365, %bitcast_convert_type3A_1362 : vector<16xf32>
      %mul3A_1367 = arith.mulf %mul3A_1366, %bitcast_convert_type3A_1362 : vector<16xf32>
      %sub3A_1368 = arith.constant 1.500000e+00 : f32
      %sub3A_1369 = vector.broadcast %sub3A_1368 : f32 to vector<16xf32>
      %sub3A_1370 = arith.subf %sub3A_1369, %mul3A_1367 : vector<16xf32>
      %mul3A_1371 = arith.mulf %bitcast_convert_type3A_1362, %sub3A_1370 : vector<16xf32>
      %mul3A_1372 = arith.constant 5.000000e-01 : f32
      %mul3A_1373 = vector.broadcast %mul3A_1372 : f32 to vector<16xf32>
      %mul3A_1374 = arith.mulf %mul3A_1373, %broadcast_in_dim3A_1354 : vector<16xf32>
      %mul3A_1375 = arith.mulf %mul3A_1374, %mul3A_1371 : vector<16xf32>
      %mul3A_1376 = arith.mulf %mul3A_1375, %mul3A_1371 : vector<16xf32>
      %sub3A_1377 = arith.constant 1.500000e+00 : f32
      %sub3A_1378 = vector.broadcast %sub3A_1377 : f32 to vector<16xf32>
      %sub3A_1379 = arith.subf %sub3A_1378, %mul3A_1376 : vector<16xf32>
      %mul3A_1380 = arith.mulf %mul3A_1371, %sub3A_1379 : vector<16xf32>
      %mul3A_1381 = arith.constant 5.000000e-01 : f32
      %mul3A_1382 = vector.broadcast %mul3A_1381 : f32 to vector<16xf32>
      %mul3A_1383 = arith.mulf %mul3A_1382, %broadcast_in_dim3A_1354 : vector<16xf32>
      %mul3A_1384 = arith.mulf %mul3A_1383, %mul3A_1380 : vector<16xf32>
      %mul3A_1385 = arith.mulf %mul3A_1384, %mul3A_1380 : vector<16xf32>
      %sub3A_1386 = arith.constant 1.500000e+00 : f32
      %sub3A_1387 = vector.broadcast %sub3A_1386 : f32 to vector<16xf32>
      %sub3A_1388 = arith.subf %sub3A_1387, %mul3A_1385 : vector<16xf32>
      %mul3A_1389 = arith.mulf %mul3A_1380, %sub3A_1388 : vector<16xf32>
      %broadcast_in_dim3A_1390 = vector.broadcast %mul3A_1343 : f32 to vector<16xf32>
      %mul3A_1391 = arith.mulf %broadcast_in_dim3A_1390, %mul3A_1389 : vector<16xf32>
      %reduce_sum3A_1392 = arith.constant true
      %reduce_sum3A_1393 = vector.broadcast %reduce_sum3A_1392 : i1 to vector<16xi1>
      %reduce_sum3A_1394 = tpu.scan <sum>, %parallel_loop3A_1008#14 masked %reduce_sum3A_1393 : vector<16xf32>, vector<16xi1> -> vector<16xf32>
      %reduce_sum3A_1395 = vector.extract %reduce_sum3A_1394[15] : f32 from vector<16xf32>
      %mul3A_1396 = arith.constant 9.765625E-4 : f32
      %mul3A_1397 = arith.mulf %reduce_sum3A_1395, %mul3A_1396 : f32
      %reduce_sum3A_1398 = arith.constant true
      %reduce_sum3A_1399 = vector.broadcast %reduce_sum3A_1398 : i1 to vector<16xi1>
      %reduce_sum3A_1400 = tpu.scan <sum>, %parallel_loop3A_1008#15 masked %reduce_sum3A_1399 : vector<16xf32>, vector<16xi1> -> vector<16xf32>
      %reduce_sum3A_1401 = vector.extract %reduce_sum3A_1400[15] : f32 from vector<16xf32>
      %mul3A_1402 = arith.constant 9.765625E-4 : f32
      %mul3A_1403 = arith.mulf %reduce_sum3A_1401, %mul3A_1402 : f32
      %mul3A_1404 = arith.mulf %mul3A_1397, %mul3A_1397 : f32
      %sub3A_1405 = arith.subf %mul3A_1403, %mul3A_1404 : f32
      %add3A_1406 = arith.constant 9.99999996E-13 : f32
      %add3A_1407 = arith.addf %sub3A_1405, %add3A_1406 : f32
      %broadcast_in_dim3A_1408 = vector.broadcast %add3A_1407 : f32 to vector<16xf32>
      %bitcast_convert_type3A_1409 = tpu.bitcast %broadcast_in_dim3A_1408 : vector<16xf32> -> vector<16xi32>
      %shift_right_arithmetic3A_1410 = arith.constant 1 : i32
      %shift_right_arithmetic3A_1411 = vector.broadcast %shift_right_arithmetic3A_1410 : i32 to vector<16xi32>
      %shift_right_arithmetic3A_1412 = arith.shrsi %bitcast_convert_type3A_1409, %shift_right_arithmetic3A_1411 : vector<16xi32>
      %sub3A_1413 = arith.constant 1597463007 : i32
      %sub3A_1414 = vector.broadcast %sub3A_1413 : i32 to vector<16xi32>
      %sub3A_1415 = arith.subi %sub3A_1414, %shift_right_arithmetic3A_1412 : vector<16xi32>
      %bitcast_convert_type3A_1416 = tpu.bitcast %sub3A_1415 : vector<16xi32> -> vector<16xf32>
      %mul3A_1417 = arith.constant 5.000000e-01 : f32
      %mul3A_1418 = vector.broadcast %mul3A_1417 : f32 to vector<16xf32>
      %mul3A_1419 = arith.mulf %mul3A_1418, %broadcast_in_dim3A_1408 : vector<16xf32>
      %mul3A_1420 = arith.mulf %mul3A_1419, %bitcast_convert_type3A_1416 : vector<16xf32>
      %mul3A_1421 = arith.mulf %mul3A_1420, %bitcast_convert_type3A_1416 : vector<16xf32>
      %sub3A_1422 = arith.constant 1.500000e+00 : f32
      %sub3A_1423 = vector.broadcast %sub3A_1422 : f32 to vector<16xf32>
      %sub3A_1424 = arith.subf %sub3A_1423, %mul3A_1421 : vector<16xf32>
      %mul3A_1425 = arith.mulf %bitcast_convert_type3A_1416, %sub3A_1424 : vector<16xf32>
      %mul3A_1426 = arith.constant 5.000000e-01 : f32
      %mul3A_1427 = vector.broadcast %mul3A_1426 : f32 to vector<16xf32>
      %mul3A_1428 = arith.mulf %mul3A_1427, %broadcast_in_dim3A_1408 : vector<16xf32>
      %mul3A_1429 = arith.mulf %mul3A_1428, %mul3A_1425 : vector<16xf32>
      %mul3A_1430 = arith.mulf %mul3A_1429, %mul3A_1425 : vector<16xf32>
      %sub3A_1431 = arith.constant 1.500000e+00 : f32
      %sub3A_1432 = vector.broadcast %sub3A_1431 : f32 to vector<16xf32>
      %sub3A_1433 = arith.subf %sub3A_1432, %mul3A_1430 : vector<16xf32>
      %mul3A_1434 = arith.mulf %mul3A_1425, %sub3A_1433 : vector<16xf32>
      %mul3A_1435 = arith.constant 5.000000e-01 : f32
      %mul3A_1436 = vector.broadcast %mul3A_1435 : f32 to vector<16xf32>
      %mul3A_1437 = arith.mulf %mul3A_1436, %broadcast_in_dim3A_1408 : vector<16xf32>
      %mul3A_1438 = arith.mulf %mul3A_1437, %mul3A_1434 : vector<16xf32>
      %mul3A_1439 = arith.mulf %mul3A_1438, %mul3A_1434 : vector<16xf32>
      %sub3A_1440 = arith.constant 1.500000e+00 : f32
      %sub3A_1441 = vector.broadcast %sub3A_1440 : f32 to vector<16xf32>
      %sub3A_1442 = arith.subf %sub3A_1441, %mul3A_1439 : vector<16xf32>
      %mul3A_1443 = arith.mulf %mul3A_1434, %sub3A_1442 : vector<16xf32>
      %broadcast_in_dim3A_1444 = vector.broadcast %mul3A_1397 : f32 to vector<16xf32>
      %mul3A_1445 = arith.mulf %broadcast_in_dim3A_1444, %mul3A_1443 : vector<16xf32>
      %reduce_sum3A_1446 = arith.constant true
      %reduce_sum3A_1447 = vector.broadcast %reduce_sum3A_1446 : i1 to vector<16xi1>
      %reduce_sum3A_1448 = tpu.scan <sum>, %parallel_loop3A_1008#16 masked %reduce_sum3A_1447 : vector<16xf32>, vector<16xi1> -> vector<16xf32>
      %reduce_sum3A_1449 = vector.extract %reduce_sum3A_1448[15] : f32 from vector<16xf32>
      %mul3A_1450 = arith.constant 9.765625E-4 : f32
      %mul3A_1451 = arith.mulf %reduce_sum3A_1449, %mul3A_1450 : f32
      %reduce_sum3A_1452 = arith.constant true
      %reduce_sum3A_1453 = vector.broadcast %reduce_sum3A_1452 : i1 to vector<16xi1>
      %reduce_sum3A_1454 = tpu.scan <sum>, %parallel_loop3A_1008#17 masked %reduce_sum3A_1453 : vector<16xf32>, vector<16xi1> -> vector<16xf32>
      %reduce_sum3A_1455 = vector.extract %reduce_sum3A_1454[15] : f32 from vector<16xf32>
      %mul3A_1456 = arith.constant 9.765625E-4 : f32
      %mul3A_1457 = arith.mulf %reduce_sum3A_1455, %mul3A_1456 : f32
      %mul3A_1458 = arith.mulf %mul3A_1451, %mul3A_1451 : f32
      %sub3A_1459 = arith.subf %mul3A_1457, %mul3A_1458 : f32
      %add3A_1460 = arith.constant 9.99999996E-13 : f32
      %add3A_1461 = arith.addf %sub3A_1459, %add3A_1460 : f32
      %broadcast_in_dim3A_1462 = vector.broadcast %add3A_1461 : f32 to vector<16xf32>
      %bitcast_convert_type3A_1463 = tpu.bitcast %broadcast_in_dim3A_1462 : vector<16xf32> -> vector<16xi32>
      %shift_right_arithmetic3A_1464 = arith.constant 1 : i32
      %shift_right_arithmetic3A_1465 = vector.broadcast %shift_right_arithmetic3A_1464 : i32 to vector<16xi32>
      %shift_right_arithmetic3A_1466 = arith.shrsi %bitcast_convert_type3A_1463, %shift_right_arithmetic3A_1465 : vector<16xi32>
      %sub3A_1467 = arith.constant 1597463007 : i32
      %sub3A_1468 = vector.broadcast %sub3A_1467 : i32 to vector<16xi32>
      %sub3A_1469 = arith.subi %sub3A_1468, %shift_right_arithmetic3A_1466 : vector<16xi32>
      %bitcast_convert_type3A_1470 = tpu.bitcast %sub3A_1469 : vector<16xi32> -> vector<16xf32>
      %mul3A_1471 = arith.constant 5.000000e-01 : f32
      %mul3A_1472 = vector.broadcast %mul3A_1471 : f32 to vector<16xf32>
      %mul3A_1473 = arith.mulf %mul3A_1472, %broadcast_in_dim3A_1462 : vector<16xf32>
      %mul3A_1474 = arith.mulf %mul3A_1473, %bitcast_convert_type3A_1470 : vector<16xf32>
      %mul3A_1475 = arith.mulf %mul3A_1474, %bitcast_convert_type3A_1470 : vector<16xf32>
      %sub3A_1476 = arith.constant 1.500000e+00 : f32
      %sub3A_1477 = vector.broadcast %sub3A_1476 : f32 to vector<16xf32>
      %sub3A_1478 = arith.subf %sub3A_1477, %mul3A_1475 : vector<16xf32>
      %mul3A_1479 = arith.mulf %bitcast_convert_type3A_1470, %sub3A_1478 : vector<16xf32>
      %mul3A_1480 = arith.constant 5.000000e-01 : f32
      %mul3A_1481 = vector.broadcast %mul3A_1480 : f32 to vector<16xf32>
      %mul3A_1482 = arith.mulf %mul3A_1481, %broadcast_in_dim3A_1462 : vector<16xf32>
      %mul3A_1483 = arith.mulf %mul3A_1482, %mul3A_1479 : vector<16xf32>
      %mul3A_1484 = arith.mulf %mul3A_1483, %mul3A_1479 : vector<16xf32>
      %sub3A_1485 = arith.constant 1.500000e+00 : f32
      %sub3A_1486 = vector.broadcast %sub3A_1485 : f32 to vector<16xf32>
      %sub3A_1487 = arith.subf %sub3A_1486, %mul3A_1484 : vector<16xf32>
      %mul3A_1488 = arith.mulf %mul3A_1479, %sub3A_1487 : vector<16xf32>
      %mul3A_1489 = arith.constant 5.000000e-01 : f32
      %mul3A_1490 = vector.broadcast %mul3A_1489 : f32 to vector<16xf32>
      %mul3A_1491 = arith.mulf %mul3A_1490, %broadcast_in_dim3A_1462 : vector<16xf32>
      %mul3A_1492 = arith.mulf %mul3A_1491, %mul3A_1488 : vector<16xf32>
      %mul3A_1493 = arith.mulf %mul3A_1492, %mul3A_1488 : vector<16xf32>
      %sub3A_1494 = arith.constant 1.500000e+00 : f32
      %sub3A_1495 = vector.broadcast %sub3A_1494 : f32 to vector<16xf32>
      %sub3A_1496 = arith.subf %sub3A_1495, %mul3A_1493 : vector<16xf32>
      %mul3A_1497 = arith.mulf %mul3A_1488, %sub3A_1496 : vector<16xf32>
      %broadcast_in_dim3A_1498 = vector.broadcast %mul3A_1451 : f32 to vector<16xf32>
      %mul3A_1499 = arith.mulf %broadcast_in_dim3A_1498, %mul3A_1497 : vector<16xf32>
      %reduce_sum3A_1500 = arith.constant true
      %reduce_sum3A_1501 = vector.broadcast %reduce_sum3A_1500 : i1 to vector<16xi1>
      %reduce_sum3A_1502 = tpu.scan <sum>, %parallel_loop3A_1008#18 masked %reduce_sum3A_1501 : vector<16xf32>, vector<16xi1> -> vector<16xf32>
      %reduce_sum3A_1503 = vector.extract %reduce_sum3A_1502[15] : f32 from vector<16xf32>
      %mul3A_1504 = arith.constant 9.765625E-4 : f32
      %mul3A_1505 = arith.mulf %reduce_sum3A_1503, %mul3A_1504 : f32
      %reduce_sum3A_1506 = arith.constant true
      %reduce_sum3A_1507 = vector.broadcast %reduce_sum3A_1506 : i1 to vector<16xi1>
      %reduce_sum3A_1508 = tpu.scan <sum>, %parallel_loop3A_1008#19 masked %reduce_sum3A_1507 : vector<16xf32>, vector<16xi1> -> vector<16xf32>
      %reduce_sum3A_1509 = vector.extract %reduce_sum3A_1508[15] : f32 from vector<16xf32>
      %mul3A_1510 = arith.constant 9.765625E-4 : f32
      %mul3A_1511 = arith.mulf %reduce_sum3A_1509, %mul3A_1510 : f32
      %mul3A_1512 = arith.mulf %mul3A_1505, %mul3A_1505 : f32
      %sub3A_1513 = arith.subf %mul3A_1511, %mul3A_1512 : f32
      %add3A_1514 = arith.constant 9.99999996E-13 : f32
      %add3A_1515 = arith.addf %sub3A_1513, %add3A_1514 : f32
      %broadcast_in_dim3A_1516 = vector.broadcast %add3A_1515 : f32 to vector<16xf32>
      %bitcast_convert_type3A_1517 = tpu.bitcast %broadcast_in_dim3A_1516 : vector<16xf32> -> vector<16xi32>
      %shift_right_arithmetic3A_1518 = arith.constant 1 : i32
      %shift_right_arithmetic3A_1519 = vector.broadcast %shift_right_arithmetic3A_1518 : i32 to vector<16xi32>
      %shift_right_arithmetic3A_1520 = arith.shrsi %bitcast_convert_type3A_1517, %shift_right_arithmetic3A_1519 : vector<16xi32>
      %sub3A_1521 = arith.constant 1597463007 : i32
      %sub3A_1522 = vector.broadcast %sub3A_1521 : i32 to vector<16xi32>
      %sub3A_1523 = arith.subi %sub3A_1522, %shift_right_arithmetic3A_1520 : vector<16xi32>
      %bitcast_convert_type3A_1524 = tpu.bitcast %sub3A_1523 : vector<16xi32> -> vector<16xf32>
      %mul3A_1525 = arith.constant 5.000000e-01 : f32
      %mul3A_1526 = vector.broadcast %mul3A_1525 : f32 to vector<16xf32>
      %mul3A_1527 = arith.mulf %mul3A_1526, %broadcast_in_dim3A_1516 : vector<16xf32>
      %mul3A_1528 = arith.mulf %mul3A_1527, %bitcast_convert_type3A_1524 : vector<16xf32>
      %mul3A_1529 = arith.mulf %mul3A_1528, %bitcast_convert_type3A_1524 : vector<16xf32>
      %sub3A_1530 = arith.constant 1.500000e+00 : f32
      %sub3A_1531 = vector.broadcast %sub3A_1530 : f32 to vector<16xf32>
      %sub3A_1532 = arith.subf %sub3A_1531, %mul3A_1529 : vector<16xf32>
      %mul3A_1533 = arith.mulf %bitcast_convert_type3A_1524, %sub3A_1532 : vector<16xf32>
      %mul3A_1534 = arith.constant 5.000000e-01 : f32
      %mul3A_1535 = vector.broadcast %mul3A_1534 : f32 to vector<16xf32>
      %mul3A_1536 = arith.mulf %mul3A_1535, %broadcast_in_dim3A_1516 : vector<16xf32>
      %mul3A_1537 = arith.mulf %mul3A_1536, %mul3A_1533 : vector<16xf32>
      %mul3A_1538 = arith.mulf %mul3A_1537, %mul3A_1533 : vector<16xf32>
      %sub3A_1539 = arith.constant 1.500000e+00 : f32
      %sub3A_1540 = vector.broadcast %sub3A_1539 : f32 to vector<16xf32>
      %sub3A_1541 = arith.subf %sub3A_1540, %mul3A_1538 : vector<16xf32>
      %mul3A_1542 = arith.mulf %mul3A_1533, %sub3A_1541 : vector<16xf32>
      %mul3A_1543 = arith.constant 5.000000e-01 : f32
      %mul3A_1544 = vector.broadcast %mul3A_1543 : f32 to vector<16xf32>
      %mul3A_1545 = arith.mulf %mul3A_1544, %broadcast_in_dim3A_1516 : vector<16xf32>
      %mul3A_1546 = arith.mulf %mul3A_1545, %mul3A_1542 : vector<16xf32>
      %mul3A_1547 = arith.mulf %mul3A_1546, %mul3A_1542 : vector<16xf32>
      %sub3A_1548 = arith.constant 1.500000e+00 : f32
      %sub3A_1549 = vector.broadcast %sub3A_1548 : f32 to vector<16xf32>
      %sub3A_1550 = arith.subf %sub3A_1549, %mul3A_1547 : vector<16xf32>
      %mul3A_1551 = arith.mulf %mul3A_1542, %sub3A_1550 : vector<16xf32>
      %broadcast_in_dim3A_1552 = vector.broadcast %mul3A_1505 : f32 to vector<16xf32>
      %mul3A_1553 = arith.mulf %broadcast_in_dim3A_1552, %mul3A_1551 : vector<16xf32>
      %reduce_sum3A_1554 = arith.constant true
      %reduce_sum3A_1555 = vector.broadcast %reduce_sum3A_1554 : i1 to vector<16xi1>
      %reduce_sum3A_1556 = tpu.scan <sum>, %parallel_loop3A_1008#20 masked %reduce_sum3A_1555 : vector<16xf32>, vector<16xi1> -> vector<16xf32>
      %reduce_sum3A_1557 = vector.extract %reduce_sum3A_1556[15] : f32 from vector<16xf32>
      %mul3A_1558 = arith.constant 9.765625E-4 : f32
      %mul3A_1559 = arith.mulf %reduce_sum3A_1557, %mul3A_1558 : f32
      %reduce_sum3A_1560 = arith.constant true
      %reduce_sum3A_1561 = vector.broadcast %reduce_sum3A_1560 : i1 to vector<16xi1>
      %reduce_sum3A_1562 = tpu.scan <sum>, %parallel_loop3A_1008#21 masked %reduce_sum3A_1561 : vector<16xf32>, vector<16xi1> -> vector<16xf32>
      %reduce_sum3A_1563 = vector.extract %reduce_sum3A_1562[15] : f32 from vector<16xf32>
      %mul3A_1564 = arith.constant 9.765625E-4 : f32
      %mul3A_1565 = arith.mulf %reduce_sum3A_1563, %mul3A_1564 : f32
      %mul3A_1566 = arith.mulf %mul3A_1559, %mul3A_1559 : f32
      %sub3A_1567 = arith.subf %mul3A_1565, %mul3A_1566 : f32
      %add3A_1568 = arith.constant 9.99999996E-13 : f32
      %add3A_1569 = arith.addf %sub3A_1567, %add3A_1568 : f32
      %broadcast_in_dim3A_1570 = vector.broadcast %add3A_1569 : f32 to vector<16xf32>
      %bitcast_convert_type3A_1571 = tpu.bitcast %broadcast_in_dim3A_1570 : vector<16xf32> -> vector<16xi32>
      %shift_right_arithmetic3A_1572 = arith.constant 1 : i32
      %shift_right_arithmetic3A_1573 = vector.broadcast %shift_right_arithmetic3A_1572 : i32 to vector<16xi32>
      %shift_right_arithmetic3A_1574 = arith.shrsi %bitcast_convert_type3A_1571, %shift_right_arithmetic3A_1573 : vector<16xi32>
      %sub3A_1575 = arith.constant 1597463007 : i32
      %sub3A_1576 = vector.broadcast %sub3A_1575 : i32 to vector<16xi32>
      %sub3A_1577 = arith.subi %sub3A_1576, %shift_right_arithmetic3A_1574 : vector<16xi32>
      %bitcast_convert_type3A_1578 = tpu.bitcast %sub3A_1577 : vector<16xi32> -> vector<16xf32>
      %mul3A_1579 = arith.constant 5.000000e-01 : f32
      %mul3A_1580 = vector.broadcast %mul3A_1579 : f32 to vector<16xf32>
      %mul3A_1581 = arith.mulf %mul3A_1580, %broadcast_in_dim3A_1570 : vector<16xf32>
      %mul3A_1582 = arith.mulf %mul3A_1581, %bitcast_convert_type3A_1578 : vector<16xf32>
      %mul3A_1583 = arith.mulf %mul3A_1582, %bitcast_convert_type3A_1578 : vector<16xf32>
      %sub3A_1584 = arith.constant 1.500000e+00 : f32
      %sub3A_1585 = vector.broadcast %sub3A_1584 : f32 to vector<16xf32>
      %sub3A_1586 = arith.subf %sub3A_1585, %mul3A_1583 : vector<16xf32>
      %mul3A_1587 = arith.mulf %bitcast_convert_type3A_1578, %sub3A_1586 : vector<16xf32>
      %mul3A_1588 = arith.constant 5.000000e-01 : f32
      %mul3A_1589 = vector.broadcast %mul3A_1588 : f32 to vector<16xf32>
      %mul3A_1590 = arith.mulf %mul3A_1589, %broadcast_in_dim3A_1570 : vector<16xf32>
      %mul3A_1591 = arith.mulf %mul3A_1590, %mul3A_1587 : vector<16xf32>
      %mul3A_1592 = arith.mulf %mul3A_1591, %mul3A_1587 : vector<16xf32>
      %sub3A_1593 = arith.constant 1.500000e+00 : f32
      %sub3A_1594 = vector.broadcast %sub3A_1593 : f32 to vector<16xf32>
      %sub3A_1595 = arith.subf %sub3A_1594, %mul3A_1592 : vector<16xf32>
      %mul3A_1596 = arith.mulf %mul3A_1587, %sub3A_1595 : vector<16xf32>
      %mul3A_1597 = arith.constant 5.000000e-01 : f32
      %mul3A_1598 = vector.broadcast %mul3A_1597 : f32 to vector<16xf32>
      %mul3A_1599 = arith.mulf %mul3A_1598, %broadcast_in_dim3A_1570 : vector<16xf32>
      %mul3A_1600 = arith.mulf %mul3A_1599, %mul3A_1596 : vector<16xf32>
      %mul3A_1601 = arith.mulf %mul3A_1600, %mul3A_1596 : vector<16xf32>
      %sub3A_1602 = arith.constant 1.500000e+00 : f32
      %sub3A_1603 = vector.broadcast %sub3A_1602 : f32 to vector<16xf32>
      %sub3A_1604 = arith.subf %sub3A_1603, %mul3A_1601 : vector<16xf32>
      %mul3A_1605 = arith.mulf %mul3A_1596, %sub3A_1604 : vector<16xf32>
      %broadcast_in_dim3A_1606 = vector.broadcast %mul3A_1559 : f32 to vector<16xf32>
      %mul3A_1607 = arith.mulf %broadcast_in_dim3A_1606, %mul3A_1605 : vector<16xf32>
      %reduce_sum3A_1608 = arith.constant true
      %reduce_sum3A_1609 = vector.broadcast %reduce_sum3A_1608 : i1 to vector<16xi1>
      %reduce_sum3A_1610 = tpu.scan <sum>, %parallel_loop3A_1008#22 masked %reduce_sum3A_1609 : vector<16xf32>, vector<16xi1> -> vector<16xf32>
      %reduce_sum3A_1611 = vector.extract %reduce_sum3A_1610[15] : f32 from vector<16xf32>
      %mul3A_1612 = arith.constant 9.765625E-4 : f32
      %mul3A_1613 = arith.mulf %reduce_sum3A_1611, %mul3A_1612 : f32
      %reduce_sum3A_1614 = arith.constant true
      %reduce_sum3A_1615 = vector.broadcast %reduce_sum3A_1614 : i1 to vector<16xi1>
      %reduce_sum3A_1616 = tpu.scan <sum>, %parallel_loop3A_1008#23 masked %reduce_sum3A_1615 : vector<16xf32>, vector<16xi1> -> vector<16xf32>
      %reduce_sum3A_1617 = vector.extract %reduce_sum3A_1616[15] : f32 from vector<16xf32>
      %mul3A_1618 = arith.constant 9.765625E-4 : f32
      %mul3A_1619 = arith.mulf %reduce_sum3A_1617, %mul3A_1618 : f32
      %mul3A_1620 = arith.mulf %mul3A_1613, %mul3A_1613 : f32
      %sub3A_1621 = arith.subf %mul3A_1619, %mul3A_1620 : f32
      %add3A_1622 = arith.constant 9.99999996E-13 : f32
      %add3A_1623 = arith.addf %sub3A_1621, %add3A_1622 : f32
      %broadcast_in_dim3A_1624 = vector.broadcast %add3A_1623 : f32 to vector<16xf32>
      %bitcast_convert_type3A_1625 = tpu.bitcast %broadcast_in_dim3A_1624 : vector<16xf32> -> vector<16xi32>
      %shift_right_arithmetic3A_1626 = arith.constant 1 : i32
      %shift_right_arithmetic3A_1627 = vector.broadcast %shift_right_arithmetic3A_1626 : i32 to vector<16xi32>
      %shift_right_arithmetic3A_1628 = arith.shrsi %bitcast_convert_type3A_1625, %shift_right_arithmetic3A_1627 : vector<16xi32>
      %sub3A_1629 = arith.constant 1597463007 : i32
      %sub3A_1630 = vector.broadcast %sub3A_1629 : i32 to vector<16xi32>
      %sub3A_1631 = arith.subi %sub3A_1630, %shift_right_arithmetic3A_1628 : vector<16xi32>
      %bitcast_convert_type3A_1632 = tpu.bitcast %sub3A_1631 : vector<16xi32> -> vector<16xf32>
      %mul3A_1633 = arith.constant 5.000000e-01 : f32
      %mul3A_1634 = vector.broadcast %mul3A_1633 : f32 to vector<16xf32>
      %mul3A_1635 = arith.mulf %mul3A_1634, %broadcast_in_dim3A_1624 : vector<16xf32>
      %mul3A_1636 = arith.mulf %mul3A_1635, %bitcast_convert_type3A_1632 : vector<16xf32>
      %mul3A_1637 = arith.mulf %mul3A_1636, %bitcast_convert_type3A_1632 : vector<16xf32>
      %sub3A_1638 = arith.constant 1.500000e+00 : f32
      %sub3A_1639 = vector.broadcast %sub3A_1638 : f32 to vector<16xf32>
      %sub3A_1640 = arith.subf %sub3A_1639, %mul3A_1637 : vector<16xf32>
      %mul3A_1641 = arith.mulf %bitcast_convert_type3A_1632, %sub3A_1640 : vector<16xf32>
      %mul3A_1642 = arith.constant 5.000000e-01 : f32
      %mul3A_1643 = vector.broadcast %mul3A_1642 : f32 to vector<16xf32>
      %mul3A_1644 = arith.mulf %mul3A_1643, %broadcast_in_dim3A_1624 : vector<16xf32>
      %mul3A_1645 = arith.mulf %mul3A_1644, %mul3A_1641 : vector<16xf32>
      %mul3A_1646 = arith.mulf %mul3A_1645, %mul3A_1641 : vector<16xf32>
      %sub3A_1647 = arith.constant 1.500000e+00 : f32
      %sub3A_1648 = vector.broadcast %sub3A_1647 : f32 to vector<16xf32>
      %sub3A_1649 = arith.subf %sub3A_1648, %mul3A_1646 : vector<16xf32>
      %mul3A_1650 = arith.mulf %mul3A_1641, %sub3A_1649 : vector<16xf32>
      %mul3A_1651 = arith.constant 5.000000e-01 : f32
      %mul3A_1652 = vector.broadcast %mul3A_1651 : f32 to vector<16xf32>
      %mul3A_1653 = arith.mulf %mul3A_1652, %broadcast_in_dim3A_1624 : vector<16xf32>
      %mul3A_1654 = arith.mulf %mul3A_1653, %mul3A_1650 : vector<16xf32>
      %mul3A_1655 = arith.mulf %mul3A_1654, %mul3A_1650 : vector<16xf32>
      %sub3A_1656 = arith.constant 1.500000e+00 : f32
      %sub3A_1657 = vector.broadcast %sub3A_1656 : f32 to vector<16xf32>
      %sub3A_1658 = arith.subf %sub3A_1657, %mul3A_1655 : vector<16xf32>
      %mul3A_1659 = arith.mulf %mul3A_1650, %sub3A_1658 : vector<16xf32>
      %broadcast_in_dim3A_1660 = vector.broadcast %mul3A_1613 : f32 to vector<16xf32>
      %mul3A_1661 = arith.mulf %broadcast_in_dim3A_1660, %mul3A_1659 : vector<16xf32>
      %reduce_sum3A_1662 = arith.constant true
      %reduce_sum3A_1663 = vector.broadcast %reduce_sum3A_1662 : i1 to vector<16xi1>
      %reduce_sum3A_1664 = tpu.scan <sum>, %parallel_loop3A_1008#24 masked %reduce_sum3A_1663 : vector<16xf32>, vector<16xi1> -> vector<16xf32>
      %reduce_sum3A_1665 = vector.extract %reduce_sum3A_1664[15] : f32 from vector<16xf32>
      %mul3A_1666 = arith.constant 9.765625E-4 : f32
      %mul3A_1667 = arith.mulf %reduce_sum3A_1665, %mul3A_1666 : f32
      %reduce_sum3A_1668 = arith.constant true
      %reduce_sum3A_1669 = vector.broadcast %reduce_sum3A_1668 : i1 to vector<16xi1>
      %reduce_sum3A_1670 = tpu.scan <sum>, %parallel_loop3A_1008#25 masked %reduce_sum3A_1669 : vector<16xf32>, vector<16xi1> -> vector<16xf32>
      %reduce_sum3A_1671 = vector.extract %reduce_sum3A_1670[15] : f32 from vector<16xf32>
      %mul3A_1672 = arith.constant 9.765625E-4 : f32
      %mul3A_1673 = arith.mulf %reduce_sum3A_1671, %mul3A_1672 : f32
      %mul3A_1674 = arith.mulf %mul3A_1667, %mul3A_1667 : f32
      %sub3A_1675 = arith.subf %mul3A_1673, %mul3A_1674 : f32
      %add3A_1676 = arith.constant 9.99999996E-13 : f32
      %add3A_1677 = arith.addf %sub3A_1675, %add3A_1676 : f32
      %broadcast_in_dim3A_1678 = vector.broadcast %add3A_1677 : f32 to vector<16xf32>
      %bitcast_convert_type3A_1679 = tpu.bitcast %broadcast_in_dim3A_1678 : vector<16xf32> -> vector<16xi32>
      %shift_right_arithmetic3A_1680 = arith.constant 1 : i32
      %shift_right_arithmetic3A_1681 = vector.broadcast %shift_right_arithmetic3A_1680 : i32 to vector<16xi32>
      %shift_right_arithmetic3A_1682 = arith.shrsi %bitcast_convert_type3A_1679, %shift_right_arithmetic3A_1681 : vector<16xi32>
      %sub3A_1683 = arith.constant 1597463007 : i32
      %sub3A_1684 = vector.broadcast %sub3A_1683 : i32 to vector<16xi32>
      %sub3A_1685 = arith.subi %sub3A_1684, %shift_right_arithmetic3A_1682 : vector<16xi32>
      %bitcast_convert_type3A_1686 = tpu.bitcast %sub3A_1685 : vector<16xi32> -> vector<16xf32>
      %mul3A_1687 = arith.constant 5.000000e-01 : f32
      %mul3A_1688 = vector.broadcast %mul3A_1687 : f32 to vector<16xf32>
      %mul3A_1689 = arith.mulf %mul3A_1688, %broadcast_in_dim3A_1678 : vector<16xf32>
      %mul3A_1690 = arith.mulf %mul3A_1689, %bitcast_convert_type3A_1686 : vector<16xf32>
      %mul3A_1691 = arith.mulf %mul3A_1690, %bitcast_convert_type3A_1686 : vector<16xf32>
      %sub3A_1692 = arith.constant 1.500000e+00 : f32
      %sub3A_1693 = vector.broadcast %sub3A_1692 : f32 to vector<16xf32>
      %sub3A_1694 = arith.subf %sub3A_1693, %mul3A_1691 : vector<16xf32>
      %mul3A_1695 = arith.mulf %bitcast_convert_type3A_1686, %sub3A_1694 : vector<16xf32>
      %mul3A_1696 = arith.constant 5.000000e-01 : f32
      %mul3A_1697 = vector.broadcast %mul3A_1696 : f32 to vector<16xf32>
      %mul3A_1698 = arith.mulf %mul3A_1697, %broadcast_in_dim3A_1678 : vector<16xf32>
      %mul3A_1699 = arith.mulf %mul3A_1698, %mul3A_1695 : vector<16xf32>
      %mul3A_1700 = arith.mulf %mul3A_1699, %mul3A_1695 : vector<16xf32>
      %sub3A_1701 = arith.constant 1.500000e+00 : f32
      %sub3A_1702 = vector.broadcast %sub3A_1701 : f32 to vector<16xf32>
      %sub3A_1703 = arith.subf %sub3A_1702, %mul3A_1700 : vector<16xf32>
      %mul3A_1704 = arith.mulf %mul3A_1695, %sub3A_1703 : vector<16xf32>
      %mul3A_1705 = arith.constant 5.000000e-01 : f32
      %mul3A_1706 = vector.broadcast %mul3A_1705 : f32 to vector<16xf32>
      %mul3A_1707 = arith.mulf %mul3A_1706, %broadcast_in_dim3A_1678 : vector<16xf32>
      %mul3A_1708 = arith.mulf %mul3A_1707, %mul3A_1704 : vector<16xf32>
      %mul3A_1709 = arith.mulf %mul3A_1708, %mul3A_1704 : vector<16xf32>
      %sub3A_1710 = arith.constant 1.500000e+00 : f32
      %sub3A_1711 = vector.broadcast %sub3A_1710 : f32 to vector<16xf32>
      %sub3A_1712 = arith.subf %sub3A_1711, %mul3A_1709 : vector<16xf32>
      %mul3A_1713 = arith.mulf %mul3A_1704, %sub3A_1712 : vector<16xf32>
      %broadcast_in_dim3A_1714 = vector.broadcast %mul3A_1667 : f32 to vector<16xf32>
      %mul3A_1715 = arith.mulf %broadcast_in_dim3A_1714, %mul3A_1713 : vector<16xf32>
      %reduce_sum3A_1716 = arith.constant true
      %reduce_sum3A_1717 = vector.broadcast %reduce_sum3A_1716 : i1 to vector<16xi1>
      %reduce_sum3A_1718 = tpu.scan <sum>, %parallel_loop3A_1008#26 masked %reduce_sum3A_1717 : vector<16xf32>, vector<16xi1> -> vector<16xf32>
      %reduce_sum3A_1719 = vector.extract %reduce_sum3A_1718[15] : f32 from vector<16xf32>
      %mul3A_1720 = arith.constant 9.765625E-4 : f32
      %mul3A_1721 = arith.mulf %reduce_sum3A_1719, %mul3A_1720 : f32
      %reduce_sum3A_1722 = arith.constant true
      %reduce_sum3A_1723 = vector.broadcast %reduce_sum3A_1722 : i1 to vector<16xi1>
      %reduce_sum3A_1724 = tpu.scan <sum>, %parallel_loop3A_1008#27 masked %reduce_sum3A_1723 : vector<16xf32>, vector<16xi1> -> vector<16xf32>
      %reduce_sum3A_1725 = vector.extract %reduce_sum3A_1724[15] : f32 from vector<16xf32>
      %mul3A_1726 = arith.constant 9.765625E-4 : f32
      %mul3A_1727 = arith.mulf %reduce_sum3A_1725, %mul3A_1726 : f32
      %mul3A_1728 = arith.mulf %mul3A_1721, %mul3A_1721 : f32
      %sub3A_1729 = arith.subf %mul3A_1727, %mul3A_1728 : f32
      %add3A_1730 = arith.constant 9.99999996E-13 : f32
      %add3A_1731 = arith.addf %sub3A_1729, %add3A_1730 : f32
      %broadcast_in_dim3A_1732 = vector.broadcast %add3A_1731 : f32 to vector<16xf32>
      %bitcast_convert_type3A_1733 = tpu.bitcast %broadcast_in_dim3A_1732 : vector<16xf32> -> vector<16xi32>
      %shift_right_arithmetic3A_1734 = arith.constant 1 : i32
      %shift_right_arithmetic3A_1735 = vector.broadcast %shift_right_arithmetic3A_1734 : i32 to vector<16xi32>
      %shift_right_arithmetic3A_1736 = arith.shrsi %bitcast_convert_type3A_1733, %shift_right_arithmetic3A_1735 : vector<16xi32>
      %sub3A_1737 = arith.constant 1597463007 : i32
      %sub3A_1738 = vector.broadcast %sub3A_1737 : i32 to vector<16xi32>
      %sub3A_1739 = arith.subi %sub3A_1738, %shift_right_arithmetic3A_1736 : vector<16xi32>
      %bitcast_convert_type3A_1740 = tpu.bitcast %sub3A_1739 : vector<16xi32> -> vector<16xf32>
      %mul3A_1741 = arith.constant 5.000000e-01 : f32
      %mul3A_1742 = vector.broadcast %mul3A_1741 : f32 to vector<16xf32>
      %mul3A_1743 = arith.mulf %mul3A_1742, %broadcast_in_dim3A_1732 : vector<16xf32>
      %mul3A_1744 = arith.mulf %mul3A_1743, %bitcast_convert_type3A_1740 : vector<16xf32>
      %mul3A_1745 = arith.mulf %mul3A_1744, %bitcast_convert_type3A_1740 : vector<16xf32>
      %sub3A_1746 = arith.constant 1.500000e+00 : f32
      %sub3A_1747 = vector.broadcast %sub3A_1746 : f32 to vector<16xf32>
      %sub3A_1748 = arith.subf %sub3A_1747, %mul3A_1745 : vector<16xf32>
      %mul3A_1749 = arith.mulf %bitcast_convert_type3A_1740, %sub3A_1748 : vector<16xf32>
      %mul3A_1750 = arith.constant 5.000000e-01 : f32
      %mul3A_1751 = vector.broadcast %mul3A_1750 : f32 to vector<16xf32>
      %mul3A_1752 = arith.mulf %mul3A_1751, %broadcast_in_dim3A_1732 : vector<16xf32>
      %mul3A_1753 = arith.mulf %mul3A_1752, %mul3A_1749 : vector<16xf32>
      %mul3A_1754 = arith.mulf %mul3A_1753, %mul3A_1749 : vector<16xf32>
      %sub3A_1755 = arith.constant 1.500000e+00 : f32
      %sub3A_1756 = vector.broadcast %sub3A_1755 : f32 to vector<16xf32>
      %sub3A_1757 = arith.subf %sub3A_1756, %mul3A_1754 : vector<16xf32>
      %mul3A_1758 = arith.mulf %mul3A_1749, %sub3A_1757 : vector<16xf32>
      %mul3A_1759 = arith.constant 5.000000e-01 : f32
      %mul3A_1760 = vector.broadcast %mul3A_1759 : f32 to vector<16xf32>
      %mul3A_1761 = arith.mulf %mul3A_1760, %broadcast_in_dim3A_1732 : vector<16xf32>
      %mul3A_1762 = arith.mulf %mul3A_1761, %mul3A_1758 : vector<16xf32>
      %mul3A_1763 = arith.mulf %mul3A_1762, %mul3A_1758 : vector<16xf32>
      %sub3A_1764 = arith.constant 1.500000e+00 : f32
      %sub3A_1765 = vector.broadcast %sub3A_1764 : f32 to vector<16xf32>
      %sub3A_1766 = arith.subf %sub3A_1765, %mul3A_1763 : vector<16xf32>
      %mul3A_1767 = arith.mulf %mul3A_1758, %sub3A_1766 : vector<16xf32>
      %broadcast_in_dim3A_1768 = vector.broadcast %mul3A_1721 : f32 to vector<16xf32>
      %mul3A_1769 = arith.mulf %broadcast_in_dim3A_1768, %mul3A_1767 : vector<16xf32>
      %reduce_sum3A_1770 = arith.constant true
      %reduce_sum3A_1771 = vector.broadcast %reduce_sum3A_1770 : i1 to vector<16xi1>
      %reduce_sum3A_1772 = tpu.scan <sum>, %parallel_loop3A_1008#28 masked %reduce_sum3A_1771 : vector<16xf32>, vector<16xi1> -> vector<16xf32>
      %reduce_sum3A_1773 = vector.extract %reduce_sum3A_1772[15] : f32 from vector<16xf32>
      %mul3A_1774 = arith.constant 9.765625E-4 : f32
      %mul3A_1775 = arith.mulf %reduce_sum3A_1773, %mul3A_1774 : f32
      %reduce_sum3A_1776 = arith.constant true
      %reduce_sum3A_1777 = vector.broadcast %reduce_sum3A_1776 : i1 to vector<16xi1>
      %reduce_sum3A_1778 = tpu.scan <sum>, %parallel_loop3A_1008#29 masked %reduce_sum3A_1777 : vector<16xf32>, vector<16xi1> -> vector<16xf32>
      %reduce_sum3A_1779 = vector.extract %reduce_sum3A_1778[15] : f32 from vector<16xf32>
      %mul3A_1780 = arith.constant 9.765625E-4 : f32
      %mul3A_1781 = arith.mulf %reduce_sum3A_1779, %mul3A_1780 : f32
      %mul3A_1782 = arith.mulf %mul3A_1775, %mul3A_1775 : f32
      %sub3A_1783 = arith.subf %mul3A_1781, %mul3A_1782 : f32
      %add3A_1784 = arith.constant 9.99999996E-13 : f32
      %add3A_1785 = arith.addf %sub3A_1783, %add3A_1784 : f32
      %broadcast_in_dim3A_1786 = vector.broadcast %add3A_1785 : f32 to vector<16xf32>
      %bitcast_convert_type3A_1787 = tpu.bitcast %broadcast_in_dim3A_1786 : vector<16xf32> -> vector<16xi32>
      %shift_right_arithmetic3A_1788 = arith.constant 1 : i32
      %shift_right_arithmetic3A_1789 = vector.broadcast %shift_right_arithmetic3A_1788 : i32 to vector<16xi32>
      %shift_right_arithmetic3A_1790 = arith.shrsi %bitcast_convert_type3A_1787, %shift_right_arithmetic3A_1789 : vector<16xi32>
      %sub3A_1791 = arith.constant 1597463007 : i32
      %sub3A_1792 = vector.broadcast %sub3A_1791 : i32 to vector<16xi32>
      %sub3A_1793 = arith.subi %sub3A_1792, %shift_right_arithmetic3A_1790 : vector<16xi32>
      %bitcast_convert_type3A_1794 = tpu.bitcast %sub3A_1793 : vector<16xi32> -> vector<16xf32>
      %mul3A_1795 = arith.constant 5.000000e-01 : f32
      %mul3A_1796 = vector.broadcast %mul3A_1795 : f32 to vector<16xf32>
      %mul3A_1797 = arith.mulf %mul3A_1796, %broadcast_in_dim3A_1786 : vector<16xf32>
      %mul3A_1798 = arith.mulf %mul3A_1797, %bitcast_convert_type3A_1794 : vector<16xf32>
      %mul3A_1799 = arith.mulf %mul3A_1798, %bitcast_convert_type3A_1794 : vector<16xf32>
      %sub3A_1800 = arith.constant 1.500000e+00 : f32
      %sub3A_1801 = vector.broadcast %sub3A_1800 : f32 to vector<16xf32>
      %sub3A_1802 = arith.subf %sub3A_1801, %mul3A_1799 : vector<16xf32>
      %mul3A_1803 = arith.mulf %bitcast_convert_type3A_1794, %sub3A_1802 : vector<16xf32>
      %mul3A_1804 = arith.constant 5.000000e-01 : f32
      %mul3A_1805 = vector.broadcast %mul3A_1804 : f32 to vector<16xf32>
      %mul3A_1806 = arith.mulf %mul3A_1805, %broadcast_in_dim3A_1786 : vector<16xf32>
      %mul3A_1807 = arith.mulf %mul3A_1806, %mul3A_1803 : vector<16xf32>
      %mul3A_1808 = arith.mulf %mul3A_1807, %mul3A_1803 : vector<16xf32>
      %sub3A_1809 = arith.constant 1.500000e+00 : f32
      %sub3A_1810 = vector.broadcast %sub3A_1809 : f32 to vector<16xf32>
      %sub3A_1811 = arith.subf %sub3A_1810, %mul3A_1808 : vector<16xf32>
      %mul3A_1812 = arith.mulf %mul3A_1803, %sub3A_1811 : vector<16xf32>
      %mul3A_1813 = arith.constant 5.000000e-01 : f32
      %mul3A_1814 = vector.broadcast %mul3A_1813 : f32 to vector<16xf32>
      %mul3A_1815 = arith.mulf %mul3A_1814, %broadcast_in_dim3A_1786 : vector<16xf32>
      %mul3A_1816 = arith.mulf %mul3A_1815, %mul3A_1812 : vector<16xf32>
      %mul3A_1817 = arith.mulf %mul3A_1816, %mul3A_1812 : vector<16xf32>
      %sub3A_1818 = arith.constant 1.500000e+00 : f32
      %sub3A_1819 = vector.broadcast %sub3A_1818 : f32 to vector<16xf32>
      %sub3A_1820 = arith.subf %sub3A_1819, %mul3A_1817 : vector<16xf32>
      %mul3A_1821 = arith.mulf %mul3A_1812, %sub3A_1820 : vector<16xf32>
      %broadcast_in_dim3A_1822 = vector.broadcast %mul3A_1775 : f32 to vector<16xf32>
      %mul3A_1823 = arith.mulf %broadcast_in_dim3A_1822, %mul3A_1821 : vector<16xf32>
      %reduce_sum3A_1824 = arith.constant true
      %reduce_sum3A_1825 = vector.broadcast %reduce_sum3A_1824 : i1 to vector<16xi1>
      %reduce_sum3A_1826 = tpu.scan <sum>, %parallel_loop3A_1008#30 masked %reduce_sum3A_1825 : vector<16xf32>, vector<16xi1> -> vector<16xf32>
      %reduce_sum3A_1827 = vector.extract %reduce_sum3A_1826[15] : f32 from vector<16xf32>
      %mul3A_1828 = arith.constant 9.765625E-4 : f32
      %mul3A_1829 = arith.mulf %reduce_sum3A_1827, %mul3A_1828 : f32
      %reduce_sum3A_1830 = arith.constant true
      %reduce_sum3A_1831 = vector.broadcast %reduce_sum3A_1830 : i1 to vector<16xi1>
      %reduce_sum3A_1832 = tpu.scan <sum>, %parallel_loop3A_1008#31 masked %reduce_sum3A_1831 : vector<16xf32>, vector<16xi1> -> vector<16xf32>
      %reduce_sum3A_1833 = vector.extract %reduce_sum3A_1832[15] : f32 from vector<16xf32>
      %mul3A_1834 = arith.constant 9.765625E-4 : f32
      %mul3A_1835 = arith.mulf %reduce_sum3A_1833, %mul3A_1834 : f32
      %mul3A_1836 = arith.mulf %mul3A_1829, %mul3A_1829 : f32
      %sub3A_1837 = arith.subf %mul3A_1835, %mul3A_1836 : f32
      %add3A_1838 = arith.constant 9.99999996E-13 : f32
      %add3A_1839 = arith.addf %sub3A_1837, %add3A_1838 : f32
      %broadcast_in_dim3A_1840 = vector.broadcast %add3A_1839 : f32 to vector<16xf32>
      %bitcast_convert_type3A_1841 = tpu.bitcast %broadcast_in_dim3A_1840 : vector<16xf32> -> vector<16xi32>
      %shift_right_arithmetic3A_1842 = arith.constant 1 : i32
      %shift_right_arithmetic3A_1843 = vector.broadcast %shift_right_arithmetic3A_1842 : i32 to vector<16xi32>
      %shift_right_arithmetic3A_1844 = arith.shrsi %bitcast_convert_type3A_1841, %shift_right_arithmetic3A_1843 : vector<16xi32>
      %sub3A_1845 = arith.constant 1597463007 : i32
      %sub3A_1846 = vector.broadcast %sub3A_1845 : i32 to vector<16xi32>
      %sub3A_1847 = arith.subi %sub3A_1846, %shift_right_arithmetic3A_1844 : vector<16xi32>
      %bitcast_convert_type3A_1848 = tpu.bitcast %sub3A_1847 : vector<16xi32> -> vector<16xf32>
      %mul3A_1849 = arith.constant 5.000000e-01 : f32
      %mul3A_1850 = vector.broadcast %mul3A_1849 : f32 to vector<16xf32>
      %mul3A_1851 = arith.mulf %mul3A_1850, %broadcast_in_dim3A_1840 : vector<16xf32>
      %mul3A_1852 = arith.mulf %mul3A_1851, %bitcast_convert_type3A_1848 : vector<16xf32>
      %mul3A_1853 = arith.mulf %mul3A_1852, %bitcast_convert_type3A_1848 : vector<16xf32>
      %sub3A_1854 = arith.constant 1.500000e+00 : f32
      %sub3A_1855 = vector.broadcast %sub3A_1854 : f32 to vector<16xf32>
      %sub3A_1856 = arith.subf %sub3A_1855, %mul3A_1853 : vector<16xf32>
      %mul3A_1857 = arith.mulf %bitcast_convert_type3A_1848, %sub3A_1856 : vector<16xf32>
      %mul3A_1858 = arith.constant 5.000000e-01 : f32
      %mul3A_1859 = vector.broadcast %mul3A_1858 : f32 to vector<16xf32>
      %mul3A_1860 = arith.mulf %mul3A_1859, %broadcast_in_dim3A_1840 : vector<16xf32>
      %mul3A_1861 = arith.mulf %mul3A_1860, %mul3A_1857 : vector<16xf32>
      %mul3A_1862 = arith.mulf %mul3A_1861, %mul3A_1857 : vector<16xf32>
      %sub3A_1863 = arith.constant 1.500000e+00 : f32
      %sub3A_1864 = vector.broadcast %sub3A_1863 : f32 to vector<16xf32>
      %sub3A_1865 = arith.subf %sub3A_1864, %mul3A_1862 : vector<16xf32>
      %mul3A_1866 = arith.mulf %mul3A_1857, %sub3A_1865 : vector<16xf32>
      %mul3A_1867 = arith.constant 5.000000e-01 : f32
      %mul3A_1868 = vector.broadcast %mul3A_1867 : f32 to vector<16xf32>
      %mul3A_1869 = arith.mulf %mul3A_1868, %broadcast_in_dim3A_1840 : vector<16xf32>
      %mul3A_1870 = arith.mulf %mul3A_1869, %mul3A_1866 : vector<16xf32>
      %mul3A_1871 = arith.mulf %mul3A_1870, %mul3A_1866 : vector<16xf32>
      %sub3A_1872 = arith.constant 1.500000e+00 : f32
      %sub3A_1873 = vector.broadcast %sub3A_1872 : f32 to vector<16xf32>
      %sub3A_1874 = arith.subf %sub3A_1873, %mul3A_1871 : vector<16xf32>
      %mul3A_1875 = arith.mulf %mul3A_1866, %sub3A_1874 : vector<16xf32>
      %broadcast_in_dim3A_1876 = vector.broadcast %mul3A_1829 : f32 to vector<16xf32>
      %mul3A_1877 = arith.mulf %broadcast_in_dim3A_1876, %mul3A_1875 : vector<16xf32>
      %parallel_loop3A_1878 = arith.constant 0 : i32
      %parallel_loop3A_1879 = arith.constant 64 : i32
      %parallel_loop3A_1880 = arith.constant 1 : i32
      scf.for %parallel_loop3A_1891 = %parallel_loop3A_1878 to %parallel_loop3A_1879 step %parallel_loop3A_1880  : i32 {
        %parallel_loop3A_1892 = arith.constant 16 : i32
        %parallel_loop3A_1893 = arith.muli %parallel_loop3A_1891, %parallel_loop3A_1892 : i32
        %parallel_loop3A_1894 = arith.index_cast %parallel_loop3A_1893 : i32 to index
        %parallel_loop3A_1895 = tpu.vector_load %arg12[%parallel_loop3A_1894] {strides = array<i32>} : memref<1024xf32, #tpu.memory_space<vmem>>, vector<16xf32>,
        %parallel_loop3A_1896 = arith.index_cast %parallel_loop3A_1893 : i32 to index
        %parallel_loop3A_1897 = tpu.vector_load %arg13[%parallel_loop3A_1896] {strides = array<i32>} : memref<1024xf32, #tpu.memory_space<vmem>>, vector<16xf32>,
        %parallel_loop3A_1898 = arith.constant 0 : i32
        %parallel_loop3A_1899 = arith.index_cast %parallel_loop3A_1898 : i32 to index
        %parallel_loop3A_1900 = arith.index_cast %parallel_loop3A_1893 : i32 to index
        %parallel_loop3A_1901 = tpu.vector_load %arg19[%parallel_loop3A_1899, %parallel_loop3A_1900] {strides = array<i32>} : memref<16x1024xf32, #tpu.memory_space<vmem>>, vector<16xf32>,
        %parallel_loop3A_1902 = arith.mulf %parallel_loop3A_1901, %mul3A_1065 : vector<16xf32>
        %parallel_loop3A_1903 = arith.subf %parallel_loop3A_1902, %mul3A_1067 : vector<16xf32>
        %parallel_loop3A_1904 = arith.mulf %parallel_loop3A_1903, %parallel_loop3A_1895 : vector<16xf32>
        %parallel_loop3A_1905 = arith.addf %parallel_loop3A_1904, %parallel_loop3A_1897 : vector<16xf32>
        %parallel_loop3A_1906 = arith.constant 0 : i32
        %parallel_loop3A_1907 = arith.index_cast %parallel_loop3A_1906 : i32 to index
        %parallel_loop3A_1908 = arith.index_cast %parallel_loop3A_1893 : i32 to index
        %parallel_loop3A_1909 = tpu.vector_load %arg19[%parallel_loop3A_1907, %parallel_loop3A_1908] {strides = array<i32>} : memref<16x1024xf32, #tpu.memory_space<vmem>>, vector<16xf32>,
        tpu.vector_store %arg19[%parallel_loop3A_1907, %parallel_loop3A_1908], %parallel_loop3A_1905 {strides = array<i32>} : memref<16x1024xf32, #tpu.memory_space<vmem>>, vector<16xf32>,
        %parallel_loop3A_1910 = arith.constant 1 : i32
        %parallel_loop3A_1911 = arith.index_cast %parallel_loop3A_1910 : i32 to index
        %parallel_loop3A_1912 = arith.index_cast %parallel_loop3A_1893 : i32 to index
        %parallel_loop3A_1913 = tpu.vector_load %arg19[%parallel_loop3A_1911, %parallel_loop3A_1912] {strides = array<i32>} : memref<16x1024xf32, #tpu.memory_space<vmem>>, vector<16xf32>,
        %parallel_loop3A_1914 = arith.mulf %parallel_loop3A_1913, %mul3A_1119 : vector<16xf32>
        %parallel_loop3A_1915 = arith.subf %parallel_loop3A_1914, %mul3A_1121 : vector<16xf32>
        %parallel_loop3A_1916 = arith.mulf %parallel_loop3A_1915, %parallel_loop3A_1895 : vector<16xf32>
        %parallel_loop3A_1917 = arith.addf %parallel_loop3A_1916, %parallel_loop3A_1897 : vector<16xf32>
        %parallel_loop3A_1918 = arith.constant 1 : i32
        %parallel_loop3A_1919 = arith.index_cast %parallel_loop3A_1918 : i32 to index
        %parallel_loop3A_1920 = arith.index_cast %parallel_loop3A_1893 : i32 to index
        %parallel_loop3A_1921 = tpu.vector_load %arg19[%parallel_loop3A_1919, %parallel_loop3A_1920] {strides = array<i32>} : memref<16x1024xf32, #tpu.memory_space<vmem>>, vector<16xf32>,
        tpu.vector_store %arg19[%parallel_loop3A_1919, %parallel_loop3A_1920], %parallel_loop3A_1917 {strides = array<i32>} : memref<16x1024xf32, #tpu.memory_space<vmem>>, vector<16xf32>,
        %parallel_loop3A_1922 = arith.constant 2 : i32
        %parallel_loop3A_1923 = arith.index_cast %parallel_loop3A_1922 : i32 to index
        %parallel_loop3A_1924 = arith.index_cast %parallel_loop3A_1893 : i32 to index
        %parallel_loop3A_1925 = tpu.vector_load %arg19[%parallel_loop3A_1923, %parallel_loop3A_1924] {strides = array<i32>} : memref<16x1024xf32, #tpu.memory_space<vmem>>, vector<16xf32>,
        %parallel_loop3A_1926 = arith.mulf %parallel_loop3A_1925, %mul3A_1173 : vector<16xf32>
        %parallel_loop3A_1927 = arith.subf %parallel_loop3A_1926, %mul3A_1175 : vector<16xf32>
        %parallel_loop3A_1928 = arith.mulf %parallel_loop3A_1927, %parallel_loop3A_1895 : vector<16xf32>
        %parallel_loop3A_1929 = arith.addf %parallel_loop3A_1928, %parallel_loop3A_1897 : vector<16xf32>
        %parallel_loop3A_1930 = arith.constant 2 : i32
        %parallel_loop3A_1931 = arith.index_cast %parallel_loop3A_1930 : i32 to index
        %parallel_loop3A_1932 = arith.index_cast %parallel_loop3A_1893 : i32 to index
        %parallel_loop3A_1933 = tpu.vector_load %arg19[%parallel_loop3A_1931, %parallel_loop3A_1932] {strides = array<i32>} : memref<16x1024xf32, #tpu.memory_space<vmem>>, vector<16xf32>,
        tpu.vector_store %arg19[%parallel_loop3A_1931, %parallel_loop3A_1932], %parallel_loop3A_1929 {strides = array<i32>} : memref<16x1024xf32, #tpu.memory_space<vmem>>, vector<16xf32>,
        %parallel_loop3A_1934 = arith.constant 3 : i32
        %parallel_loop3A_1935 = arith.index_cast %parallel_loop3A_1934 : i32 to index
        %parallel_loop3A_1936 = arith.index_cast %parallel_loop3A_1893 : i32 to index
        %parallel_loop3A_1937 = tpu.vector_load %arg19[%parallel_loop3A_1935, %parallel_loop3A_1936] {strides = array<i32>} : memref<16x1024xf32, #tpu.memory_space<vmem>>, vector<16xf32>,
        %parallel_loop3A_1938 = arith.mulf %parallel_loop3A_1937, %mul3A_1227 : vector<16xf32>
        %parallel_loop3A_1939 = arith.subf %parallel_loop3A_1938, %mul3A_1229 : vector<16xf32>
        %parallel_loop3A_1940 = arith.mulf %parallel_loop3A_1939, %parallel_loop3A_1895 : vector<16xf32>
        %parallel_loop3A_1941 = arith.addf %parallel_loop3A_1940, %parallel_loop3A_1897 : vector<16xf32>
        %parallel_loop3A_1942 = arith.constant 3 : i32
        %parallel_loop3A_1943 = arith.index_cast %parallel_loop3A_1942 : i32 to index
        %parallel_loop3A_1944 = arith.index_cast %parallel_loop3A_1893 : i32 to index
        %parallel_loop3A_1945 = tpu.vector_load %arg19[%parallel_loop3A_1943, %parallel_loop3A_1944] {strides = array<i32>} : memref<16x1024xf32, #tpu.memory_space<vmem>>, vector<16xf32>,
        tpu.vector_store %arg19[%parallel_loop3A_1943, %parallel_loop3A_1944], %parallel_loop3A_1941 {strides = array<i32>} : memref<16x1024xf32, #tpu.memory_space<vmem>>, vector<16xf32>,
        %parallel_loop3A_1946 = arith.constant 4 : i32
        %parallel_loop3A_1947 = arith.index_cast %parallel_loop3A_1946 : i32 to index
        %parallel_loop3A_1948 = arith.index_cast %parallel_loop3A_1893 : i32 to index
        %parallel_loop3A_1949 = tpu.vector_load %arg19[%parallel_loop3A_1947, %parallel_loop3A_1948] {strides = array<i32>} : memref<16x1024xf32, #tpu.memory_space<vmem>>, vector<16xf32>,
        %parallel_loop3A_1950 = arith.mulf %parallel_loop3A_1949, %mul3A_1281 : vector<16xf32>
        %parallel_loop3A_1951 = arith.subf %parallel_loop3A_1950, %mul3A_1283 : vector<16xf32>
        %parallel_loop3A_1952 = arith.mulf %parallel_loop3A_1951, %parallel_loop3A_1895 : vector<16xf32>
        %parallel_loop3A_1953 = arith.addf %parallel_loop3A_1952, %parallel_loop3A_1897 : vector<16xf32>
        %parallel_loop3A_1954 = arith.constant 4 : i32
        %parallel_loop3A_1955 = arith.index_cast %parallel_loop3A_1954 : i32 to index
        %parallel_loop3A_1956 = arith.index_cast %parallel_loop3A_1893 : i32 to index
        %parallel_loop3A_1957 = tpu.vector_load %arg19[%parallel_loop3A_1955, %parallel_loop3A_1956] {strides = array<i32>} : memref<16x1024xf32, #tpu.memory_space<vmem>>, vector<16xf32>,
        tpu.vector_store %arg19[%parallel_loop3A_1955, %parallel_loop3A_1956], %parallel_loop3A_1953 {strides = array<i32>} : memref<16x1024xf32, #tpu.memory_space<vmem>>, vector<16xf32>,
        %parallel_loop3A_1958 = arith.constant 5 : i32
        %parallel_loop3A_1959 = arith.index_cast %parallel_loop3A_1958 : i32 to index
        %parallel_loop3A_1960 = arith.index_cast %parallel_loop3A_1893 : i32 to index
        %parallel_loop3A_1961 = tpu.vector_load %arg19[%parallel_loop3A_1959, %parallel_loop3A_1960] {strides = array<i32>} : memref<16x1024xf32, #tpu.memory_space<vmem>>, vector<16xf32>,
        %parallel_loop3A_1962 = arith.mulf %parallel_loop3A_1961, %mul3A_1335 : vector<16xf32>
        %parallel_loop3A_1963 = arith.subf %parallel_loop3A_1962, %mul3A_1337 : vector<16xf32>
        %parallel_loop3A_1964 = arith.mulf %parallel_loop3A_1963, %parallel_loop3A_1895 : vector<16xf32>
        %parallel_loop3A_1965 = arith.addf %parallel_loop3A_1964, %parallel_loop3A_1897 : vector<16xf32>
        %parallel_loop3A_1966 = arith.constant 5 : i32
        %parallel_loop3A_1967 = arith.index_cast %parallel_loop3A_1966 : i32 to index
        %parallel_loop3A_1968 = arith.index_cast %parallel_loop3A_1893 : i32 to index
        %parallel_loop3A_1969 = tpu.vector_load %arg19[%parallel_loop3A_1967, %parallel_loop3A_1968] {strides = array<i32>} : memref<16x1024xf32, #tpu.memory_space<vmem>>, vector<16xf32>,
        tpu.vector_store %arg19[%parallel_loop3A_1967, %parallel_loop3A_1968], %parallel_loop3A_1965 {strides = array<i32>} : memref<16x1024xf32, #tpu.memory_space<vmem>>, vector<16xf32>,
        %parallel_loop3A_1970 = arith.constant 6 : i32
        %parallel_loop3A_1971 = arith.index_cast %parallel_loop3A_1970 : i32 to index
        %parallel_loop3A_1972 = arith.index_cast %parallel_loop3A_1893 : i32 to index
        %parallel_loop3A_1973 = tpu.vector_load %arg19[%parallel_loop3A_1971, %parallel_loop3A_1972] {strides = array<i32>} : memref<16x1024xf32, #tpu.memory_space<vmem>>, vector<16xf32>,
        %parallel_loop3A_1974 = arith.mulf %parallel_loop3A_1973, %mul3A_1389 : vector<16xf32>
        %parallel_loop3A_1975 = arith.subf %parallel_loop3A_1974, %mul3A_1391 : vector<16xf32>
        %parallel_loop3A_1976 = arith.mulf %parallel_loop3A_1975, %parallel_loop3A_1895 : vector<16xf32>
        %parallel_loop3A_1977 = arith.addf %parallel_loop3A_1976, %parallel_loop3A_1897 : vector<16xf32>
        %parallel_loop3A_1978 = arith.constant 6 : i32
        %parallel_loop3A_1979 = arith.index_cast %parallel_loop3A_1978 : i32 to index
        %parallel_loop3A_1980 = arith.index_cast %parallel_loop3A_1893 : i32 to index
        %parallel_loop3A_1981 = tpu.vector_load %arg19[%parallel_loop3A_1979, %parallel_loop3A_1980] {strides = array<i32>} : memref<16x1024xf32, #tpu.memory_space<vmem>>, vector<16xf32>,
        tpu.vector_store %arg19[%parallel_loop3A_1979, %parallel_loop3A_1980], %parallel_loop3A_1977 {strides = array<i32>} : memref<16x1024xf32, #tpu.memory_space<vmem>>, vector<16xf32>,
        %parallel_loop3A_1982 = arith.constant 7 : i32
        %parallel_loop3A_1983 = arith.index_cast %parallel_loop3A_1982 : i32 to index
        %parallel_loop3A_1984 = arith.index_cast %parallel_loop3A_1893 : i32 to index
        %parallel_loop3A_1985 = tpu.vector_load %arg19[%parallel_loop3A_1983, %parallel_loop3A_1984] {strides = array<i32>} : memref<16x1024xf32, #tpu.memory_space<vmem>>, vector<16xf32>,
        %parallel_loop3A_1986 = arith.mulf %parallel_loop3A_1985, %mul3A_1443 : vector<16xf32>
        %parallel_loop3A_1987 = arith.subf %parallel_loop3A_1986, %mul3A_1445 : vector<16xf32>
        %parallel_loop3A_1988 = arith.mulf %parallel_loop3A_1987, %parallel_loop3A_1895 : vector<16xf32>
        %parallel_loop3A_1989 = arith.addf %parallel_loop3A_1988, %parallel_loop3A_1897 : vector<16xf32>
        %parallel_loop3A_1990 = arith.constant 7 : i32
        %parallel_loop3A_1991 = arith.index_cast %parallel_loop3A_1990 : i32 to index
        %parallel_loop3A_1992 = arith.index_cast %parallel_loop3A_1893 : i32 to index
        %parallel_loop3A_1993 = tpu.vector_load %arg19[%parallel_loop3A_1991, %parallel_loop3A_1992] {strides = array<i32>} : memref<16x1024xf32, #tpu.memory_space<vmem>>, vector<16xf32>,
        tpu.vector_store %arg19[%parallel_loop3A_1991, %parallel_loop3A_1992], %parallel_loop3A_1989 {strides = array<i32>} : memref<16x1024xf32, #tpu.memory_space<vmem>>, vector<16xf32>,
        %parallel_loop3A_1994 = arith.constant 8 : i32
        %parallel_loop3A_1995 = arith.index_cast %parallel_loop3A_1994 : i32 to index
        %parallel_loop3A_1996 = arith.index_cast %parallel_loop3A_1893 : i32 to index
        %parallel_loop3A_1997 = tpu.vector_load %arg19[%parallel_loop3A_1995, %parallel_loop3A_1996] {strides = array<i32>} : memref<16x1024xf32, #tpu.memory_space<vmem>>, vector<16xf32>,
        %parallel_loop3A_1998 = arith.mulf %parallel_loop3A_1997, %mul3A_1497 : vector<16xf32>
        %parallel_loop3A_1999 = arith.subf %parallel_loop3A_1998, %mul3A_1499 : vector<16xf32>
        %parallel_loop3A_2000 = arith.mulf %parallel_loop3A_1999, %parallel_loop3A_1895 : vector<16xf32>
        %parallel_loop3A_2001 = arith.addf %parallel_loop3A_2000, %parallel_loop3A_1897 : vector<16xf32>
        %parallel_loop3A_2002 = arith.constant 8 : i32
        %parallel_loop3A_2003 = arith.index_cast %parallel_loop3A_2002 : i32 to index
        %parallel_loop3A_2004 = arith.index_cast %parallel_loop3A_1893 : i32 to index
        %parallel_loop3A_2005 = tpu.vector_load %arg19[%parallel_loop3A_2003, %parallel_loop3A_2004] {strides = array<i32>} : memref<16x1024xf32, #tpu.memory_space<vmem>>, vector<16xf32>,
        tpu.vector_store %arg19[%parallel_loop3A_2003, %parallel_loop3A_2004], %parallel_loop3A_2001 {strides = array<i32>} : memref<16x1024xf32, #tpu.memory_space<vmem>>, vector<16xf32>,
        %parallel_loop3A_2006 = arith.constant 9 : i32
        %parallel_loop3A_2007 = arith.index_cast %parallel_loop3A_2006 : i32 to index
        %parallel_loop3A_2008 = arith.index_cast %parallel_loop3A_1893 : i32 to index
        %parallel_loop3A_2009 = tpu.vector_load %arg19[%parallel_loop3A_2007, %parallel_loop3A_2008] {strides = array<i32>} : memref<16x1024xf32, #tpu.memory_space<vmem>>, vector<16xf32>,
        %parallel_loop3A_2010 = arith.mulf %parallel_loop3A_2009, %mul3A_1551 : vector<16xf32>
        %parallel_loop3A_2011 = arith.subf %parallel_loop3A_2010, %mul3A_1553 : vector<16xf32>
        %parallel_loop3A_2012 = arith.mulf %parallel_loop3A_2011, %parallel_loop3A_1895 : vector<16xf32>
        %parallel_loop3A_2013 = arith.addf %parallel_loop3A_2012, %parallel_loop3A_1897 : vector<16xf32>
        %parallel_loop3A_2014 = arith.constant 9 : i32
        %parallel_loop3A_2015 = arith.index_cast %parallel_loop3A_2014 : i32 to index
        %parallel_loop3A_2016 = arith.index_cast %parallel_loop3A_1893 : i32 to index
        %parallel_loop3A_2017 = tpu.vector_load %arg19[%parallel_loop3A_2015, %parallel_loop3A_2016] {strides = array<i32>} : memref<16x1024xf32, #tpu.memory_space<vmem>>, vector<16xf32>,
        tpu.vector_store %arg19[%parallel_loop3A_2015, %parallel_loop3A_2016], %parallel_loop3A_2013 {strides = array<i32>} : memref<16x1024xf32, #tpu.memory_space<vmem>>, vector<16xf32>,
        %parallel_loop3A_2018 = arith.constant 10 : i32
        %parallel_loop3A_2019 = arith.index_cast %parallel_loop3A_2018 : i32 to index
        %parallel_loop3A_2020 = arith.index_cast %parallel_loop3A_1893 : i32 to index
        %parallel_loop3A_2021 = tpu.vector_load %arg19[%parallel_loop3A_2019, %parallel_loop3A_2020] {strides = array<i32>} : memref<16x1024xf32, #tpu.memory_space<vmem>>, vector<16xf32>,
        %parallel_loop3A_2022 = arith.mulf %parallel_loop3A_2021, %mul3A_1605 : vector<16xf32>
        %parallel_loop3A_2023 = arith.subf %parallel_loop3A_2022, %mul3A_1607 : vector<16xf32>
        %parallel_loop3A_2024 = arith.mulf %parallel_loop3A_2023, %parallel_loop3A_1895 : vector<16xf32>
        %parallel_loop3A_2025 = arith.addf %parallel_loop3A_2024, %parallel_loop3A_1897 : vector<16xf32>
        %parallel_loop3A_2026 = arith.constant 10 : i32
        %parallel_loop3A_2027 = arith.index_cast %parallel_loop3A_2026 : i32 to index
        %parallel_loop3A_2028 = arith.index_cast %parallel_loop3A_1893 : i32 to index
        %parallel_loop3A_2029 = tpu.vector_load %arg19[%parallel_loop3A_2027, %parallel_loop3A_2028] {strides = array<i32>} : memref<16x1024xf32, #tpu.memory_space<vmem>>, vector<16xf32>,
        tpu.vector_store %arg19[%parallel_loop3A_2027, %parallel_loop3A_2028], %parallel_loop3A_2025 {strides = array<i32>} : memref<16x1024xf32, #tpu.memory_space<vmem>>, vector<16xf32>,
        %parallel_loop3A_2030 = arith.constant 11 : i32
        %parallel_loop3A_2031 = arith.index_cast %parallel_loop3A_2030 : i32 to index
        %parallel_loop3A_2032 = arith.index_cast %parallel_loop3A_1893 : i32 to index
        %parallel_loop3A_2033 = tpu.vector_load %arg19[%parallel_loop3A_2031, %parallel_loop3A_2032] {strides = array<i32>} : memref<16x1024xf32, #tpu.memory_space<vmem>>, vector<16xf32>,
        %parallel_loop3A_2034 = arith.mulf %parallel_loop3A_2033, %mul3A_1659 : vector<16xf32>
        %parallel_loop3A_2035 = arith.subf %parallel_loop3A_2034, %mul3A_1661 : vector<16xf32>
        %parallel_loop3A_2036 = arith.mulf %parallel_loop3A_2035, %parallel_loop3A_1895 : vector<16xf32>
        %parallel_loop3A_2037 = arith.addf %parallel_loop3A_2036, %parallel_loop3A_1897 : vector<16xf32>
        %parallel_loop3A_2038 = arith.constant 11 : i32
        %parallel_loop3A_2039 = arith.index_cast %parallel_loop3A_2038 : i32 to index
        %parallel_loop3A_2040 = arith.index_cast %parallel_loop3A_1893 : i32 to index
        %parallel_loop3A_2041 = tpu.vector_load %arg19[%parallel_loop3A_2039, %parallel_loop3A_2040] {strides = array<i32>} : memref<16x1024xf32, #tpu.memory_space<vmem>>, vector<16xf32>,
        tpu.vector_store %arg19[%parallel_loop3A_2039, %parallel_loop3A_2040], %parallel_loop3A_2037 {strides = array<i32>} : memref<16x1024xf32, #tpu.memory_space<vmem>>, vector<16xf32>,
        %parallel_loop3A_2042 = arith.constant 12 : i32
        %parallel_loop3A_2043 = arith.index_cast %parallel_loop3A_2042 : i32 to index
        %parallel_loop3A_2044 = arith.index_cast %parallel_loop3A_1893 : i32 to index
        %parallel_loop3A_2045 = tpu.vector_load %arg19[%parallel_loop3A_2043, %parallel_loop3A_2044] {strides = array<i32>} : memref<16x1024xf32, #tpu.memory_space<vmem>>, vector<16xf32>,
        %parallel_loop3A_2046 = arith.mulf %parallel_loop3A_2045, %mul3A_1713 : vector<16xf32>
        %parallel_loop3A_2047 = arith.subf %parallel_loop3A_2046, %mul3A_1715 : vector<16xf32>
        %parallel_loop3A_2048 = arith.mulf %parallel_loop3A_2047, %parallel_loop3A_1895 : vector<16xf32>
        %parallel_loop3A_2049 = arith.addf %parallel_loop3A_2048, %parallel_loop3A_1897 : vector<16xf32>
        %parallel_loop3A_2050 = arith.constant 12 : i32
        %parallel_loop3A_2051 = arith.index_cast %parallel_loop3A_2050 : i32 to index
        %parallel_loop3A_2052 = arith.index_cast %parallel_loop3A_1893 : i32 to index
        %parallel_loop3A_2053 = tpu.vector_load %arg19[%parallel_loop3A_2051, %parallel_loop3A_2052] {strides = array<i32>} : memref<16x1024xf32, #tpu.memory_space<vmem>>, vector<16xf32>,
        tpu.vector_store %arg19[%parallel_loop3A_2051, %parallel_loop3A_2052], %parallel_loop3A_2049 {strides = array<i32>} : memref<16x1024xf32, #tpu.memory_space<vmem>>, vector<16xf32>,
        %parallel_loop3A_2054 = arith.constant 13 : i32
        %parallel_loop3A_2055 = arith.index_cast %parallel_loop3A_2054 : i32 to index
        %parallel_loop3A_2056 = arith.index_cast %parallel_loop3A_1893 : i32 to index
        %parallel_loop3A_2057 = tpu.vector_load %arg19[%parallel_loop3A_2055, %parallel_loop3A_2056] {strides = array<i32>} : memref<16x1024xf32, #tpu.memory_space<vmem>>, vector<16xf32>,
        %parallel_loop3A_2058 = arith.mulf %parallel_loop3A_2057, %mul3A_1767 : vector<16xf32>
        %parallel_loop3A_2059 = arith.subf %parallel_loop3A_2058, %mul3A_1769 : vector<16xf32>
        %parallel_loop3A_2060 = arith.mulf %parallel_loop3A_2059, %parallel_loop3A_1895 : vector<16xf32>
        %parallel_loop3A_2061 = arith.addf %parallel_loop3A_2060, %parallel_loop3A_1897 : vector<16xf32>
        %parallel_loop3A_2062 = arith.constant 13 : i32
        %parallel_loop3A_2063 = arith.index_cast %parallel_loop3A_2062 : i32 to index
        %parallel_loop3A_2064 = arith.index_cast %parallel_loop3A_1893 : i32 to index
        %parallel_loop3A_2065 = tpu.vector_load %arg19[%parallel_loop3A_2063, %parallel_loop3A_2064] {strides = array<i32>} : memref<16x1024xf32, #tpu.memory_space<vmem>>, vector<16xf32>,
        tpu.vector_store %arg19[%parallel_loop3A_2063, %parallel_loop3A_2064], %parallel_loop3A_2061 {strides = array<i32>} : memref<16x1024xf32, #tpu.memory_space<vmem>>, vector<16xf32>,
        %parallel_loop3A_2066 = arith.constant 14 : i32
        %parallel_loop3A_2067 = arith.index_cast %parallel_loop3A_2066 : i32 to index
        %parallel_loop3A_2068 = arith.index_cast %parallel_loop3A_1893 : i32 to index
        %parallel_loop3A_2069 = tpu.vector_load %arg19[%parallel_loop3A_2067, %parallel_loop3A_2068] {strides = array<i32>} : memref<16x1024xf32, #tpu.memory_space<vmem>>, vector<16xf32>,
        %parallel_loop3A_2070 = arith.mulf %parallel_loop3A_2069, %mul3A_1821 : vector<16xf32>
        %parallel_loop3A_2071 = arith.subf %parallel_loop3A_2070, %mul3A_1823 : vector<16xf32>
        %parallel_loop3A_2072 = arith.mulf %parallel_loop3A_2071, %parallel_loop3A_1895 : vector<16xf32>
        %parallel_loop3A_2073 = arith.addf %parallel_loop3A_2072, %parallel_loop3A_1897 : vector<16xf32>
        %parallel_loop3A_2074 = arith.constant 14 : i32
        %parallel_loop3A_2075 = arith.index_cast %parallel_loop3A_2074 : i32 to index
        %parallel_loop3A_2076 = arith.index_cast %parallel_loop3A_1893 : i32 to index
        %parallel_loop3A_2077 = tpu.vector_load %arg19[%parallel_loop3A_2075, %parallel_loop3A_2076] {strides = array<i32>} : memref<16x1024xf32, #tpu.memory_space<vmem>>, vector<16xf32>,
        tpu.vector_store %arg19[%parallel_loop3A_2075, %parallel_loop3A_2076], %parallel_loop3A_2073 {strides = array<i32>} : memref<16x1024xf32, #tpu.memory_space<vmem>>, vector<16xf32>,
        %parallel_loop3A_2078 = arith.constant 15 : i32
        %parallel_loop3A_2079 = arith.index_cast %parallel_loop3A_2078 : i32 to index
        %parallel_loop3A_2080 = arith.index_cast %parallel_loop3A_1893 : i32 to index
        %parallel_loop3A_2081 = tpu.vector_load %arg19[%parallel_loop3A_2079, %parallel_loop3A_2080] {strides = array<i32>} : memref<16x1024xf32, #tpu.memory_space<vmem>>, vector<16xf32>,
        %parallel_loop3A_2082 = arith.mulf %parallel_loop3A_2081, %mul3A_1875 : vector<16xf32>
        %parallel_loop3A_2083 = arith.subf %parallel_loop3A_2082, %mul3A_1877 : vector<16xf32>
        %parallel_loop3A_2084 = arith.mulf %parallel_loop3A_2083, %parallel_loop3A_1895 : vector<16xf32>
        %parallel_loop3A_2085 = arith.addf %parallel_loop3A_2084, %parallel_loop3A_1897 : vector<16xf32>
        %parallel_loop3A_2086 = arith.constant 15 : i32
        %parallel_loop3A_2087 = arith.index_cast %parallel_loop3A_2086 : i32 to index
        %parallel_loop3A_2088 = arith.index_cast %parallel_loop3A_1893 : i32 to index
        %parallel_loop3A_2089 = tpu.vector_load %arg19[%parallel_loop3A_2087, %parallel_loop3A_2088] {strides = array<i32>} : memref<16x1024xf32, #tpu.memory_space<vmem>>, vector<16xf32>,
        tpu.vector_store %arg19[%parallel_loop3A_2087, %parallel_loop3A_2088], %parallel_loop3A_2085 {strides = array<i32>} : memref<16x1024xf32, #tpu.memory_space<vmem>>, vector<16xf32>,
      } {sc.loop_unroll_factor = 1 : i64, sc.parallel_access}
      %mul3A_1881 = arith.constant 16 : i32
      %mul3A_1882 = arith.muli %add3A_986, %mul3A_1881 : i32
      %add3A_1883 = arith.addi %mul3A_32, %mul3A_1882 : i32
      %dma_start3A_1884 = arith.constant 0 : i32
      %dma_start3A_1885 = tpu.memref_slice %arg8[%select_n3A, %add3A_1883, %dma_start3A_1884] : memref<4x2048x1024xf32, #tpu.memory_space<hbm>> -> memref<1x16x1024xf32, #tpu.memory_space<hbm>>
      %dma_start3A_1886 = tpu.memref_squeeze %dma_start3A_1885 : memref<1x16x1024xf32, #tpu.memory_space<hbm>> -> memref<16x1024xf32, #tpu.memory_space<hbm>>
      %dma_start3A_1887 = arith.constant 0 : i32
      %dma_start3A_1888 = tpu.memref_slice %arg8[%select_n3A, %add3A_1883, %dma_start3A_1887] : memref<4x2048x1024xf32, #tpu.memory_space<hbm>> -> memref<1x16x1024xf32, #tpu.memory_space<hbm>>
      %dma_start3A_1889 = tpu.memref_squeeze %dma_start3A_1888 : memref<1x16x1024xf32, #tpu.memory_space<hbm>> -> memref<16x1024xf32, #tpu.memory_space<hbm>>
      tpu.enqueue_dma source(%arg19 : memref<16x1024xf32, #tpu.memory_space<vmem>>) target(%dma_start3A_1889 : memref<16x1024xf32, #tpu.memory_space<hbm>>) target_semaphore(%arg23 : memref<!tpu.dma_semaphore, #tpu.memory_space<semaphore_mem>>)
      %scan3A_1890 = arith.constant 0 : i32
      scf.yield %scan3A_1890 : i32
    }
    %scan3A_65 = arith.constant 8 : i32
    %add3A_66 = arith.constant 224 : i32
    %add3A_67 = arith.addi %mul3A_32, %add3A_66 : i32
    %dma_wait3A = arith.constant 0 : i32
    %dma_wait3A_68 = tpu.memref_slice %arg8[%select_n3A, %add3A_67, %dma_wait3A] : memref<4x2048x1024xf32, #tpu.memory_space<hbm>> -> memref<1x16x1024xf32, #tpu.memory_space<hbm>>
    %dma_wait3A_69 = tpu.memref_squeeze %dma_wait3A_68 : memref<1x16x1024xf32, #tpu.memory_space<hbm>> -> memref<16x1024xf32, #tpu.memory_space<hbm>>
    %dma_wait3A_70 = arith.constant 0 : i32
    %dma_wait3A_71 = tpu.memref_slice %arg8[%select_n3A, %add3A_67, %dma_wait3A_70] : memref<4x2048x1024xf32, #tpu.memory_space<hbm>> -> memref<1x16x1024xf32, #tpu.memory_space<hbm>>
    %dma_wait3A_72 = tpu.memref_squeeze %dma_wait3A_71 : memref<1x16x1024xf32, #tpu.memory_space<hbm>> -> memref<16x1024xf32, #tpu.memory_space<hbm>>
    tpu.wait_dma2 semaphore(%arg22 : memref<!tpu.dma_semaphore, #tpu.memory_space<semaphore_mem>>) src(%arg18 : memref<16x1024xf32, #tpu.memory_space<vmem>>) dst(%dma_wait3A_72 : memref<16x1024xf32, #tpu.memory_space<hbm>>)
    %add3A_73 = arith.constant 240 : i32
    %add3A_74 = arith.addi %mul3A_32, %add3A_73 : i32
    %dma_wait3A_75 = arith.constant 0 : i32
    %dma_wait3A_76 = tpu.memref_slice %arg8[%select_n3A, %add3A_74, %dma_wait3A_75] : memref<4x2048x1024xf32, #tpu.memory_space<hbm>> -> memref<1x16x1024xf32, #tpu.memory_space<hbm>>
    %dma_wait3A_77 = tpu.memref_squeeze %dma_wait3A_76 : memref<1x16x1024xf32, #tpu.memory_space<hbm>> -> memref<16x1024xf32, #tpu.memory_space<hbm>>
    %dma_wait3A_78 = arith.constant 0 : i32
    %dma_wait3A_79 = tpu.memref_slice %arg8[%select_n3A, %add3A_74, %dma_wait3A_78] : memref<4x2048x1024xf32, #tpu.memory_space<hbm>> -> memref<1x16x1024xf32, #tpu.memory_space<hbm>>
    %dma_wait3A_80 = tpu.memref_squeeze %dma_wait3A_79 : memref<1x16x1024xf32, #tpu.memory_space<hbm>> -> memref<16x1024xf32, #tpu.memory_space<hbm>>
    tpu.wait_dma2 semaphore(%arg23 : memref<!tpu.dma_semaphore, #tpu.memory_space<semaphore_mem>>) src(%arg19 : memref<16x1024xf32, #tpu.memory_space<vmem>>) dst(%dma_wait3A_80 : memref<16x1024xf32, #tpu.memory_space<hbm>>)
    return
  }
}

</mosaic_0001>

<sc_bundles>
// kernel: kernel.3.cloned.1.call-start
scs
__scs_entry_jumppad:
0x0: {  	(pc) =	sbr.rel $0x88, $3  }
0x1: {  	(tag) =	ssettag $0x0;
	lr =	simm.s32 $0x1  }
0x2: {  	[smem:$0x3F9B] =	sst lr;
	_ =	strace $0xD0000000  }
0x3: {  	_ = 	snop  }
0x4: {  	_ = 	snop  }
0x5: {  	_ = 	snop  }
0x6: {  	_ = 	snop  }
0x7: {  	_ = 	snop  }
__scs_overlays_trampoline_lowered:
0x8: {  	[smem:$0x3FAA] =	sst s0  }
0x9: {  	[smem:$0x3FAB] =	sst s1  }
0xa: {  	[smem:$0x3FAC] =	sst s2  }
0xb: {  	[smem:$0x3FAD] =	sst s3  }
0xc: {  	[smem:$0x3FAE] =	sst s4  }
0xd: {  	[smem:$0x3FAF] =	sst s5  }
0xe: {  	[smem:$0x3FB0] =	sst s6  }
0xf: {  	[smem:$0x3FB1] =	sst s7  }
0x10: {  	[smem:$0x3FB2] =	sst s8  }
0x11: {  	[smem:$0x3FB3] =	sst s9;
	s0 =	simm.s32 @!p0 $0x0  }
0x12: {  	s1 =	sld [smem:$0x3F99];
	s0 =	simm.s32 @p0 $0x1  }
0x13: {  	[smem:$0x3FB4] =	sst s0;
	s0 =	simm.s32 @!p1 $0x0  }
0x14: {  	s2 =	sld [smem:$0x3F98];
	s0 =	simm.s32 @p1 $0x1  }
0x15: {  	[smem:$0x3FB5] =	sst s0;
	s0 =	simm.s32 @!p2 $0x0  }
0x16: {  	s3 =	sld [smem:$0x3FDB];
	s0 =	simm.s32 @p2 $0x1  }
0x17: {  	s4 =	simm.s32 $0x1BF5;
	[smem:$0x3FB7] =	sst s0  }
0x18: {  	s0 =	sld [smem:$0x3F9A];
	_ =	swait.ge [sflag:s4], $0x0  }
0x19: {  	s7 =	sld [smem:$0x3F9B]  }
0x1a: {  	s8 =	sadd.s32 $0xFFFFE003, lr  }
0x1b: {  	s9 =	sadd.s32 $0xFFFFFEF7, lr;
	s5 =	simm.s32 $0xFFFFFFFF;
	p2 =	slt.u32 s8, $0xFFFFF086  }
0x1c: {  	p1 =	slt.u32 s9, $0xF7A;
	s5 =	simm.s32 @!p2 $0x0  }
0x1d: {  	s5 =	simm.s32 @p1 $0x1;
	p0 =	seq.s32 s7, s2  }
0x1e: {  	s7 =	smul.u32 @!p0 $0xF7A, s2;
	p2 =	seq.s32 @!p0 s5, $0x0  }
0x1f: {  	s9 =	smul.u32 $0xF7A, s1;
	s8 =	simm.s32 @!p0 $0x1BF5;
	p2 =	por !p2, p0  }
0x20: {  	[sflag:s8] =	ssyncset.s32 @!p0 $0xFFFFF086;
	s6 =	sadd.s32 @!p0 s3, s7;
	s7 =	simm.s32 @!p0 $0x108  }
0x21: {  	s3 =	sadd.s32 s3, s9;
	s6 =	sadd.s32 @!p0 $0x88, s6;
	s7 =	simm.s32 @p2 $0x1082  }
0x22: {  	[simem:s7], [sflag:s8] =	dma.local @!p0 [hbm:s6], $0xF7A  }
0x23: {  	s9 =	sor.u32 $0xD0000000, s2;
	s6 =	simm.s32 $0x108;
	_ =	swait.ge @!p0 [sflag:s8], $0x0  }
0x24: {  	s3 =	sadd.s32 $0x88, s3;
	s6 =	simm.s32 @!p1 $0x1082;
	[sflag:s4] =	ssyncset.s32 $0xFFFFF086  }
0x25: {  	[simem:s6], [sflag:s4] =	dma.local [hbm:s3], $0xF7A  }
0x26: {  	[smem:$0x3F9B] =	sst s1;
	(tag) =	ssettag s2;
	_ =	strace s9  }
0x27: {  	s1 =	sld [smem:$0x3FAB]  }
0x28: {  	s2 =	sld [smem:$0x3FAC]  }
0x29: {  	s4 =	sld [smem:$0x3FAE]  }
0x2a: {  	p0 =	seq.s32 s5, $0x0;
	s5 =	sld [smem:$0x3FAF]  }
0x2b: {  	s6 =	sld [smem:$0x3FB0]  }
0x2c: {  	s7 =	sld [smem:$0x3FB1]  }
0x2d: {  	s3 =	simm.s32 $0x108;
	s8 =	sld [smem:$0x3FB2]  }
0x2e: {  	s3 =	simm.s32 @!p0 $0x1082;
	s9 =	sld [smem:$0x3FB3]  }
0x2f: {  	lr =	sadd.s32 s0, s3;
	s0 =	sld [smem:$0x3FAA]  }
0x30: {  	s3 =	sld [smem:$0x3FAD]  }
0x31: {  	[smem:$0x3FB6] =	sst s10  }
0x32: {  	s10 =	sld [smem:$0x3FB4];
	_ =	sdelay $0x3  }
0x33: {  	p0 =	seq.s32 s10, $0x1;
	s10 =	sld [smem:$0x3FB6];
	_ =	sdelay $0x3  }
0x34: {  	[smem:$0x3FB6] =	sst s10  }
0x35: {  	s10 =	sld [smem:$0x3FB5];
	_ =	sdelay $0x3  }
0x36: {  	p1 =	seq.s32 s10, $0x1;
	s10 =	sld [smem:$0x3FB6];
	_ =	sdelay $0x3  }
0x37: {  	[smem:$0x3FB6] =	sst s10  }
0x38: {  	s10 =	sld [smem:$0x3FB7]  }
0x39: {  	_ = 	snop;
	(pc) =	sbr.ind lr, $3  }
0x3a: {  	_ = 	snop  }
0x3b: {  	_ = 	snop  }
0x3c: {  	p2 =	seq.s32 s10, $0x1;
	s10 =	sld [smem:$0x3FB6]  }
0x3d: {  	_ =	shalt  }
0x3e: {  	_ =	shalt  }
0x3f: {  	_ =	shalt  }
0x40: {  	_ =	shalt  }
0x41: {  	_ =	shalt  }
0x42: {  	_ =	shalt  }
0x43: {  	_ =	shalt  }
0x44: {  	_ =	shalt  }
0x45: {  	_ =	shalt  }
0x46: {  	_ =	shalt  }
0x47: {  	_ =	shalt  }
0x48: {  	_ =	shalt  }
0x49: {  	_ =	shalt  }
0x4a: {  	_ =	shalt  }
0x4b: {  	_ =	shalt  }
0x4c: {  	_ =	shalt  }
0x4d: {  	_ =	shalt  }
0x4e: {  	_ =	shalt  }
0x4f: {  	_ =	shalt  }
0x50: {  	_ =	shalt  }
0x51: {  	_ =	shalt  }
0x52: {  	_ =	shalt  }
0x53: {  	_ =	shalt  }
0x54: {  	_ =	shalt  }
0x55: {  	_ =	shalt  }
0x56: {  	_ =	shalt  }
0x57: {  	_ =	shalt  }
0x58: {  	_ =	shalt  }
0x59: {  	_ =	shalt  }
0x5a: {  	_ =	shalt  }
0x5b: {  	_ =	shalt  }
0x5c: {  	_ =	shalt  }
0x5d: {  	_ =	shalt  }
0x5e: {  	_ =	shalt  }
0x5f: {  	_ =	shalt  }
0x60: {  	_ =	shalt  }
0x61: {  	_ =	shalt  }
0x62: {  	_ =	shalt  }
0x63: {  	_ =	shalt  }
0x64: {  	_ =	shalt  }
0x65: {  	_ =	shalt  }
0x66: {  	_ =	shalt  }
0x67: {  	_ =	shalt  }
0x68: {  	_ =	shalt  }
0x69: {  	_ =	shalt  }
0x6a: {  	_ =	shalt  }
0x6b: {  	_ =	shalt  }
0x6c: {  	_ =	shalt  }
0x6d: {  	_ =	shalt  }
0x6e: {  	_ =	shalt  }
0x6f: {  	_ =	shalt  }
0x70: {  	_ =	shalt  }
0x71: {  	_ =	shalt  }
0x72: {  	_ =	shalt  }
0x73: {  	_ =	shalt  }
0x74: {  	_ =	shalt  }
0x75: {  	_ =	shalt  }
0x76: {  	_ =	shalt  }
0x77: {  	_ =	shalt  }
0x78: {  	_ =	shalt  }
0x79: {  	_ =	shalt  }
0x7a: {  	_ =	shalt  }
0x7b: {  	_ =	shalt  }
0x7c: {  	_ =	shalt  }
0x7d: {  	_ =	shalt  }
0x7e: {  	_ =	shalt  }
0x7f: {  	_ =	shalt  }
0x80: {  	_ =	shalt  }
0x81: {  	_ =	shalt  }
0x82: {  	_ =	shalt  }
0x83: {  	_ =	shalt  }
0x84: {  	_ =	shalt  }
0x85: {  	_ =	shalt  }
0x86: {  	_ =	shalt  }
0x87: {  	_ =	shalt  }
.Lfunc_end0:
.L_simem_size_0:
called_computation_lowered:
.L_overlay_start_0:
0x88: {  	s2 =	sld [smem:$0x3FD9]  }
0x89: {  	s3 =	sld [smem:$0x3FFE];
	_ =	sdelay $0x1  }
0x8a: {  	s1 =	srdreg.scid  }
0x8b: {  	s0 =	sand.u32 $0x1, s1  }
0x8c: {  	s18 =	sshll.u32 s0, $0xA;
	s2 =	sadd.s32 s3, s2  }
0x8d: {  	s2 =	sadd.s32 s2, s18  }
0x8e: {  	[smem:$0x3FC2] =	sst s2  }
0x8f: {  	_ = 	snop  }
0x90: {  	s2 =	sld [smem:$0x3FC9]  }
0x91: {  	s19 =	sld [smem:$0x3FC8]  }
0x92: {  	s4 =	sld [smem:$0x3FC7]  }
0x93: {  	s5 =	sld [smem:$0x3FC6]  }
0x94: {  	s6 =	sld [smem:$0x3FC5]  }
0x95: {  	s7 =	sld [smem:$0x3FC4]  }
0x96: {  	s8 =	sld [smem:$0x3FD0];
	(tm) =	ssettm $0x1  }
0x97: {  	s9 =	sld [smem:$0x3FFB];
	_ =	sdelay $0x3  }
0x98: {  	_ =	strace s9  }
0x99: {  	s9 =	sld [smem:$0x3FFC];
	_ =	sdelay $0x3  }
0x9a: {  	_ =	strace s9  }
0x9b: {  	s9 =	sld [smem:$0x3FFD];
	_ =	sdelay $0x3  }
0x9c: {  	_ =	strace s9  }
0x9d: {  	_ =	strace $0x8FFFFFFF  }
0x9e: {  	s20 =	sld [smem:$0x3FDB];
	_ =	sdelay $0x1  }
0x9f: {  	s10 =	simm.s32 $_scs_section_size  }
0xa0: {  	s11 =	simm.s32 $_size__tile_overlayer_lowered;
	s12 =	simm.s32 $_tile_overlayer_lowered  }
0xa1: {  	s23 =	simm.s32 $0x1BFF;
	s22 =	sshll.u32 s12, $0x1;
	s9 =	sadd.s32 s10, s20  }
0xa2: {  	s13 =	simm.s32 $0x0;
	s21 =	sshll.u32 s11, $0x1;
	s11 =	sadd.s32 s22, s9  }
0xa3: {  	[timem:s13], [sflag:s23] =	dma.local [hbm:s11], s21  }
0xa4: {  	_ =	swait.ge [sflag:s23], s21  }
0xa5: {  	s10 =	ssub.s32 $0x0, s21;
	[sflag:s23] =	ssyncset.done $0x0  }
0xa6: {  	[sflag:s23] =	ssyncadd.s32 s10;
	_ =	sdelay $0x1  }
0xa7: {  	s24 =	simm.s32 $0x1B8B  }
0xa8: {  	_ =	swait.ge [sflag:s24], $0x1  }
0xa9: {  	[sflag:s24] =	ssyncset.done $0x0  }
0xaa: {  	s25 =	simm.s32 $0x1B8E;
	[sflag:s24] =	ssyncadd.s32 $0xFFFFFFFF  }
0xab: {  	s26 =	simm.s32 $execute0_lowered;
	[smem:$0x3FD2] =	sst s25  }
0xac: {  	s10 =	sshll.u32 s26, $0x1;
	_ =	strace $0x80000046;
	[dreg:$0x1] =	wrdreg $0xFFFFFFFF  }
0xad: {  	s28 =	simm.s32 $_size_execute0_lowered;
	s9 =	sadd.s32 s9, s10;
	[dreg:$0x0] =	wrdreg $0x0  }
0xae: {  	s10 =	sshll.u32 s28, $0x1;
	[dreg:$0x2] =	wrdreg s9  }
0xaf: {  	[dreg:$0x3] =	wrdreg s10  }
0xb0: {  	[dreg:$0x4] =	wrdreg $0xC0  }
0xb1: {  	_ =	task [dreg:s13], $0x5FFFF  }
0xb2: {  	[dreg:$0x1] =	wrdreg $0xFFFFFFFF  }
0xb3: {  	[dreg:$0x0] =	wrdreg $0x60  }
0xb4: {  	[dreg:$0x2] =	wrdreg s2  }
0xb5: {  	[dreg:$0x3] =	wrdreg s19  }
0xb6: {  	[dreg:$0x4] =	wrdreg s4  }
0xb7: {  	[dreg:$0x5] =	wrdreg s5  }
0xb8: {  	[dreg:$0x6] =	wrdreg s6  }
0xb9: {  	[dreg:$0x7] =	wrdreg s7  }
0xba: {  	[dreg:$0x8] =	wrdreg s8  }
0xbb: {  	[dreg:$0x9] =	wrdreg $0x9  }
0xbc: {  	_ =	task.clear_ibuf [dreg:s13], $0xAFFFF;
	_ =	strace $0x90000046  }
0xbd: {  	s29 =	simm.s32 $0x9;
	_ =	strace $0x80000048  }
0xbe: {  	_ =	swait.ge [sflag:s29], $0x1  }
0xbf: {  	[sflag:s29] =	ssyncadd.s32 $0xFFFFFFFF  }
0xc0: {  	_ =	strace $0x90000048  }
0xc1: {  	_ =	sfence  }
0xc2: {  	s30 =	sld [smem:$0x0];
	_ =	sdelay $0x2  }
0xc3: {  	s31 =	sshll.u32 s1, $0xD;
	s1 =	sshrl.u32 s1, $0x2  }
0xc4: {  	s3 =	sand.u32 $0x4000, s31;
	s1 =	sadd.s32 s1, s30  }
0xc5: {  	s0 =	sor.u32 s3, s0;
	s1 =	sshll.u32 s1, $0x11  }
0xc6: {  	s0 =	sor.u32 s1, s0  }
0xc7: {  	s0 =	sadd.s32 $0x8F2B, s0  }
0xc8: {  	[sflag:s0] =	ssyncadd.remote.s32 $0x1  }
0xc9: {  	_ =	sfence.sel $0xFFFF  }
0xca: {  	[dreg:$0x0] =	wrdreg $0xFFFFFFFF;
	(pc) =	sbr.abs _section_cstart, $3  }
0xcb: {  	[dreg:$0x1] =	wrdreg $0xFFFFFFFF  }
0xcc: {  	_ =	task.clear_ibuf [dreg:s13], $0x2FFFF;
	_ =	strace $0x9FFFFFFF  }
0xcd: {  	(tm) =	ssettm $0x7FFFFFFF  }
tec
execute0_lowered:
.L_overlay_start_1:
0x0: {  	(tag) =	ssettag $0x1  }
0x1: {  	s0 =	rddreg [dreg:$0x0]  }
0x2: {  	s1 =	rddreg [dreg:$0x1]  }
0x3: {  	s2 =	rddreg [dreg:$0x2]  }
0x4: {  	s7 =	rddreg [dreg:$0x6];
	s8 =	simm.s32 $0x0;
	s3 =	srdreg.scid  }
0x5: {  	s9 =	stileid.u32;
	s28 =	simm.s32 $0x5;
	s22 =	simm.s32 $0x2  }
0x6: {  	s29 =	simm.s32 $0x0;
	[smem:$0x7FF] =	sst s8;
	s3 =	sand.u32 $0x1, s3  }
0x7: {  	s4 =	sshll.u32 s9, $0x1;
	s10 =	sshrl.u32 s9, $0x2;
	s11 =	sadd.s32 $0x100, s1  }
0x8: {  	s12 =	sadd.s32 $0x200, s1;
	s13 =	sadd.s32 $0x300, s1;
	s15 =	sadd.s32 $0x100, s2  }
0x9: {  	s16 =	sadd.s32 $0x200, s2;
	s18 =	sadd.s32 $0x300, s2;
	_ =	strace $0x80000047  }
0xa: {  	s5 =	ssub.s32 $0x2, s3;
	s4 =	sand.u32 $0x6, s4;
	s25 =	sshll.u32 s10, $0x4  }
0xb: {  	s17 =	sshll.u32 s10, $0x15;
	s6 =	sshrl.u32 s5, $0x1;
	s3 =	sor.u32 s3, s4  }
0xc: {  	v4 =	vlaneseq.u32;
	s0 =	sadd.s32 s0, s25;
	s23 =	ssub.s32 s5, s6;
	s9 =	sshll.u32 s3, $0x8  }
0xd: {  	v3 =	vshrl.u32 v4, $0x3;
	v2 =	vand.u32 $0x7, v4;
	[dreg:$0x8] =	wrdreg s0;
	s26 =	sshll.u32 s3, $0x12;
	s5 =	simm.s32 $0x0  }
0xe: {  	v4 =	vor.u32 $0x8, v4;
	v3 =	vmul.u32 $0x8, v3;
	[tilespmem:$0x1FFD0] =	vst v2;
	s24 =	sor.u32 $0x10, s9;
	s30 =	sor.u32 $0x20, s9;
	s4 =	smax.u32 s23, $0x1  }
0xf: {  	vm0 =	vmmov $0xffff;
	[tilespmem:$0x1FFF0] =	vst v4;
	s19 =	sor.u32 s17, s26;
	s31 =	sor.u32 $0x30, s9;
	[dreg:$0xa] =	wrdreg s4  }
0x10: {  	v5 =	vimm.f32 $1.000000000e+00;
	[tilespmem:$0x1FFE0] =	vst v3;
	s26 =	simm.s32 $0x80;
	v0 =	vmov s30;
	s4 =	simm.s32 $0x1;
	v1 =	vmov s31;
	[dreg:$0x9] =	wrdreg s24  }
.LBB2_1:
0x11: {  	[dreg:$0xb] =	wrdreg s5  }
0x12: {  	s0 =	rddreg [dreg:$0x8];
	s3 =	simm.s32 $0x200  }
0x13: {  	[tilespmem:s8], [sflag:$0x5] =	stream.strided.gather [hbm4b:s0+s26], $0x800, s3, s26, $0x38;
	[tilespmem:$0x19C00] =	vst v63  }
0x14: {  	_ =	swait.ge [sflag:s28], $0x800  }
0x15: {  	[sflag:s28] =	ssyncset.done $0x0  }
0x16: {  	[sflag:s28] =	ssyncadd.s32 $0xFFFFF800  }
0x17: {  	v6 =	vld [tilespmem:s9+$0x0];
	_ =	sdelay $0x4  }
0x18: {  	v7 =	vshll.u32 v6, $0x3  }
0x19: {  	v6 =	vand.u32 $0x7, v6;
	v7 =	vand.u32 $0xFFFFFFC0, v7  }
0x1a: {  	v6 =	vor.u32 v6, v7  }
0x1b: {  	v7 =	vperm.xlane v6, v2;
	_ =	sdelay $0x1  }
0x1c: {  	v7 =	vadd.s32 v3, v7;
	_ =	sdelay $0x3  }
0x1d: {  	s20 =	simm.s32 $0x1C00  }
0x1e: {  	[tilespmem:s20], [sflag:$0x1] =	stream.indirect_vreg.gather [hbm4b:s1+s8], $0x80, v7, vm0, $0xb8;
	[tilespmem:$0x19C00] =	vst v63  }
0x1f: {  	s21 =	simm.s32 $0x2400;
	v6 =	vperm.xlane v6, v4  }
0x20: {  	[tilespmem:s21], [sflag:$0x1] =	stream.indirect_vreg.gather [hbm4b:s11+s8], $0x80, v7, vm0, $0xb8;
	[tilespmem:$0x19C00] =	vst v63  }
0x21: {  	s23 =	simm.s32 $0x2C00;
	v6 =	vadd.s32 v3, v6  }
0x22: {  	[tilespmem:s23], [sflag:$0x1] =	stream.indirect_vreg.gather [hbm4b:s12+s8], $0x80, v7, vm0, $0xb8;
	[tilespmem:$0x19C00] =	vst v63  }
0x23: {  	s25 =	simm.s32 $0x3400  }
0x24: {  	[tilespmem:s25], [sflag:$0x1] =	stream.indirect_vreg.gather [hbm4b:s13+s8], $0x80, v7, vm0, $0xb8;
	[tilespmem:$0x19C00] =	vst v63  }
0x25: {  	s30 =	simm.s32 $0x3C00  }
0x26: {  	[tilespmem:s30], [sflag:$0x1] =	stream.indirect_vreg.gather [hbm4b:s1+s8], $0x80, v6, vm0, $0xb8;
	[tilespmem:$0x19C00] =	vst v63  }
0x27: {  	s31 =	simm.s32 $0x4400  }
0x28: {  	[tilespmem:s31], [sflag:$0x1] =	stream.indirect_vreg.gather [hbm4b:s11+s8], $0x80, v6, vm0, $0xb8;
	[tilespmem:$0x19C00] =	vst v63  }
0x29: {  	s3 =	simm.s32 $0x4C00  }
0x2a: {  	[tilespmem:s3], [sflag:$0x1] =	stream.indirect_vreg.gather [hbm4b:s12+s8], $0x80, v6, vm0, $0xb8;
	[tilespmem:$0x19C00] =	vst v63  }
0x2b: {  	s5 =	simm.s32 $0x5400  }
0x2c: {  	[tilespmem:s5], [sflag:$0x1] =	stream.indirect_vreg.gather [hbm4b:s13+s8], $0x80, v6, vm0, $0xb8;
	[tilespmem:$0x19C00] =	vst v63  }
0x2d: {  	v6 =	vld [tilespmem:s24+$0x0];
	_ =	sdelay $0x4  }
0x2e: {  	v7 =	vshll.u32 v6, $0x3  }
0x2f: {  	v6 =	vand.u32 $0x7, v6;
	v7 =	vand.u32 $0xFFFFFFC0, v7  }
0x30: {  	v6 =	vor.u32 v6, v7  }
0x31: {  	v7 =	vperm.xlane v6, v2;
	_ =	sdelay $0x1  }
0x32: {  	v7 =	vadd.s32 v3, v7;
	_ =	sdelay $0x3  }
0x33: {  	s6 =	simm.s32 $0x5C00  }
0x34: {  	[tilespmem:s6], [sflag:$0x2] =	stream.indirect_vreg.gather [hbm4b:s1+s8], $0x80, v7, vm0, $0xb8;
	[tilespmem:$0x19C00] =	vst v63  }
0x35: {  	s10 =	simm.s32 $0x6400;
	v6 =	vperm.xlane v6, v4  }
0x36: {  	[tilespmem:s10], [sflag:$0x2] =	stream.indirect_vreg.gather [hbm4b:s11+s8], $0x80, v7, vm0, $0xb8;
	[tilespmem:$0x19C00] =	vst v63  }
0x37: {  	s14 =	simm.s32 $0x6C00;
	v6 =	vadd.s32 v3, v6  }
0x38: {  	[tilespmem:s14], [sflag:$0x2] =	stream.indirect_vreg.gather [hbm4b:s12+s8], $0x80, v7, vm0, $0xb8;
	[tilespmem:$0x19C00] =	vst v63  }
0x39: {  	s20 =	simm.s32 $0x7400  }
0x3a: {  	[tilespmem:s20], [sflag:$0x2] =	stream.indirect_vreg.gather [hbm4b:s13+s8], $0x80, v7, vm0, $0xb8;
	[tilespmem:$0x19C00] =	vst v63  }
0x3b: {  	s21 =	simm.s32 $0x7C00  }
0x3c: {  	[tilespmem:s21], [sflag:$0x2] =	stream.indirect_vreg.gather [hbm4b:s1+s8], $0x80, v6, vm0, $0xb8;
	[tilespmem:$0x19C00] =	vst v63  }
0x3d: {  	s23 =	simm.s32 $0x8400  }
0x3e: {  	[tilespmem:s23], [sflag:$0x2] =	stream.indirect_vreg.gather [hbm4b:s11+s8], $0x80, v6, vm0, $0xb8;
	[tilespmem:$0x19C00] =	vst v63  }
0x3f: {  	s25 =	simm.s32 $0x8C00  }
0x40: {  	[tilespmem:s25], [sflag:$0x2] =	stream.indirect_vreg.gather [hbm4b:s12+s8], $0x80, v6, vm0, $0xb8;
	[tilespmem:$0x19C00] =	vst v63  }
0x41: {  	s30 =	simm.s32 $0x9400;
	s6 =	simm.s32 $0x0  }
0x42: {  	[tilespmem:s30], [sflag:$0x2] =	stream.indirect_vreg.gather [hbm4b:s13+s8], $0x80, v6, vm0, $0xb8;
	[tilespmem:$0x19C00] =	vst v63  }
0x43: {  	v6 =	vld [tilespmem:s6+$0x0];
	_ =	sdelay $0x4  }
0x44: {  	vm1 =	veq.s32 v6, $0x1  }
0x45: {  	v6 =	vsel vm1, $0x0, v5  }
0x46: {  	(xrf2) =	vadd.scan.msk.f32 $0xffff, v6;
	_ =	sdelay $0x1  }
0x47: {  	s3 =	simm.s32 $0x10  }
0x48: {  	s0 =	simm.s32 $0x20;
	v6 =	vld [tilespmem:s3+$0x0]  }
0x49: {  	v7 =	vld [tilespmem:s0+$0x0];
	_ =	sdelay $0x3  }
0x4a: {  	vm2 =	veq.s32 v6, $0x1  }
0x4b: {  	vm3 =	veq.s32 v7, $0x1;
	v6 =	vsel vm2, $0x0, v5  }
0x4c: {  	v8, _, _ =	vpop (xrf2);
	(xrf2) =	vadd.scan.msk.f32 $0xffff, v6;
	v6 =	vsel vm3, $0x0, v5  }
0x4d: {  	(xrf2) =	vadd.scan.msk.f32 $0xffff, v6;
	_ =	sdelay $0x2  }
0x4e: {  	s14 =	simm.s32 $0x30  }
0x4f: {  	s10 =	simm.s32 $0x40;
	(v2sf) =	vpush v8, $0xF;
	v6 =	vld [tilespmem:s14+$0x0]  }
0x50: {  	v7 =	vld [tilespmem:s10+$0x0];
	_ =	sdelay $0x3  }
0x51: {  	vm4 =	veq.s32 v6, $0x1;
	v6, _, _ =	vpop (xrf2)  }
0x52: {  	vm5 =	veq.s32 v7, $0x1;
	v9 =	vsel vm4, $0x0, v5;
	(v2sf) =	vpush v6, $0xF;
	v7, _, _ =	vpop (xrf2)  }
0x53: {  	(xrf2) =	vadd.scan.msk.f32 $0xffff, v9;
	(v2sf) =	vpush v7, $0xF;
	_ =	sdelay $0x1  }
0x54: {  	s31 =	simm.f32 $0.0e+00;
	vm1 =	vmmov vm1  }
0x55: {  	vm1 =	vmmov vm1;
	v8 =	vadd.f32 s31, v8  }
0x56: {  	s20 =	simm.s32 $0x50;
	vm1 =	vmmov vm1;
	v10 =	vsel vm5, $0x0, v5  }
0x57: {  	vm1 =	vmmov vm1;
	vm2 =	vmmov vm2;
	v9 =	vtrunc.f32 v8;
	v8 =	vld [tilespmem:s20+$0x0];
	(xrf2) =	vadd.scan.msk.f32 $0xffff, v10  }
0x58: {  	vm1 =	vmmov vm1;
	vm2 =	vmmov vm2  }
0x59: {  	vm5 =	vmmov vm5;
	vm2 =	vmmov vm2;
	vm3 =	vmmov vm3  }
0x5a: {  	vm3 =	vmmov vm3;
	vm4 =	vmmov vm4;
	v9 =	vcvt.f32.s32 v9;
	s21 =	spop (v2sf)  }
0x5b: {  	vm2 =	vmmov vm2;
	vm3 =	vmmov vm3;
	vm4 =	vmmov vm4;
	s5 =	sadd.f32 s21, s31;
	s21 =	simm.s32 $0x180  }
.LBB2_2:
0x5c: {  	s23 =	sshra.s32 s21, $0x2;
	p0 =	sne.s32 s21, $0x1FC0;
	s21 =	sadd.s32 $0x40, s21;
	vm6 =	veq.s32 v8, $0x1;
	v10, _, _ =	vpop (xrf2);
	v9 =	vadd.s32 $0x1, v9  }
.Ltmp0:
0x5d: {  	v8 =	vld [tilespmem:s23+$0x0];
	v11 =	vsel vm6, $0x0, v5;
	(v2sf) =	vpush v10, $0xF;
	v12 =	vadd.f32 s5, v6;
	v6 =	vmovc v7;
	v7 =	vmovc v10;
	(pc) =	sbr.rel @p0 .LBB2_2-.Ltmp0, $4  }
0x5e: {  	v9 =	vsel vm1, $0x1, v9;
	vm1 =	vmmov vm2;
	vm2 =	vmmov vm3;
	(xrf2) =	vadd.scan.msk.f32 $0xffff, v11  }
0x5f: {  	vm3 =	vmmov vm4;
	vm4 =	vmmov vm5;
	v10 =	vtrunc.f32 v12;
	[tilespmem:s6+$0x800] =	vst v9;
	s6 =	smov.u32 s3;
	s3 =	smov.u32 s0;
	s0 =	smov.u32 s14  }
0x60: {  	vm5 =	vmmov vm6;
	s14 =	smov.u32 s10;
	s10 =	smov.u32 s20;
	v9 =	vcvt.f32.s32 v10;
	s25 =	spop (v2sf)  }
0x61: {  	s20 =	smov.u32 s23;
	s5 =	sadd.f32 s25, s5  }
0x62: {  	_ =	sdelay $0x3  }
0x63: {  	v10, _, _ =	vpop (xrf2)  }
0x64: {  	(v2sf) =	vpush v10, $0xF  }
0x65: {  	v11, _, _ =	vpop (xrf2)  }
0x66: {  	(v2sf) =	vpush v11, $0xF;
	_ =	sdelay $0x4  }
0x67: {  	vm6 =	veq.s32 v8, $0x1  }
0x68: {  	v8 =	vsel vm6, $0x0, v5  }
0x69: {  	(xrf2) =	vadd.scan.msk.f32 $0xffff, v8  }
0x6a: {  	s21 =	spop (v2sf);
	v6 =	vadd.f32 s5, v6  }
0x6b: {  	s21 =	sadd.f32 s21, s5  }
0x6c: {  	v6 =	vtrunc.f32 v6  }
0x6d: {  	v9 =	vadd.s32 $0x1, v9;
	v7 =	vadd.f32 s21, v7;
	v6 =	vcvt.f32.s32 v6;
	s23 =	spop (v2sf)  }
0x6e: {  	v9 =	vsel vm1, $0x1, v9;
	vm1 =	vmmov vm2;
	vm2 =	vmmov vm4;
	s23 =	sadd.f32 s23, s21  }
0x6f: {  	vm15 =	vmmov vm6;
	v7 =	vtrunc.f32 v7;
	v6 =	vadd.s32 $0x1, v6;
	s25 =	spop (v2sf)  }
0x70: {  	vm2 =	vmmov vm2;
	v7 =	vcvt.f32.s32 v7;
	v6 =	vsel vm1, $0x1, v6;
	s5 =	sadd.f32 s25, s23  }
0x71: {  	vm1 =	vmmov vm3;
	vm3 =	vmmov vm5;
	v59 =	vadd.f32 s23, v10;
	s31 =	spop (v2sf)  }
0x72: {  	vm4 =	vmmov vm15;
	vm1 =	vmmov vm1;
	vm3 =	vmmov vm3;
	s25 =	sadd.f32 s31, s5  }
0x73: {  	v7 =	vadd.s32 $0x1, v7;
	v60, _, _ =	vpop (xrf2);
	v8 =	vtrunc.f32 v59;
	v11 =	vadd.f32 s5, v11  }
0x74: {  	v7 =	vsel vm1, $0x1, v7;
	v8 =	vcvt.f32.s32 v8;
	v12 =	vadd.f32 s25, v60  }
0x75: {  	vm1 =	vmmov vm2;
	vm2 =	vmmov vm3;
	v11 =	vtrunc.f32 v11  }
0x76: {  	[tilespmem:s6+$0x800] =	vst v9;
	v8 =	vadd.s32 $0x1, v8;
	v61 =	vcvt.f32.s32 v11;
	v62 =	vtrunc.f32 v12  }
0x77: {  	[tilespmem:s3+$0x800] =	vst v6;
	vm3 =	vmmov vm4;
	v6 =	vsel vm1, $0x1, v8;
	v63 =	vcvt.f32.s32 v62  }
0x78: {  	[tilespmem:s0+$0x800] =	vst v7;
	vm1 =	vmmov vm2;
	vm2 =	vmmov vm3;
	v7 =	vadd.s32 $0x1, v61  }
0x79: {  	[tilespmem:s14+$0x800] =	vst v6;
	v6 =	vsel vm1, $0x1, v7;
	vm1 =	vmmov vm2;
	v7 =	vadd.s32 $0x1, v63  }
0x7a: {  	[tilespmem:s10+$0x800] =	vst v6;
	v6 =	vsel vm1, $0x1, v7  }
0x7b: {  	[tilespmem:s20+$0x800] =	vst v6  }
0x7c: {  	v6 =	vld [tilespmem:s9+$0x800];
	_ =	sdelay $0x4  }
0x7d: {  	v7 =	vshll.u32 v6, $0x3  }
0x7e: {  	v6 =	vand.u32 $0x7, v6;
	v7 =	vand.u32 $0xFFFFFFC0, v7  }
0x7f: {  	v6 =	vor.u32 v6, v7  }
0x80: {  	v7 =	vperm.xlane v6, v2;
	_ =	sdelay $0x1  }
0x81: {  	v7 =	vadd.s32 v3, v7;
	_ =	sdelay $0x3  }
0x82: {  	s3 =	simm.s32 $0x9C00  }
0x83: {  	[tilespmem:s3], [sflag:$0x1] =	stream.indirect_vreg.gather [hbm4b:s2+s29], $0x80, v7, vm0, $0xb8;
	[tilespmem:$0x19C00] =	vst v63  }
0x84: {  	s5 =	simm.s32 $0xA400;
	v6 =	vperm.xlane v6, v4  }
0x85: {  	[tilespmem:s5], [sflag:$0x1] =	stream.indirect_vreg.gather [hbm4b:s15+s29], $0x80, v7, vm0, $0xb8;
	[tilespmem:$0x19C00] =	vst v63  }
0x86: {  	s6 =	simm.s32 $0xAC00;
	v6 =	vadd.s32 v3, v6  }
0x87: {  	[tilespmem:s6], [sflag:$0x1] =	stream.indirect_vreg.gather [hbm4b:s16+s29], $0x80, v7, vm0, $0xb8;
	[tilespmem:$0x19C00] =	vst v63  }
0x88: {  	s10 =	simm.s32 $0xB400  }
0x89: {  	[tilespmem:s10], [sflag:$0x1] =	stream.indirect_vreg.gather [hbm4b:s18+s29], $0x80, v7, vm0, $0xb8;
	[tilespmem:$0x19C00] =	vst v63  }
0x8a: {  	s14 =	simm.s32 $0xBC00  }
0x8b: {  	[tilespmem:s14], [sflag:$0x1] =	stream.indirect_vreg.gather [hbm4b:s2+s29], $0x80, v6, vm0, $0xb8;
	[tilespmem:$0x19C00] =	vst v63  }
0x8c: {  	s20 =	simm.s32 $0xC400  }
0x8d: {  	[tilespmem:s20], [sflag:$0x1] =	stream.indirect_vreg.gather [hbm4b:s15+s29], $0x80, v6, vm0, $0xb8;
	[tilespmem:$0x19C00] =	vst v63  }
0x8e: {  	s21 =	simm.s32 $0xCC00  }
0x8f: {  	[tilespmem:s21], [sflag:$0x1] =	stream.indirect_vreg.gather [hbm4b:s16+s29], $0x80, v6, vm0, $0xb8;
	[tilespmem:$0x19C00] =	vst v63  }
0x90: {  	s23 =	simm.s32 $0xD400  }
0x91: {  	[tilespmem:s23], [sflag:$0x1] =	stream.indirect_vreg.gather [hbm4b:s18+s29], $0x80, v6, vm0, $0xb8;
	[tilespmem:$0x19C00] =	vst v63  }
0x92: {  	v6 =	vld [tilespmem:s24+$0x800];
	_ =	sdelay $0x4  }
0x93: {  	v7 =	vshll.u32 v6, $0x3  }
0x94: {  	v6 =	vand.u32 $0x7, v6;
	v7 =	vand.u32 $0xFFFFFFC0, v7  }
0x95: {  	v6 =	vor.u32 v6, v7  }
0x96: {  	v7 =	vperm.xlane v6, v2;
	_ =	sdelay $0x1  }
0x97: {  	v7 =	vadd.s32 v3, v7;
	_ =	sdelay $0x3  }
0x98: {  	s24 =	simm.s32 $0xDC00  }
0x99: {  	(v2sf) =	vpush v60, $0xF;
	[tilespmem:s24], [sflag:$0x2] =	stream.indirect_vreg.gather [hbm4b:s2+s29], $0x80, v7, vm0, $0xb8;
	[tilespmem:$0x19C00] =	vst v63  }
0x9a: {  	s25 =	simm.s32 $0xE400;
	v6 =	vperm.xlane v6, v4  }
0x9b: {  	[tilespmem:s25], [sflag:$0x2] =	stream.indirect_vreg.gather [hbm4b:s15+s29], $0x80, v7, vm0, $0xb8;
	[tilespmem:$0x19C00] =	vst v63  }
0x9c: {  	s31 =	simm.s32 $0xEC00;
	v6 =	vadd.s32 v3, v6  }
0x9d: {  	[tilespmem:s31], [sflag:$0x2] =	stream.indirect_vreg.gather [hbm4b:s16+s29], $0x80, v7, vm0, $0xb8;
	[tilespmem:$0x19C00] =	vst v63  }
0x9e: {  	s3 =	simm.s32 $0xF400  }
0x9f: {  	[tilespmem:s3], [sflag:$0x2] =	stream.indirect_vreg.gather [hbm4b:s18+s29], $0x80, v7, vm0, $0xb8;
	[tilespmem:$0x19C00] =	vst v63  }
0xa0: {  	s5 =	simm.s32 $0xFC00  }
0xa1: {  	[tilespmem:s5], [sflag:$0x2] =	stream.indirect_vreg.gather [hbm4b:s2+s29], $0x80, v6, vm0, $0xb8;
	[tilespmem:$0x19C00] =	vst v63  }
0xa2: {  	s6 =	simm.s32 $0x10400  }
0xa3: {  	[tilespmem:s6], [sflag:$0x2] =	stream.indirect_vreg.gather [hbm4b:s15+s29], $0x80, v6, vm0, $0xb8;
	[tilespmem:$0x19C00] =	vst v63  }
0xa4: {  	s10 =	simm.s32 $0x10C00  }
0xa5: {  	[tilespmem:s10], [sflag:$0x2] =	stream.indirect_vreg.gather [hbm4b:s16+s29], $0x80, v6, vm0, $0xb8;
	[tilespmem:$0x19C00] =	vst v63  }
0xa6: {  	s0 =	rddreg [dreg:$0x3];
	s14 =	simm.s32 $0x11400  }
0xa7: {  	[tilespmem:s14], [sflag:$0x2] =	stream.indirect_vreg.gather [hbm4b:s18+s29], $0x80, v6, vm0, $0xb8;
	[tilespmem:$0x19C00] =	vst v63  }
0xa8: {  	s20 =	spop (v2sf);
	s21 =	simm.s32 $0x100;
	s23 =	simm.s32 $0x1000  }
0xa9: {  	[tilespmem:s23], [sflag:$0x5] =	stream.strided.gather [hbm4b:s0+s26], $0x400, s21, s26, $0x38;
	[tilespmem:$0x19C00] =	vst v63  }
0xaa: {  	_ =	swait.ge [sflag:s28], $0x400  }
0xab: {  	[sflag:s28] =	ssyncset.done $0x0  }
0xac: {  	[sflag:s28] =	ssyncadd.s32 $0xFFFFFC00  }
0xad: {  	s25 =	simm.s32 $0x1400;
	s24 =	rddreg [dreg:$0x4]  }
0xae: {  	[tilespmem:s25], [sflag:$0x5] =	stream.linear.gather [hbm4b:s24+s29], $0x400, $0x38;
	[tilespmem:$0x19C00] =	vst v63  }
0xaf: {  	_ =	swait.ge [sflag:s28], $0x400  }
0xb0: {  	[sflag:s28] =	ssyncset.done $0x0  }
0xb1: {  	[sflag:s28] =	ssyncadd.s32 $0xFFFFFC00  }
0xb2: {  	s31 =	simm.s32 $0x1800;
	s26 =	rddreg [dreg:$0x5]  }
0xb3: {  	[tilespmem:s31], [sflag:$0x5] =	stream.linear.gather [hbm4b:s26+s29], $0x400, $0x38;
	[tilespmem:$0x19C00] =	vst v63  }
0xb4: {  	_ =	swait.ge [sflag:s28], $0x400  }
0xb5: {  	[sflag:s28] =	ssyncset.done $0x0  }
0xb6: {  	s30 =	simm.s32 $0x0;
	[sflag:s28] =	ssyncadd.s32 $0xFFFFFC00  }
.LBB2_4:
0xb7: {  	_ =	swait.ge [sflag:s4], $0x4000  }
0xb8: {  	[sflag:s4] =	ssyncset.done $0x0  }
0xb9: {  	[sflag:s4] =	ssyncadd.s32 $0xFFFFC000  }
0xba: {  	_ =	swait.ge [sflag:s4], $0x4000  }
0xbb: {  	p1 =	seq.s32 s30, $0x0;
	[sflag:s4] =	ssyncset.done $0x0  }
0xbc: {  	s0 =	simm.s32 @!p1 $0x3;
	[sflag:s4] =	ssyncadd.s32 $0xFFFFC000  }
0xbd: {  	_ =	swait.ge @!p1 [sflag:s0], $0x4000  }
0xbe: {  	s25 =	simm.s32 $0x1000;
	[sflag:s0] =	ssyncset.done @!p1 $0x0  }
0xbf: {  	s3 =	sand.u32 $0x70, s29;
	s5 =	sand.u32 $0x1C00, s29;
	[sflag:s0] =	ssyncadd.s32 @!p1 $0xFFFFC000  }
0xc0: {  	s0 =	sor.u32 s3, s5;
	v8 =	vld [tilespmem:s25+$0x0]  }
0xc1: {  	v6 =	vld [tilespmem:s0+$0x9D80]  }
0xc2: {  	v7 =	vld [tilespmem:s0+$0x1E00]  }
0xc3: {  	v9 =	vld [tilespmem:s0+$0x9C80]  }
0xc4: {  	v10 =	vld [tilespmem:s0+$0x9E00]  }
0xc5: {  	v11 =	vld [tilespmem:s0+$0x1C80]  }
0xc6: {  	v12 =	vld [tilespmem:s0+$0x1F00]  }
0xc7: {  	v13 =	vld [tilespmem:s0+$0x1E80]  }
0xc8: {  	v14 =	vld [tilespmem:s0+$0x9D00]  }
0xc9: {  	v15 =	vld [tilespmem:s0+$0x1D00]  }
0xca: {  	v16 =	vld [tilespmem:s0+$0x9F00]  }
0xcb: {  	v17 =	vld [tilespmem:s0+$0x1D80]  }
0xcc: {  	v18 =	vld [tilespmem:s0+$0x9E80]  }
0xcd: {  	v19 =	vld [tilespmem:s0+$0x1C00];
	v9 =	vadd.f32 v9, v11  }
0xce: {  	s10 =	simm.s32 $0x10;
	s14 =	simm.s32 $0x80;
	v11 =	vld [tilespmem:s0+$0x9C00];
	v14 =	vadd.f32 v14, v15  }
0xcf: {  	s20 =	sand.u32 $0x70, s10;
	s21 =	sand.u32 $0x1C00, s14;
	v7 =	vadd.f32 v10, v7;
	v9 =	vadd.f32 v9, v8  }
0xd0: {  	s3 =	sor.u32 s20, s21;
	v10 =	vadd.f32 v16, v12;
	v12 =	vadd.f32 v14, v8  }
0xd1: {  	v20 =	vld [tilespmem:s3+$0x1E00];
	v6 =	vadd.f32 v6, v17;
	v7 =	vadd.f32 v7, v8;
	[tilespmem:s0+$0x11C80] =	vst v9  }
0xd2: {  	v22 =	vld [tilespmem:s3+$0x9E00];
	v13 =	vadd.f32 v18, v13;
	v10 =	vadd.f32 v10, v8;
	[tilespmem:s0+$0x11D00] =	vst v12  }
0xd3: {  	v24 =	vld [tilespmem:s3+$0x1C80];
	v15 =	vadd.f32 v6, v8;
	[tilespmem:s0+$0x11E00] =	vst v7;
	v11 =	vadd.f32 v11, v19  }
0xd4: {  	v26 =	vld [tilespmem:s3+$0x1F00];
	v14 =	vadd.f32 v13, v8;
	[tilespmem:s0+$0x11F00] =	vst v10  }
0xd5: {  	v29 =	vld [tilespmem:s3+$0x1E80];
	[tilespmem:s0+$0x11D80] =	vst v15;
	v11 =	vadd.f32 v11, v8  }
0xd6: {  	s6 =	sor.u32 s29, s29;
	s28 =	simm.s32 $0x1010;
	v6 =	vimm.f32 $0.0e+00;
	[tilespmem:s0+$0x11E80] =	vst v14;
	v19 =	vld [tilespmem:s3+$0x9C80]  }
0xd7: {  	s26 =	sor.u32 $0x380, s6;
	v20 =	vadd.f32 v22, v20;
	v13 =	vld [tilespmem:s28+$0x0];
	v21 =	vmul.f32 v9, v9;
	v23 =	vadd.f32 v9, v6;
	[tilespmem:s0+$0x11C00] =	vst v11  }
0xd8: {  	v9 =	vmul.f32 v14, v14;
	v25 =	vadd.f32 v12, v6;
	v12 =	vmul.f32 v12, v12;
	v16 =	vld [tilespmem:s26+$0x1C00]  }
0xd9: {  	v35 =	vadd.f32 v14, v6;
	v21 =	vadd.f32 v21, v6;
	v17 =	vld [tilespmem:s26+$0x9C00]  }
0xda: {  	v18 =	vld [tilespmem:s3+$0x9D80];
	v28 =	vadd.f32 v9, v6;
	v30 =	vadd.f32 v12, v6  }
0xdb: {  	v9 =	vmul.f32 v7, v7;
	v7 =	vadd.f32 v7, v6;
	v14 =	vadd.f32 v19, v24;
	v24 =	vld [tilespmem:s3+$0x1D80]  }
0xdc: {  	v32 =	vld [tilespmem:s3+$0x9D00];
	v20 =	vadd.f32 v20, v13;
	v27 =	vadd.f32 v11, v6;
	v11 =	vmul.f32 v11, v11  }
0xdd: {  	v36 =	vld [tilespmem:s3+$0x9E80];
	v33 =	vadd.f32 v9, v6;
	v9 =	vmul.f32 v15, v15;
	v19 =	vadd.f32 v15, v6  }
0xde: {  	v37 =	vld [tilespmem:s3+$0x9C00];
	v31 =	vadd.f32 v11, v6;
	v12 =	vadd.f32 v17, v16  }
0xdf: {  	v39 =	vld [tilespmem:s3+$0x1C00];
	v11 =	vmul.f32 v10, v10;
	v38 =	vadd.f32 v14, v13;
	v14 =	vadd.f32 v9, v6  }
0xe0: {  	v34 =	vld [tilespmem:s3+$0x1D00];
	v18 =	vadd.f32 v18, v24;
	v12 =	vadd.f32 v12, v8  }
0xe1: {  	v45 =	vadd.f32 v11, v6;
	v11 =	vadd.f32 v10, v6;
	v15 =	vmul.f32 v38, v38;
	v17 =	vld [tilespmem:s3+$0x9F00]  }
0xe2: {  	v42 =	vadd.f32 v18, v13;
	v16 =	vmul.f32 v12, v12;
	v10 =	vadd.f32 v12, v6  }
0xe3: {  	[tilespmem:s26+$0x11C00] =	vst v12;
	v12 =	vadd.f32 v36, v29;
	v29 =	vadd.f32 v15, v21  }
0xe4: {  	v15 =	vadd.f32 v37, v39;
	v9 =	vadd.f32 v16, v6  }
0xe5: {  	v16 =	vadd.f32 v38, v23;
	v23 =	vadd.f32 v32, v34  }
0xe6: {  	v17 =	vadd.f32 v17, v26;
	v26 =	vld [tilespmem:s0+$0xBD80];
	v21 =	vadd.f32 v12, v13  }
0xe7: {  	v44 =	vmul.f32 v42, v42;
	v24 =	vadd.f32 v15, v13;
	v15 =	vld [tilespmem:s0+$0x3D80];
	v22 =	vadd.f32 v23, v13  }
0xe8: {  	v34 =	vimm.f32 $0.0e+00;
	v43 =	vadd.f32 v17, v13;
	v17 =	vld [tilespmem:s0+$0x3D00];
	v12 =	vmul.f32 v21, v21  }
0xe9: {  	v32 =	vimm.f32 $0.0e+00;
	v23 =	vld [tilespmem:s0+$0xBD00];
	v39 =	vadd.f32 v24, v27;
	v18 =	vmul.f32 v22, v22  }
0xea: {  	[tilespmem:s3+$0x11E00] =	vst v20;
	v40 =	vld [tilespmem:s0+$0x3C80];
	v36 =	vadd.f32 v22, v25;
	v25 =	vmul.f32 v24, v24;
	v12 =	vadd.f32 v12, v28  }
0xeb: {  	v49 =	vld [tilespmem:s0+$0x3E80];
	[tilespmem:s3+$0x11C00] =	vst v24;
	v28 =	vmul.f32 v20, v20;
	v24 =	vimm.f32 $0.0e+00;
	v37 =	vadd.f32 v18, v30  }
0xec: {  	v54 =	vld [tilespmem:s0+$0xBE80];
	[tilespmem:s3+$0x11D00] =	vst v22;
	v22 =	vimm.f32 $0.0e+00;
	v18 =	vadd.f32 v20, v7;
	v41 =	vadd.f32 v25, v31  }
0xed: {  	[tilespmem:s3+$0x11C80] =	vst v38;
	v27 =	vld [tilespmem:s0+$0x3E00];
	v20 =	vadd.f32 v26, v15;
	v15 =	vadd.f32 v21, v35;
	v31 =	vimm.f32 $0.0e+00  }
0xee: {  	[tilespmem:s3+$0x11D80] =	vst v42;
	v30 =	vld [tilespmem:s0+$0xBE00];
	v35 =	vimm.f32 $0.0e+00;
	v25 =	vimm.f32 $0.0e+00;
	v7 =	vadd.f32 v23, v17  }
0xef: {  	s10 =	sor.u32 s10, s14;
	v55 =	vld [tilespmem:s0+$0x3F00];
	[tilespmem:s3+$0x11E80] =	vst v21;
	v26 =	vimm.f32 $0.0e+00;
	v21 =	vimm.f32 $0.0e+00;
	v23 =	vmul.f32 v43, v43  }
0xf0: {  	s5 =	sor.u32 $0x380, s10;
	v38 =	vld [tilespmem:s0+$0x3C00];
	[tilespmem:s3+$0x11F00] =	vst v43;
	v17 =	vadd.f32 v28, v33;
	v33 =	vimm.f32 $0.0e+00;
	v46 =	vadd.f32 v7, v8  }
0xf1: {  	v51 =	vld [tilespmem:s5+$0x1C00];
	v28 =	vimm.f32 $0.0e+00;
	v47 =	vadd.f32 v20, v8;
	v20 =	vimm.f32 $0.0e+00  }
0xf2: {  	s31 =	sshll.u32 s30, $0x5;
	v52 =	vld [tilespmem:s5+$0x9C00];
	v7 =	vadd.f32 v23, v45;
	v23 =	vimm.f32 $0.0e+00;
	v48 =	vmul.f32 v46, v46  }
0xf3: {  	s14 =	simm.s32 $0x100;
	s20 =	simm.s32 $0x1020;
	s26 =	simm.s32 $0x20;
	v45 =	vld [tilespmem:s0+$0xBC80];
	v50 =	vadd.f32 v30, v27;
	v30 =	vimm.f32 $0.0e+00;
	[tilespmem:s0+$0x13D00] =	vst v46;
	v27 =	vimm.f32 $0.0e+00  }
.LBB2_5:
0xf4: {  	s25 =	sand.u32 $0x70, s26  }
0xf5: {  	s28 =	sand.u32 $0x1C00, s14;
	v11 =	vadd.f32 v43, v11;
	v6 =	vadd.f32 v46, v6;
	v43 =	vld [tilespmem:s0+$0xBF00];
	s23 =	smov.u32 s26;
	s21 =	sadd.s32 $0x10, s26  }
0xf6: {  	p0 =	sne.s32 s26, $0x3F0;
	v46 =	vld [tilespmem:s20+$0x0];
	s25 =	sor.u32 s25, s28;
	[tilespmem:s0+$0x13D80] =	vst v47;
	v53 =	vmul.f32 v47, v47;
	v50 =	vadd.f32 v50, v8;
	v49 =	vadd.f32 v54, v49  }
0xf7: {  	v33 =	vadd.f32 v48, v33;
	v30 =	vadd.f32 v47, v30;
	v54 =	vld [tilespmem:s25+$0x9D80]  }
0xf8: {  	v47 =	vld [tilespmem:s25+$0x1E00];
	v48 =	vadd.f32 v52, v51;
	[tilespmem:s0+$0x13E00] =	vst v50;
	v51 =	vmul.f32 v50, v50;
	v49 =	vadd.f32 v49, v8  }
0xf9: {  	v31 =	vadd.f32 v53, v31;
	v34 =	vadd.f32 v50, v34;
	v52 =	vld [tilespmem:s0+$0xBC00]  }
0xfa: {  	v50 =	vld [tilespmem:s25+$0x9C80];
	v48 =	vadd.f32 v48, v13;
	v35 =	vadd.f32 v51, v35;
	[tilespmem:s0+$0x13E80] =	vst v49;
	v51 =	vmul.f32 v49, v49  }
0xfb: {  	v32 =	vadd.f32 v49, v32;
	v43 =	vadd.f32 v43, v55;
	v53 =	vld [tilespmem:s25+$0x9E00]  }
0xfc: {  	v49 =	vld [tilespmem:s25+$0x1C80];
	[tilespmem:s5+$0x11C00] =	vst v48;
	v10 =	vadd.f32 v48, v10;
	v48 =	vmul.f32 v48, v48;
	v28 =	vadd.f32 v51, v28  }
0xfd: {  	v14 =	vadd.f32 v44, v14;
	v43 =	vadd.f32 v43, v8;
	v51 =	vld [tilespmem:s25+$0x1F00]  }
0xfe: {  	v44 =	vld [tilespmem:s25+$0x1E80];
	v9 =	vadd.f32 v48, v9;
	v38 =	vadd.f32 v52, v38  }
0xff: {  	v19 =	vadd.f32 v42, v19;
	v24 =	vadd.f32 v43, v24;
	v42 =	vmul.f32 v43, v43;
	v48 =	vld [tilespmem:s25+$0x9F00];
	[tilespmem:s0+$0x13F00] =	vst v43  }
0x100: {  	v40 =	vadd.f32 v45, v40;
	v43 =	vld [tilespmem:s25+$0x9D00];
	v38 =	vadd.f32 v38, v8  }
0x101: {  	v25 =	vadd.f32 v42, v25;
	v45 =	vadd.f32 v50, v49;
	v49 =	vld [tilespmem:s25+$0x1D00]  }
0x102: {  	v40 =	vadd.f32 v40, v8;
	v42 =	vld [tilespmem:s25+$0x1D80];
	[tilespmem:s0+$0x13C00] =	vst v38;
	v26 =	vadd.f32 v38, v26;
	v38 =	vmul.f32 v38, v38  }
0x103: {  	v50 =	vadd.f32 v45, v46;
	v45 =	vld [tilespmem:s25+$0x9E80]  }
0x104: {  	v22 =	vadd.f32 v40, v22;
	v52 =	vld [tilespmem:s25+$0x9C00];
	v27 =	vadd.f32 v38, v27;
	[tilespmem:s0+$0x13C80] =	vst v40;
	v40 =	vmul.f32 v40, v40;
	s0 =	smov.u32 s3;
	s3 =	smov.u32 s25  }
0x105: {  	v55 =	vld [tilespmem:s3+$0x1C00];
	v16 =	vadd.f32 v50, v16;
	v56 =	vmul.f32 v50, v50  }
0x106: {  	v48 =	vadd.f32 v48, v51;
	s25 =	sor.u32 $0x2380, s6;
	s6 =	smov.u32 s10;
	v38 =	vld [tilespmem:s0+$0x3C00];
	v23 =	vadd.f32 v40, v23  }
0x107: {  	v47 =	vadd.f32 v53, v47;
	v49 =	vadd.f32 v43, v49;
	v51 =	vld [tilespmem:s25+$0x1C00]  }
0x108: {  	v42 =	vadd.f32 v54, v42;
	v44 =	vadd.f32 v45, v44;
	v53 =	vld [tilespmem:s25+$0x9C00]  }
0x109: {  	v43 =	vadd.f32 v48, v46;
	v29 =	vadd.f32 v56, v29;
	v40 =	vld [tilespmem:s0+$0x3C80]  }
0x10a: {  	v48 =	vadd.f32 v52, v55;
	v52 =	vadd.f32 v44, v46;
	v45 =	vld [tilespmem:s0+$0xBC80]  }
0x10b: {  	v42 =	vadd.f32 v42, v46;
	v44 =	vadd.f32 v49, v46;
	v55 =	vmul.f32 v43, v43;
	v49 =	vld [tilespmem:s0+$0x3D00]  }
0x10c: {  	v47 =	vadd.f32 v47, v46;
	v48 =	vadd.f32 v48, v46;
	[tilespmem:s3+$0x11C80] =	vst v50;
	v50 =	vmul.f32 v52, v52;
	v54 =	vld [tilespmem:s0+$0xBD00]  }
0x10d: {  	v36 =	vadd.f32 v44, v36;
	[tilespmem:s3+$0x11D00] =	vst v44;
	v44 =	vmul.f32 v44, v44;
	v56 =	vld [tilespmem:s0+$0x3D80];
	v51 =	vadd.f32 v53, v51  }
0x10e: {  	v39 =	vadd.f32 v48, v39;
	v53 =	vmul.f32 v48, v48;
	[tilespmem:s3+$0x11E00] =	vst v47;
	v12 =	vadd.f32 v50, v12;
	v50 =	vld [tilespmem:s0+$0xBD80]  }
0x10f: {  	v18 =	vadd.f32 v47, v18;
	v47 =	vmul.f32 v47, v47;
	v37 =	vadd.f32 v44, v37;
	[tilespmem:s3+$0x11F00] =	vst v43;
	v57 =	vld [tilespmem:s0+$0x3E00]  }
0x110: {  	v44 =	vmul.f32 v42, v42;
	v58 =	vadd.f32 v51, v8;
	v41 =	vadd.f32 v53, v41;
	[tilespmem:s3+$0x11D80] =	vst v42;
	v53 =	vld [tilespmem:s0+$0xBE00]  }
.Ltmp1:
0x111: {  	s10 =	sor.u32 s23, s14;
	v8 =	vmovc v13;
	v13 =	vmov v46;
	v17 =	vadd.f32 v47, v17;
	[tilespmem:s3+$0x11E80] =	vst v52;
	v47 =	vadd.f32 v54, v49;
	v49 =	vld [tilespmem:s0+$0x3E80];
	(pc) =	sbr.rel @p0 .LBB2_5-.Ltmp1, $4  }
0x112: {  	s5 =	sor.u32 $0x380, s10;
	v15 =	vadd.f32 v52, v15;
	v20 =	vadd.f32 v58, v20;
	[tilespmem:s3+$0x11C00] =	vst v48;
	v54 =	vld [tilespmem:s0+$0xBE80];
	v48 =	vmul.f32 v58, v58  }
0x113: {  	v51 =	vld [tilespmem:s5+$0x1C00];
	v46 =	vadd.f32 v47, v8;
	v47 =	vadd.f32 v50, v56;
	[tilespmem:s25+$0x11C00] =	vst v58  }
0x114: {  	v7 =	vadd.f32 v55, v7;
	v52 =	vld [tilespmem:s5+$0x9C00];
	v21 =	vadd.f32 v48, v21  }
0x115: {  	s20 =	sadd.s32 $0x10, s20;
	s26 =	smov.u32 s21;
	s14 =	sadd.s32 $0x80, s14;
	[tilespmem:s0+$0x13D00] =	vst v46;
	v48 =	vmul.f32 v46, v46;
	v47 =	vadd.f32 v47, v8;
	v50 =	vadd.f32 v53, v57;
	v55 =	vld [tilespmem:s0+$0x3F00]  }
0x116: {  	_ =	sdelay $0x2  }
0x117: {  	v51 =	vadd.f32 v52, v51;
	_ =	sdelay $0x1  }
0x118: {  	v53 =	vadd.f32 v51, v13;
	_ =	sdelay $0x1  }
0x119: {  	v56 =	vld [tilespmem:s0+$0xBF00];
	[tilespmem:s5+$0x11C00] =	vst v53  }
0x11a: {  	v57 =	vld [tilespmem:s3+$0x3C00]  }
0x11b: {  	v51 =	vld [tilespmem:s3+$0x3D00]  }
0x11c: {  	v52 =	vld [tilespmem:s3+$0xBD00]  }
0x11d: {  	v58 =	vld [tilespmem:s3+$0x3D80]  }
0x11e: {  	v59 =	vld [tilespmem:s3+$0xBD80]  }
0x11f: {  	v60 =	vld [tilespmem:s3+$0x3E00]  }
0x120: {  	v61 =	vld [tilespmem:s3+$0xBE00]  }
0x121: {  	v4 =	vld [tilespmem:s3+$0x3E80]  }
0x122: {  	v49 =	vadd.f32 v54, v49;
	v3 =	vld [tilespmem:s3+$0xBE80]  }
0x123: {  	v40 =	vadd.f32 v45, v40;
	v54 =	vadd.f32 v56, v55;
	v62 =	vld [tilespmem:s3+$0x3C80]  }
0x124: {  	v63 =	vadd.f32 v50, v8;
	v56 =	vadd.f32 v49, v8;
	v2 =	vld [tilespmem:s3+$0xBC80]  }
0x125: {  	[tilespmem:s0+$0x13D80] =	vst v47;
	v54 =	vadd.f32 v54, v8;
	v55 =	vld [tilespmem:s3+$0xBC00];
	v51 =	vadd.f32 v52, v51  }
0x126: {  	[tilespmem:s0+$0x13E00] =	vst v63;
	v52 =	vadd.f32 v59, v58;
	v58 =	vld [tilespmem:s0+$0xBC00];
	v59 =	vadd.f32 v61, v60  }
0x127: {  	[tilespmem:s0+$0x13E80] =	vst v56;
	v60 =	vld [tilespmem:s3+$0x3F00];
	v3 =	vadd.f32 v3, v4;
	v4 =	vadd.f32 v40, v8  }
0x128: {  	[tilespmem:s0+$0x13F00] =	vst v54;
	v61 =	vld [tilespmem:s3+$0xBF00];
	v51 =	vadd.f32 v51, v13  }
0x129: {  	v52 =	vadd.f32 v52, v13;
	[tilespmem:s0+$0x13C80] =	vst v4  }
0x12a: {  	v2 =	vadd.f32 v2, v62;
	v50 =	vadd.f32 v59, v13;
	[tilespmem:s3+$0x13D00] =	vst v51  }
0x12b: {  	v40 =	vadd.f32 v3, v13;
	[tilespmem:s3+$0x13D80] =	vst v52;
	v38 =	vadd.f32 v58, v38  }
0x12c: {  	v3 =	vadd.f32 v55, v57;
	v45 =	vadd.f32 v2, v13;
	[tilespmem:s3+$0x13E00] =	vst v50  }
0x12d: {  	[tilespmem:s3+$0x13E80] =	vst v40;
	v59 =	vadd.f32 v61, v60;
	v58 =	vadd.f32 v38, v8  }
0x12e: {  	v49 =	vadd.f32 v3, v13;
	[tilespmem:s3+$0x13C80] =	vst v45  }
0x12f: {  	s6 =	sor.u32 $0x2380, s6;
	v38 =	vadd.f32 v59, v13;
	[tilespmem:s0+$0x13C00] =	vst v58  }
0x130: {  	[tilespmem:s3+$0x13C00] =	vst v49;
	v2 =	vld [tilespmem:s6+$0x1C00]  }
0x131: {  	s14 =	sor.u32 $0x2380, s10;
	[tilespmem:s3+$0x13F00] =	vst v38;
	v3 =	vld [tilespmem:s6+$0x9C00]  }
0x132: {  	v60 =	vld [tilespmem:s14+$0x1C00]  }
0x133: {  	v61 =	vld [tilespmem:s14+$0x9C00];
	_ =	sdelay $0x1  }
0x134: {  	(xrf2) =	vadd.scan.msk.f32 $0xffff, v39;
	_ =	sdelay $0x1  }
0x135: {  	v2 =	vadd.f32 v3, v2  }
0x136: {  	v3 =	vadd.f32 v61, v60  }
0x137: {  	(xrf2) =	vadd.scan.msk.f32 $0xffff, v41;
	v2 =	vadd.f32 v2, v8  }
0x138: {  	v13 =	vadd.f32 v3, v13  }
0x139: {  	[tilespmem:s6+$0x11C00] =	vst v2  }
0x13a: {  	p0 =	seq.s32 s30, $0x7;
	[tilespmem:s14+$0x11C00] =	vst v13  }
0x13b: {  	v3 =	vld.idx.msk @!p0 [tilespmem:v0+s31+$0x0 ss:$0x1], $0xffff  }
0x13c: {  	(xrf2) =	vadd.scan.msk.f32 $0xffff, v16  }
0x13d: {  	(xrf2) =	vadd.scan.msk.f32 $0xffff, v29;
	v29, _, _ =	vpop (xrf2)  }
0x13e: {  	(v2sf) =	vpush v29, $0xF;
	_ =	sdelay $0x1  }
0x13f: {  	v39 =	vlaneseq.u32 @!p0;
	v8 =	vshll.u32 @!p0 v3, $0x3  }
0x140: {  	v41 =	vshrl.u32 @!p0 v39, $0x3;
	(xrf2) =	vadd.scan.msk.f32 $0xffff, v36;
	v29, _, _ =	vpop (xrf2);
	v3 =	vand.u32 @!p0 $0x7, v3;
	v8 =	vand.u32 @!p0 $0xFFFFFFC0, v8  }
0x141: {  	(v2sf) =	vpush v29, $0xF;
	v3 =	vor.u32 @!p0 v3, v8;
	v8 =	vand.u32 @!p0 $0x7, v39  }
0x142: {  	v16 =	vmul.u32 @!p0 $0x8, v41;
	(xrf2) =	vadd.scan.msk.f32 $0xffff, v37;
	v55 =	vperm.xlane @!p0 v3, v8;
	_ =	sdelay $0x1  }
0x143: {  	v19 =	vadd.f32 v42, v19;
	v41 =	vadd.s32 @!p0 v16, v55  }
0x144: {  	v62, _, _ =	vpop (xrf2)  }
0x145: {  	v14 =	vadd.f32 v44, v14;
	(xrf2) =	vadd.scan.msk.f32 $0xffff, v19;
	(v2sf) =	vpush v62, $0xF;
	_ =	sdelay $0x1  }
0x146: {  	vm1 =	vmmov @!p0 $0xffff;
	v42, _, _ =	vpop (xrf2);
	(xrf2) =	vadd.scan.msk.f32 $0xffff, v14;
	s0 =	simm.s32 @!p0 $0x0;
	s3 =	simm.s32 @!p0 $0x1C00  }
0x147: {  	v29 =	vor.u32 @!p0 $0x8, v39;
	(v2sf) =	vpush v42, $0xF;
	[tilespmem:s3], [sflag:$0x1] =	stream.indirect_vreg.gather @!p0 [hbm4b:s1+s0], $0x80, v41, vm1, $0xb8;
	[tilespmem:$0x19C00] =	vst v63  }
0x148: {  	v14, _, _ =	vpop (xrf2);
	v3 =	vperm.xlane @!p0 v3, v29;
	s3 =	simm.s32 @!p0 $0x2400  }
0x149: {  	(v2sf) =	vpush v14, $0xF;
	[tilespmem:s3], [sflag:$0x1] =	stream.indirect_vreg.gather @!p0 [hbm4b:s11+s0], $0x80, v41, vm1, $0xb8;
	[tilespmem:$0x19C00] =	vst v63  }
0x14a: {  	(xrf2) =	vadd.scan.msk.f32 $0xffff, v18;
	v14, _, _ =	vpop (xrf2);
	s20 =	spop (v2sf);
	v3 =	vadd.s32 @!p0 v16, v3;
	s3 =	simm.s32 @!p0 $0x2C00  }
0x14b: {  	(v2sf) =	vpush v14, $0xF;
	[tilespmem:s3], [sflag:$0x1] =	stream.indirect_vreg.gather @!p0 [hbm4b:s12+s0], $0x80, v41, vm1, $0xb8;
	[tilespmem:$0x19C00] =	vst v63  }
0x14c: {  	(xrf2) =	vadd.scan.msk.f32 $0xffff, v17;
	s10 =	smul.f32 $9.765625000e-04, s20;
	s3 =	simm.s32 @!p0 $0x3400  }
0x14d: {  	[tilespmem:s3], [sflag:$0x1] =	stream.indirect_vreg.gather @!p0 [hbm4b:s13+s0], $0x80, v41, vm1, $0xb8;
	[tilespmem:$0x19C00] =	vst v63  }
0x14e: {  	v44 =	vadd.f32 v43, v11;
	v11 =	vmul.f32 v47, v47;
	v14 =	vmul.f32 v63, v63;
	s21 =	spop (v2sf);
	v60, _, _ =	vpop (xrf2);
	(xrf2) =	vadd.scan.msk.f32 $0xffff, v15;
	s23 =	smul.f32 s10, s10;
	s3 =	simm.s32 @!p0 $0x3C00  }
0x14f: {  	v6 =	vadd.f32 v46, v6;
	v30 =	vadd.f32 v47, v30;
	[tilespmem:s3], [sflag:$0x1] =	stream.indirect_vreg.gather @!p0 [hbm4b:s1+s0], $0x80, v3, vm1, $0xb8;
	[tilespmem:$0x19C00] =	vst v63  }
0x150: {  	v31 =	vadd.f32 v11, v31;
	v57 =	vadd.f32 v14, v35;
	v14 =	vmul.f32 v56, v56;
	s3 =	smul.f32 $9.765625000e-04, s21  }
0x151: {  	v11 =	vadd.f32 v56, v32;
	v59 =	vadd.f32 v53, v10;
	v18 =	vmul.f32 v53, v53;
	v17, _, _ =	vpop (xrf2);
	(xrf2) =	vadd.scan.msk.f32 $0xffff, v12  }
0x152: {  	v10 =	vadd.f32 v14, v28;
	(v2sf) =	vpush v60, $0xF;
	s3 =	ssub.f32 s3, s23  }
0x153: {  	v28 =	vadd.f32 v18, v9;
	v9 =	vmul.f32 v58, v58;
	s24 =	spop (v2sf);
	(v2sf) =	vpush v17, $0xF  }
0x154: {  	v19 =	vadd.f32 v48, v33;
	v18 =	vadd.f32 v54, v24;
	s14 =	smul.f32 $9.765625000e-04, s24;
	s3 =	sadd.f32 $9.999999960e-13, s3  }
0x155: {  	v14 =	vmul.f32 v54, v54;
	v24 =	vadd.f32 v51, v6;
	v27 =	vadd.f32 v9, v27  }
0x156: {  	v12 =	vmul.f32 v4, v4;
	v4 =	vadd.f32 v4, v22;
	s25 =	spop (v2sf);
	s6 =	simm.s32 @!p0 $0x4400;
	s26 =	smul.f32 s14, s14;
	v9 =	vmov s3  }
0x157: {  	v17 =	vadd.f32 v14, v25;
	v6, _, _ =	vpop (xrf2);
	[tilespmem:s6], [sflag:$0x1] =	stream.indirect_vreg.gather @!p0 [hbm4b:s11+s0], $0x80, v3, vm1, $0xb8;
	v14 =	vshra.s32 v9, $0x1;
	v62 =	vmul.f32 $5.000000000e-01, v9;
	[tilespmem:$0x19C00] =	vst v63  }
0x158: {  	s5 =	simm.s32 @!p0 $0x4C00;
	(v2sf) =	vpush v6, $0xF;
	v6, _, _ =	vpop (xrf2);
	s20 =	spop (v2sf);
	v55 =	vadd.f32 v63, v34;
	s3 =	smul.f32 $9.765625000e-04, s25;
	v22 =	vsub.s32 $0x5F3759DF, v14  }
0x159: {  	(v2sf) =	vpush v6, $0xF;
	v6, _, _ =	vpop (xrf2);
	v63 =	vadd.f32 v12, v23;
	[tilespmem:s5], [sflag:$0x1] =	stream.indirect_vreg.gather @!p0 [hbm4b:s12+s0], $0x80, v3, vm1, $0xb8;
	v23 =	vmul.f32 v22, v62;
	[tilespmem:$0x19C00] =	vst v63  }
0x15a: {  	v61 =	vadd.f32 v58, v26;
	s21 =	spop (v2sf);
	(v2sf) =	vpush v6, $0xF;
	s3 =	ssub.f32 s3, s26  }
0x15b: {  	v15 =	vadd.f32 v2, v20;
	v6, _, _ =	vpop (xrf2);
	s25 =	smul.f32 $9.765625000e-04, s20;
	v9 =	vmul.f32 v2, v2;
	v2 =	vmul.f32 v22, v23  }
0x15c: {  	v26 =	vmul.f32 v38, v38;
	(xrf2) =	vadd.scan.msk.f32 $0xffff, v44;
	v12 =	vmul.f32 v51, v51;
	(v2sf) =	vpush v6, $0xF;
	s5 =	smul.f32 $9.765625000e-04, s21;
	s3 =	sadd.f32 $9.999999960e-13, s3  }
0x15d: {  	(xrf2) =	vadd.scan.msk.f32 $0xffff, v7;
	v20 =	vmul.f32 v50, v50;
	s23 =	smul.f32 s25, s25;
	v14 =	vadd.f32 v9, v21;
	v2 =	vsub.f32 $1.500000000e+00, v2  }
0x15e: {  	v9 =	vadd.f32 v12, v19;
	v12 =	vadd.f32 v52, v30;
	v21 =	vmov s3  }
0x15f: {  	s5 =	ssub.f32 s5, s23;
	s3 =	simm.s32 @!p0 $0x5400;
	v30 =	vmul.f32 $5.000000000e-01, v21;
	v2 =	vmul.f32 v22, v2;
	v22 =	vshra.s32 v21, $0x1  }
0x160: {  	v6 =	vmul.f32 v49, v49;
	v19 =	vmul.f32 v52, v52;
	[tilespmem:s3], [sflag:$0x1] =	stream.indirect_vreg.gather @!p0 [hbm4b:s13+s0], $0x80, v3, vm1, $0xb8;
	v3 =	vsub.s32 $0x5F3759DF, v22;
	[tilespmem:$0x19C00] =	vst v63  }
0x161: {  	s24 =	spop (v2sf);
	s5 =	sadd.f32 $9.999999960e-13, s5;
	v22 =	vadd.f32 v20, v57;
	v7 =	vmul.f32 v2, v62;
	v20 =	vmul.f32 v3, v30  }
0x162: {  	v25 =	vmul.f32 v40, v40;
	v6 =	vadd.f32 v6, v27;
	s26 =	spop (v2sf);
	v23 =	vadd.f32 v19, v31;
	s3 =	smul.f32 $9.765625000e-04, s24;
	v27 =	vld.idx.msk @!p0 [tilespmem:v0+s31+$0x800 ss:$0x1], $0xffff  }
0x163: {  	(xrf2) =	vadd.scan.msk.f32 $0xffff, v59;
	s6 =	smul.f32 $9.765625000e-04, s26;
	v21 =	vmov s5;
	v7 =	vmul.f32 v7, v2;
	v20 =	vmul.f32 v3, v20  }
0x164: {  	(xrf2) =	vadd.scan.msk.f32 $0xffff, v28;
	v31 =	vadd.f32 v49, v61;
	s20 =	smul.f32 s3, s3;
	v42 =	vshra.s32 v21, $0x1;
	v43 =	vmul.f32 $5.000000000e-01, v21  }
0x165: {  	v32 =	vsub.s32 $0x5F3759DF, v42;
	v7 =	vsub.f32 $1.500000000e+00, v7;
	v20 =	vsub.f32 $1.500000000e+00, v20  }
0x166: {  	v4 =	vadd.f32 v45, v4;
	v28 =	vmul.f32 v45, v45;
	v45, _, _ =	vpop (xrf2);
	(xrf2) =	vadd.scan.msk.f32 $0xffff, v31;
	s5 =	ssub.f32 s6, s20;
	v44 =	vmul.f32 v32, v43  }
0x167: {  	v47, _, _ =	vpop (xrf2);
	s21 =	spop (v2sf);
	(xrf2) =	vadd.scan.msk.f32 $0xffff, v6;
	v35 =	vshll.u32 @!p0 v27, $0x3;
	v2 =	vmul.f32 v7, v2;
	v3 =	vmul.f32 v3, v20  }
0x168: {  	s23 =	spop (v2sf);
	s5 =	sadd.f32 $9.999999960e-13, s5;
	v7 =	vand.u32 @!p0 $0x7, v27;
	v20 =	vand.u32 @!p0 $0xFFFFFFC0, v35;
	v27 =	vmul.f32 v32, v44  }
0x169: {  	(v2sf) =	vpush v45, $0xF;
	v28 =	vadd.f32 v28, v63;
	s6 =	smul.f32 $9.765625000e-04, s21;
	s20 =	spop (v2sf);
	v7 =	vor.u32 @!p0 v7, v20  }
0x16a: {  	s20 =	smul.f32 $9.765625000e-04, s20;
	v46 =	vmul.f32 v3, v30;
	v6 =	vsub.f32 $1.500000000e+00, v27;
	v27 =	vmov s5  }
0x16b: {  	(v2sf) =	vpush v47, $0xF;
	v19 =	vadd.f32 v50, v55;
	s21 =	smul.f32 s6, s6;
	v8 =	vperm.xlane @!p0 v7, v8  }
0x16c: {  	s26 =	smul.f32 s20, s20;
	v49 =	vshra.s32 v27, $0x1;
	v50 =	vmul.f32 $5.000000000e-01, v27;
	v48 =	vmul.f32 v46, v3  }
0x16d: {  	v31 =	vmul.f32 v2, v62;
	s5 =	smul.f32 $9.765625000e-04, s23;
	s23 =	spop (v2sf);
	v32 =	vmul.f32 v32, v6;
	v35 =	vsub.s32 $0x5F3759DF, v49;
	v27, _, _ =	vpop (xrf2)  }
0x16e: {  	s24 =	smul.f32 $9.765625000e-04, s23;
	v20 =	vmul.f32 v35, v50;
	(v2sf) =	vpush v27, $0xF;
	v6, _, _ =	vpop (xrf2);
	v27 =	vsub.f32 $1.500000000e+00, v48  }
0x16f: {  	s5 =	ssub.f32 s5, s21;
	(v2sf) =	vpush v6, $0xF;
	v6 =	vmul.f32 v31, v2;
	v31 =	vmul.f32 v32, v43  }
0x170: {  	s21 =	ssub.f32 s24, s26;
	v51 =	vmul.f32 v35, v20;
	v3 =	vmul.f32 v27, v3;
	v27 =	vadd.s32 @!p0 v16, v8;
	v8, _, _ =	vpop (xrf2)  }
0x171: {  	(xrf2) =	vadd.scan.msk.f32 $0xffff, v4;
	s5 =	sadd.f32 $9.999999960e-13, s5;
	v6 =	vsub.f32 $1.500000000e+00, v6;
	v31 =	vmul.f32 v31, v32;
	(v2sf) =	vpush v8, $0xF;
	v8, _, _ =	vpop (xrf2)  }
0x172: {  	v20 =	vperm.xlane @!p0 v7, v29;
	s24 =	sadd.f32 $9.999999960e-13, s21;
	v7 =	vsub.f32 $1.500000000e+00, v51;
	(v2sf) =	vpush v8, $0xF  }
0x173: {  	(xrf2) =	vadd.scan.msk.f32 $0xffff, v28;
	v6 =	vmul.f32 v6, v2;
	v2 =	vmul.f32 v3, v30;
	v4 =	vsub.f32 $1.500000000e+00, v31  }
0x174: {  	v28 =	vmul.f32 v35, v7;
	v7 =	vmov s5;
	v31 =	vmov s24  }
0x175: {  	v29 =	vshra.s32 v7, $0x1;
	v30 =	vmul.f32 $5.000000000e-01, v7;
	v52 =	vshra.s32 v31, $0x1  }
0x176: {  	v31 =	vmul.f32 $5.000000000e-01, v31;
	v4 =	vmul.f32 v4, v32;
	v29 =	vsub.s32 $0x5F3759DF, v29  }
0x177: {  	v7 =	vmul.f32 v28, v50;
	v8 =	vmul.f32 v29, v30  }
0x178: {  	v2 =	vmul.f32 v2, v3;
	v32 =	vmul.f32 v4, v43  }
0x179: {  	s26 =	spop (v2sf);
	v33 =	vsub.s32 $0x5F3759DF, v52;
	v53 =	vmul.f32 v7, v28;
	v8 =	vmul.f32 v29, v8  }
0x17a: {  	v21 =	vmul.f32 v13, v13;
	s23 =	smul.f32 $9.765625000e-04, s26;
	s21 =	simm.s32 @!p0 $0x9C00;
	(xrf2) =	vadd.scan.msk.f32 $0xffff, v24;
	v54 =	vmul.f32 v33, v31;
	v2 =	vsub.f32 $1.500000000e+00, v2  }
0x17b: {  	[tilespmem:s21], [sflag:$0x1] =	stream.indirect_vreg.gather @!p0 [hbm4b:s2+s0], $0x80, v27, vm1, $0xb8;
	v56, _, _ =	vpop (xrf2);
	v32 =	vmul.f32 v32, v4;
	v34 =	vsub.f32 $1.500000000e+00, v53;
	v55 =	vsub.f32 $1.500000000e+00, v8;
	[tilespmem:$0x19C00] =	vst v63  }
0x17c: {  	(xrf2) =	vadd.scan.msk.f32 $0xffff, v9;
	s24 =	smul.f32 s23, s23;
	s21 =	spop (v2sf);
	(v2sf) =	vpush v56, $0xF;
	v8 =	vmul.f32 v2, v3;
	v3 =	vmul.f32 v33, v54  }
0x17d: {  	s5 =	smul.f32 $9.765625000e-04, s21;
	v2 =	vsub.f32 $1.500000000e+00, v32;
	v24 =	vmul.f32 v34, v28;
	v28 =	vmul.f32 v29, v55;
	v29, _, _ =	vpop (xrf2);
	s26 =	spop (v2sf)  }
0x17e: {  	v9 =	vmul.f32 s14, v8;
	v3 =	vsub.f32 $1.500000000e+00, v3;
	s21 =	smul.f32 $9.765625000e-04, s26;
	s26 =	spop (v2sf);
	(v2sf) =	vpush v29, $0xF  }
0x17f: {  	s5 =	ssub.f32 s5, s24;
	v29 =	vadd.f32 v40, v11;
	v11 =	vmul.f32 v24, v50;
	v57 =	vmul.f32 v28, v30  }
0x180: {  	v25 =	vadd.f32 v25, v10;
	(xrf2) =	vadd.scan.msk.f32 $0xffff, v12;
	v10 =	vmul.f32 v2, v4;
	v2 =	vmul.f32 v33, v3;
	s14 =	smul.f32 $9.765625000e-04, s26  }
0x181: {  	v17 =	vadd.f32 v26, v17;
	s5 =	sadd.f32 $9.999999960e-13, s5;
	(xrf2) =	vadd.scan.msk.f32 $0xffff, v23;
	s26 =	simm.s32 @!p0 $0xA400;
	s24 =	smul.f32 s21, s21;
	v4 =	vmul.f32 v11, v24;
	v12 =	vmul.f32 v57, v28  }
0x182: {  	v7 =	vmul.f32 s10, v6;
	v3 =	vadd.f32 v38, v18;
	[tilespmem:s26], [sflag:$0x1] =	stream.indirect_vreg.gather @!p0 [hbm4b:s15+s0], $0x80, v27, vm1, $0xb8;
	v18 =	vmul.f32 v2, v31;
	[tilespmem:$0x19C00] =	vst v63  }
0x183: {  	s10 =	ssub.f32 s14, s24;
	v4 =	vsub.f32 $1.500000000e+00, v4;
	v23 =	vsub.f32 $1.500000000e+00, v12;
	v12 =	vmov s5;
	s14 =	spop (v2sf)  }
0x184: {  	v18 =	vmul.f32 v18, v2;
	v26 =	vshra.s32 v12, $0x1;
	v58 =	vmul.f32 $5.000000000e-01, v12;
	s14 =	smul.f32 $9.765625000e-04, s14;
	s24 =	spop (v2sf)  }
0x185: {  	s26 =	sadd.f32 $9.999999960e-13, s10;
	v12 =	vmul.f32 v4, v24;
	v4 =	vmul.f32 v23, v28;
	v23 =	vsub.s32 $0x5F3759DF, v26;
	s10 =	smul.f32 $9.765625000e-04, s24;
	v28, _, _ =	vpop (xrf2)  }
0x186: {  	v11 =	vmul.f32 s25, v10;
	v24 =	vmul.f32 v23, v58;
	s25 =	smul.f32 s14, s14;
	(v2sf) =	vpush v28, $0xF;
	v28, _, _ =	vpop (xrf2)  }
0x187: {  	v18 =	vsub.f32 $1.500000000e+00, v18;
	(xrf2) =	vadd.scan.msk.f32 $0xffff, v19;
	v26 =	vmov s26;
	(v2sf) =	vpush v28, $0xF  }
0x188: {  	(xrf2) =	vadd.scan.msk.f32 $0xffff, v22;
	v19 =	vshra.s32 v26, $0x1;
	v26 =	vmul.f32 $5.000000000e-01, v26;
	v22 =	vmul.f32 v23, v24;
	s5 =	ssub.f32 s10, s25  }
0x189: {  	v24 =	vadd.f32 v13, v15;
	v13 =	vmul.f32 v4, v30;
	v19 =	vsub.s32 $0x5F3759DF, v19  }
0x18a: {  	v28, _, _ =	vpop (xrf2);
	v2 =	vmul.f32 v18, v2;
	v15 =	vmul.f32 v19, v26;
	v18 =	vsub.f32 $1.500000000e+00, v22;
	s5 =	sadd.f32 $9.999999960e-13, s5  }
0x18b: {  	(v2sf) =	vpush v28, $0xF;
	v13 =	vmul.f32 v13, v4  }
0x18c: {  	(xrf2) =	vadd.scan.msk.f32 $0xffff, v29;
	s26 =	spop (v2sf);
	v22, _, _ =	vpop (xrf2);
	v15 =	vmul.f32 v19, v15;
	v18 =	vmul.f32 v23, v18;
	v23 =	vmov s5  }
0x18d: {  	s26 =	smul.f32 $9.765625000e-04, s26;
	(xrf2) =	vadd.scan.msk.f32 $0xffff, v25;
	(v2sf) =	vpush v22, $0xF;
	v25 =	vshra.s32 v23, $0x1;
	v23 =	vmul.f32 $5.000000000e-01, v23  }
0x18e: {  	v22 =	vmul.f32 v2, v31;
	v15 =	vsub.f32 $1.500000000e+00, v15;
	v25 =	vsub.s32 $0x5F3759DF, v25  }
0x18f: {  	v21 =	vadd.f32 v21, v14;
	s24 =	smul.f32 s26, s26;
	s10 =	spop (v2sf);
	v28 =	vmul.f32 v18, v58;
	v14 =	vmul.f32 v25, v23  }
0x190: {  	s5 =	smul.f32 $9.765625000e-04, s10;
	s10 =	simm.s32 @!p0 $0xAC00;
	v19 =	vmul.f32 v19, v15  }
0x191: {  	v22 =	vmul.f32 v22, v2;
	[tilespmem:s10], [sflag:$0x1] =	stream.indirect_vreg.gather @!p0 [hbm4b:s16+s0], $0x80, v27, vm1, $0xb8;
	v15 =	vsub.f32 $1.500000000e+00, v13;
	v28 =	vmul.f32 v28, v18;
	v13, _, _ =	vpop (xrf2);
	[tilespmem:$0x19C00] =	vst v63  }
0x192: {  	s10 =	simm.s32 @!p0 $0xB400;
	s5 =	ssub.f32 s5, s24;
	(v2sf) =	vpush v13, $0xF;
	v29 =	vmul.f32 v19, v26  }
0x193: {  	v22 =	vsub.f32 $1.500000000e+00, v22;
	v30 =	vmul.f32 v25, v14;
	[tilespmem:s10], [sflag:$0x1] =	stream.indirect_vreg.gather @!p0 [hbm4b:s18+s0], $0x80, v27, vm1, $0xb8;
	v27 =	vsub.f32 $1.500000000e+00, v28;
	v14, _, _ =	vpop (xrf2);
	[tilespmem:$0x19C00] =	vst v63  }
0x194: {  	s10 =	sadd.f32 $9.999999960e-13, s5;
	(xrf2) =	vadd.scan.msk.f32 $0xffff, v3;
	(v2sf) =	vpush v14, $0xF;
	v14 =	vmul.f32 v15, v4;
	v4 =	vmul.f32 v29, v19  }
0x195: {  	v28 =	vsub.f32 $1.500000000e+00, v30;
	v15 =	vmul.f32 v22, v2;
	(xrf2) =	vadd.scan.msk.f32 $0xffff, v17  }
0x196: {  	v2 =	vmul.f32 v27, v18;
	v17 =	vmov s10;
	v3 =	vsub.f32 $1.500000000e+00, v4  }
0x197: {  	v29, _, _ =	vpop (xrf2);
	v4 =	vmul.f32 v25, v28;
	(xrf2) =	vadd.scan.msk.f32 $0xffff, v24;
	v22 =	vshra.s32 v17, $0x1;
	v25 =	vmul.f32 $5.000000000e-01, v17  }
0x198: {  	v17 =	vmul.f32 v2, v58;
	(v2sf) =	vpush v29, $0xF;
	v18, _, _ =	vpop (xrf2);
	(xrf2) =	vadd.scan.msk.f32 $0xffff, v21;
	v21 =	vsub.s32 $0x5F3759DF, v22  }
0x199: {  	s24 =	spop (v2sf);
	(v2sf) =	vpush v18, $0xF;
	v18 =	vmul.f32 v4, v23;
	v3 =	vmul.f32 v3, v19  }
0x19a: {  	s25 =	spop (v2sf);
	s10 =	smul.f32 $9.765625000e-04, s24;
	v19 =	vmul.f32 v21, v25;
	v17 =	vmul.f32 v17, v2  }
0x19b: {  	s5 =	smul.f32 $9.765625000e-04, s25;
	s24 =	spop (v2sf);
	v22 =	vmul.f32 v18, v4;
	v24 =	vmul.f32 v3, v26  }
0x19c: {  	v13 =	vmul.f32 s3, v12;
	s3 =	smul.f32 $9.765625000e-04, s24;
	v26 =	vmul.f32 v21, v19  }
0x19d: {  	s25 =	smul.f32 s10, s10;
	v17 =	vsub.f32 $1.500000000e+00, v17;
	v27 =	vsub.f32 $1.500000000e+00, v22;
	v24 =	vmul.f32 v24, v3  }
0x19e: {  	v18 =	vmul.f32 s6, v14;
	s24 =	smul.f32 s3, s3;
	s28 =	spop (v2sf);
	v26 =	vsub.f32 $1.500000000e+00, v26;
	v28, _, _ =	vpop (xrf2)  }
0x19f: {  	v22 =	vmul.f32 v17, v2;
	s6 =	smul.f32 $9.765625000e-04, s28;
	v2 =	vmul.f32 v27, v4;
	v4, _, _ =	vpop (xrf2);
	(v2sf) =	vpush v28, $0xF  }
0x1a0: {  	v20 =	vadd.s32 @!p0 v16, v20;
	s5 =	ssub.f32 s5, s25;
	(v2sf) =	vpush v4, $0xF  }
0x1a1: {  	v19 =	vmul.f32 s20, v15;
	v16 =	vsub.f32 $1.500000000e+00, v24;
	v17 =	vmul.f32 v21, v26;
	s6 =	ssub.f32 s6, s24;
	v24, _, _ =	vpop (xrf2);
	s25 =	spop (v2sf)  }
0x1a2: {  	s5 =	sadd.f32 $9.999999960e-13, s5;
	v21 =	vmul.f32 s23, v22;
	v23 =	vmul.f32 v2, v23;
	(v2sf) =	vpush v24, $0xF;
	v4, _, _ =	vpop (xrf2);
	s20 =	smul.f32 $9.765625000e-04, s25  }
0x1a3: {  	v16 =	vmul.f32 v16, v3;
	v3 =	vmul.f32 v17, v25;
	s6 =	sadd.f32 $9.999999960e-13, s6;
	s23 =	spop (v2sf);
	(v2sf) =	vpush v4, $0xF  }
0x1a4: {  	v24 =	vmov s5;
	v23 =	vmul.f32 v23, v2;
	s25 =	smul.f32 s20, s20  }
0x1a5: {  	v3 =	vmul.f32 v3, v17;
	v27 =	vmul.f32 $5.000000000e-01, v24;
	v26 =	vmov s6;
	s5 =	smul.f32 $9.765625000e-04, s23;
	s23 =	simm.s32 @!p0 $0xBC00  }
0x1a6: {  	v4 =	vshra.s32 v24, $0x1;
	v24 =	vshra.s32 v26, $0x1;
	v26 =	vmul.f32 $5.000000000e-01, v26;
	[tilespmem:s23], [sflag:$0x1] =	stream.indirect_vreg.gather @!p0 [hbm4b:s2+s0], $0x80, v20, vm1, $0xb8;
	[tilespmem:$0x19C00] =	vst v63  }
0x1a7: {  	s28 =	simm.s32 @!p0 $0xC400;
	v3 =	vsub.f32 $1.500000000e+00, v3;
	v4 =	vsub.s32 $0x5F3759DF, v4;
	v28 =	vsub.s32 $0x5F3759DF, v24;
	s6 =	spop (v2sf);
	s5 =	ssub.f32 s5, s25  }
0x1a8: {  	v29 =	vmul.f32 v4, v27;
	v30 =	vmul.f32 v28, v26;
	[tilespmem:s28], [sflag:$0x1] =	stream.indirect_vreg.gather @!p0 [hbm4b:s15+s0], $0x80, v20, vm1, $0xb8;
	[tilespmem:$0x19C00] =	vst v63  }
0x1a9: {  	v23 =	vsub.f32 $1.500000000e+00, v23;
	v24 =	vmul.f32 s21, v16;
	v3 =	vmul.f32 v3, v17;
	s24 =	spop (v2sf);
	s21 =	smul.f32 $9.765625000e-04, s6  }
0x1aa: {  	s23 =	simm.s32 @!p0 $0xCC00;
	v29 =	vmul.f32 v4, v29;
	v30 =	vmul.f32 v28, v30;
	s5 =	sadd.f32 $9.999999960e-13, s5;
	s24 =	smul.f32 $9.765625000e-04, s24  }
0x1ab: {  	v17 =	vmul.f32 v23, v2;
	v2 =	vmul.f32 v3, v25;
	[tilespmem:s23], [sflag:$0x1] =	stream.indirect_vreg.gather @!p0 [hbm4b:s16+s0], $0x80, v20, vm1, $0xb8;
	[tilespmem:$0x19C00] =	vst v63  }
0x1ac: {  	v23 =	vsub.f32 $1.500000000e+00, v29;
	s25 =	smul.f32 s21, s21;
	s23 =	simm.s32 @!p0 $0xD400;
	v25 =	vsub.f32 $1.500000000e+00, v30;
	v29 =	vmov s5  }
0x1ad: {  	v2 =	vmul.f32 v2, v3;
	v30 =	vshra.s32 v29, $0x1;
	v29 =	vmul.f32 $5.000000000e-01, v29;
	[tilespmem:s23], [sflag:$0x1] =	stream.indirect_vreg.gather @!p0 [hbm4b:s18+s0], $0x80, v20, vm1, $0xb8;
	[tilespmem:$0x19C00] =	vst v63  }
0x1ae: {  	v4 =	vmul.f32 v4, v23;
	s5 =	ssub.f32 s24, s25;
	v25 =	vmul.f32 v28, v25;
	v28 =	vsub.s32 $0x5F3759DF, v30;
	s23 =	spop (v2sf)  }
0x1af: {  	v20 =	vmul.f32 s14, v17;
	v2 =	vsub.f32 $1.500000000e+00, v2;
	v30 =	vmul.f32 v28, v29;
	s24 =	spop (v2sf);
	s25 =	smul.f32 $9.765625000e-04, s23  }
0x1b0: {  	v31 =	vmul.f32 v4, v27;
	s5 =	sadd.f32 $9.999999960e-13, s5;
	v59 =	vmul.f32 v25, v26;
	s6 =	smul.f32 $9.765625000e-04, s24  }
0x1b1: {  	v23 =	vmul.f32 v2, v3;
	v2 =	vmul.f32 v28, v30;
	s14 =	spop (v2sf);
	s28 =	smul.f32 s25, s25  }
0x1b2: {  	v3 =	vmul.f32 v31, v4;
	s14 =	smul.f32 $9.765625000e-04, s14;
	s23 =	spop (v2sf)  }
0x1b3: {  	v31 =	vmov s5;
	v30 =	vmul.f32 v59, v25;
	v2 =	vsub.f32 $1.500000000e+00, v2;
	s0 =	smul.f32 $9.765625000e-04, s23  }
0x1b4: {  	v60 =	vshra.s32 v31, $0x1;
	v31 =	vmul.f32 $5.000000000e-01, v31;
	v3 =	vsub.f32 $1.500000000e+00, v3;
	s24 =	smul.f32 s14, s14  }
0x1b5: {  	s5 =	simm.s32 $0x0;
	v32 =	vsub.s32 $0x5F3759DF, v60;
	v30 =	vsub.f32 $1.500000000e+00, v30;
	s6 =	ssub.f32 s6, s28;
	v2 =	vmul.f32 v28, v2  }
0x1b6: {  	v28 =	vmul.f32 v32, v31;
	v3 =	vmul.f32 v3, v4;
	s23 =	ssub.f32 s0, s24;
	s0 =	sand.u32 $0x70, s5;
	s24 =	sand.u32 $0x1C00, s5  }
0x1b7: {  	v4 =	vmul.f32 v30, v25;
	v25 =	vmul.f32 s26, v23;
	s0 =	sor.u32 s0, s24  }
0x1b8: {  	s6 =	sadd.f32 $9.999999960e-13, s6;
	v30 =	vmul.f32 v2, v29;
	v28 =	vmul.f32 v32, v28;
	v61 =	vld [tilespmem:s0+$0x11C00];
	s26 =	sadd.s32 $0x11C00, s0  }
0x1b9: {  	v27 =	vmul.f32 v3, v27;
	v26 =	vmul.f32 v4, v26;
	v62 =	vld [tilespmem:s26+$0x80]  }
0x1ba: {  	v46 =	vmov s6;
	v30 =	vmul.f32 v30, v2;
	v28 =	vsub.f32 $1.500000000e+00, v28;
	v63 =	vld [tilespmem:s26+$0x100]  }
0x1bb: {  	s23 =	sadd.f32 $9.999999960e-13, s23;
	v27 =	vmul.f32 v27, v3;
	v48 =	vshra.s32 v46, $0x1;
	v36 =	vmul.f32 $5.000000000e-01, v46;
	v49 =	vld [tilespmem:s26+$0x200]  }
0x1bc: {  	v34 =	vmul.f32 v26, v4;
	v39 =	vsub.s32 $0x5F3759DF, v48;
	v51 =	vld [tilespmem:s26+$0x280];
	v26 =	vsub.f32 $1.500000000e+00, v30  }
0x1bd: {  	v54 =	vld [tilespmem:s26+$0x300];
	v30 =	vmul.f32 v32, v28;
	v28 =	vmov s23;
	v53 =	vmul.f32 v39, v36  }
0x1be: {  	s23 =	simm.s32 $0x1400;
	v47 =	vshra.s32 v28, $0x1;
	v38 =	vmul.f32 $5.000000000e-01, v28;
	v28 =	vld [tilespmem:s26+$0x180];
	v2 =	vmul.f32 v26, v2  }
0x1bf: {  	v37 =	vsub.s32 $0x5F3759DF, v47;
	v52 =	vmul.f32 v30, v31;
	v26 =	vld [tilespmem:s23+$0x0];
	v44 =	vmul.f32 v39, v53  }
0x1c0: {  	s24 =	simm.s32 $0x1800;
	v50 =	vmul.f32 v37, v38;
	v33 =	vmul.f32 v61, v6  }
0x1c1: {  	v55 =	vsub.f32 $1.500000000e+00, v27;
	v27 =	vld [tilespmem:s24+$0x0];
	v35 =	vmul.f32 v62, v8;
	v32 =	vmul.f32 v63, v10  }
0x1c2: {  	v40 =	vmul.f32 v49, v14;
	v42 =	vmul.f32 v51, v15;
	v33 =	vsub.f32 v33, v7  }
0x1c3: {  	v45 =	vmul.f32 v54, v22;
	v41 =	vmul.f32 v37, v50;
	v35 =	vsub.f32 v35, v9  }
0x1c4: {  	v28 =	vmul.f32 v28, v12;
	v32 =	vsub.f32 v32, v11;
	v33 =	vmul.f32 v33, v26  }
0x1c5: {  	v40 =	vsub.f32 v40, v18;
	v42 =	vsub.f32 v42, v19;
	v35 =	vmul.f32 v35, v26  }
0x1c6: {  	v57 =	vsub.f32 v45, v21;
	v32 =	vmul.f32 v32, v26;
	v33 =	vadd.f32 v33, v27  }
0x1c7: {  	v28 =	vsub.f32 v28, v13;
	v56 =	vmul.f32 v40, v26;
	v35 =	vadd.f32 v35, v27  }
0x1c8: {  	s28 =	simm.s32 $0x80;
	s23 =	simm.s32 $0x10;
	v41 =	vsub.f32 $1.500000000e+00, v41;
	v61 =	vmul.f32 v57, v26;
	v32 =	vadd.f32 v32, v27;
	[tilespmem:s0+$0x11C00] =	vst v33  }
0x1c9: {  	s24 =	sand.u32 $0x1C00, s28;
	s6 =	sand.u32 $0x70, s23;
	v59 =	vsub.f32 $1.500000000e+00, v44;
	v28 =	vmul.f32 v28, v26;
	v60 =	vadd.f32 v56, v27;
	[tilespmem:s26+$0x80] =	vst v35  }
0x1ca: {  	s6 =	sor.u32 s6, s24;
	v58 =	vmul.f32 v42, v26;
	v37 =	vmul.f32 v37, v41;
	v44 =	vadd.f32 v61, v27;
	[tilespmem:s26+$0x100] =	vst v32  }
0x1cb: {  	v48 =	vld [tilespmem:s6+$0x11C00];
	v39 =	vmul.f32 v39, v59;
	v28 =	vadd.f32 v28, v27;
	[tilespmem:s26+$0x200] =	vst v60  }
0x1cc: {  	v62 =	vmul.f32 v52, v30;
	v63 =	vmul.f32 v37, v38;
	v35 =	vadd.f32 v58, v27;
	[tilespmem:s26+$0x300] =	vst v44  }
0x1cd: {  	s5 =	sor.u32 s5, s5;
	v29 =	vmul.f32 v2, v29;
	v47 =	vmul.f32 v39, v36;
	[tilespmem:s26+$0x180] =	vst v28  }
0x1ce: {  	v45 =	vmul.f32 v63, v37;
	v28 =	vmul.f32 v55, v3;
	v3 =	vsub.f32 $1.500000000e+00, v62;
	[tilespmem:s26+$0x280] =	vst v35;
	s26 =	sor.u32 $0x380, s5  }
0x1cf: {  	v34 =	vsub.f32 $1.500000000e+00, v34;
	v46 =	vmul.f32 v29, v2;
	v51 =	vmul.f32 v47, v39;
	s5 =	sadd.s32 $0x11C00, s6;
	v50 =	vld [tilespmem:s26+$0x11C00]  }
0x1d0: {  	v41 =	vmul.f32 v48, v6;
	v49 =	vsub.f32 $1.500000000e+00, v45;
	v52 =	vld [tilespmem:s5+$0x80];
	v3 =	vmul.f32 v3, v30  }
0x1d1: {  	v54 =	vld [tilespmem:s5+$0x100];
	v29 =	vmul.f32 s10, v28;
	v30 =	vmul.f32 v34, v4;
	v4 =	vsub.f32 $1.500000000e+00, v46  }
0x1d2: {  	v57 =	vld [tilespmem:s5+$0x200];
	v37 =	vmul.f32 v49, v37;
	v53 =	vmul.f32 v3, v31  }
0x1d3: {  	v58 =	vld [tilespmem:s5+$0x280];
	v31 =	vmul.f32 s3, v30;
	v32 =	vmul.f32 v4, v2;
	v2 =	vsub.f32 $1.500000000e+00, v51  }
0x1d4: {  	v61 =	vld [tilespmem:s5+$0x300];
	v56 =	vmul.f32 v37, v38;
	v59 =	vmul.f32 v50, v16  }
0x1d5: {  	s10 =	simm.s32 $0x1410;
	v4 =	vld [tilespmem:s5+$0x180];
	v55 =	vmul.f32 v53, v3;
	v2 =	vmul.f32 v2, v39  }
0x1d6: {  	v34 =	vld [tilespmem:s10+$0x0];
	v40 =	vmul.f32 v52, v8;
	v35 =	vmul.f32 v56, v37;
	v43 =	vsub.f32 v59, v24  }
0x1d7: {  	v41 =	vsub.f32 v41, v7;
	s10 =	simm.s32 $0x1810;
	v42 =	vmul.f32 v54, v10;
	v38 =	vmul.f32 v57, v14  }
0x1d8: {  	v39 =	vmul.f32 v58, v15;
	v62 =	vsub.f32 $1.500000000e+00, v35;
	v35 =	vld [tilespmem:s10+$0x0];
	v43 =	vmul.f32 v43, v26  }
0x1d9: {  	v45 =	vmul.f32 v61, v22;
	v60 =	vsub.f32 $1.500000000e+00, v55;
	v36 =	vmul.f32 v2, v36  }
0x1da: {  	v40 =	vsub.f32 v40, v9;
	v4 =	vmul.f32 v4, v12;
	v43 =	vadd.f32 v43, v27  }
0x1db: {  	v41 =	vmul.f32 v41, v34;
	v42 =	vsub.f32 v42, v11;
	v38 =	vsub.f32 v38, v18  }
0x1dc: {  	v39 =	vsub.f32 v39, v19;
	v40 =	vmul.f32 v40, v34;
	v4 =	vsub.f32 v4, v13;
	[tilespmem:s26+$0x11C00] =	vst v43  }
0x1dd: {  	v52 =	vsub.f32 v45, v21;
	v42 =	vmul.f32 v42, v34;
	v41 =	vadd.f32 v41, v35;
	v43 =	vld [tilespmem:s0+$0x13F80]  }
0x1de: {  	v54 =	vmul.f32 v36, v2;
	v4 =	vmul.f32 v4, v34;
	v40 =	vadd.f32 v40, v35;
	v53 =	vld [tilespmem:s0+$0x13C00]  }
0x1df: {  	v38 =	vmul.f32 v38, v34;
	v57 =	vmul.f32 v52, v34;
	v63 =	vadd.f32 v42, v35;
	v55 =	vld [tilespmem:s0+$0x13C80];
	[tilespmem:s6+$0x11C00] =	vst v41  }
0x1e0: {  	v36 =	vmul.f32 v60, v3;
	v3 =	vsub.f32 $1.500000000e+00, v54;
	v4 =	vadd.f32 v4, v35;
	v58 =	vld [tilespmem:s0+$0x13D00];
	[tilespmem:s5+$0x80] =	vst v40  }
0x1e1: {  	v39 =	vmul.f32 v39, v34;
	v56 =	vadd.f32 v38, v35;
	v59 =	vld [tilespmem:s0+$0x13D80];
	v40 =	vmul.f32 v62, v37;
	[tilespmem:s5+$0x100] =	vst v63  }
0x1e2: {  	v33 =	vmul.f32 s20, v32;
	s20 =	simm.s32 $0x20;
	s26 =	simm.s32 $0x100;
	v60 =	vadd.f32 v57, v35;
	v61 =	vld [tilespmem:s0+$0x13E00];
	[tilespmem:s5+$0x180] =	vst v4;
	v37 =	vmul.f32 v3, v2  }
0x1e3: {  	s24 =	sand.u32 $0x1C00, s26;
	v4 =	vadd.f32 v39, v35;
	[tilespmem:s5+$0x200] =	vst v56;
	v3 =	vld [tilespmem:s0+$0x13E80];
	v41 =	vmul.f32 s14, v40;
	s14 =	sand.u32 $0x70, s20;
	v43 =	vmul.f32 v43, v40  }
0x1e4: {  	v38 =	vmul.f32 s21, v36;
	[tilespmem:s5+$0x300] =	vst v60;
	v39 =	vmul.f32 s25, v37;
	s3 =	sor.u32 s14, s24;
	s24 =	sor.u32 s28, s23  }
0x1e5: {  	[tilespmem:s5+$0x280] =	vst v4;
	v2 =	vmul.f32 v53, v17;
	v4 =	vmul.f32 v55, v23;
	v48 =	vld [tilespmem:s3+$0x11C00];
	s23 =	sor.u32 $0x380, s24;
	v43 =	vsub.f32 v43, v41  }
0x1e6: {  	v42 =	vmul.f32 v58, v28;
	v44 =	vmul.f32 v59, v30;
	s21 =	sadd.s32 $0x11C00, s3;
	v62 =	vld [tilespmem:s23+$0x11C00]  }
0x1e7: {  	v63 =	vmul.f32 v61, v32;
	v2 =	vsub.f32 v2, v20;
	v50 =	vld [tilespmem:s21+$0x80];
	v43 =	vmul.f32 v43, v26  }
0x1e8: {  	v4 =	vsub.f32 v4, v25;
	v51 =	vld [tilespmem:s21+$0x100];
	v44 =	vsub.f32 v44, v31;
	v3 =	vmul.f32 v3, v36  }
0x1e9: {  	v52 =	vld [tilespmem:s21+$0x180];
	v47 =	vmul.f32 v2, v26;
	v2 =	vsub.f32 v42, v29;
	v43 =	vadd.f32 v43, v27  }
0x1ea: {  	v53 =	vld [tilespmem:s21+$0x200];
	v46 =	vsub.f32 v63, v33;
	v49 =	vmul.f32 v4, v26;
	v42 =	vmul.f32 v44, v26  }
0x1eb: {  	s25 =	simm.s32 $0x30;
	s28 =	simm.s32 $0x1420;
	s14 =	simm.s32 $0x100;
	v55 =	vld [tilespmem:s21+$0x280];
	v44 =	vsub.f32 v3, v38;
	v45 =	vmul.f32 v2, v26;
	v54 =	vmul.f32 v62, v16;
	[tilespmem:s0+$0x13F80] =	vst v43  }
.LBB2_7:
0x1ec: {  	p2 =	sne.s32 s25, $0x3F0;
	v2 =	vld [tilespmem:s28+$0x0];
	v3 =	vadd.f32 v47, v27;
	v4 =	vadd.f32 v49, v27;
	v43 =	vmul.f32 v46, v26;
	v56 =	vmovc v35  }
0x1ed: {  	v46 =	vmul.f32 v48, v6;
	s10 =	sadd.s32 $0x10, s10;
	v47 =	vld [tilespmem:s21+$0x300];
	v48 =	vsub.f32 v54, v24;
	v44 =	vmul.f32 v44, v26  }
0x1ee: {  	v49 =	vmul.f32 v50, v8;
	v50 =	vmul.f32 v51, v10;
	v35 =	vld [tilespmem:s10+$0x0];
	[tilespmem:s0+$0x13C00] =	vst v3;
	v3 =	vadd.f32 v45, v27  }
0x1ef: {  	v45 =	vsub.f32 v46, v7;
	v46 =	vmul.f32 v52, v12;
	v48 =	vmul.f32 v48, v34;
	[tilespmem:s0+$0x13C80] =	vst v4;
	v4 =	vld [tilespmem:s0+$0x13F00]  }
0x1f0: {  	v49 =	vsub.f32 v49, v9;
	v51 =	vmul.f32 v53, v14;
	v52 =	vmul.f32 v55, v15;
	[tilespmem:s0+$0x13D00] =	vst v3  }
0x1f1: {  	v3 =	vmul.f32 v45, v2;
	v45 =	vsub.f32 v50, v11;
	v48 =	vadd.f32 v48, v56  }
0x1f2: {  	v46 =	vsub.f32 v46, v13;
	v49 =	vmul.f32 v49, v2;
	v47 =	vmul.f32 v47, v22  }
0x1f3: {  	v50 =	vsub.f32 v51, v18;
	v3 =	vadd.f32 v3, v35;
	v45 =	vmul.f32 v45, v2;
	[tilespmem:s23+$0x11C00] =	vst v48  }
0x1f4: {  	v46 =	vmul.f32 v46, v2;
	v48 =	vadd.f32 v49, v35;
	v49 =	vsub.f32 v52, v19;
	v51 =	vld [tilespmem:s6+$0x13F80]  }
0x1f5: {  	v47 =	vsub.f32 v47, v21;
	[tilespmem:s3+$0x11C00] =	vst v3;
	v3 =	vadd.f32 v45, v35;
	v45 =	vmul.f32 v50, v2;
	v50 =	vld [tilespmem:s6+$0x13C00]  }
0x1f6: {  	v46 =	vadd.f32 v46, v35;
	v4 =	vmul.f32 v4, v37;
	[tilespmem:s21+$0x80] =	vst v48;
	v48 =	vmul.f32 v49, v2;
	v49 =	vld [tilespmem:s6+$0x13C80]  }
0x1f7: {  	v42 =	vadd.f32 v42, v27;
	[tilespmem:s21+$0x100] =	vst v3;
	v3 =	vadd.f32 v45, v35;
	v45 =	vmul.f32 v47, v2;
	v47 =	vld [tilespmem:s6+$0x13D00]  }
0x1f8: {  	s26 =	sadd.s32 $0x80, s26;
	v4 =	vsub.f32 v4, v39;
	[tilespmem:s21+$0x180] =	vst v46;
	v46 =	vadd.f32 v48, v35;
	v52 =	vld [tilespmem:s6+$0x13D80]  }
0x1f9: {  	s5 =	sand.u32 $0x70, s25;
	v43 =	vadd.f32 v43, v27;
	s23 =	sand.u32 $0x1C00, s26;
	[tilespmem:s21+$0x200] =	vst v3;
	v3 =	vadd.f32 v45, v35;
	v45 =	vld [tilespmem:s6+$0x13E00];
	v51 =	vmul.f32 v51, v40  }
0x1fa: {  	s20 =	sor.u32 s14, s20;
	s14 =	smov.u32 s26;
	v44 =	vadd.f32 v44, v27;
	s5 =	sor.u32 s5, s23;
	v4 =	vmul.f32 v4, v26;
	[tilespmem:s21+$0x280] =	vst v46;
	v46 =	vmul.f32 v50, v17;
	v53 =	vld [tilespmem:s6+$0x13E80]  }
0x1fb: {  	s23 =	sor.u32 $0x380, s20;
	s20 =	smov.u32 s25;
	v26 =	vmovc v34;
	v34 =	vmov v2;
	v48 =	vld [tilespmem:s5+$0x11C00];
	[tilespmem:s21+$0x300] =	vst v3;
	v3 =	vmul.f32 v49, v23;
	v49 =	vsub.f32 v51, v41  }
0x1fc: {  	v4 =	vadd.f32 v4, v27;
	s21 =	sadd.s32 $0x11C00, s5;
	v2 =	vld [tilespmem:s23+$0x11C00];
	v46 =	vsub.f32 v46, v20;
	v54 =	vmul.f32 v47, v28;
	[tilespmem:s0+$0x13D80] =	vst v42  }
.Ltmp2:
0x1fd: {  	v50 =	vld [tilespmem:s21+$0x80];
	v3 =	vsub.f32 v3, v25;
	v55 =	vmul.f32 v52, v30;
	v42 =	vmul.f32 v49, v26;
	[tilespmem:s0+$0x13E00] =	vst v43;
	(pc) =	sbr.rel @p2 .LBB2_7-.Ltmp2, $4  }
0x1fe: {  	v51 =	vld [tilespmem:s21+$0x100];
	v47 =	vmul.f32 v46, v26;
	v43 =	vsub.f32 v54, v29;
	v46 =	vmul.f32 v45, v32;
	[tilespmem:s0+$0x13E80] =	vst v44  }
0x1ff: {  	v52 =	vld [tilespmem:s21+$0x180];
	v44 =	vsub.f32 v55, v31;
	v57 =	vmul.f32 v53, v36;
	v58 =	vadd.f32 v42, v56;
	[tilespmem:s0+$0x13F00] =	vst v4;
	s0 =	smov.u32 s6;
	s6 =	smov.u32 s3;
	s3 =	smov.u32 s5  }
0x200: {  	v27 =	vmovc v56;
	v49 =	vmul.f32 v3, v26;
	v53 =	vld [tilespmem:s21+$0x200];
	v45 =	vmul.f32 v43, v26;
	v46 =	vsub.f32 v46, v33  }
0x201: {  	s28 =	sadd.s32 $0x10, s28;
	s25 =	sadd.s32 $0x10, s25;
	v55 =	vld [tilespmem:s21+$0x280];
	v54 =	vmul.f32 v2, v16;
	v42 =	vmul.f32 v44, v26;
	v44 =	vsub.f32 v57, v38;
	[tilespmem:s0+$0x13F80] =	vst v58  }
0x202: {  	v43 =	vld [tilespmem:s28+$0x0]  }
0x203: {  	v2 =	vmul.f32 v48, v6;
	v3 =	vld [tilespmem:s21+$0x300];
	s5 =	sadd.s32 $0x10, s10  }
0x204: {  	v4 =	vmul.f32 v50, v8;
	v6 =	vld [tilespmem:s5+$0x0]  }
0x205: {  	v8 =	vmul.f32 v51, v10;
	v2 =	vsub.f32 v2, v7  }
0x206: {  	v7 =	vmul.f32 v52, v12;
	v4 =	vsub.f32 v4, v9;
	v9 =	vmul.f32 v53, v14  }
0x207: {  	v8 =	vsub.f32 v8, v11;
	v10 =	vmul.f32 v55, v15;
	v2 =	vmul.f32 v2, v43  }
0x208: {  	v7 =	vsub.f32 v7, v13;
	v4 =	vmul.f32 v4, v43;
	v3 =	vmul.f32 v3, v22  }
0x209: {  	v8 =	vmul.f32 v8, v43;
	v9 =	vsub.f32 v9, v18;
	v2 =	vadd.f32 v2, v6  }
0x20a: {  	v7 =	vmul.f32 v7, v43;
	v10 =	vsub.f32 v10, v19;
	v4 =	vadd.f32 v4, v6  }
0x20b: {  	v3 =	vsub.f32 v3, v21;
	[tilespmem:s3+$0x11C00] =	vst v2;
	v2 =	vadd.f32 v8, v6;
	v8 =	vmul.f32 v9, v43  }
0x20c: {  	[tilespmem:s21+$0x80] =	vst v4;
	v4 =	vadd.f32 v7, v6;
	v7 =	vmul.f32 v10, v43  }
0x20d: {  	v3 =	vmul.f32 v3, v43;
	[tilespmem:s21+$0x100] =	vst v2;
	v2 =	vadd.f32 v8, v6  }
0x20e: {  	[tilespmem:s21+$0x180] =	vst v4;
	v4 =	vadd.f32 v7, v6  }
0x20f: {  	[tilespmem:s21+$0x200] =	vst v2;
	v2 =	vadd.f32 v3, v6  }
0x210: {  	s14 =	sor.u32 s14, s20;
	[tilespmem:s21+$0x280] =	vst v4  }
0x211: {  	s5 =	sor.u32 $0x380, s14;
	v3 =	vsub.f32 v54, v24;
	[tilespmem:s21+$0x300] =	vst v2  }
0x212: {  	v2 =	vld [tilespmem:s5+$0x11C00]  }
0x213: {  	v3 =	vmul.f32 v3, v34;
	_ =	sdelay $0x1  }
0x214: {  	v3 =	vadd.f32 v3, v35;
	_ =	sdelay $0x1  }
0x215: {  	[tilespmem:s23+$0x11C00] =	vst v3;
	v2 =	vmul.f32 v2, v16  }
0x216: {  	v3 =	vld [tilespmem:s6+$0x13F80]  }
0x217: {  	v7 =	vld [tilespmem:s6+$0x13C00];
	v2 =	vsub.f32 v2, v24  }
0x218: {  	v9 =	vld [tilespmem:s6+$0x13C80]  }
0x219: {  	v4 =	vadd.f32 v47, v27;
	v2 =	vmul.f32 v2, v43  }
0x21a: {  	v8 =	vadd.f32 v49, v27  }
0x21b: {  	[tilespmem:s0+$0x13C00] =	vst v4;
	v4 =	vld [tilespmem:s0+$0x13F00];
	v3 =	vmul.f32 v3, v40;
	v2 =	vadd.f32 v2, v6  }
0x21c: {  	[tilespmem:s0+$0x13C80] =	vst v8;
	v8 =	vld [tilespmem:s6+$0x13D00];
	v7 =	vmul.f32 v7, v17  }
0x21d: {  	v10 =	vld [tilespmem:s6+$0x13D80];
	v9 =	vmul.f32 v9, v23;
	v3 =	vsub.f32 v3, v41;
	[tilespmem:s5+$0x11C00] =	vst v2  }
0x21e: {  	v2 =	vsub.f32 v7, v20;
	v7 =	vld [tilespmem:s3+$0x13F80]  }
0x21f: {  	v9 =	vsub.f32 v9, v25;
	v3 =	vmul.f32 v3, v34;
	v11 =	vld [tilespmem:s3+$0x13C00]  }
0x220: {  	v15 =	vmul.f32 v46, v26;
	v12 =	vld [tilespmem:s3+$0x13C80];
	v2 =	vmul.f32 v2, v34  }
0x221: {  	v13 =	vld [tilespmem:s6+$0x13E00];
	v9 =	vmul.f32 v9, v34;
	v3 =	vadd.f32 v3, v35  }
0x222: {  	v15 =	vadd.f32 v15, v27;
	v4 =	vmul.f32 v4, v37;
	v2 =	vadd.f32 v2, v35  }
0x223: {  	v19 =	vmul.f32 v44, v26;
	[tilespmem:s6+$0x13F80] =	vst v3;
	v3 =	vadd.f32 v9, v35;
	v7 =	vmul.f32 v7, v40  }
0x224: {  	v14 =	vld [tilespmem:s6+$0x13E80];
	v4 =	vsub.f32 v4, v39;
	v8 =	vmul.f32 v8, v28;
	[tilespmem:s6+$0x13C00] =	vst v2;
	v2 =	vmul.f32 v11, v17  }
0x225: {  	v10 =	vmul.f32 v10, v30;
	[tilespmem:s6+$0x13C80] =	vst v3;
	v3 =	vmul.f32 v12, v23;
	v7 =	vsub.f32 v7, v41  }
0x226: {  	v13 =	vmul.f32 v13, v32;
	v9 =	vadd.f32 v45, v27;
	v2 =	vsub.f32 v2, v20  }
0x227: {  	v8 =	vsub.f32 v8, v29;
	v3 =	vsub.f32 v3, v25;
	v7 =	vmul.f32 v7, v43  }
0x228: {  	v11 =	vadd.f32 v42, v27;
	v12 =	vld [tilespmem:s6+$0x13F00];
	[tilespmem:s0+$0x13D00] =	vst v9;
	v9 =	vsub.f32 v10, v31;
	v2 =	vmul.f32 v2, v43  }
0x229: {  	v16 =	vld [tilespmem:s3+$0x13D00];
	v10 =	vmul.f32 v14, v36;
	v3 =	vmul.f32 v3, v43;
	v7 =	vadd.f32 v7, v6  }
0x22a: {  	v4 =	vmul.f32 v4, v26;
	v13 =	vsub.f32 v13, v33;
	v17 =	vld [tilespmem:s3+$0x13D80];
	[tilespmem:s0+$0x13D80] =	vst v11;
	v2 =	vadd.f32 v2, v6  }
0x22b: {  	v18 =	vld [tilespmem:s3+$0x13E00];
	v3 =	vadd.f32 v3, v6;
	[tilespmem:s3+$0x13F80] =	vst v7;
	v7 =	vmul.f32 v8, v34;
	v8 =	vsub.f32 v10, v38  }
0x22c: {  	v14 =	vld [tilespmem:s3+$0x13E80];
	v9 =	vmul.f32 v9, v34;
	[tilespmem:s3+$0x13C00] =	vst v2;
	v2 =	vadd.f32 v19, v27;
	v10 =	vmul.f32 v13, v34  }
0x22d: {  	v11 =	vld [tilespmem:s3+$0x13F00];
	[tilespmem:s3+$0x13C80] =	vst v3;
	v3 =	vadd.f32 v4, v27;
	v4 =	vmul.f32 v8, v34;
	v8 =	vmul.f32 v12, v37  }
0x22e: {  	[tilespmem:s0+$0x13E00] =	vst v15;
	v9 =	vadd.f32 v9, v35;
	v7 =	vadd.f32 v7, v35;
	v12 =	vmul.f32 v16, v28  }
0x22f: {  	[tilespmem:s0+$0x13E80] =	vst v2;
	v2 =	vsub.f32 v8, v39;
	v8 =	vadd.f32 v10, v35;
	v10 =	vmul.f32 v17, v30  }
0x230: {  	[tilespmem:s0+$0x13F00] =	vst v3;
	v3 =	vadd.f32 v4, v35;
	v4 =	vsub.f32 v12, v29;
	v12 =	vmul.f32 v18, v32  }
0x231: {  	[tilespmem:s6+$0x13D00] =	vst v7;
	v2 =	vmul.f32 v2, v34;
	v7 =	vsub.f32 v10, v31;
	v10 =	vmul.f32 v14, v36  }
0x232: {  	[tilespmem:s6+$0x13D80] =	vst v9;
	v11 =	vmul.f32 v11, v37;
	v4 =	vmul.f32 v4, v43;
	v9 =	vsub.f32 v12, v33  }
0x233: {  	[tilespmem:s6+$0x13E00] =	vst v8;
	v2 =	vadd.f32 v2, v35;
	v7 =	vmul.f32 v7, v43;
	v8 =	vsub.f32 v10, v38  }
0x234: {  	[tilespmem:s6+$0x13E80] =	vst v3;
	v3 =	vmul.f32 v9, v43;
	v4 =	vadd.f32 v4, v6;
	v9 =	vsub.f32 v11, v39  }
0x235: {  	[tilespmem:s6+$0x13F00] =	vst v2;
	v2 =	vmul.f32 v8, v43;
	v7 =	vadd.f32 v7, v6  }
0x236: {  	[tilespmem:s3+$0x13D00] =	vst v4;
	v3 =	vadd.f32 v3, v6;
	v4 =	vmul.f32 v9, v43  }
0x237: {  	s20 =	sshll.u32 s30, $0xF;
	v2 =	vadd.f32 v2, v6;
	[tilespmem:s3+$0x13D80] =	vst v7  }
0x238: {  	s0 =	sadd.s32 s19, s20;
	v4 =	vadd.f32 v4, v6;
	[tilespmem:s3+$0x13E00] =	vst v3  }
0x239: {  	s0 =	sshrl.u32 s0, $0x3;
	[tilespmem:s3+$0x13E80] =	vst v2  }
0x23a: {  	s21 =	simm.s32 $0x11C00;
	s0 =	sadd.s32 s7, s0;
	[tilespmem:s3+$0x13F00] =	vst v4  }
0x23b: {  	[hbm4b:s0+s8] =	stream.linear.scatter [tilespmem:s21], [sflag:$0x3], $0x4000, $0x38;
	[tilespmem:$0x19C00] =	vst v63  }
0x23c: {  	_ =	swait.ge [sflag:s22], $0x4000  }
0x23d: {  	[sflag:s22] =	ssyncset.done $0x0  }
0x23e: {  	[sflag:s22] =	ssyncadd.s32 $0xFFFFC000  }
0x23f: {  	_ =	swait.ge [sflag:s22], $0x4000  }
0x240: {  	[sflag:s22] =	ssyncset.done $0x0  }
0x241: {  	s0 =	simm.s32 @!p1 $0x4;
	[sflag:s22] =	ssyncadd.s32 $0xFFFFC000  }
0x242: {  	_ =	swait.ge @!p1 [sflag:s0], $0x4000  }
0x243: {  	s24 =	simm.s32 $0x1000;
	s23 =	simm.s32 $0x0;
	[sflag:s0] =	ssyncset.done @!p1 $0x0  }
0x244: {  	s25 =	sand.u32 $0x70, s23;
	s26 =	sand.u32 $0x1C00, s23;
	[sflag:s0] =	ssyncadd.s32 @!p1 $0xFFFFC000  }
0x245: {  	s6 =	sor.u32 s25, s26;
	v8 =	vld [tilespmem:s24+$0x0]  }
0x246: {  	v2 =	vld [tilespmem:s6+$0xDD80]  }
0x247: {  	v3 =	vld [tilespmem:s6+$0x5E00]  }
0x248: {  	v4 =	vld [tilespmem:s6+$0xDC80]  }
0x249: {  	v6 =	vld [tilespmem:s6+$0xDE00]  }
0x24a: {  	v7 =	vld [tilespmem:s6+$0x5C80]  }
0x24b: {  	v9 =	vld [tilespmem:s6+$0x5F00]  }
0x24c: {  	v10 =	vld [tilespmem:s6+$0x5E80]  }
0x24d: {  	v11 =	vld [tilespmem:s6+$0xDD00]  }
0x24e: {  	v12 =	vld [tilespmem:s6+$0x5D00]  }
0x24f: {  	v13 =	vld [tilespmem:s6+$0xDF00]  }
0x250: {  	v14 =	vld [tilespmem:s6+$0x5D80]  }
0x251: {  	v15 =	vld [tilespmem:s6+$0xDE80]  }
0x252: {  	v16 =	vld [tilespmem:s6+$0x5C00];
	v4 =	vadd.f32 v4, v7  }
0x253: {  	s10 =	simm.s32 $0x10;
	s3 =	sor.u32 s23, s23;
	s23 =	simm.s32 $0x80;
	v7 =	vld [tilespmem:s6+$0xDC00];
	v11 =	vadd.f32 v11, v12  }
0x254: {  	s25 =	sand.u32 $0x70, s10;
	s26 =	sand.u32 $0x1C00, s23;
	v3 =	vadd.f32 v6, v3;
	v4 =	vadd.f32 v4, v8  }
0x255: {  	s21 =	sor.u32 s25, s26;
	v6 =	vadd.f32 v13, v9;
	v9 =	vadd.f32 v11, v8  }
0x256: {  	v18 =	vld [tilespmem:s21+$0x5E00];
	v2 =	vadd.f32 v2, v14;
	v3 =	vadd.f32 v3, v8;
	[tilespmem:s6+$0x15C80] =	vst v4  }
0x257: {  	v21 =	vld [tilespmem:s21+$0x5C80];
	v10 =	vadd.f32 v15, v10;
	v11 =	vadd.f32 v6, v8;
	[tilespmem:s6+$0x15D00] =	vst v9  }
0x258: {  	v15 =	vld [tilespmem:s21+$0xDC80];
	v2 =	vadd.f32 v2, v8;
	[tilespmem:s6+$0x15E00] =	vst v3;
	v6 =	vadd.f32 v7, v16  }
0x259: {  	s24 =	simm.s32 $0x1010;
	v20 =	vld [tilespmem:s21+$0xDE00];
	[tilespmem:s6+$0x15F00] =	vst v11;
	v7 =	vadd.f32 v10, v8  }
0x25a: {  	v13 =	vld [tilespmem:s24+$0x0];
	[tilespmem:s6+$0x15D80] =	vst v2;
	v10 =	vadd.f32 v6, v8  }
0x25b: {  	[tilespmem:s6+$0x15E80] =	vst v7  }
0x25c: {  	s0 =	sor.u32 $0x380, s3;
	v17 =	vld [tilespmem:s21+$0xDD80];
	[tilespmem:s6+$0x15C00] =	vst v10  }
0x25d: {  	v15 =	vadd.f32 v15, v21;
	v12 =	vld [tilespmem:s0+$0x5C00]  }
0x25e: {  	v18 =	vadd.f32 v20, v18;
	v16 =	vmul.f32 v4, v4;
	v6 =	vimm.f32 $0.0e+00;
	v14 =	vld [tilespmem:s0+$0xDC00]  }
0x25f: {  	v21 =	vld [tilespmem:s21+$0x5D80];
	v61 =	vadd.f32 v15, v13;
	v4 =	vadd.f32 v4, v6  }
0x260: {  	v24 =	vld [tilespmem:s21+$0x5F00];
	v19 =	vmul.f32 v7, v7;
	v22 =	vadd.f32 v16, v6;
	v23 =	vadd.f32 v9, v6  }
0x261: {  	v27 =	vld [tilespmem:s21+$0x5E80];
	v9 =	vmul.f32 v9, v9;
	v7 =	vadd.f32 v7, v6;
	v25 =	vadd.f32 v10, v6  }
0x262: {  	v29 =	vld [tilespmem:s21+$0xDD00];
	v26 =	vadd.f32 v19, v6;
	v19 =	vadd.f32 v2, v6  }
0x263: {  	v58 =	vld [tilespmem:s21+$0x5D00];
	v10 =	vmul.f32 v10, v10;
	v28 =	vadd.f32 v9, v6;
	v12 =	vadd.f32 v14, v12  }
0x264: {  	v60 =	vld [tilespmem:s21+$0xDE80];
	v9 =	vmul.f32 v3, v3;
	v3 =	vadd.f32 v3, v6;
	v17 =	vadd.f32 v17, v21  }
0x265: {  	v30 =	vadd.f32 v10, v6;
	v10 =	vmul.f32 v11, v11;
	v14 =	vld [tilespmem:s21+$0xDF00];
	v12 =	vadd.f32 v12, v8  }
0x266: {  	v62 =	vld [tilespmem:s21+$0xDC00];
	v11 =	vadd.f32 v11, v6;
	v31 =	vadd.f32 v9, v6;
	v9 =	vmul.f32 v2, v2  }
0x267: {  	v63 =	vld [tilespmem:s21+$0x5C00];
	v42 =	vadd.f32 v17, v13;
	v59 =	vadd.f32 v10, v6;
	v16 =	vmul.f32 v12, v12  }
0x268: {  	v32 =	vimm.f32 $0.0e+00;
	v15 =	vadd.f32 v9, v6;
	v10 =	vadd.f32 v12, v6  }
0x269: {  	v2 =	vmul.f32 v61, v61;
	[tilespmem:s0+$0x15C00] =	vst v12;
	v12 =	vadd.f32 v60, v27;
	v9 =	vadd.f32 v16, v6  }
0x26a: {  	v33 =	vimm.f32 $0.0e+00;
	v16 =	vadd.f32 v61, v4;
	v4 =	vadd.f32 v14, v24  }
0x26b: {  	v34 =	vimm.f32 $0.0e+00;
	v21 =	vld [tilespmem:s6+$0xFD00];
	v14 =	vadd.f32 v29, v58;
	v29 =	vadd.f32 v2, v22  }
0x26c: {  	v35 =	vimm.f32 $0.0e+00;
	v27 =	vld [tilespmem:s6+$0xFD80];
	v2 =	vadd.f32 v62, v63;
	v20 =	vadd.f32 v12, v13  }
0x26d: {  	v44 =	vmul.f32 v42, v42;
	v38 =	vld [tilespmem:s6+$0x7C00];
	v24 =	vadd.f32 v18, v13;
	v14 =	vadd.f32 v14, v13  }
0x26e: {  	v43 =	vadd.f32 v4, v13;
	v4 =	vld [tilespmem:s6+$0x7D00];
	v2 =	vadd.f32 v2, v13;
	v12 =	vmul.f32 v20, v20  }
0x26f: {  	v22 =	vld [tilespmem:s6+$0x7D80];
	v18 =	vadd.f32 v24, v3;
	v17 =	vmul.f32 v14, v14;
	v36 =	vadd.f32 v14, v23  }
0x270: {  	[tilespmem:s21+$0x15E80] =	vst v20;
	v39 =	vadd.f32 v2, v25;
	v23 =	vmul.f32 v2, v2;
	v25 =	vld [tilespmem:s6+$0x7E00];
	v12 =	vadd.f32 v12, v26  }
0x271: {  	v26 =	vld [tilespmem:s6+$0xFE00];
	[tilespmem:s21+$0x15D00] =	vst v14;
	v14 =	vadd.f32 v20, v7;
	v20 =	vimm.f32 $0.0e+00;
	v37 =	vadd.f32 v17, v28  }
0x272: {  	[tilespmem:s21+$0x15C80] =	vst v61;
	v40 =	vld [tilespmem:s6+$0x7C80];
	v17 =	vmul.f32 v24, v24;
	v41 =	vadd.f32 v23, v30;
	v30 =	vimm.f32 $0.0e+00  }
0x273: {  	v45 =	vld [tilespmem:s6+$0xFC80];
	[tilespmem:s21+$0x15E00] =	vst v24;
	v28 =	vimm.f32 $0.0e+00;
	v24 =	vimm.f32 $0.0e+00;
	v3 =	vadd.f32 v21, v4  }
0x274: {  	[tilespmem:s21+$0x15D80] =	vst v42;
	v49 =	vld [tilespmem:s6+$0x7E80];
	v23 =	vimm.f32 $0.0e+00;
	v4 =	vmul.f32 v43, v43;
	v17 =	vadd.f32 v17, v31  }
0x275: {  	s10 =	sor.u32 s10, s23;
	v54 =	vld [tilespmem:s6+$0xFE80];
	[tilespmem:s21+$0x15F00] =	vst v43;
	v21 =	vimm.f32 $0.0e+00;
	v46 =	vadd.f32 v3, v8;
	v3 =	vadd.f32 v27, v22  }
0x276: {  	s5 =	sor.u32 $0x380, s10;
	v55 =	vld [tilespmem:s6+$0x7F00];
	[tilespmem:s21+$0x15C00] =	vst v2;
	v31 =	vimm.f32 $0.0e+00;
	v7 =	vadd.f32 v4, v59;
	v50 =	vadd.f32 v26, v25  }
0x277: {  	s28 =	simm.s32 $0x20;
	v51 =	vld [tilespmem:s5+$0x5C00];
	v25 =	vimm.f32 $0.0e+00;
	v26 =	vimm.f32 $0.0e+00;
	v27 =	vimm.f32 $0.0e+00  }
0x278: {  	s14 =	simm.s32 $0x100;
	s20 =	simm.s32 $0x1020;
	s0 =	sor.u32 $0x10, s31;
	v52 =	vld [tilespmem:s5+$0xDC00];
	v22 =	vimm.f32 $0.0e+00;
	v48 =	vmul.f32 v46, v46;
	v47 =	vadd.f32 v3, v8;
	[tilespmem:s6+$0x17D00] =	vst v46  }
.LBB2_9:
0x279: {  	s24 =	sand.u32 $0x70, s28  }
0x27a: {  	s26 =	sand.u32 $0x1C00, s14;
	v11 =	vadd.f32 v43, v11;
	v6 =	vadd.f32 v46, v6;
	v2 =	vld [tilespmem:s6+$0xFF00];
	s25 =	smov.u32 s28;
	s23 =	sadd.s32 $0x10, s28  }
0x27b: {  	p1 =	sne.s32 s28, $0x3F0;
	v46 =	vld [tilespmem:s20+$0x0];
	s26 =	sor.u32 s24, s26;
	[tilespmem:s6+$0x17D80] =	vst v47;
	v3 =	vmul.f32 v47, v47;
	v4 =	vadd.f32 v50, v8;
	v43 =	vadd.f32 v54, v49  }
0x27c: {  	v33 =	vadd.f32 v48, v33;
	v30 =	vadd.f32 v47, v30;
	v49 =	vld [tilespmem:s26+$0xDD80]  }
0x27d: {  	v47 =	vld [tilespmem:s26+$0x5E00];
	v48 =	vadd.f32 v52, v51;
	[tilespmem:s6+$0x17E00] =	vst v4;
	v50 =	vmul.f32 v4, v4;
	v43 =	vadd.f32 v43, v8  }
0x27e: {  	v31 =	vadd.f32 v3, v31;
	v34 =	vadd.f32 v4, v34;
	v51 =	vld [tilespmem:s6+$0xFC00]  }
0x27f: {  	v3 =	vld [tilespmem:s26+$0xDC80];
	v4 =	vadd.f32 v48, v13;
	v35 =	vadd.f32 v50, v35;
	[tilespmem:s6+$0x17E80] =	vst v43;
	v48 =	vmul.f32 v43, v43  }
0x280: {  	v32 =	vadd.f32 v43, v32;
	v2 =	vadd.f32 v2, v55;
	v50 =	vld [tilespmem:s26+$0xDE00]  }
0x281: {  	v43 =	vld [tilespmem:s26+$0x5C80];
	[tilespmem:s5+$0x15C00] =	vst v4;
	v10 =	vadd.f32 v4, v10;
	v4 =	vmul.f32 v4, v4;
	v28 =	vadd.f32 v48, v28  }
0x282: {  	v15 =	vadd.f32 v44, v15;
	v2 =	vadd.f32 v2, v8;
	v48 =	vld [tilespmem:s26+$0x5F00]  }
0x283: {  	v44 =	vld [tilespmem:s26+$0x5E80];
	v9 =	vadd.f32 v4, v9;
	v4 =	vadd.f32 v51, v38  }
0x284: {  	v19 =	vadd.f32 v42, v19;
	v24 =	vadd.f32 v2, v24;
	v38 =	vld [tilespmem:s26+$0xDF00];
	[tilespmem:s6+$0x17F00] =	vst v2;
	v2 =	vmul.f32 v2, v2  }
0x285: {  	v40 =	vadd.f32 v45, v40;
	v42 =	vld [tilespmem:s26+$0xDD00];
	v4 =	vadd.f32 v4, v8  }
0x286: {  	v3 =	vadd.f32 v3, v43;
	v43 =	vld [tilespmem:s26+$0x5D00];
	v25 =	vadd.f32 v2, v25  }
0x287: {  	v40 =	vadd.f32 v40, v8;
	v2 =	vld [tilespmem:s26+$0x5D80];
	[tilespmem:s6+$0x17C00] =	vst v4;
	v26 =	vadd.f32 v4, v26;
	v4 =	vmul.f32 v4, v4  }
0x288: {  	v3 =	vadd.f32 v3, v46;
	v45 =	vld [tilespmem:s26+$0xDE80]  }
0x289: {  	v22 =	vadd.f32 v40, v22;
	v51 =	vld [tilespmem:s26+$0xDC00];
	v27 =	vadd.f32 v4, v27;
	[tilespmem:s6+$0x17C80] =	vst v40;
	v4 =	vmul.f32 v40, v40;
	s6 =	smov.u32 s21;
	s21 =	smov.u32 s26  }
0x28a: {  	v52 =	vld [tilespmem:s21+$0x5C00];
	v16 =	vadd.f32 v3, v16;
	v40 =	vmul.f32 v3, v3  }
0x28b: {  	v48 =	vadd.f32 v38, v48;
	s26 =	sor.u32 $0x2380, s3;
	s3 =	smov.u32 s10;
	v38 =	vld [tilespmem:s6+$0x7C00];
	v23 =	vadd.f32 v4, v23  }
0x28c: {  	v47 =	vadd.f32 v50, v47;
	v4 =	vadd.f32 v42, v43;
	v50 =	vld [tilespmem:s26+$0x5C00]  }
0x28d: {  	v2 =	vadd.f32 v49, v2;
	v42 =	vadd.f32 v45, v44;
	v44 =	vld [tilespmem:s26+$0xDC00]  }
0x28e: {  	v43 =	vadd.f32 v48, v46;
	v29 =	vadd.f32 v40, v29;
	v40 =	vld [tilespmem:s6+$0x7C80]  }
0x28f: {  	v48 =	vadd.f32 v51, v52;
	v51 =	vadd.f32 v42, v46;
	v45 =	vld [tilespmem:s6+$0xFC80]  }
0x290: {  	v4 =	vadd.f32 v4, v46;
	v42 =	vadd.f32 v2, v46;
	v2 =	vmul.f32 v43, v43;
	v49 =	vld [tilespmem:s6+$0x7D00]  }
0x291: {  	v48 =	vadd.f32 v48, v46;
	[tilespmem:s21+$0x15C80] =	vst v3;
	v3 =	vadd.f32 v47, v46;
	v47 =	vmul.f32 v51, v51;
	v52 =	vld [tilespmem:s6+$0xFD00]  }
0x292: {  	v36 =	vadd.f32 v4, v36;
	[tilespmem:s21+$0x15D00] =	vst v4;
	v4 =	vmul.f32 v4, v4;
	v53 =	vld [tilespmem:s6+$0x7D80];
	v50 =	vadd.f32 v44, v50  }
0x293: {  	v39 =	vadd.f32 v48, v39;
	v44 =	vmul.f32 v48, v48;
	[tilespmem:s21+$0x15E00] =	vst v3;
	v12 =	vadd.f32 v47, v12;
	v47 =	vld [tilespmem:s6+$0xFD80]  }
0x294: {  	v18 =	vadd.f32 v3, v18;
	v3 =	vmul.f32 v3, v3;
	v37 =	vadd.f32 v4, v37;
	[tilespmem:s21+$0x15F00] =	vst v43;
	v4 =	vld [tilespmem:s6+$0x7E00]  }
0x295: {  	v50 =	vadd.f32 v50, v8;
	v41 =	vadd.f32 v44, v41;
	[tilespmem:s21+$0x15D80] =	vst v42;
	v44 =	vmul.f32 v42, v42;
	v55 =	vld [tilespmem:s6+$0xFE00]  }
.Ltmp3:
0x296: {  	s10 =	sor.u32 s25, s14;
	v8 =	vmovc v13;
	v13 =	vmov v46;
	v17 =	vadd.f32 v3, v17;
	[tilespmem:s21+$0x15E80] =	vst v51;
	v3 =	vadd.f32 v52, v49;
	v49 =	vld [tilespmem:s6+$0x7E80];
	(pc) =	sbr.rel @p1 .LBB2_9-.Ltmp3, $4  }
0x297: {  	s5 =	sor.u32 $0x380, s10;
	v14 =	vadd.f32 v51, v14;
	v20 =	vadd.f32 v50, v20;
	[tilespmem:s21+$0x15C00] =	vst v48;
	v54 =	vld [tilespmem:s6+$0xFE80];
	v48 =	vmul.f32 v50, v50  }
0x298: {  	v51 =	vld [tilespmem:s5+$0x5C00];
	v46 =	vadd.f32 v3, v8;
	v3 =	vadd.f32 v47, v53;
	[tilespmem:s26+$0x15C00] =	vst v50  }
0x299: {  	v7 =	vadd.f32 v2, v7;
	v52 =	vld [tilespmem:s5+$0xDC00];
	v21 =	vadd.f32 v48, v21  }
0x29a: {  	s20 =	sadd.s32 $0x10, s20;
	s28 =	smov.u32 s23;
	s14 =	sadd.s32 $0x80, s14;
	[tilespmem:s6+$0x17D00] =	vst v46;
	v48 =	vmul.f32 v46, v46;
	v47 =	vadd.f32 v3, v8;
	v50 =	vadd.f32 v55, v4;
	v55 =	vld [tilespmem:s6+$0x7F00]  }
0x29b: {  	_ =	sdelay $0x2  }
0x29c: {  	v2 =	vadd.f32 v52, v51;
	_ =	sdelay $0x1  }
0x29d: {  	v53 =	vadd.f32 v2, v13;
	_ =	sdelay $0x1  }
0x29e: {  	v2 =	vld [tilespmem:s6+$0xFF00];
	[tilespmem:s5+$0x15C00] =	vst v53  }
0x29f: {  	v4 =	vld [tilespmem:s21+$0x7D00]  }
0x2a0: {  	v63 =	vld [tilespmem:s21+$0xFD00]  }
0x2a1: {  	v52 =	vld [tilespmem:s21+$0x7D80]  }
0x2a2: {  	v56 =	vld [tilespmem:s21+$0xFD80]  }
0x2a3: {  	v57 =	vld [tilespmem:s21+$0x7E00]  }
0x2a4: {  	v58 =	vld [tilespmem:s21+$0xFE00]  }
0x2a5: {  	v3 =	vld [tilespmem:s21+$0x7C00]  }
0x2a6: {  	v62 =	vld [tilespmem:s21+$0x7E80]  }
0x2a7: {  	v60 =	vadd.f32 v50, v8;
	v49 =	vadd.f32 v54, v49;
	v54 =	vld [tilespmem:s21+$0xFC00]  }
0x2a8: {  	v2 =	vadd.f32 v2, v55;
	v52 =	vadd.f32 v56, v52;
	v56 =	vld [tilespmem:s6+$0xFC00]  }
0x2a9: {  	v4 =	vadd.f32 v63, v4;
	v57 =	vadd.f32 v58, v57;
	v58 =	vld [tilespmem:s21+$0x7F00]  }
0x2aa: {  	[tilespmem:s6+$0x17D80] =	vst v47;
	v55 =	vadd.f32 v49, v8;
	v63 =	vld [tilespmem:s21+$0xFF00]  }
0x2ab: {  	[tilespmem:s6+$0x17E00] =	vst v60;
	v2 =	vadd.f32 v2, v8;
	v51 =	vadd.f32 v4, v13;
	v4 =	vld [tilespmem:s21+$0xFE80]  }
0x2ac: {  	v40 =	vadd.f32 v45, v40;
	v59 =	vld [tilespmem:s21+$0x7C80];
	[tilespmem:s6+$0x17E80] =	vst v55  }
0x2ad: {  	v61 =	vld [tilespmem:s21+$0xFC80];
	v3 =	vadd.f32 v54, v3;
	[tilespmem:s6+$0x17F00] =	vst v2;
	v52 =	vadd.f32 v52, v13  }
0x2ae: {  	v50 =	vadd.f32 v57, v13;
	v57 =	vadd.f32 v40, v8;
	[tilespmem:s21+$0x17D00] =	vst v51  }
0x2af: {  	[tilespmem:s21+$0x17D80] =	vst v52;
	v38 =	vadd.f32 v56, v38;
	v58 =	vadd.f32 v63, v58  }
0x2b0: {  	v49 =	vadd.f32 v3, v13;
	[tilespmem:s21+$0x17E00] =	vst v50;
	v4 =	vadd.f32 v4, v62  }
0x2b1: {  	[tilespmem:s6+$0x17C80] =	vst v57;
	v56 =	vadd.f32 v38, v8;
	v38 =	vadd.f32 v58, v13  }
0x2b2: {  	[tilespmem:s21+$0x17C00] =	vst v49;
	v40 =	vadd.f32 v4, v13;
	v4 =	vadd.f32 v61, v59  }
0x2b3: {  	[tilespmem:s6+$0x17C00] =	vst v56  }
0x2b4: {  	s3 =	sor.u32 $0x2380, s3;
	[tilespmem:s21+$0x17F00] =	vst v38;
	v45 =	vadd.f32 v4, v13  }
0x2b5: {  	v3 =	vld [tilespmem:s3+$0x5C00];
	[tilespmem:s21+$0x17E80] =	vst v40  }
0x2b6: {  	v4 =	vld [tilespmem:s3+$0xDC00];
	[tilespmem:s21+$0x17C80] =	vst v45;
	s21 =	sor.u32 $0x2380, s10  }
0x2b7: {  	v62 =	vld [tilespmem:s21+$0x5C00]  }
0x2b8: {  	v63 =	vld [tilespmem:s21+$0xDC00];
	_ =	sdelay $0x1  }
0x2b9: {  	(xrf2) =	vadd.scan.msk.f32 $0xffff, v39;
	_ =	sdelay $0x1  }
0x2ba: {  	v3 =	vadd.f32 v4, v3  }
0x2bb: {  	v4 =	vadd.f32 v63, v62  }
0x2bc: {  	(xrf2) =	vadd.scan.msk.f32 $0xffff, v41;
	v3 =	vadd.f32 v3, v8  }
0x2bd: {  	v13 =	vadd.f32 v4, v13  }
0x2be: {  	[tilespmem:s3+$0x15C00] =	vst v3  }
0x2bf: {  	[tilespmem:s21+$0x15C00] =	vst v13  }
0x2c0: {  	v4 =	vld.idx.msk @!p0 [tilespmem:v1+s31+$0x0 ss:$0x1], $0xffff  }
0x2c1: {  	(xrf2) =	vadd.scan.msk.f32 $0xffff, v16  }
0x2c2: {  	(xrf2) =	vadd.scan.msk.f32 $0xffff, v29;
	v29, _, _ =	vpop (xrf2)  }
0x2c3: {  	(v2sf) =	vpush v29, $0xF;
	_ =	sdelay $0x1  }
0x2c4: {  	v39 =	vlaneseq.u32 @!p0;
	v8 =	vshll.u32 @!p0 v4, $0x3  }
0x2c5: {  	v41 =	vshrl.u32 @!p0 v39, $0x3;
	v29, _, _ =	vpop (xrf2);
	v4 =	vand.u32 @!p0 $0x7, v4;
	v8 =	vand.u32 @!p0 $0xFFFFFFC0, v8  }
0x2c6: {  	(v2sf) =	vpush v29, $0xF;
	v4 =	vor.u32 @!p0 v4, v8;
	v8 =	vand.u32 @!p0 $0x7, v39  }
0x2c7: {  	v16 =	vmul.u32 @!p0 $0x8, v41;
	(xrf2) =	vadd.scan.msk.f32 $0xffff, v36;
	v54 =	vperm.xlane @!p0 v4, v8  }
0x2c8: {  	(xrf2) =	vadd.scan.msk.f32 $0xffff, v37  }
0x2c9: {  	v41 =	vadd.s32 @!p0 v16, v54  }
0x2ca: {  	v19 =	vadd.f32 v42, v19  }
0x2cb: {  	v42, _, _ =	vpop (xrf2)  }
0x2cc: {  	(v2sf) =	vpush v42, $0xF  }
0x2cd: {  	v15 =	vadd.f32 v44, v15;
	(xrf2) =	vadd.scan.msk.f32 $0xffff, v19;
	s6 =	simm.s32 @!p0 $0x0;
	s3 =	simm.s32 @!p0 $0x5C00  }
0x2ce: {  	v29 =	vor.u32 @!p0 $0x8, v39;
	v19, _, _ =	vpop (xrf2);
	[tilespmem:s3], [sflag:$0x2] =	stream.indirect_vreg.gather @!p0 [hbm4b:s1+s6], $0x80, v41, vm1, $0xb8;
	[tilespmem:$0x19C00] =	vst v63  }
0x2cf: {  	(xrf2) =	vadd.scan.msk.f32 $0xffff, v15;
	(v2sf) =	vpush v19, $0xF;
	v4 =	vperm.xlane @!p0 v4, v29;
	s3 =	simm.s32 @!p0 $0x6400  }
0x2d0: {  	[tilespmem:s3], [sflag:$0x2] =	stream.indirect_vreg.gather @!p0 [hbm4b:s11+s6], $0x80, v41, vm1, $0xb8;
	[tilespmem:$0x19C00] =	vst v63  }
0x2d1: {  	v15, _, _ =	vpop (xrf2);
	s23 =	spop (v2sf);
	v4 =	vadd.s32 @!p0 v16, v4;
	s3 =	simm.s32 @!p0 $0x6C00  }
0x2d2: {  	(v2sf) =	vpush v15, $0xF;
	v15, _, _ =	vpop (xrf2);
	[tilespmem:s3], [sflag:$0x2] =	stream.indirect_vreg.gather @!p0 [hbm4b:s12+s6], $0x80, v41, vm1, $0xb8;
	[tilespmem:$0x19C00] =	vst v63  }
0x2d3: {  	(v2sf) =	vpush v15, $0xF;
	s10 =	smul.f32 $9.765625000e-04, s23;
	s3 =	simm.s32 @!p0 $0x7400  }
0x2d4: {  	v44 =	vadd.f32 v43, v11;
	v11 =	vmul.f32 v47, v47;
	[tilespmem:s3], [sflag:$0x2] =	stream.indirect_vreg.gather @!p0 [hbm4b:s13+s6], $0x80, v41, vm1, $0xb8;
	[tilespmem:$0x19C00] =	vst v63  }
0x2d5: {  	v6 =	vadd.f32 v46, v6;
	(xrf2) =	vadd.scan.msk.f32 $0xffff, v18;
	v15 =	vmul.f32 v60, v60;
	s24 =	spop (v2sf);
	s25 =	smul.f32 s10, s10;
	s3 =	simm.s32 @!p0 $0x7C00  }
0x2d6: {  	v30 =	vadd.f32 v47, v30;
	v31 =	vadd.f32 v11, v31;
	[tilespmem:s3], [sflag:$0x2] =	stream.indirect_vreg.gather @!p0 [hbm4b:s1+s6], $0x80, v4, vm1, $0xb8;
	[tilespmem:$0x19C00] =	vst v63  }
0x2d7: {  	v11 =	vadd.f32 v55, v32;
	(xrf2) =	vadd.scan.msk.f32 $0xffff, v17;
	v58 =	vadd.f32 v15, v35;
	v15 =	vmul.f32 v55, v55;
	s3 =	smul.f32 $9.765625000e-04, s24  }
0x2d8: {  	v18 =	vmul.f32 v53, v53;
	v59 =	vadd.f32 v53, v10;
	v54 =	vadd.f32 v60, v34;
	v60, _, _ =	vpop (xrf2);
	(xrf2) =	vadd.scan.msk.f32 $0xffff, v14  }
0x2d9: {  	s14 =	simm.s32 @!p0 $0x8400;
	v10 =	vadd.f32 v15, v28;
	(v2sf) =	vpush v60, $0xF;
	v17, _, _ =	vpop (xrf2);
	(xrf2) =	vadd.scan.msk.f32 $0xffff, v12;
	s3 =	ssub.f32 s3, s25  }
0x2da: {  	v15 =	vmul.f32 v2, v2;
	v28 =	vadd.f32 v18, v9;
	(v2sf) =	vpush v17, $0xF;
	[tilespmem:s14], [sflag:$0x2] =	stream.indirect_vreg.gather @!p0 [hbm4b:s11+s6], $0x80, v4, vm1, $0xb8;
	[tilespmem:$0x19C00] =	vst v63  }
0x2db: {  	v9 =	vmul.f32 v56, v56;
	v18 =	vadd.f32 v2, v24;
	v2 =	vadd.f32 v56, v26;
	s26 =	spop (v2sf);
	s3 =	sadd.f32 $9.999999960e-13, s3  }
0x2dc: {  	v19 =	vadd.f32 v48, v33;
	v24 =	vadd.f32 v51, v6;
	s14 =	smul.f32 $9.765625000e-04, s26  }
0x2dd: {  	v27 =	vadd.f32 v9, v27;
	v2 =	vadd.f32 v49, v2;
	v9 =	vmov s3  }
0x2de: {  	s5 =	spop (v2sf);
	v12 =	vmul.f32 v57, v57;
	s20 =	smul.f32 s14, s14;
	v14 =	vshra.s32 v9, $0x1;
	v61 =	vmul.f32 $5.000000000e-01, v9  }
0x2df: {  	v62 =	vadd.f32 v57, v22;
	v17 =	vadd.f32 v15, v25;
	s3 =	smul.f32 $9.765625000e-04, s5;
	s5 =	simm.s32 @!p0 $0x8C00;
	v22 =	vsub.s32 $0x5F3759DF, v14  }
0x2e0: {  	v6, _, _ =	vpop (xrf2);
	v63 =	vadd.f32 v12, v23;
	[tilespmem:s5], [sflag:$0x2] =	stream.indirect_vreg.gather @!p0 [hbm4b:s12+s6], $0x80, v4, vm1, $0xb8;
	v23 =	vmul.f32 v22, v61;
	[tilespmem:$0x19C00] =	vst v63  }
0x2e1: {  	v12 =	vmul.f32 v51, v51;
	(v2sf) =	vpush v6, $0xF;
	v6, _, _ =	vpop (xrf2);
	v9 =	vmul.f32 v3, v3;
	s3 =	ssub.f32 s3, s20;
	s20 =	spop (v2sf)  }
0x2e2: {  	v15 =	vadd.f32 v3, v20;
	(xrf2) =	vadd.scan.msk.f32 $0xffff, v44;
	(v2sf) =	vpush v6, $0xF;
	s26 =	smul.f32 $9.765625000e-04, s20;
	s21 =	spop (v2sf);
	v3 =	vmul.f32 v22, v23  }
0x2e3: {  	v26 =	vmul.f32 v38, v38;
	v6, _, _ =	vpop (xrf2);
	v14 =	vadd.f32 v9, v21;
	v9 =	vadd.f32 v12, v19;
	s3 =	sadd.f32 $9.999999960e-13, s3;
	s5 =	smul.f32 $9.765625000e-04, s21  }
0x2e4: {  	v20 =	vmul.f32 v50, v50;
	(v2sf) =	vpush v6, $0xF;
	v6, _, _ =	vpop (xrf2);
	s23 =	smul.f32 s26, s26;
	v3 =	vsub.f32 $1.500000000e+00, v3  }
0x2e5: {  	(xrf2) =	vadd.scan.msk.f32 $0xffff, v7;
	v12 =	vadd.f32 v52, v30;
	(v2sf) =	vpush v6, $0xF;
	v21 =	vmov s3  }
0x2e6: {  	s3 =	simm.s32 @!p0 $0x9400;
	v30 =	vmul.f32 $5.000000000e-01, v21;
	s5 =	ssub.f32 s5, s23;
	v3 =	vmul.f32 v22, v3;
	v22 =	vshra.s32 v21, $0x1  }
0x2e7: {  	v42 =	vadd.f32 v45, v62;
	v6 =	vmul.f32 v49, v49;
	[tilespmem:s3], [sflag:$0x2] =	stream.indirect_vreg.gather @!p0 [hbm4b:s13+s6], $0x80, v4, vm1, $0xb8;
	v4 =	vsub.s32 $0x5F3759DF, v22;
	[tilespmem:$0x19C00] =	vst v63  }
0x2e8: {  	s24 =	spop (v2sf);
	s5 =	sadd.f32 $9.999999960e-13, s5;
	v22 =	vadd.f32 v20, v58;
	v7 =	vmul.f32 v3, v61;
	v20 =	vmul.f32 v4, v30  }
0x2e9: {  	v25 =	vmul.f32 v40, v40;
	v19 =	vmul.f32 v52, v52;
	s25 =	spop (v2sf);
	v6 =	vadd.f32 v6, v27;
	s3 =	smul.f32 $9.765625000e-04, s24;
	v27 =	vld.idx.msk @!p0 [tilespmem:v1+s31+$0x800 ss:$0x1], $0xffff  }
0x2ea: {  	(xrf2) =	vadd.scan.msk.f32 $0xffff, v59;
	s20 =	smul.f32 $9.765625000e-04, s25;
	v21 =	vmov s5;
	v7 =	vmul.f32 v7, v3;
	v20 =	vmul.f32 v4, v20  }
0x2eb: {  	(xrf2) =	vadd.scan.msk.f32 $0xffff, v28;
	v23 =	vadd.f32 v19, v31;
	s21 =	smul.f32 s3, s3;
	v31 =	vshra.s32 v21, $0x1;
	v41 =	vmul.f32 $5.000000000e-01, v21  }
0x2ec: {  	v44, _, _ =	vpop (xrf2);
	v31 =	vsub.s32 $0x5F3759DF, v31;
	v7 =	vsub.f32 $1.500000000e+00, v7;
	v20 =	vsub.f32 $1.500000000e+00, v20  }
0x2ed: {  	v28 =	vmul.f32 v45, v45;
	(v2sf) =	vpush v44, $0xF;
	s5 =	ssub.f32 s20, s21;
	v43 =	vmul.f32 v31, v41  }
0x2ee: {  	(xrf2) =	vadd.scan.msk.f32 $0xffff, v2;
	v36 =	vshll.u32 @!p0 v27, $0x3;
	v3 =	vmul.f32 v7, v3;
	v4 =	vmul.f32 v4, v20  }
0x2ef: {  	v46, _, _ =	vpop (xrf2);
	s5 =	sadd.f32 $9.999999960e-13, s5;
	v7 =	vand.u32 @!p0 $0x7, v27;
	v20 =	vand.u32 @!p0 $0xFFFFFFC0, v36;
	v27 =	vmul.f32 v31, v43  }
0x2f0: {  	v19 =	vadd.f32 v50, v54;
	(v2sf) =	vpush v46, $0xF;
	s23 =	spop (v2sf);
	(xrf2) =	vadd.scan.msk.f32 $0xffff, v6;
	v7 =	vor.u32 @!p0 v7, v20  }
0x2f1: {  	s20 =	smul.f32 $9.765625000e-04, s23;
	v2 =	vmul.f32 v3, v61;
	v6 =	vsub.f32 $1.500000000e+00, v27;
	v27 =	vmov s5  }
0x2f2: {  	v45 =	vmul.f32 v4, v30;
	v48 =	vshra.s32 v27, $0x1;
	v49 =	vmul.f32 $5.000000000e-01, v27  }
0x2f3: {  	s24 =	spop (v2sf);
	s23 =	smul.f32 s20, s20;
	v8 =	vperm.xlane @!p0 v7, v8;
	v31 =	vmul.f32 v31, v6;
	v35 =	vsub.s32 $0x5F3759DF, v48  }
0x2f4: {  	v28 =	vadd.f32 v28, v63;
	s25 =	spop (v2sf);
	s5 =	smul.f32 $9.765625000e-04, s24;
	v47 =	vmul.f32 v45, v4;
	v27, _, _ =	vpop (xrf2);
	v20 =	vmul.f32 v35, v49  }
0x2f5: {  	s21 =	smul.f32 $9.765625000e-04, s25;
	s24 =	spop (v2sf);
	v2 =	vmul.f32 v2, v3;
	(v2sf) =	vpush v27, $0xF;
	v6, _, _ =	vpop (xrf2);
	v27 =	vmul.f32 v31, v41  }
0x2f6: {  	s24 =	smul.f32 $9.765625000e-04, s24;
	s5 =	ssub.f32 s5, s23;
	(v2sf) =	vpush v6, $0xF;
	v6 =	vsub.f32 $1.500000000e+00, v47;
	v50 =	vmul.f32 v35, v20  }
0x2f7: {  	s25 =	smul.f32 s21, s21;
	v2 =	vsub.f32 $1.500000000e+00, v2;
	v20 =	vperm.xlane @!p0 v7, v29;
	v51 =	vmul.f32 v27, v31  }
0x2f8: {  	(xrf2) =	vadd.scan.msk.f32 $0xffff, v42;
	s5 =	sadd.f32 $9.999999960e-13, s5;
	v27 =	vadd.s32 @!p0 v16, v8;
	v8, _, _ =	vpop (xrf2);
	v4 =	vmul.f32 v6, v4;
	v7 =	vsub.f32 $1.500000000e+00, v50  }
0x2f9: {  	s23 =	ssub.f32 s24, s25;
	v6 =	vmul.f32 v2, v3;
	(v2sf) =	vpush v8, $0xF;
	v3 =	vsub.f32 $1.500000000e+00, v51  }
0x2fa: {  	(xrf2) =	vadd.scan.msk.f32 $0xffff, v28;
	v8, _, _ =	vpop (xrf2);
	v2 =	vmul.f32 v4, v30;
	v28 =	vmul.f32 v35, v7;
	v7 =	vmov s5  }
0x2fb: {  	s25 =	sadd.f32 $9.999999960e-13, s23;
	(v2sf) =	vpush v8, $0xF;
	v29 =	vshra.s32 v7, $0x1;
	v30 =	vmul.f32 $5.000000000e-01, v7  }
0x2fc: {  	v3 =	vmul.f32 v3, v31;
	v2 =	vmul.f32 v2, v4;
	v29 =	vsub.s32 $0x5F3759DF, v29  }
0x2fd: {  	s23 =	simm.s32 @!p0 $0xDC00;
	v31 =	vmov s25;
	v7 =	vmul.f32 v28, v49;
	v8 =	vmul.f32 v29, v30  }
0x2fe: {  	[tilespmem:s23], [sflag:$0x2] =	stream.indirect_vreg.gather @!p0 [hbm4b:s2+s6], $0x80, v27, vm1, $0xb8;
	v52 =	vshra.s32 v31, $0x1;
	v31 =	vmul.f32 $5.000000000e-01, v31;
	v32 =	vmul.f32 v3, v41;
	[tilespmem:$0x19C00] =	vst v63  }
0x2ff: {  	s23 =	spop (v2sf);
	v33 =	vsub.s32 $0x5F3759DF, v52;
	v53 =	vmul.f32 v7, v28;
	v8 =	vmul.f32 v29, v8  }
0x300: {  	s23 =	smul.f32 $9.765625000e-04, s23;
	s24 =	spop (v2sf);
	v2 =	vsub.f32 $1.500000000e+00, v2;
	v54 =	vmul.f32 v33, v31;
	v32 =	vmul.f32 v32, v3  }
0x301: {  	v7 =	vmul.f32 s10, v6;
	s5 =	smul.f32 $9.765625000e-04, s24;
	v34 =	vsub.f32 $1.500000000e+00, v53;
	v55 =	vsub.f32 $1.500000000e+00, v8  }
0x302: {  	(xrf2) =	vadd.scan.msk.f32 $0xffff, v24;
	v56, _, _ =	vpop (xrf2);
	s10 =	smul.f32 s23, s23;
	v8 =	vmul.f32 v2, v4;
	v2 =	vsub.f32 $1.500000000e+00, v32;
	v4 =	vmul.f32 v33, v54  }
0x303: {  	v25 =	vadd.f32 v25, v10;
	(xrf2) =	vadd.scan.msk.f32 $0xffff, v9;
	(v2sf) =	vpush v56, $0xF;
	v24 =	vmul.f32 v34, v28  }
0x304: {  	s5 =	ssub.f32 s5, s10;
	v28 =	vmul.f32 v29, v55;
	v29, _, _ =	vpop (xrf2);
	v4 =	vsub.f32 $1.500000000e+00, v4;
	v10 =	vmul.f32 v2, v3;
	s25 =	spop (v2sf)  }
0x305: {  	s25 =	smul.f32 $9.765625000e-04, s25;
	s24 =	spop (v2sf);
	(v2sf) =	vpush v29, $0xF;
	v29 =	vadd.f32 v40, v11;
	v11 =	vmul.f32 v24, v49  }
0x306: {  	(xrf2) =	vadd.scan.msk.f32 $0xffff, v12;
	v57 =	vmul.f32 v28, v30;
	v2 =	vmul.f32 v33, v4;
	s10 =	smul.f32 $9.765625000e-04, s24  }
0x307: {  	v9 =	vmul.f32 s14, v8;
	s5 =	sadd.f32 $9.999999960e-13, s5;
	v3 =	vadd.f32 v38, v18;
	s24 =	simm.s32 @!p0 $0xE400;
	s14 =	smul.f32 s25, s25;
	v4 =	vmul.f32 v11, v24  }
0x308: {  	v12 =	vmul.f32 v57, v28;
	[tilespmem:s24], [sflag:$0x2] =	stream.indirect_vreg.gather @!p0 [hbm4b:s15+s6], $0x80, v27, vm1, $0xb8;
	v18 =	vmul.f32 v2, v31;
	[tilespmem:$0x19C00] =	vst v63  }
0x309: {  	v17 =	vadd.f32 v26, v17;
	(xrf2) =	vadd.scan.msk.f32 $0xffff, v23;
	v11 =	vmul.f32 s26, v10;
	s10 =	ssub.f32 s10, s14;
	v4 =	vsub.f32 $1.500000000e+00, v4;
	s14 =	spop (v2sf)  }
0x30a: {  	v23 =	vsub.f32 $1.500000000e+00, v12;
	v12 =	vmov s5;
	v18 =	vmul.f32 v18, v2;
	s14 =	smul.f32 $9.765625000e-04, s14  }
0x30b: {  	v26 =	vshra.s32 v12, $0x1;
	v58 =	vmul.f32 $5.000000000e-01, v12;
	s24 =	spop (v2sf);
	s26 =	sadd.f32 $9.999999960e-13, s10;
	v12 =	vmul.f32 v4, v24  }
0x30c: {  	v4 =	vmul.f32 v23, v28;
	v23 =	vsub.s32 $0x5F3759DF, v26;
	s10 =	smul.f32 $9.765625000e-04, s24;
	v18 =	vsub.f32 $1.500000000e+00, v18;
	v28, _, _ =	vpop (xrf2)  }
0x30d: {  	(xrf2) =	vadd.scan.msk.f32 $0xffff, v19;
	v24 =	vmul.f32 v23, v58;
	(v2sf) =	vpush v28, $0xF;
	v28, _, _ =	vpop (xrf2);
	v26 =	vmov s26;
	s26 =	smul.f32 s14, s14  }
0x30e: {  	v21 =	vmul.f32 v13, v13;
	(v2sf) =	vpush v28, $0xF;
	v2 =	vmul.f32 v18, v2  }
0x30f: {  	(xrf2) =	vadd.scan.msk.f32 $0xffff, v22;
	v19 =	vshra.s32 v26, $0x1;
	v26 =	vmul.f32 $5.000000000e-01, v26;
	v22 =	vmul.f32 v23, v24;
	s5 =	ssub.f32 s10, s26  }
0x310: {  	v28, _, _ =	vpop (xrf2);
	v24 =	vadd.f32 v13, v15;
	v13 =	vmul.f32 v4, v30;
	v19 =	vsub.s32 $0x5F3759DF, v19  }
0x311: {  	(v2sf) =	vpush v28, $0xF;
	v15 =	vmul.f32 v19, v26;
	v18 =	vsub.f32 $1.500000000e+00, v22;
	s5 =	sadd.f32 $9.999999960e-13, s5  }
0x312: {  	v13 =	vmul.f32 v13, v4  }
0x313: {  	(xrf2) =	vadd.scan.msk.f32 $0xffff, v29;
	s10 =	spop (v2sf);
	v22, _, _ =	vpop (xrf2);
	v15 =	vmul.f32 v19, v15;
	v18 =	vmul.f32 v23, v18;
	v23 =	vmov s5  }
0x314: {  	s26 =	smul.f32 $9.765625000e-04, s10;
	(xrf2) =	vadd.scan.msk.f32 $0xffff, v25;
	(v2sf) =	vpush v22, $0xF;
	v25 =	vshra.s32 v23, $0x1;
	v23 =	vmul.f32 $5.000000000e-01, v23;
	s24 =	spop (v2sf)  }
0x315: {  	v22 =	vmul.f32 v2, v31;
	v15 =	vsub.f32 $1.500000000e+00, v15;
	v25 =	vsub.s32 $0x5F3759DF, v25;
	s5 =	smul.f32 $9.765625000e-04, s24  }
0x316: {  	v21 =	vadd.f32 v21, v14;
	s10 =	simm.s32 @!p0 $0xEC00;
	v28 =	vmul.f32 v18, v58;
	s24 =	smul.f32 s26, s26;
	v14 =	vmul.f32 v25, v23  }
0x317: {  	[tilespmem:s10], [sflag:$0x2] =	stream.indirect_vreg.gather @!p0 [hbm4b:s16+s6], $0x80, v27, vm1, $0xb8;
	v19 =	vmul.f32 v19, v15;
	v15 =	vsub.f32 $1.500000000e+00, v13;
	v13, _, _ =	vpop (xrf2);
	[tilespmem:$0x19C00] =	vst v63  }
0x318: {  	s10 =	simm.s32 @!p0 $0xF400;
	v22 =	vmul.f32 v22, v2;
	v28 =	vmul.f32 v28, v18;
	s5 =	ssub.f32 s5, s24;
	(v2sf) =	vpush v13, $0xF  }
0x319: {  	[tilespmem:s10], [sflag:$0x2] =	stream.indirect_vreg.gather @!p0 [hbm4b:s18+s6], $0x80, v27, vm1, $0xb8;
	v29 =	vmul.f32 v19, v26;
	v30 =	vmul.f32 v25, v14;
	[tilespmem:$0x19C00] =	vst v63  }
0x31a: {  	v22 =	vsub.f32 $1.500000000e+00, v22;
	v27 =	vsub.f32 $1.500000000e+00, v28;
	s5 =	sadd.f32 $9.999999960e-13, s5;
	v14, _, _ =	vpop (xrf2)  }
0x31b: {  	v13 =	vmul.f32 s3, v12;
	v28 =	vsub.f32 $1.500000000e+00, v30;
	(xrf2) =	vadd.scan.msk.f32 $0xffff, v3;
	(v2sf) =	vpush v14, $0xF  }
0x31c: {  	v14 =	vmul.f32 v15, v4;
	v4 =	vmul.f32 v29, v19;
	(xrf2) =	vadd.scan.msk.f32 $0xffff, v17;
	v17 =	vmov s5  }
0x31d: {  	v15 =	vmul.f32 v22, v2;
	v2 =	vmul.f32 v27, v18;
	v29, _, _ =	vpop (xrf2);
	v22 =	vshra.s32 v17, $0x1  }
0x31e: {  	s10 =	spop (v2sf);
	(xrf2) =	vadd.scan.msk.f32 $0xffff, v24;
	(v2sf) =	vpush v29, $0xF;
	v3 =	vsub.f32 $1.500000000e+00, v4;
	v4 =	vmul.f32 v25, v28;
	v18, _, _ =	vpop (xrf2)  }
0x31f: {  	s24 =	spop (v2sf);
	s10 =	smul.f32 $9.765625000e-04, s10;
	v25 =	vmul.f32 $5.000000000e-01, v17;
	(xrf2) =	vadd.scan.msk.f32 $0xffff, v21;
	v17 =	vmul.f32 v2, v58;
	(v2sf) =	vpush v18, $0xF  }
0x320: {  	v21 =	vsub.s32 $0x5F3759DF, v22;
	s5 =	smul.f32 $9.765625000e-04, s24;
	s3 =	spop (v2sf);
	v18 =	vmul.f32 v4, v23;
	v3 =	vmul.f32 v3, v19  }
0x321: {  	s3 =	smul.f32 $9.765625000e-04, s3;
	v19 =	vmul.f32 v21, v25;
	v17 =	vmul.f32 v17, v2  }
0x322: {  	v20 =	vadd.s32 @!p0 v16, v20;
	s24 =	smul.f32 s10, s10;
	v22 =	vmul.f32 v18, v4;
	v24 =	vmul.f32 v3, v26  }
0x323: {  	v26 =	vmul.f32 v21, v19;
	v17 =	vsub.f32 $1.500000000e+00, v17;
	v19 =	vmul.f32 s21, v15;
	s21 =	smul.f32 s3, s3;
	s28 =	spop (v2sf)  }
0x324: {  	v18 =	vmul.f32 s20, v14;
	v27 =	vsub.f32 $1.500000000e+00, v22;
	s20 =	smul.f32 $9.765625000e-04, s28;
	v24 =	vmul.f32 v24, v3  }
0x325: {  	s5 =	ssub.f32 s5, s24;
	v26 =	vsub.f32 $1.500000000e+00, v26;
	v22 =	vmul.f32 v17, v2;
	v28, _, _ =	vpop (xrf2)  }
0x326: {  	v2 =	vmul.f32 v27, v4;
	v4, _, _ =	vpop (xrf2);
	v16 =	vsub.f32 $1.500000000e+00, v24;
	s20 =	ssub.f32 s20, s21;
	(v2sf) =	vpush v28, $0xF  }
0x327: {  	s5 =	sadd.f32 $9.999999960e-13, s5;
	v17 =	vmul.f32 v21, v26;
	v21 =	vmul.f32 s23, v22;
	(v2sf) =	vpush v4, $0xF;
	s23 =	spop (v2sf)  }
0x328: {  	v24, _, _ =	vpop (xrf2);
	v23 =	vmul.f32 v2, v23;
	s21 =	sadd.f32 $9.999999960e-13, s20;
	s20 =	smul.f32 $9.765625000e-04, s23;
	s23 =	simm.s32 @!p0 $0xFC00  }
0x329: {  	v16 =	vmul.f32 v16, v3;
	v3 =	vmul.f32 v17, v25;
	(v2sf) =	vpush v24, $0xF;
	v4, _, _ =	vpop (xrf2);
	[tilespmem:s23], [sflag:$0x2] =	stream.indirect_vreg.gather @!p0 [hbm4b:s2+s6], $0x80, v20, vm1, $0xb8;
	[tilespmem:$0x19C00] =	vst v63  }
0x32a: {  	s28 =	simm.s32 @!p0 $0x10400;
	s24 =	spop (v2sf);
	(v2sf) =	vpush v4, $0xF  }
0x32b: {  	v24 =	vmov s5;
	v23 =	vmul.f32 v23, v2;
	v3 =	vmul.f32 v3, v17;
	[tilespmem:s28], [sflag:$0x2] =	stream.indirect_vreg.gather @!p0 [hbm4b:s15+s6], $0x80, v20, vm1, $0xb8;
	[tilespmem:$0x19C00] =	vst v63  }
0x32c: {  	v26 =	vmov s21;
	v27 =	vmul.f32 $5.000000000e-01, v24;
	v4 =	vshra.s32 v24, $0x1;
	s5 =	smul.f32 $9.765625000e-04, s24  }
0x32d: {  	v24 =	vshra.s32 v26, $0x1;
	v26 =	vmul.f32 $5.000000000e-01, v26;
	s24 =	smul.f32 s20, s20;
	v4 =	vsub.s32 $0x5F3759DF, v4;
	s21 =	spop (v2sf)  }
0x32e: {  	v3 =	vsub.f32 $1.500000000e+00, v3;
	v28 =	vsub.s32 $0x5F3759DF, v24;
	v29 =	vmul.f32 v4, v27;
	s23 =	spop (v2sf)  }
0x32f: {  	v23 =	vsub.f32 $1.500000000e+00, v23;
	v30 =	vmul.f32 v28, v26;
	s5 =	ssub.f32 s5, s24;
	s21 =	smul.f32 $9.765625000e-04, s21;
	s24 =	simm.s32 @!p0 $0x10C00  }
0x330: {  	v3 =	vmul.f32 v3, v17;
	v29 =	vmul.f32 v4, v29;
	[tilespmem:s24], [sflag:$0x2] =	stream.indirect_vreg.gather @!p0 [hbm4b:s16+s6], $0x80, v20, vm1, $0xb8;
	[tilespmem:$0x19C00] =	vst v63  }
0x331: {  	v17 =	vmul.f32 v23, v2;
	v30 =	vmul.f32 v28, v30;
	s23 =	smul.f32 $9.765625000e-04, s23;
	s5 =	sadd.f32 $9.999999960e-13, s5  }
0x332: {  	v24 =	vmul.f32 s25, v16;
	s24 =	simm.s32 @!p0 $0x11400;
	v2 =	vmul.f32 v3, v25;
	s25 =	smul.f32 s21, s21;
	v23 =	vsub.f32 $1.500000000e+00, v29  }
0x333: {  	v25 =	vsub.f32 $1.500000000e+00, v30;
	[tilespmem:s24], [sflag:$0x2] =	stream.indirect_vreg.gather @!p0 [hbm4b:s18+s6], $0x80, v20, vm1, $0xb8;
	v20 =	vmul.f32 s14, v17;
	v29 =	vmov s5;
	[tilespmem:$0x19C00] =	vst v63  }
0x334: {  	v2 =	vmul.f32 v2, v3;
	v30 =	vshra.s32 v29, $0x1;
	v29 =	vmul.f32 $5.000000000e-01, v29  }
0x335: {  	s5 =	ssub.f32 s23, s25;
	v4 =	vmul.f32 v4, v23;
	v25 =	vmul.f32 v28, v25;
	v28 =	vsub.s32 $0x5F3759DF, v30;
	s14 =	spop (v2sf)  }
0x336: {  	v2 =	vsub.f32 $1.500000000e+00, v2;
	v30 =	vmul.f32 v28, v29;
	s23 =	spop (v2sf);
	s25 =	smul.f32 $9.765625000e-04, s14  }
0x337: {  	s5 =	sadd.f32 $9.999999960e-13, s5;
	v31 =	vmul.f32 v4, v27;
	v59 =	vmul.f32 v25, v26;
	s23 =	smul.f32 $9.765625000e-04, s23  }
0x338: {  	v23 =	vmul.f32 v2, v3;
	v2 =	vmul.f32 v28, v30;
	s24 =	spop (v2sf);
	s28 =	smul.f32 s25, s25  }
0x339: {  	v3 =	vmul.f32 v31, v4;
	s14 =	smul.f32 $9.765625000e-04, s24;
	s6 =	spop (v2sf)  }
0x33a: {  	v30 =	vmul.f32 v59, v25;
	v31 =	vmov s5;
	v2 =	vsub.f32 $1.500000000e+00, v2;
	s6 =	smul.f32 $9.765625000e-04, s6  }
0x33b: {  	v60 =	vshra.s32 v31, $0x1;
	v31 =	vmul.f32 $5.000000000e-01, v31;
	v3 =	vsub.f32 $1.500000000e+00, v3;
	s24 =	smul.f32 s14, s14  }
0x33c: {  	s5 =	simm.s32 $0x0;
	v30 =	vsub.f32 $1.500000000e+00, v30;
	v32 =	vsub.s32 $0x5F3759DF, v60;
	s23 =	ssub.f32 s23, s28;
	v2 =	vmul.f32 v28, v2  }
0x33d: {  	s31 =	sand.u32 $0x1C00, s5;
	v28 =	vmul.f32 v32, v31;
	v3 =	vmul.f32 v3, v4;
	s6 =	ssub.f32 s6, s24;
	s24 =	sand.u32 $0x70, s5  }
0x33e: {  	v4 =	vmul.f32 v30, v25;
	v25 =	vmul.f32 s26, v23;
	s31 =	sor.u32 s24, s31  }
0x33f: {  	s23 =	sadd.f32 $9.999999960e-13, s23;
	v30 =	vmul.f32 v2, v29;
	v28 =	vmul.f32 v32, v28;
	v61 =	vld [tilespmem:s31+$0x15C00];
	s26 =	sadd.s32 $0x15C00, s31  }
0x340: {  	v27 =	vmul.f32 v3, v27;
	v26 =	vmul.f32 v4, v26;
	v62 =	vld [tilespmem:s26+$0x80]  }
0x341: {  	v46 =	vmov s23;
	v30 =	vmul.f32 v30, v2;
	v28 =	vsub.f32 $1.500000000e+00, v28;
	v63 =	vld [tilespmem:s26+$0x100]  }
0x342: {  	s6 =	sadd.f32 $9.999999960e-13, s6;
	v27 =	vmul.f32 v27, v3;
	v48 =	vshra.s32 v46, $0x1;
	v36 =	vmul.f32 $5.000000000e-01, v46;
	v49 =	vld [tilespmem:s26+$0x200]  }
0x343: {  	v34 =	vmul.f32 v26, v4;
	v39 =	vsub.s32 $0x5F3759DF, v48;
	v51 =	vld [tilespmem:s26+$0x280];
	v26 =	vsub.f32 $1.500000000e+00, v30  }
0x344: {  	v54 =	vld [tilespmem:s26+$0x300];
	v30 =	vmul.f32 v32, v28;
	v28 =	vmov s6;
	v53 =	vmul.f32 v39, v36  }
0x345: {  	s23 =	simm.s32 $0x1400;
	v47 =	vshra.s32 v28, $0x1;
	v38 =	vmul.f32 $5.000000000e-01, v28;
	v28 =	vld [tilespmem:s26+$0x180];
	v2 =	vmul.f32 v26, v2  }
0x346: {  	v37 =	vsub.s32 $0x5F3759DF, v47;
	v52 =	vmul.f32 v30, v31;
	v26 =	vld [tilespmem:s23+$0x0];
	v44 =	vmul.f32 v39, v53  }
0x347: {  	s24 =	simm.s32 $0x1800;
	v50 =	vmul.f32 v37, v38;
	v33 =	vmul.f32 v61, v6  }
0x348: {  	v55 =	vsub.f32 $1.500000000e+00, v27;
	v27 =	vld [tilespmem:s24+$0x0];
	v35 =	vmul.f32 v62, v8;
	v32 =	vmul.f32 v63, v10  }
0x349: {  	v40 =	vmul.f32 v49, v14;
	v42 =	vmul.f32 v51, v15;
	v33 =	vsub.f32 v33, v7  }
0x34a: {  	v45 =	vmul.f32 v54, v22;
	v41 =	vmul.f32 v37, v50;
	v35 =	vsub.f32 v35, v9  }
0x34b: {  	v28 =	vmul.f32 v28, v12;
	v32 =	vsub.f32 v32, v11;
	v33 =	vmul.f32 v33, v26  }
0x34c: {  	v40 =	vsub.f32 v40, v18;
	v42 =	vsub.f32 v42, v19;
	v35 =	vmul.f32 v35, v26  }
0x34d: {  	v57 =	vsub.f32 v45, v21;
	v32 =	vmul.f32 v32, v26;
	v33 =	vadd.f32 v33, v27  }
0x34e: {  	v28 =	vsub.f32 v28, v13;
	v56 =	vmul.f32 v40, v26;
	v35 =	vadd.f32 v35, v27  }
0x34f: {  	s28 =	simm.s32 $0x80;
	s23 =	simm.s32 $0x10;
	v41 =	vsub.f32 $1.500000000e+00, v41;
	v61 =	vmul.f32 v57, v26;
	v32 =	vadd.f32 v32, v27;
	[tilespmem:s31+$0x15C00] =	vst v33  }
0x350: {  	s24 =	sand.u32 $0x1C00, s28;
	s6 =	sand.u32 $0x70, s23;
	v59 =	vsub.f32 $1.500000000e+00, v44;
	v28 =	vmul.f32 v28, v26;
	v60 =	vadd.f32 v56, v27;
	[tilespmem:s26+$0x80] =	vst v35  }
0x351: {  	s6 =	sor.u32 s6, s24;
	v58 =	vmul.f32 v42, v26;
	v37 =	vmul.f32 v37, v41;
	v44 =	vadd.f32 v61, v27;
	[tilespmem:s26+$0x100] =	vst v32  }
0x352: {  	v48 =	vld [tilespmem:s6+$0x15C00];
	v39 =	vmul.f32 v39, v59;
	v28 =	vadd.f32 v28, v27;
	[tilespmem:s26+$0x200] =	vst v60  }
0x353: {  	v62 =	vmul.f32 v52, v30;
	v63 =	vmul.f32 v37, v38;
	v35 =	vadd.f32 v58, v27;
	[tilespmem:s26+$0x300] =	vst v44  }
0x354: {  	s5 =	sor.u32 s5, s5;
	v29 =	vmul.f32 v2, v29;
	v47 =	vmul.f32 v39, v36;
	[tilespmem:s26+$0x180] =	vst v28  }
0x355: {  	v45 =	vmul.f32 v63, v37;
	v28 =	vmul.f32 v55, v3;
	v3 =	vsub.f32 $1.500000000e+00, v62;
	[tilespmem:s26+$0x280] =	vst v35;
	s26 =	sor.u32 $0x380, s5  }
0x356: {  	v34 =	vsub.f32 $1.500000000e+00, v34;
	v46 =	vmul.f32 v29, v2;
	v51 =	vmul.f32 v47, v39;
	s5 =	sadd.s32 $0x15C00, s6;
	v50 =	vld [tilespmem:s26+$0x15C00]  }
0x357: {  	v41 =	vmul.f32 v48, v6;
	v49 =	vsub.f32 $1.500000000e+00, v45;
	v52 =	vld [tilespmem:s5+$0x80];
	v3 =	vmul.f32 v3, v30  }
0x358: {  	v54 =	vld [tilespmem:s5+$0x100];
	v29 =	vmul.f32 s10, v28;
	v30 =	vmul.f32 v34, v4;
	v4 =	vsub.f32 $1.500000000e+00, v46  }
0x359: {  	v57 =	vld [tilespmem:s5+$0x200];
	v37 =	vmul.f32 v49, v37;
	v53 =	vmul.f32 v3, v31  }
0x35a: {  	v58 =	vld [tilespmem:s5+$0x280];
	v31 =	vmul.f32 s3, v30;
	v32 =	vmul.f32 v4, v2;
	v2 =	vsub.f32 $1.500000000e+00, v51  }
0x35b: {  	v61 =	vld [tilespmem:s5+$0x300];
	v56 =	vmul.f32 v37, v38;
	v59 =	vmul.f32 v50, v16  }
0x35c: {  	s10 =	simm.s32 $0x1410;
	v4 =	vld [tilespmem:s5+$0x180];
	v55 =	vmul.f32 v53, v3;
	v2 =	vmul.f32 v2, v39  }
0x35d: {  	v34 =	vld [tilespmem:s10+$0x0];
	v40 =	vmul.f32 v52, v8;
	v35 =	vmul.f32 v56, v37;
	v43 =	vsub.f32 v59, v24  }
0x35e: {  	v41 =	vsub.f32 v41, v7;
	s10 =	simm.s32 $0x1810;
	v42 =	vmul.f32 v54, v10;
	v38 =	vmul.f32 v57, v14  }
0x35f: {  	v39 =	vmul.f32 v58, v15;
	v62 =	vsub.f32 $1.500000000e+00, v35;
	v35 =	vld [tilespmem:s10+$0x0];
	v43 =	vmul.f32 v43, v26  }
0x360: {  	v45 =	vmul.f32 v61, v22;
	v60 =	vsub.f32 $1.500000000e+00, v55;
	v36 =	vmul.f32 v2, v36  }
0x361: {  	v40 =	vsub.f32 v40, v9;
	v4 =	vmul.f32 v4, v12;
	v43 =	vadd.f32 v43, v27  }
0x362: {  	v41 =	vmul.f32 v41, v34;
	v42 =	vsub.f32 v42, v11;
	v38 =	vsub.f32 v38, v18  }
0x363: {  	v39 =	vsub.f32 v39, v19;
	v40 =	vmul.f32 v40, v34;
	v4 =	vsub.f32 v4, v13;
	[tilespmem:s26+$0x15C00] =	vst v43  }
0x364: {  	v52 =	vsub.f32 v45, v21;
	v42 =	vmul.f32 v42, v34;
	v41 =	vadd.f32 v41, v35;
	v43 =	vld [tilespmem:s31+$0x17F80]  }
0x365: {  	v54 =	vmul.f32 v36, v2;
	v4 =	vmul.f32 v4, v34;
	v40 =	vadd.f32 v40, v35;
	v53 =	vld [tilespmem:s31+$0x17C00]  }
0x366: {  	v38 =	vmul.f32 v38, v34;
	v57 =	vmul.f32 v52, v34;
	v63 =	vadd.f32 v42, v35;
	v55 =	vld [tilespmem:s31+$0x17C80];
	[tilespmem:s6+$0x15C00] =	vst v41  }
0x367: {  	v36 =	vmul.f32 v60, v3;
	v3 =	vsub.f32 $1.500000000e+00, v54;
	v4 =	vadd.f32 v4, v35;
	v58 =	vld [tilespmem:s31+$0x17D00];
	[tilespmem:s5+$0x80] =	vst v40  }
0x368: {  	v39 =	vmul.f32 v39, v34;
	v56 =	vadd.f32 v38, v35;
	v59 =	vld [tilespmem:s31+$0x17D80];
	v40 =	vmul.f32 v62, v37;
	[tilespmem:s5+$0x100] =	vst v63  }
0x369: {  	v33 =	vmul.f32 s20, v32;
	s20 =	simm.s32 $0x20;
	s26 =	simm.s32 $0x100;
	v60 =	vadd.f32 v57, v35;
	v61 =	vld [tilespmem:s31+$0x17E00];
	[tilespmem:s5+$0x180] =	vst v4;
	v37 =	vmul.f32 v3, v2  }
0x36a: {  	s24 =	sand.u32 $0x1C00, s26;
	v4 =	vadd.f32 v39, v35;
	[tilespmem:s5+$0x200] =	vst v56;
	v3 =	vld [tilespmem:s31+$0x17E80];
	v41 =	vmul.f32 s14, v40;
	s14 =	sand.u32 $0x70, s20;
	v43 =	vmul.f32 v43, v40  }
0x36b: {  	v38 =	vmul.f32 s21, v36;
	[tilespmem:s5+$0x300] =	vst v60;
	v39 =	vmul.f32 s25, v37;
	s3 =	sor.u32 s14, s24;
	s24 =	sor.u32 s28, s23  }
0x36c: {  	[tilespmem:s5+$0x280] =	vst v4;
	v2 =	vmul.f32 v53, v17;
	v4 =	vmul.f32 v55, v23;
	v48 =	vld [tilespmem:s3+$0x15C00];
	s23 =	sor.u32 $0x380, s24;
	v43 =	vsub.f32 v43, v41  }
0x36d: {  	v42 =	vmul.f32 v58, v28;
	v44 =	vmul.f32 v59, v30;
	s21 =	sadd.s32 $0x15C00, s3;
	v62 =	vld [tilespmem:s23+$0x15C00]  }
0x36e: {  	v63 =	vmul.f32 v61, v32;
	v2 =	vsub.f32 v2, v20;
	v50 =	vld [tilespmem:s21+$0x80];
	v43 =	vmul.f32 v43, v26  }
0x36f: {  	v4 =	vsub.f32 v4, v25;
	v51 =	vld [tilespmem:s21+$0x100];
	v44 =	vsub.f32 v44, v31;
	v3 =	vmul.f32 v3, v36  }
0x370: {  	v52 =	vld [tilespmem:s21+$0x180];
	v47 =	vmul.f32 v2, v26;
	v2 =	vsub.f32 v42, v29;
	v43 =	vadd.f32 v43, v27  }
0x371: {  	v53 =	vld [tilespmem:s21+$0x200];
	v46 =	vsub.f32 v63, v33;
	v49 =	vmul.f32 v4, v26;
	v42 =	vmul.f32 v44, v26  }
0x372: {  	s25 =	simm.s32 $0x30;
	s28 =	simm.s32 $0x1420;
	s14 =	simm.s32 $0x100;
	v55 =	vld [tilespmem:s21+$0x280];
	v44 =	vsub.f32 v3, v38;
	v45 =	vmul.f32 v2, v26;
	v54 =	vmul.f32 v62, v16;
	[tilespmem:s31+$0x17F80] =	vst v43  }
.LBB2_11:
0x373: {  	p0 =	sne.s32 s25, $0x3F0;
	v2 =	vld [tilespmem:s28+$0x0];
	v3 =	vadd.f32 v47, v27;
	v4 =	vadd.f32 v49, v27;
	v43 =	vmul.f32 v46, v26;
	v56 =	vmovc v35  }
0x374: {  	v46 =	vmul.f32 v48, v6;
	s10 =	sadd.s32 $0x10, s10;
	v47 =	vld [tilespmem:s21+$0x300];
	v48 =	vsub.f32 v54, v24;
	v44 =	vmul.f32 v44, v26  }
0x375: {  	v49 =	vmul.f32 v50, v8;
	v50 =	vmul.f32 v51, v10;
	v35 =	vld [tilespmem:s10+$0x0];
	[tilespmem:s31+$0x17C00] =	vst v3;
	v3 =	vadd.f32 v45, v27  }
0x376: {  	v45 =	vsub.f32 v46, v7;
	v46 =	vmul.f32 v52, v12;
	v48 =	vmul.f32 v48, v34;
	[tilespmem:s31+$0x17C80] =	vst v4;
	v4 =	vld [tilespmem:s31+$0x17F00]  }
0x377: {  	v49 =	vsub.f32 v49, v9;
	v51 =	vmul.f32 v53, v14;
	v52 =	vmul.f32 v55, v15;
	[tilespmem:s31+$0x17D00] =	vst v3  }
0x378: {  	v3 =	vmul.f32 v45, v2;
	v45 =	vsub.f32 v50, v11;
	v48 =	vadd.f32 v48, v56  }
0x379: {  	v46 =	vsub.f32 v46, v13;
	v49 =	vmul.f32 v49, v2;
	v47 =	vmul.f32 v47, v22  }
0x37a: {  	v50 =	vsub.f32 v51, v18;
	v3 =	vadd.f32 v3, v35;
	v45 =	vmul.f32 v45, v2;
	[tilespmem:s23+$0x15C00] =	vst v48  }
0x37b: {  	v46 =	vmul.f32 v46, v2;
	v48 =	vadd.f32 v49, v35;
	v49 =	vsub.f32 v52, v19;
	v51 =	vld [tilespmem:s6+$0x17F80]  }
0x37c: {  	v47 =	vsub.f32 v47, v21;
	[tilespmem:s3+$0x15C00] =	vst v3;
	v3 =	vadd.f32 v45, v35;
	v45 =	vmul.f32 v50, v2;
	v50 =	vld [tilespmem:s6+$0x17C00]  }
0x37d: {  	v46 =	vadd.f32 v46, v35;
	v4 =	vmul.f32 v4, v37;
	[tilespmem:s21+$0x80] =	vst v48;
	v48 =	vmul.f32 v49, v2;
	v49 =	vld [tilespmem:s6+$0x17C80]  }
0x37e: {  	v42 =	vadd.f32 v42, v27;
	[tilespmem:s21+$0x100] =	vst v3;
	v3 =	vadd.f32 v45, v35;
	v45 =	vmul.f32 v47, v2;
	v47 =	vld [tilespmem:s6+$0x17D00]  }
0x37f: {  	s26 =	sadd.s32 $0x80, s26;
	v4 =	vsub.f32 v4, v39;
	[tilespmem:s21+$0x180] =	vst v46;
	v46 =	vadd.f32 v48, v35;
	v52 =	vld [tilespmem:s6+$0x17D80]  }
0x380: {  	s5 =	sand.u32 $0x70, s25;
	v43 =	vadd.f32 v43, v27;
	s23 =	sand.u32 $0x1C00, s26;
	[tilespmem:s21+$0x200] =	vst v3;
	v3 =	vadd.f32 v45, v35;
	v45 =	vld [tilespmem:s6+$0x17E00];
	v51 =	vmul.f32 v51, v40  }
0x381: {  	s20 =	sor.u32 s14, s20;
	s14 =	smov.u32 s26;
	v44 =	vadd.f32 v44, v27;
	s5 =	sor.u32 s5, s23;
	v4 =	vmul.f32 v4, v26;
	[tilespmem:s21+$0x280] =	vst v46;
	v46 =	vmul.f32 v50, v17;
	v53 =	vld [tilespmem:s6+$0x17E80]  }
0x382: {  	s23 =	sor.u32 $0x380, s20;
	s20 =	smov.u32 s25;
	v26 =	vmovc v34;
	v34 =	vmov v2;
	v48 =	vld [tilespmem:s5+$0x15C00];
	[tilespmem:s21+$0x300] =	vst v3;
	v3 =	vmul.f32 v49, v23;
	v49 =	vsub.f32 v51, v41  }
0x383: {  	v4 =	vadd.f32 v4, v27;
	s21 =	sadd.s32 $0x15C00, s5;
	v2 =	vld [tilespmem:s23+$0x15C00];
	v46 =	vsub.f32 v46, v20;
	v54 =	vmul.f32 v47, v28;
	[tilespmem:s31+$0x17D80] =	vst v42  }
.Ltmp4:
0x384: {  	v50 =	vld [tilespmem:s21+$0x80];
	v3 =	vsub.f32 v3, v25;
	v55 =	vmul.f32 v52, v30;
	v42 =	vmul.f32 v49, v26;
	[tilespmem:s31+$0x17E00] =	vst v43;
	(pc) =	sbr.rel @p0 .LBB2_11-.Ltmp4, $4  }
0x385: {  	v51 =	vld [tilespmem:s21+$0x100];
	v47 =	vmul.f32 v46, v26;
	v43 =	vsub.f32 v54, v29;
	v46 =	vmul.f32 v45, v32;
	[tilespmem:s31+$0x17E80] =	vst v44  }
0x386: {  	v52 =	vld [tilespmem:s21+$0x180];
	v44 =	vsub.f32 v55, v31;
	v57 =	vmul.f32 v53, v36;
	v58 =	vadd.f32 v42, v56;
	[tilespmem:s31+$0x17F00] =	vst v4;
	s31 =	smov.u32 s6;
	s6 =	smov.u32 s3;
	s3 =	smov.u32 s5  }
0x387: {  	v27 =	vmovc v56;
	v49 =	vmul.f32 v3, v26;
	v53 =	vld [tilespmem:s21+$0x200];
	v45 =	vmul.f32 v43, v26;
	v46 =	vsub.f32 v46, v33  }
0x388: {  	s28 =	sadd.s32 $0x10, s28;
	s25 =	sadd.s32 $0x10, s25;
	v55 =	vld [tilespmem:s21+$0x280];
	v54 =	vmul.f32 v2, v16;
	v42 =	vmul.f32 v44, v26;
	v44 =	vsub.f32 v57, v38;
	[tilespmem:s31+$0x17F80] =	vst v58  }
0x389: {  	v43 =	vld [tilespmem:s28+$0x0]  }
0x38a: {  	v2 =	vmul.f32 v48, v6;
	v3 =	vld [tilespmem:s21+$0x300];
	s5 =	sadd.s32 $0x10, s10  }
0x38b: {  	v4 =	vmul.f32 v50, v8;
	v6 =	vld [tilespmem:s5+$0x0]  }
0x38c: {  	v51 =	vmul.f32 v51, v10;
	v2 =	vsub.f32 v2, v7  }
0x38d: {  	v7 =	vmul.f32 v52, v12;
	v4 =	vsub.f32 v4, v9;
	v53 =	vmul.f32 v53, v14  }
0x38e: {  	v8 =	vsub.f32 v51, v11;
	v55 =	vmul.f32 v55, v15;
	v2 =	vmul.f32 v2, v43  }
0x38f: {  	v7 =	vsub.f32 v7, v13;
	v4 =	vmul.f32 v4, v43;
	v3 =	vmul.f32 v3, v22  }
0x390: {  	v8 =	vmul.f32 v8, v43;
	v9 =	vsub.f32 v53, v18;
	v2 =	vadd.f32 v2, v6  }
0x391: {  	v7 =	vmul.f32 v7, v43;
	v10 =	vsub.f32 v55, v19;
	v4 =	vadd.f32 v4, v6  }
0x392: {  	v56 =	vmul.f32 v9, v43;
	v3 =	vsub.f32 v3, v21;
	[tilespmem:s3+$0x15C00] =	vst v2;
	v2 =	vadd.f32 v8, v6  }
0x393: {  	[tilespmem:s21+$0x80] =	vst v4;
	v4 =	vadd.f32 v7, v6;
	v7 =	vmul.f32 v10, v43  }
0x394: {  	v3 =	vmul.f32 v3, v43;
	[tilespmem:s21+$0x100] =	vst v2;
	v2 =	vadd.f32 v56, v6  }
0x395: {  	[tilespmem:s21+$0x180] =	vst v4;
	v4 =	vadd.f32 v7, v6  }
0x396: {  	[tilespmem:s21+$0x200] =	vst v2;
	v2 =	vadd.f32 v3, v6  }
0x397: {  	s28 =	sor.u32 s14, s20;
	[tilespmem:s21+$0x280] =	vst v4  }
0x398: {  	s5 =	sor.u32 $0x380, s28;
	v3 =	vsub.f32 v54, v24;
	[tilespmem:s21+$0x300] =	vst v2  }
0x399: {  	v2 =	vld [tilespmem:s5+$0x15C00]  }
0x39a: {  	v3 =	vmul.f32 v3, v34;
	_ =	sdelay $0x1  }
0x39b: {  	v3 =	vadd.f32 v3, v35;
	_ =	sdelay $0x1  }
0x39c: {  	[tilespmem:s23+$0x15C00] =	vst v3;
	v2 =	vmul.f32 v2, v16  }
0x39d: {  	v3 =	vld [tilespmem:s6+$0x17F80]  }
0x39e: {  	v4 =	vadd.f32 v47, v27;
	v7 =	vld [tilespmem:s6+$0x17C00];
	v2 =	vsub.f32 v2, v24  }
0x39f: {  	v58 =	vld [tilespmem:s6+$0x17C80]  }
0x3a0: {  	[tilespmem:s31+$0x17C00] =	vst v4;
	v4 =	vld [tilespmem:s31+$0x17F00];
	v2 =	vmul.f32 v2, v43  }
0x3a1: {  	v59 =	vld [tilespmem:s6+$0x17D00]  }
0x3a2: {  	v60 =	vld [tilespmem:s6+$0x17D80];
	v3 =	vmul.f32 v3, v40;
	v2 =	vadd.f32 v2, v6  }
0x3a3: {  	v63 =	vld [tilespmem:s6+$0x17E00];
	v7 =	vmul.f32 v7, v17  }
0x3a4: {  	v21 =	vld [tilespmem:s6+$0x17E80];
	v9 =	vmul.f32 v58, v23;
	v3 =	vsub.f32 v3, v41;
	[tilespmem:s5+$0x15C00] =	vst v2  }
0x3a5: {  	v22 =	vmul.f32 v46, v26;
	v2 =	vsub.f32 v7, v20;
	v7 =	vld [tilespmem:s3+$0x17F80]  }
0x3a6: {  	v57 =	vadd.f32 v49, v27;
	v9 =	vsub.f32 v9, v25;
	v3 =	vmul.f32 v3, v34;
	v61 =	vld [tilespmem:s3+$0x17C00]  }
0x3a7: {  	v15 =	vadd.f32 v22, v27;
	v4 =	vmul.f32 v4, v37;
	v62 =	vld [tilespmem:s3+$0x17C80];
	v2 =	vmul.f32 v2, v34  }
0x3a8: {  	v24 =	vadd.f32 v45, v27;
	v9 =	vmul.f32 v9, v34;
	v3 =	vadd.f32 v3, v35  }
0x3a9: {  	v4 =	vsub.f32 v4, v39;
	v13 =	vmul.f32 v63, v32;
	v2 =	vadd.f32 v2, v35  }
0x3aa: {  	v8 =	vmul.f32 v59, v28;
	[tilespmem:s6+$0x17F80] =	vst v3;
	v3 =	vadd.f32 v9, v35;
	v7 =	vmul.f32 v7, v40  }
0x3ab: {  	v10 =	vmul.f32 v60, v30;
	v13 =	vsub.f32 v13, v33;
	[tilespmem:s6+$0x17C00] =	vst v2;
	v2 =	vmul.f32 v61, v17  }
0x3ac: {  	v49 =	vmul.f32 v21, v36;
	[tilespmem:s6+$0x17C80] =	vst v3;
	v3 =	vmul.f32 v62, v23;
	v7 =	vsub.f32 v7, v41  }
0x3ad: {  	v48 =	vsub.f32 v10, v31;
	v53 =	vmul.f32 v13, v34;
	v2 =	vsub.f32 v2, v20  }
0x3ae: {  	[tilespmem:s31+$0x17C80] =	vst v57;
	v40 =	vadd.f32 v42, v27;
	v42 =	vld [tilespmem:s6+$0x17F00];
	v3 =	vsub.f32 v3, v25;
	v7 =	vmul.f32 v7, v43  }
0x3af: {  	[tilespmem:s31+$0x17E00] =	vst v15;
	v8 =	vsub.f32 v8, v29;
	v45 =	vld [tilespmem:s3+$0x17D00];
	v57 =	vadd.f32 v53, v35;
	v2 =	vmul.f32 v2, v43  }
0x3b0: {  	[tilespmem:s31+$0x17D00] =	vst v24;
	v47 =	vld [tilespmem:s3+$0x17E00];
	v9 =	vmul.f32 v48, v34;
	v3 =	vmul.f32 v3, v43;
	v7 =	vadd.f32 v7, v6  }
0x3b1: {  	v51 =	vmul.f32 v44, v26;
	v52 =	vsub.f32 v49, v38;
	v46 =	vld [tilespmem:s3+$0x17D80];
	[tilespmem:s6+$0x17E00] =	vst v57;
	v2 =	vadd.f32 v2, v6  }
0x3b2: {  	v4 =	vmul.f32 v4, v26;
	v50 =	vld [tilespmem:s3+$0x17E80];
	v9 =	vadd.f32 v9, v35;
	v3 =	vadd.f32 v3, v6;
	[tilespmem:s3+$0x17F80] =	vst v7  }
0x3b3: {  	v55 =	vld [tilespmem:s3+$0x17F00];
	v54 =	vmul.f32 v42, v37;
	v7 =	vmul.f32 v8, v34;
	[tilespmem:s3+$0x17C00] =	vst v2;
	v2 =	vadd.f32 v51, v27  }
0x3b4: {  	v56 =	vmul.f32 v45, v28;
	[tilespmem:s3+$0x17C80] =	vst v3;
	v3 =	vadd.f32 v4, v27;
	v4 =	vmul.f32 v52, v34  }
0x3b5: {  	v59 =	vmul.f32 v47, v32;
	v7 =	vadd.f32 v7, v35;
	[tilespmem:s31+$0x17E80] =	vst v2;
	v2 =	vsub.f32 v54, v39  }
0x3b6: {  	v58 =	vmul.f32 v46, v30;
	[tilespmem:s31+$0x17F00] =	vst v3;
	v3 =	vadd.f32 v4, v35;
	v4 =	vsub.f32 v56, v29  }
0x3b7: {  	v60 =	vmul.f32 v50, v36;
	[tilespmem:s31+$0x17D80] =	vst v40;
	v61 =	vsub.f32 v59, v33;
	v2 =	vmul.f32 v2, v34  }
0x3b8: {  	v11 =	vmul.f32 v55, v37;
	[tilespmem:s6+$0x17D00] =	vst v7;
	v7 =	vsub.f32 v58, v31;
	v4 =	vmul.f32 v4, v43  }
0x3b9: {  	v62 =	vsub.f32 v60, v38;
	[tilespmem:s6+$0x17E80] =	vst v3;
	v3 =	vmul.f32 v61, v43;
	v2 =	vadd.f32 v2, v35  }
0x3ba: {  	[tilespmem:s6+$0x17D80] =	vst v9;
	v63 =	vsub.f32 v11, v39;
	v7 =	vmul.f32 v7, v43;
	v4 =	vadd.f32 v4, v6  }
0x3bb: {  	s30 =	sadd.s32 $0x1, s30;
	v3 =	vadd.f32 v3, v6;
	[tilespmem:s6+$0x17F00] =	vst v2;
	v2 =	vmul.f32 v62, v43  }
0x3bc: {  	s0 =	sadd.s32 s9, s0;
	p0 =	sne.s32 s30, $0x8;
	v7 =	vadd.f32 v7, v6;
	[tilespmem:s3+$0x17D00] =	vst v4;
	v4 =	vmul.f32 v63, v43  }
.Ltmp5:
0x3bd: {  	s0 =	sshll.u32 s0, $0xA;
	[tilespmem:s3+$0x17E00] =	vst v3;
	v2 =	vadd.f32 v2, v6;
	(pc) =	sbr.rel @p0 .LBB2_4-.Ltmp5, $4  }
0x3be: {  	s0 =	sadd.s32 s17, s0;
	[tilespmem:s3+$0x17D80] =	vst v7;
	v4 =	vadd.f32 v4, v6  }
0x3bf: {  	s0 =	sshrl.u32 s0, $0x3;
	[tilespmem:s3+$0x17E80] =	vst v2  }
0x3c0: {  	s0 =	sadd.s32 s7, s0;
	s31 =	simm.s32 $0x15C00;
	[tilespmem:s3+$0x17F00] =	vst v4  }
0x3c1: {  	[hbm4b:s0+s8] =	stream.linear.scatter [tilespmem:s31], [sflag:$0x4], $0x4000, $0x38;
	[tilespmem:$0x19C00] =	vst v63  }
0x3c2: {  	s0 =	simm.s32 $0x3  }
0x3c3: {  	_ =	swait.ge [sflag:s0], $0x4000  }
0x3c4: {  	[sflag:s0] =	ssyncset.done $0x0  }
0x3c5: {  	s3 =	simm.s32 $0x4;
	[sflag:s0] =	ssyncadd.s32 $0xFFFFC000  }
0x3c6: {  	_ =	swait.ge [sflag:s3], $0x4000  }
0x3c7: {  	s5 =	rddreg [dreg:$0xb]  }
0x3c8: {  	s31 =	rddreg [dreg:$0xa];
	s5 =	sadd.s32 $0x1, s5  }
0x3c9: {  	p0 =	sne.s32 s5, s31  }
.Ltmp6:
0x3ca: {  	_ = 	snop;
	(pc) =	sbr.rel @p0 .LBB2_1-.Ltmp6, $4  }
0x3cb: {  	_ = 	snop  }
0x3cc: {  	v2 =	vld [tilespmem:$0x1FFD0]  }
0x3cd: {  	s26 =	simm.s32 $0x80;
	[sflag:s3] =	ssyncset.done $0x0;
	v3 =	vld [tilespmem:$0x1FFE0]  }
0x3ce: {  	s28 =	simm.s32 $0x5;
	s24 =	rddreg [dreg:$0x9];
	v4 =	vld [tilespmem:$0x1FFF0];
	[sflag:s3] =	ssyncadd.s32 $0xFFFFC000  }
0x3cf: {  	_ =	sfence.sel $0x180000  }
0x3d0: {  	[bflag:$0x0] =	sbarrier.arrive $0xFFFF  }
0x3d1: {  	_ =	strace $0x90000047  }
0x3d2: {  	s0 =	stileid.u32;
	[bflag:$0x2] =	sbarrier.arrive $0xFFFF  }
0x3d3: {  	p0 =	sne.s32 s0, $0x0;
	s0 =	rddreg [dreg:$0x7]  }
0x3d4: {  	s0 =	sadd.s32 @!p0 $0x100000, s0  }
0x3d5: {  	[sflag:s0] =	ssyncadd.tile.s32 @!p0 $0x1;
	_ =	shalt  }
.Lfunc_end2:
_tile_overlayer_lowered:
.L_overlay_start_2:
0x3d6: {  	(tag) =	ssettag $0x2  }
0x3d7: {  	s0 =	rddreg [dreg:$0x0];
	s2 =	stileid.u32  }
0x3d8: {  	s1 =	rddreg [dreg:$0x1];
	p0 =	sne.s32 s2, $0x0  }
0x3d9: {  	s3 =	rddreg [dreg:$0x2];
	[bflag:$0x3] =	sbarrier.arrive $0xFFFF;
	s2 =	simm.s32 @!p0 $0x1C05  }
0x3da: {  	[timem:s3], [sflag:s2] =	dma.local @!p0 [hbm:s0], s1  }
0x3db: {  	s0 =	simm.s32 @!p0 $0x5  }
0x3dc: {  	_ =	swait.ge @!p0 [sflag:s0], s1  }
0x3dd: {  	s1 =	ssub.s32 @!p0 $0x0, s1;
	[sflag:s0] =	ssyncset.done @!p0 $0x0  }
0x3de: {  	[sflag:s0] =	ssyncadd.s32 @!p0 s1  }
0x3df: {  	[bflag:$0x3] =	sbarrier.arrive $0xFFFF  }
0x3e0: {  	_ =	shalt  }

</sc_bundles>
